<compile_context>
chip_gen: v7x
topology: tpu7x:2x2x1
jax: 0.10.2.dev20260603
libtpu: 0.0.44.dev20260713+nightly
codegen_flags: <defaults>
</compile_context>

<pallas_src>
import functools

import jax
import jax.numpy as jnp
from jax import lax
from jax.experimental import pallas as pl
from jax.experimental.pallas import tpu as pltpu
from jax.experimental.pallas import tpu_sc as plsc

N = 10000
E = 320000
D_IN = 128
D_E = 16
H = 256
HH = 128
G = 64

F32 = jnp.float32


def _node_enc_body(xb, wb, bb, ob):
    ob[...] = (
        jnp.dot(xb[...], wb[...], preferred_element_type=F32)
        + bb[...].reshape(1, HH)
    )


def _node_encode(x, node_W, node_b2):
    nt = 10
    bm = N // nt
    return pl.pallas_call(
        _node_enc_body,
        grid=(2, nt),
        in_specs=[
            pl.BlockSpec((bm, D_IN), lambda c, i: (i, 0)),
            pl.BlockSpec((D_IN, HH), lambda c, i: (0, c)),
            pl.BlockSpec((1, 1, HH), lambda c, i: (c, 0, 0)),
        ],
        out_specs=pl.BlockSpec((bm, HH), lambda c, i: (c * nt + i, 0)),
        out_shape=jax.ShapeDtypeStruct((2 * N, HH), F32),
    )(x, node_W, node_b2)


def _edge_proj_body(ab, wb, bb, ob):
    ob[...] = (
        jnp.dot(ab[...], wb[...], preferred_element_type=F32)
        + bb[...].reshape(1, HH)
    )


def _edge_proj(edge_attr, eW, eb2):
    nt = 80
    bm = E // nt
    return pl.pallas_call(
        _edge_proj_body,
        grid=(2, nt),
        in_specs=[
            pl.BlockSpec((bm, D_E), lambda c, i: (i, 0)),
            pl.BlockSpec((D_E, HH), lambda c, i: (0, c)),
            pl.BlockSpec((1, 1, HH), lambda c, i: (c, 0, 0)),
        ],
        out_specs=pl.BlockSpec((bm, HH), lambda c, i: (c * nt + i, 0)),
        out_shape=jax.ShapeDtypeStruct((2 * E, HH), F32),
    )(edge_attr, eW, eb2)


def _mlp_body(h0, h1, a0, a1, w1, b1, w2, b2, ob):
    z = jnp.concatenate([h0[...] + a0[...], h1[...] + a1[...]], axis=1)
    t = jnp.maximum(jnp.dot(z, w1[...], preferred_element_type=F32) + b1[...], 0.0)
    u = jnp.dot(t, w2[...], preferred_element_type=F32) + b2[...].reshape(1, HH)
    ob[...] = jnp.maximum(u, 0.0)


def _mlp(h_flat, aggr, W1, b1r, W2, b2r):
    nt = 10
    bm = N // nt
    return pl.pallas_call(
        _mlp_body,
        grid=(2, nt),
        in_specs=[
            pl.BlockSpec((bm, HH), lambda c, i: (i, 0)),
            pl.BlockSpec((bm, HH), lambda c, i: (nt + i, 0)),
            pl.BlockSpec((bm, HH), lambda c, i: (i, 0)),
            pl.BlockSpec((bm, HH), lambda c, i: (nt + i, 0)),
            pl.BlockSpec((H, H), lambda c, i: (0, 0)),
            pl.BlockSpec((1, H), lambda c, i: (0, 0)),
            pl.BlockSpec((H, HH), lambda c, i: (0, c)),
            pl.BlockSpec((1, 1, HH), lambda c, i: (c, 0, 0)),
        ],
        out_specs=pl.BlockSpec((bm, HH), lambda c, i: (c * nt + i, 0)),
        out_shape=jax.ShapeDtypeStruct((2 * N, HH), F32),
    )(h_flat, h_flat, aggr, aggr, W1, b1r, W2, b2r)


def _pool_body(h0, h1, bt, w0, w1, bb, ob):
    i = pl.program_id(0)
    y = (
        jnp.dot(h0[...], w0[...], preferred_element_type=F32)
        + jnp.dot(h1[...], w1[...], preferred_element_type=F32)
    )
    bm = y.shape[0]
    oh = (
        lax.broadcasted_iota(jnp.int32, (G, bm), 0)
        == jnp.broadcast_to(bt[...].reshape(1, bm), (G, bm))
    ).astype(F32)
    part = jnp.dot(oh, y, preferred_element_type=F32)

    @pl.when(i == 0)
    def _init():
        ob[...] = jnp.broadcast_to(bb[...], ob.shape)

    ob[...] += part


def _pool_project(h_flat, batch2d, oW0, oW1, ob11):
    nt = 10
    bm = N // nt
    res = pl.pallas_call(
        _pool_body,
        grid=(nt,),
        in_specs=[
            pl.BlockSpec((bm, HH), lambda i: (i, 0)),
            pl.BlockSpec((bm, HH), lambda i: (nt + i, 0)),
            pl.BlockSpec((1, 1, bm), lambda i: (i, 0, 0)),
            pl.BlockSpec((HH, 1), lambda i: (0, 0)),
            pl.BlockSpec((HH, 1), lambda i: (0, 0)),
            pl.BlockSpec((1, 1), lambda i: (0, 0)),
        ],
        out_specs=pl.BlockSpec((G, 1), lambda i: (0, 0)),
        out_shape=jax.ShapeDtypeStruct((G, 1), F32),
    )(h_flat, h_flat, batch2d, oW0, oW1, ob11)
    return res.reshape(G)


CHM = 128
NCM = 156
EPS = NCM * CHM
TAIL = 32
TBASE = 16 * EPS
RPT = 624


def _sc_msg_body(h_hbm, e_hbm, src3_hbm, dst3_hbm, srct_hbm, dstt_hbm, out_hbm,
                 sI0, sI1, dI0, dI1, stx, dtx, buf0, buf1, acc,
                 semE0, semE1, semS0, semS1, semD0, semD1, semG0, semG1):
    c = lax.axis_index("c")
    s = lax.axis_index("s")
    cN = c * N
    cE = c * E
    sI = (sI0, sI1)
    dI = (dI0, dI1)
    buf = (buf0, buf1)
    semE = (semE0, semE1)
    semS = (semS0, semS1)
    semD = (semD0, semD1)
    semG = (semG0, semG1)
    MAXROW = 16 * NCM - 1

    pltpu.sync_copy(srct_hbm.at[s], stx)
    pltpu.sync_copy(dstt_hbm.at[s], dtx)
    for kk in range(TAIL // 16):
        stx[pl.ds(kk * 16, 16)] = stx[pl.ds(kk * 16, 16)] + cN

    zero16 = jnp.zeros((16,), F32)

    def _zrow(r, carry):
        for kk in range(8):
            buf0[r, pl.ds(kk * 16, 16)] = zero16
        return carry

    lax.fori_loop(0, CHM, _zrow, 0)

    arow = s * RPT
    for t in range(RPT // CHM):
        pltpu.sync_copy(buf0, acc.at[pl.ds(arow + t * CHM, CHM)])
    rem = RPT - (RPT // CHM) * CHM
    if rem:
        pltpu.sync_copy(buf0.at[pl.ds(0, rem)],
                        acc.at[pl.ds(arow + (RPT // CHM) * CHM, rem)])

    @pl.when(s == 15)
    def _ztail():
        pltpu.sync_copy(buf0.at[pl.ds(0, N - 16 * RPT)],
                        acc.at[pl.ds(16 * RPT, N - 16 * RPT)])

    plsc.subcore_barrier()

    ebase = cE + s * EPS

    def _prefetch(j, p):
        row = jnp.minimum(s * NCM + j, MAXROW)
        pltpu.async_copy(e_hbm.at[pl.ds(ebase + j * CHM, CHM)], buf[p], semE[p])
        pltpu.async_copy(src3_hbm.at[row], sI[p], semS[p])
        pltpu.async_copy(dst3_hbm.at[row], dI[p], semD[p])

    def _start_gather(p):
        pltpu.make_async_copy(e_hbm.at[pl.ds(0, CHM)], buf[p], semE[p]).wait()
        pltpu.make_async_copy(src3_hbm.at[0], sI[p], semS[p]).wait()
        for kk in range(8):
            sI[p][pl.ds(kk * 16, 16)] = sI[p][pl.ds(kk * 16, 16)] + cN
        pltpu.async_copy(h_hbm.at[sI[p]], buf[p], semG[p], add=True)

    def _relu(b, nrow):
        def _rrow(r, cr):
            for kk in range(8):
                v = b[r, pl.ds(kk * 16, 16)]
                b[r, pl.ds(kk * 16, 16)] = jnp.maximum(v, 0.0)
            return cr
        lax.fori_loop(0, nrow, _rrow, 0)

    def _finish(p):
        pltpu.make_async_copy(h_hbm.at[sI[p]], buf[p], semG[p]).wait()
        _relu(buf[p], CHM)
        pltpu.make_async_copy(dst3_hbm.at[0], dI[p], semD[p]).wait()
        pltpu.sync_copy(buf[p], acc.at[dI[p]], add=True)

    _prefetch(0, 0)
    _prefetch(1, 1)
    _start_gather(0)

    def _body(i, carry):
        j0 = 2 * i
        _start_gather(1)
        _finish(0)
        _prefetch(j0 + 2, 0)
        _finish(1)
        _prefetch(j0 + 3, 1)

        @pl.when(i < NCM // 2 - 1)
        def _more():
            _start_gather(0)
        return carry

    lax.fori_loop(0, NCM // 2, _body, 0)

    for p in range(2):
        pltpu.make_async_copy(e_hbm.at[pl.ds(0, CHM)], buf[p], semE[p]).wait()
        pltpu.make_async_copy(src3_hbm.at[0], sI[p], semS[p]).wait()
        pltpu.make_async_copy(dst3_hbm.at[0], dI[p], semD[p]).wait()

    pltpu.sync_copy(e_hbm.at[pl.ds(cE + TBASE + s * TAIL, TAIL)],
                    buf0.at[pl.ds(0, TAIL)])
    pltpu.sync_copy(h_hbm.at[stx], buf0.at[pl.ds(0, TAIL)], add=True)
    _relu(buf0, TAIL)
    pltpu.sync_copy(buf0.at[pl.ds(0, TAIL)], acc.at[dtx], add=True)

    plsc.subcore_barrier()
    pltpu.sync_copy(acc.at[pl.ds(arow, RPT)],
                    out_hbm.at[pl.ds(cN + arow, RPT)])

    @pl.when(s == 15)
    def _wtail():
        pltpu.sync_copy(acc.at[pl.ds(16 * RPT, N - 16 * RPT)],
                        out_hbm.at[pl.ds(cN + 16 * RPT, N - 16 * RPT)])


def _sc_message(h_flat, e_flat, src3, dst3, srct, dstt):
    mesh = plsc.VectorSubcoreMesh(core_axis_name="c", subcore_axis_name="s")
    k = functools.partial(
        pl.kernel,
        out_type=jax.ShapeDtypeStruct((2 * N, HH), F32),
        mesh=mesh,
        scratch_types=[
            pltpu.VMEM((CHM,), jnp.int32),
            pltpu.VMEM((CHM,), jnp.int32),
            pltpu.VMEM((CHM,), jnp.int32),
            pltpu.VMEM((CHM,), jnp.int32),
            pltpu.VMEM((TAIL,), jnp.int32),
            pltpu.VMEM((TAIL,), jnp.int32),
            pltpu.VMEM((CHM, HH), F32),
            pltpu.VMEM((CHM, HH), F32),
            pltpu.VMEM_SHARED((N, HH), F32),
            pltpu.SemaphoreType.DMA,
            pltpu.SemaphoreType.DMA,
            pltpu.SemaphoreType.DMA,
            pltpu.SemaphoreType.DMA,
            pltpu.SemaphoreType.DMA,
            pltpu.SemaphoreType.DMA,
            pltpu.SemaphoreType.DMA,
            pltpu.SemaphoreType.DMA,
        ],
    )(_sc_msg_body)
    return k(h_flat, e_flat, src3, dst3, srct, dstt)


def kernel(x, edge_index, edge_attr, batch, node_W, node_b,
           edge_W0, edge_b0, W1_0, b1_0, W2_0, b2_0,
           edge_W1, edge_b1, W1_1, b1_1, W2_1, b2_1,
           edge_W2, edge_b2, W1_2, b1_2, W2_2, b2_2,
           out_W, out_b):
    src = edge_index[0]
    dst = edge_index[1]
    srcm = src[:TBASE].reshape(16 * NCM, CHM)
    dstm = dst[:TBASE].reshape(16 * NCM, CHM)
    srct = src[TBASE:].reshape(16, TAIL)
    dstt = dst[TBASE:].reshape(16, TAIL)
    node_b2 = node_b.reshape(2, 1, HH)
    batch2d = batch.reshape(10, 1, N // 10)
    oW = out_W.reshape(2, HH, 1)
    ob11 = out_b.reshape(1, 1)

    h = _node_encode(x, node_W, node_b2)

    layer_params = [
        (edge_W0, edge_b0, W1_0, b1_0, W2_0, b2_0),
        (edge_W1, edge_b1, W1_1, b1_1, W2_1, b2_1),
        (edge_W2, edge_b2, W1_2, b1_2, W2_2, b2_2),
    ]
    for (eW, eb, W1, b1, W2, b2) in layer_params:
        e = _edge_proj(edge_attr, eW, eb.reshape(2, 1, HH))
        aggr = _sc_message(h, e, srcm, dstm, srct, dstt)
        h = _mlp(h, aggr, W1, b1.reshape(1, H), W2, b2.reshape(2, 1, HH))

    return _pool_project(h, batch2d, oW[0], oW[1], ob11)

# --- scband reference (transcript-rebuilt; emitter-appended) ---
"""Pipeline reference for scband-ginenet-21165598834942 (READ-ONLY COPY).

The authoritative reference and input builder live on the scoring server;
editing this copy changes nothing except your own understanding.
"""

import jax, jax.numpy as jnp
import numpy as np

N = 10000
E = 320000
D_IN = 128
D_E = 16
H = 256
L = 3
G = 64


def setup_inputs(seed: int = 0) -> dict:
    key = jax.random.key(seed)
    ks = jax.random.split(key, 40)
    inp = {}
    inp["x"] = jax.random.normal(ks[0], (N, D_IN), dtype=jnp.float32)
    inp["edge_index"] = jax.random.randint(ks[1], (2, E), 0, N, dtype=jnp.int32)
    inp["edge_attr"] = jax.random.normal(ks[2], (E, D_E), dtype=jnp.float32)
    inp["batch"] = jnp.sort(jax.random.randint(ks[3], (N,), 0, G, dtype=jnp.int32))
    # node encoder
    inp["node_W"] = jax.random.normal(ks[4], (D_IN, H), dtype=jnp.float32) * (1.0 / np.sqrt(D_IN))
    inp["node_b"] = jnp.zeros((H,), dtype=jnp.float32)
    # per-layer params: edge projection (edge_dim -> H) and 2-layer MLP
    kidx = 5
    for l in range(L):
        inp[f"edge_W{l}"] = jax.random.normal(ks[kidx], (D_E, H), dtype=jnp.float32) * (1.0 / np.sqrt(D_E)); kidx += 1
        inp[f"edge_b{l}"] = jnp.zeros((H,), dtype=jnp.float32)
        inp[f"W1_{l}"] = jax.random.normal(ks[kidx], (H, H), dtype=jnp.float32) * (1.0 / np.sqrt(H)); kidx += 1
        inp[f"b1_{l}"] = jnp.zeros((H,), dtype=jnp.float32)
        inp[f"W2_{l}"] = jax.random.normal(ks[kidx], (H, H), dtype=jnp.float32) * (1.0 / np.sqrt(H)); kidx += 1
        inp[f"b2_{l}"] = jnp.zeros((H,), dtype=jnp.float32)
    inp["out_W"] = jax.random.normal(ks[kidx], (H, 1), dtype=jnp.float32) * (1.0 / np.sqrt(H))
    inp["out_b"] = jnp.zeros((1,), dtype=jnp.float32)
    return inp


def reference(x, edge_index, edge_attr, batch, node_W, node_b,
              edge_W0, edge_b0, W1_0, b1_0, W2_0, b2_0,
              edge_W1, edge_b1, W1_1, b1_1, W2_1, b2_1,
              edge_W2, edge_b2, W1_2, b1_2, W2_2, b2_2,
              out_W, out_b):
    src = edge_index[0]
    dst = edge_index[1]
    h = x @ node_W + node_b
    layer_params = [
        (edge_W0, edge_b0, W1_0, b1_0, W2_0, b2_0),
        (edge_W1, edge_b1, W1_1, b1_1, W2_1, b2_1),
        (edge_W2, edge_b2, W1_2, b1_2, W2_2, b2_2),
    ]
    for (eW, eb, W1, b1, W2, b2) in layer_params:
        # GINEConv: message = ReLU(x_j + lin_edge(edge_attr)); aggregate = sum at dst
        e = edge_attr @ eW + eb
        msg = jax.nn.relu(h[src] + e)
        aggr = jax.ops.segment_sum(msg, dst, num_segments=N)
        # eps = 0 (train_eps=False default): out = mlp((1+eps)*x + aggr)
        z = h + aggr
        z = jax.nn.relu(z @ W1 + b1)
        z = z @ W2 + b2
        # outer ReLU from GINENet.forward
        h = jax.nn.relu(z)
    pooled = jax.ops.segment_sum(h, batch, num_segments=G)  # global_add_pool
    out = pooled @ out_W + out_b
    return out.squeeze(-1)

if __name__ == "__main__":
    import jax
    _d = setup_inputs()
    print(jax.jit(kernel)(*tuple(_d.values())))

</pallas_src>

<mosaic_0001>
#map = affine_map<(d0, d1) -> (0, 0)>
module attributes {stable_mosaic.version = 14 : i64} {
  func.func @_sc_msg_body(%arg0: i32, %arg1: i32, %arg2: memref<20000x128xf32, #tpu.memory_space<hbm>>, %arg3: memref<640000x128xf32, #tpu.memory_space<hbm>>, %arg4: memref<2496x128xi32, #tpu.memory_space<hbm>>, %arg5: memref<2496x128xi32, #tpu.memory_space<hbm>>, %arg6: memref<16x32xi32, #tpu.memory_space<hbm>>, %arg7: memref<16x32xi32, #tpu.memory_space<hbm>>, %arg8: memref<20000x128xf32, #tpu.memory_space<hbm>>, %arg9: memref<128xi32, #tpu.memory_space<vmem>>, %arg10: memref<128xi32, #tpu.memory_space<vmem>>, %arg11: memref<128xi32, #tpu.memory_space<vmem>>, %arg12: memref<128xi32, #tpu.memory_space<vmem>>, %arg13: memref<32xi32, #tpu.memory_space<vmem>>, %arg14: memref<32xi32, #tpu.memory_space<vmem>>, %arg15: memref<128x128xf32, #tpu.memory_space<vmem>>, %arg16: memref<128x128xf32, #tpu.memory_space<vmem>>, %arg17: memref<10000x128xf32, #tpu.memory_space<vmem_shared>>, %arg18: memref<!tpu.dma_semaphore, #tpu.memory_space<semaphore_mem>>, %arg19: memref<!tpu.dma_semaphore, #tpu.memory_space<semaphore_mem>>, %arg20: memref<!tpu.dma_semaphore, #tpu.memory_space<semaphore_mem>>, %arg21: memref<!tpu.dma_semaphore, #tpu.memory_space<semaphore_mem>>, %arg22: memref<!tpu.dma_semaphore, #tpu.memory_space<semaphore_mem>>, %arg23: memref<!tpu.dma_semaphore, #tpu.memory_space<semaphore_mem>>, %arg24: memref<!tpu.dma_semaphore, #tpu.memory_space<semaphore_mem>>, %arg25: memref<!tpu.dma_semaphore, #tpu.memory_space<semaphore_mem>>) attributes {dimension_semantics = [#tpu.dimension_semantics<core_parallel>, #tpu.dimension_semantics<subcore_parallel>], iteration_bounds = array<i64: 2, 16>, scalar_prefetch = 0 : i64, scratch_operands = 17 : i64, tpu.core_type = #tpu.core_type<sc_vector_subcore>, window_params = [{transform_indices = #map}, {transform_indices = #map}, {transform_indices = #map}, {transform_indices = #map}, {transform_indices = #map}, {transform_indices = #map}, {transform_indices = #map}]} {
    %mul3A = arith.constant 10000 : i32
    %mul3A_0 = arith.muli %arg0, %mul3A : i32
    %mul3A_1 = arith.constant 320000 : i32
    %mul3A_2 = arith.muli %arg0, %mul3A_1 : i32
    "tpu.region"() ({
      %run_scoped3A = tpu.sem_alloc : memref<!tpu.dma_semaphore, #tpu.memory_space<semaphore_mem>>
      %dma_start3A_238 = arith.constant 0 : i32
      %dma_start3A_239 = tpu.memref_slice %arg6[%arg1, %dma_start3A_238] : memref<16x32xi32, #tpu.memory_space<hbm>> -> memref<1x32xi32, #tpu.memory_space<hbm>>
      %dma_start3A_240 = tpu.memref_squeeze %dma_start3A_239 : memref<1x32xi32, #tpu.memory_space<hbm>> -> memref<32xi32, #tpu.memory_space<hbm>>
      %dma_start3A_241 = arith.constant 0 : i32
      %dma_start3A_242 = tpu.memref_slice %arg6[%arg1, %dma_start3A_241] : memref<16x32xi32, #tpu.memory_space<hbm>> -> memref<1x32xi32, #tpu.memory_space<hbm>>
      %dma_start3A_243 = tpu.memref_squeeze %dma_start3A_242 : memref<1x32xi32, #tpu.memory_space<hbm>> -> memref<32xi32, #tpu.memory_space<hbm>>
      tpu.enqueue_dma source(%dma_start3A_243 : memref<32xi32, #tpu.memory_space<hbm>>) target(%arg13 : memref<32xi32, #tpu.memory_space<vmem>>) target_semaphore(%run_scoped3A : memref<!tpu.dma_semaphore, #tpu.memory_space<semaphore_mem>>)
      %dma_wait3A_244 = arith.constant 0 : i32
      %dma_wait3A_245 = tpu.memref_slice %arg6[%arg1, %dma_wait3A_244] : memref<16x32xi32, #tpu.memory_space<hbm>> -> memref<1x32xi32, #tpu.memory_space<hbm>>
      %dma_wait3A_246 = tpu.memref_squeeze %dma_wait3A_245 : memref<1x32xi32, #tpu.memory_space<hbm>> -> memref<32xi32, #tpu.memory_space<hbm>>
      %dma_wait3A_247 = arith.constant 0 : i32
      %dma_wait3A_248 = tpu.memref_slice %arg6[%arg1, %dma_wait3A_247] : memref<16x32xi32, #tpu.memory_space<hbm>> -> memref<1x32xi32, #tpu.memory_space<hbm>>
      %dma_wait3A_249 = tpu.memref_squeeze %dma_wait3A_248 : memref<1x32xi32, #tpu.memory_space<hbm>> -> memref<32xi32, #tpu.memory_space<hbm>>
      tpu.wait_dma2 semaphore(%run_scoped3A : memref<!tpu.dma_semaphore, #tpu.memory_space<semaphore_mem>>) src(%dma_wait3A_249 : memref<32xi32, #tpu.memory_space<hbm>>) dst(%arg13 : memref<32xi32, #tpu.memory_space<vmem>>)
      tpu.yield
    }) : () -> ()
    "tpu.region"() ({
      %run_scoped3A = tpu.sem_alloc : memref<!tpu.dma_semaphore, #tpu.memory_space<semaphore_mem>>
      %dma_start3A_238 = arith.constant 0 : i32
      %dma_start3A_239 = tpu.memref_slice %arg7[%arg1, %dma_start3A_238] : memref<16x32xi32, #tpu.memory_space<hbm>> -> memref<1x32xi32, #tpu.memory_space<hbm>>
      %dma_start3A_240 = tpu.memref_squeeze %dma_start3A_239 : memref<1x32xi32, #tpu.memory_space<hbm>> -> memref<32xi32, #tpu.memory_space<hbm>>
      %dma_start3A_241 = arith.constant 0 : i32
      %dma_start3A_242 = tpu.memref_slice %arg7[%arg1, %dma_start3A_241] : memref<16x32xi32, #tpu.memory_space<hbm>> -> memref<1x32xi32, #tpu.memory_space<hbm>>
      %dma_start3A_243 = tpu.memref_squeeze %dma_start3A_242 : memref<1x32xi32, #tpu.memory_space<hbm>> -> memref<32xi32, #tpu.memory_space<hbm>>
      tpu.enqueue_dma source(%dma_start3A_243 : memref<32xi32, #tpu.memory_space<hbm>>) target(%arg14 : memref<32xi32, #tpu.memory_space<vmem>>) target_semaphore(%run_scoped3A : memref<!tpu.dma_semaphore, #tpu.memory_space<semaphore_mem>>)
      %dma_wait3A_244 = arith.constant 0 : i32
      %dma_wait3A_245 = tpu.memref_slice %arg7[%arg1, %dma_wait3A_244] : memref<16x32xi32, #tpu.memory_space<hbm>> -> memref<1x32xi32, #tpu.memory_space<hbm>>
      %dma_wait3A_246 = tpu.memref_squeeze %dma_wait3A_245 : memref<1x32xi32, #tpu.memory_space<hbm>> -> memref<32xi32, #tpu.memory_space<hbm>>
      %dma_wait3A_247 = arith.constant 0 : i32
      %dma_wait3A_248 = tpu.memref_slice %arg7[%arg1, %dma_wait3A_247] : memref<16x32xi32, #tpu.memory_space<hbm>> -> memref<1x32xi32, #tpu.memory_space<hbm>>
      %dma_wait3A_249 = tpu.memref_squeeze %dma_wait3A_248 : memref<1x32xi32, #tpu.memory_space<hbm>> -> memref<32xi32, #tpu.memory_space<hbm>>
      tpu.wait_dma2 semaphore(%run_scoped3A : memref<!tpu.dma_semaphore, #tpu.memory_space<semaphore_mem>>) src(%dma_wait3A_249 : memref<32xi32, #tpu.memory_space<hbm>>) dst(%arg14 : memref<32xi32, #tpu.memory_space<vmem>>)
      tpu.yield
    }) : () -> ()
    %get3A = arith.constant 0 : index
    %get3A_3 = tpu.vector_load %arg13[%get3A] {strides = array<i32>} : memref<32xi32, #tpu.memory_space<vmem>>, vector<16xi32>,
    %get3A_4 = vector.shape_cast %get3A_3 : vector<16xi32> to vector<16xi32>
    %add3A = vector.broadcast %mul3A_0 : i32 to vector<16xi32>
    %add3A_5 = arith.addi %get3A_4, %add3A : vector<16xi32>
    %swap3A = arith.constant 0 : index
    %swap3A_6 = tpu.vector_load %arg13[%swap3A] {strides = array<i32>} : memref<32xi32, #tpu.memory_space<vmem>>, vector<16xi32>,
    %swap3A_7 = vector.shape_cast %swap3A_6 : vector<16xi32> to vector<16xi32>
    %swap3A_8 = vector.shape_cast %add3A_5 : vector<16xi32> to vector<16xi32>
    tpu.vector_store %arg13[%swap3A], %swap3A_8 {strides = array<i32>} : memref<32xi32, #tpu.memory_space<vmem>>, vector<16xi32>,
    %get3A_9 = arith.constant 16 : index
    %get3A_10 = tpu.vector_load %arg13[%get3A_9] {strides = array<i32>} : memref<32xi32, #tpu.memory_space<vmem>>, vector<16xi32>,
    %get3A_11 = vector.shape_cast %get3A_10 : vector<16xi32> to vector<16xi32>
    %add3A_12 = vector.broadcast %mul3A_0 : i32 to vector<16xi32>
    %add3A_13 = arith.addi %get3A_11, %add3A_12 : vector<16xi32>
    %swap3A_14 = arith.constant 16 : index
    %swap3A_15 = tpu.vector_load %arg13[%swap3A_14] {strides = array<i32>} : memref<32xi32, #tpu.memory_space<vmem>>, vector<16xi32>,
    %swap3A_16 = vector.shape_cast %swap3A_15 : vector<16xi32> to vector<16xi32>
    %swap3A_17 = vector.shape_cast %add3A_13 : vector<16xi32> to vector<16xi32>
    tpu.vector_store %arg13[%swap3A_14], %swap3A_17 {strides = array<i32>} : memref<32xi32, #tpu.memory_space<vmem>>, vector<16xi32>,
    %broadcast_in_dim3A = arith.constant 0.000000e+00 : f32
    %broadcast_in_dim3A_18 = vector.broadcast %broadcast_in_dim3A : f32 to vector<16xf32>
    %scan3A = arith.constant 0 : i32
    %scan3A_19 = arith.constant 0 : i32
    %scan3A_20 = arith.constant 128 : i32
    %scan3A_21 = arith.addi %scan3A_19, %scan3A_20 : i32
    %scan3A_22 = arith.constant 1 : i32
    scf.for %scan3A_238 = %scan3A_19 to %scan3A_21 step %scan3A_22  : i32 {
      %swap3A_239 = arith.index_cast %scan3A_238 : i32 to index
      %swap3A_240 = arith.constant 0 : index
      %swap3A_241 = tpu.vector_load %arg15[%swap3A_239, %swap3A_240] {strides = array<i32>} : memref<128x128xf32, #tpu.memory_space<vmem>>, vector<1x16xf32>,
      %swap3A_242 = vector.shape_cast %swap3A_241 : vector<1x16xf32> to vector<16xf32>
      %swap3A_243 = vector.shape_cast %broadcast_in_dim3A_18 : vector<16xf32> to vector<1x16xf32>
      tpu.vector_store %arg15[%swap3A_239, %swap3A_240], %swap3A_243 {strides = array<i32>} : memref<128x128xf32, #tpu.memory_space<vmem>>, vector<1x16xf32>,
      %swap3A_244 = arith.index_cast %scan3A_238 : i32 to index
      %swap3A_245 = arith.constant 16 : index
      %swap3A_246 = tpu.vector_load %arg15[%swap3A_244, %swap3A_245] {strides = array<i32>} : memref<128x128xf32, #tpu.memory_space<vmem>>, vector<1x16xf32>,
      %swap3A_247 = vector.shape_cast %swap3A_246 : vector<1x16xf32> to vector<16xf32>
      %swap3A_248 = vector.shape_cast %broadcast_in_dim3A_18 : vector<16xf32> to vector<1x16xf32>
      tpu.vector_store %arg15[%swap3A_244, %swap3A_245], %swap3A_248 {strides = array<i32>} : memref<128x128xf32, #tpu.memory_space<vmem>>, vector<1x16xf32>,
      %swap3A_249 = arith.index_cast %scan3A_238 : i32 to index
      %swap3A_250 = arith.constant 32 : index
      %swap3A_251 = tpu.vector_load %arg15[%swap3A_249, %swap3A_250] {strides = array<i32>} : memref<128x128xf32, #tpu.memory_space<vmem>>, vector<1x16xf32>,
      %swap3A_252 = vector.shape_cast %swap3A_251 : vector<1x16xf32> to vector<16xf32>
      %swap3A_253 = vector.shape_cast %broadcast_in_dim3A_18 : vector<16xf32> to vector<1x16xf32>
      tpu.vector_store %arg15[%swap3A_249, %swap3A_250], %swap3A_253 {strides = array<i32>} : memref<128x128xf32, #tpu.memory_space<vmem>>, vector<1x16xf32>,
      %swap3A_254 = arith.index_cast %scan3A_238 : i32 to index
      %swap3A_255 = arith.constant 48 : index
      %swap3A_256 = tpu.vector_load %arg15[%swap3A_254, %swap3A_255] {strides = array<i32>} : memref<128x128xf32, #tpu.memory_space<vmem>>, vector<1x16xf32>,
      %swap3A_257 = vector.shape_cast %swap3A_256 : vector<1x16xf32> to vector<16xf32>
      %swap3A_258 = vector.shape_cast %broadcast_in_dim3A_18 : vector<16xf32> to vector<1x16xf32>
      tpu.vector_store %arg15[%swap3A_254, %swap3A_255], %swap3A_258 {strides = array<i32>} : memref<128x128xf32, #tpu.memory_space<vmem>>, vector<1x16xf32>,
      %swap3A_259 = arith.index_cast %scan3A_238 : i32 to index
      %swap3A_260 = arith.constant 64 : index
      %swap3A_261 = tpu.vector_load %arg15[%swap3A_259, %swap3A_260] {strides = array<i32>} : memref<128x128xf32, #tpu.memory_space<vmem>>, vector<1x16xf32>,
      %swap3A_262 = vector.shape_cast %swap3A_261 : vector<1x16xf32> to vector<16xf32>
      %swap3A_263 = vector.shape_cast %broadcast_in_dim3A_18 : vector<16xf32> to vector<1x16xf32>
      tpu.vector_store %arg15[%swap3A_259, %swap3A_260], %swap3A_263 {strides = array<i32>} : memref<128x128xf32, #tpu.memory_space<vmem>>, vector<1x16xf32>,
      %swap3A_264 = arith.index_cast %scan3A_238 : i32 to index
      %swap3A_265 = arith.constant 80 : index
      %swap3A_266 = tpu.vector_load %arg15[%swap3A_264, %swap3A_265] {strides = array<i32>} : memref<128x128xf32, #tpu.memory_space<vmem>>, vector<1x16xf32>,
      %swap3A_267 = vector.shape_cast %swap3A_266 : vector<1x16xf32> to vector<16xf32>
      %swap3A_268 = vector.shape_cast %broadcast_in_dim3A_18 : vector<16xf32> to vector<1x16xf32>
      tpu.vector_store %arg15[%swap3A_264, %swap3A_265], %swap3A_268 {strides = array<i32>} : memref<128x128xf32, #tpu.memory_space<vmem>>, vector<1x16xf32>,
      %swap3A_269 = arith.index_cast %scan3A_238 : i32 to index
      %swap3A_270 = arith.constant 96 : index
      %swap3A_271 = tpu.vector_load %arg15[%swap3A_269, %swap3A_270] {strides = array<i32>} : memref<128x128xf32, #tpu.memory_space<vmem>>, vector<1x16xf32>,
      %swap3A_272 = vector.shape_cast %swap3A_271 : vector<1x16xf32> to vector<16xf32>
      %swap3A_273 = vector.shape_cast %broadcast_in_dim3A_18 : vector<16xf32> to vector<1x16xf32>
      tpu.vector_store %arg15[%swap3A_269, %swap3A_270], %swap3A_273 {strides = array<i32>} : memref<128x128xf32, #tpu.memory_space<vmem>>, vector<1x16xf32>,
      %swap3A_274 = arith.index_cast %scan3A_238 : i32 to index
      %swap3A_275 = arith.constant 112 : index
      %swap3A_276 = tpu.vector_load %arg15[%swap3A_274, %swap3A_275] {strides = array<i32>} : memref<128x128xf32, #tpu.memory_space<vmem>>, vector<1x16xf32>,
      %swap3A_277 = vector.shape_cast %swap3A_276 : vector<1x16xf32> to vector<16xf32>
      %swap3A_278 = vector.shape_cast %broadcast_in_dim3A_18 : vector<16xf32> to vector<1x16xf32>
      tpu.vector_store %arg15[%swap3A_274, %swap3A_275], %swap3A_278 {strides = array<i32>} : memref<128x128xf32, #tpu.memory_space<vmem>>, vector<1x16xf32>,
    }
    %scan3A_23 = arith.constant 128 : i32
    %mul3A_24 = arith.constant 624 : i32
    %mul3A_25 = arith.muli %arg1, %mul3A_24 : i32
    %add3A_26 = arith.constant 0 : i32
    %add3A_27 = arith.addi %mul3A_25, %add3A_26 : i32
    "tpu.region"() ({
      %run_scoped3A = tpu.sem_alloc : memref<!tpu.dma_semaphore, #tpu.memory_space<semaphore_mem>>
      %dma_start3A_238 = arith.constant 0 : i32
      %dma_start3A_239 = tpu.memref_slice %arg17[%add3A_27, %dma_start3A_238] : memref<10000x128xf32, #tpu.memory_space<vmem_shared>> -> memref<128x128xf32, #tpu.memory_space<vmem_shared>>
      %dma_start3A_240 = arith.constant 0 : i32
      %dma_start3A_241 = tpu.memref_slice %arg17[%add3A_27, %dma_start3A_240] : memref<10000x128xf32, #tpu.memory_space<vmem_shared>> -> memref<128x128xf32, #tpu.memory_space<vmem_shared>>
      tpu.enqueue_dma source(%arg15 : memref<128x128xf32, #tpu.memory_space<vmem>>) target(%dma_start3A_241 : memref<128x128xf32, #tpu.memory_space<vmem_shared>>) target_semaphore(%run_scoped3A : memref<!tpu.dma_semaphore, #tpu.memory_space<semaphore_mem>>)
      %dma_wait3A_242 = arith.constant 0 : i32
      %dma_wait3A_243 = tpu.memref_slice %arg17[%add3A_27, %dma_wait3A_242] : memref<10000x128xf32, #tpu.memory_space<vmem_shared>> -> memref<128x128xf32, #tpu.memory_space<vmem_shared>>
      %dma_wait3A_244 = arith.constant 0 : i32
      %dma_wait3A_245 = tpu.memref_slice %arg17[%add3A_27, %dma_wait3A_244] : memref<10000x128xf32, #tpu.memory_space<vmem_shared>> -> memref<128x128xf32, #tpu.memory_space<vmem_shared>>
      tpu.wait_dma2 semaphore(%run_scoped3A : memref<!tpu.dma_semaphore, #tpu.memory_space<semaphore_mem>>) src(%arg15 : memref<128x128xf32, #tpu.memory_space<vmem>>) dst(%dma_wait3A_245 : memref<128x128xf32, #tpu.memory_space<vmem_shared>>)
      tpu.yield
    }) : () -> ()
    %add3A_28 = arith.constant 128 : i32
    %add3A_29 = arith.addi %mul3A_25, %add3A_28 : i32
    "tpu.region"() ({
      %run_scoped3A = tpu.sem_alloc : memref<!tpu.dma_semaphore, #tpu.memory_space<semaphore_mem>>
      %dma_start3A_238 = arith.constant 0 : i32
      %dma_start3A_239 = tpu.memref_slice %arg17[%add3A_29, %dma_start3A_238] : memref<10000x128xf32, #tpu.memory_space<vmem_shared>> -> memref<128x128xf32, #tpu.memory_space<vmem_shared>>
      %dma_start3A_240 = arith.constant 0 : i32
      %dma_start3A_241 = tpu.memref_slice %arg17[%add3A_29, %dma_start3A_240] : memref<10000x128xf32, #tpu.memory_space<vmem_shared>> -> memref<128x128xf32, #tpu.memory_space<vmem_shared>>
      tpu.enqueue_dma source(%arg15 : memref<128x128xf32, #tpu.memory_space<vmem>>) target(%dma_start3A_241 : memref<128x128xf32, #tpu.memory_space<vmem_shared>>) target_semaphore(%run_scoped3A : memref<!tpu.dma_semaphore, #tpu.memory_space<semaphore_mem>>)
      %dma_wait3A_242 = arith.constant 0 : i32
      %dma_wait3A_243 = tpu.memref_slice %arg17[%add3A_29, %dma_wait3A_242] : memref<10000x128xf32, #tpu.memory_space<vmem_shared>> -> memref<128x128xf32, #tpu.memory_space<vmem_shared>>
      %dma_wait3A_244 = arith.constant 0 : i32
      %dma_wait3A_245 = tpu.memref_slice %arg17[%add3A_29, %dma_wait3A_244] : memref<10000x128xf32, #tpu.memory_space<vmem_shared>> -> memref<128x128xf32, #tpu.memory_space<vmem_shared>>
      tpu.wait_dma2 semaphore(%run_scoped3A : memref<!tpu.dma_semaphore, #tpu.memory_space<semaphore_mem>>) src(%arg15 : memref<128x128xf32, #tpu.memory_space<vmem>>) dst(%dma_wait3A_245 : memref<128x128xf32, #tpu.memory_space<vmem_shared>>)
      tpu.yield
    }) : () -> ()
    %add3A_30 = arith.constant 256 : i32
    %add3A_31 = arith.addi %mul3A_25, %add3A_30 : i32
    "tpu.region"() ({
      %run_scoped3A = tpu.sem_alloc : memref<!tpu.dma_semaphore, #tpu.memory_space<semaphore_mem>>
      %dma_start3A_238 = arith.constant 0 : i32
      %dma_start3A_239 = tpu.memref_slice %arg17[%add3A_31, %dma_start3A_238] : memref<10000x128xf32, #tpu.memory_space<vmem_shared>> -> memref<128x128xf32, #tpu.memory_space<vmem_shared>>
      %dma_start3A_240 = arith.constant 0 : i32
      %dma_start3A_241 = tpu.memref_slice %arg17[%add3A_31, %dma_start3A_240] : memref<10000x128xf32, #tpu.memory_space<vmem_shared>> -> memref<128x128xf32, #tpu.memory_space<vmem_shared>>
      tpu.enqueue_dma source(%arg15 : memref<128x128xf32, #tpu.memory_space<vmem>>) target(%dma_start3A_241 : memref<128x128xf32, #tpu.memory_space<vmem_shared>>) target_semaphore(%run_scoped3A : memref<!tpu.dma_semaphore, #tpu.memory_space<semaphore_mem>>)
      %dma_wait3A_242 = arith.constant 0 : i32
      %dma_wait3A_243 = tpu.memref_slice %arg17[%add3A_31, %dma_wait3A_242] : memref<10000x128xf32, #tpu.memory_space<vmem_shared>> -> memref<128x128xf32, #tpu.memory_space<vmem_shared>>
      %dma_wait3A_244 = arith.constant 0 : i32
      %dma_wait3A_245 = tpu.memref_slice %arg17[%add3A_31, %dma_wait3A_244] : memref<10000x128xf32, #tpu.memory_space<vmem_shared>> -> memref<128x128xf32, #tpu.memory_space<vmem_shared>>
      tpu.wait_dma2 semaphore(%run_scoped3A : memref<!tpu.dma_semaphore, #tpu.memory_space<semaphore_mem>>) src(%arg15 : memref<128x128xf32, #tpu.memory_space<vmem>>) dst(%dma_wait3A_245 : memref<128x128xf32, #tpu.memory_space<vmem_shared>>)
      tpu.yield
    }) : () -> ()
    %add3A_32 = arith.constant 384 : i32
    %add3A_33 = arith.addi %mul3A_25, %add3A_32 : i32
    "tpu.region"() ({
      %run_scoped3A = tpu.sem_alloc : memref<!tpu.dma_semaphore, #tpu.memory_space<semaphore_mem>>
      %dma_start3A_238 = arith.constant 0 : i32
      %dma_start3A_239 = tpu.memref_slice %arg17[%add3A_33, %dma_start3A_238] : memref<10000x128xf32, #tpu.memory_space<vmem_shared>> -> memref<128x128xf32, #tpu.memory_space<vmem_shared>>
      %dma_start3A_240 = arith.constant 0 : i32
      %dma_start3A_241 = tpu.memref_slice %arg17[%add3A_33, %dma_start3A_240] : memref<10000x128xf32, #tpu.memory_space<vmem_shared>> -> memref<128x128xf32, #tpu.memory_space<vmem_shared>>
      tpu.enqueue_dma source(%arg15 : memref<128x128xf32, #tpu.memory_space<vmem>>) target(%dma_start3A_241 : memref<128x128xf32, #tpu.memory_space<vmem_shared>>) target_semaphore(%run_scoped3A : memref<!tpu.dma_semaphore, #tpu.memory_space<semaphore_mem>>)
      %dma_wait3A_242 = arith.constant 0 : i32
      %dma_wait3A_243 = tpu.memref_slice %arg17[%add3A_33, %dma_wait3A_242] : memref<10000x128xf32, #tpu.memory_space<vmem_shared>> -> memref<128x128xf32, #tpu.memory_space<vmem_shared>>
      %dma_wait3A_244 = arith.constant 0 : i32
      %dma_wait3A_245 = tpu.memref_slice %arg17[%add3A_33, %dma_wait3A_244] : memref<10000x128xf32, #tpu.memory_space<vmem_shared>> -> memref<128x128xf32, #tpu.memory_space<vmem_shared>>
      tpu.wait_dma2 semaphore(%run_scoped3A : memref<!tpu.dma_semaphore, #tpu.memory_space<semaphore_mem>>) src(%arg15 : memref<128x128xf32, #tpu.memory_space<vmem>>) dst(%dma_wait3A_245 : memref<128x128xf32, #tpu.memory_space<vmem_shared>>)
      tpu.yield
    }) : () -> ()
    %add3A_34 = arith.constant 512 : i32
    %add3A_35 = arith.addi %mul3A_25, %add3A_34 : i32
    "tpu.region"() ({
      %run_scoped3A = tpu.sem_alloc : memref<!tpu.dma_semaphore, #tpu.memory_space<semaphore_mem>>
      %dma_start3A_238 = arith.constant 0 : i32
      %dma_start3A_239 = arith.constant 0 : i32
      %dma_start3A_240 = tpu.memref_slice %arg15[%dma_start3A_238, %dma_start3A_239] : memref<128x128xf32, #tpu.memory_space<vmem>> -> memref<112x128xf32, #tpu.memory_space<vmem>>
      %dma_start3A_241 = arith.constant 0 : i32
      %dma_start3A_242 = tpu.memref_slice %arg17[%add3A_35, %dma_start3A_241] : memref<10000x128xf32, #tpu.memory_space<vmem_shared>> -> memref<112x128xf32, #tpu.memory_space<vmem_shared>>
      %dma_start3A_243 = arith.constant 0 : i32
      %dma_start3A_244 = tpu.memref_slice %arg17[%add3A_35, %dma_start3A_243] : memref<10000x128xf32, #tpu.memory_space<vmem_shared>> -> memref<112x128xf32, #tpu.memory_space<vmem_shared>>
      %dma_start3A_245 = arith.constant 0 : i32
      %dma_start3A_246 = arith.constant 0 : i32
      %dma_start3A_247 = tpu.memref_slice %arg15[%dma_start3A_245, %dma_start3A_246] : memref<128x128xf32, #tpu.memory_space<vmem>> -> memref<112x128xf32, #tpu.memory_space<vmem>>
      tpu.enqueue_dma source(%dma_start3A_247 : memref<112x128xf32, #tpu.memory_space<vmem>>) target(%dma_start3A_244 : memref<112x128xf32, #tpu.memory_space<vmem_shared>>) target_semaphore(%run_scoped3A : memref<!tpu.dma_semaphore, #tpu.memory_space<semaphore_mem>>)
      %dma_wait3A_248 = arith.constant 0 : i32
      %dma_wait3A_249 = arith.constant 0 : i32
      %dma_wait3A_250 = tpu.memref_slice %arg15[%dma_wait3A_248, %dma_wait3A_249] : memref<128x128xf32, #tpu.memory_space<vmem>> -> memref<112x128xf32, #tpu.memory_space<vmem>>
      %dma_wait3A_251 = arith.constant 0 : i32
      %dma_wait3A_252 = tpu.memref_slice %arg17[%add3A_35, %dma_wait3A_251] : memref<10000x128xf32, #tpu.memory_space<vmem_shared>> -> memref<112x128xf32, #tpu.memory_space<vmem_shared>>
      %dma_wait3A_253 = arith.constant 0 : i32
      %dma_wait3A_254 = tpu.memref_slice %arg17[%add3A_35, %dma_wait3A_253] : memref<10000x128xf32, #tpu.memory_space<vmem_shared>> -> memref<112x128xf32, #tpu.memory_space<vmem_shared>>
      %dma_wait3A_255 = arith.constant 0 : i32
      %dma_wait3A_256 = arith.constant 0 : i32
      %dma_wait3A_257 = tpu.memref_slice %arg15[%dma_wait3A_255, %dma_wait3A_256] : memref<128x128xf32, #tpu.memory_space<vmem>> -> memref<112x128xf32, #tpu.memory_space<vmem>>
      tpu.wait_dma2 semaphore(%run_scoped3A : memref<!tpu.dma_semaphore, #tpu.memory_space<semaphore_mem>>) src(%dma_wait3A_257 : memref<112x128xf32, #tpu.memory_space<vmem>>) dst(%dma_wait3A_254 : memref<112x128xf32, #tpu.memory_space<vmem_shared>>)
      tpu.yield
    }) : () -> ()
    %eq3A = arith.constant 15 : i32
    %eq3A_36 = arith.cmpi eq, %arg1, %eq3A : i32
    %convert_element_type3A = arith.extui %eq3A_36 : i1 to i32
    %cond3A = arith.constant 0 : i32
    %cond3A_37 = arith.cmpi ne, %convert_element_type3A, %cond3A : i32
    scf.if %cond3A_37 {
      "tpu.region"() ({
        %run_scoped3A = tpu.sem_alloc : memref<!tpu.dma_semaphore, #tpu.memory_space<semaphore_mem>>
        %dma_start3A_238 = arith.constant 0 : i32
        %dma_start3A_239 = arith.constant 0 : i32
        %dma_start3A_240 = tpu.memref_slice %arg15[%dma_start3A_238, %dma_start3A_239] : memref<128x128xf32, #tpu.memory_space<vmem>> -> memref<16x128xf32, #tpu.memory_space<vmem>>
        %dma_start3A_241 = arith.constant 9984 : i32
        %dma_start3A_242 = arith.constant 0 : i32
        %dma_start3A_243 = tpu.memref_slice %arg17[%dma_start3A_241, %dma_start3A_242] : memref<10000x128xf32, #tpu.memory_space<vmem_shared>> -> memref<16x128xf32, #tpu.memory_space<vmem_shared>>
        %dma_start3A_244 = arith.constant 9984 : i32
        %dma_start3A_245 = arith.constant 0 : i32
        %dma_start3A_246 = tpu.memref_slice %arg17[%dma_start3A_244, %dma_start3A_245] : memref<10000x128xf32, #tpu.memory_space<vmem_shared>> -> memref<16x128xf32, #tpu.memory_space<vmem_shared>>
        %dma_start3A_247 = arith.constant 0 : i32
        %dma_start3A_248 = arith.constant 0 : i32
        %dma_start3A_249 = tpu.memref_slice %arg15[%dma_start3A_247, %dma_start3A_248] : memref<128x128xf32, #tpu.memory_space<vmem>> -> memref<16x128xf32, #tpu.memory_space<vmem>>
        tpu.enqueue_dma source(%dma_start3A_249 : memref<16x128xf32, #tpu.memory_space<vmem>>) target(%dma_start3A_246 : memref<16x128xf32, #tpu.memory_space<vmem_shared>>) target_semaphore(%run_scoped3A : memref<!tpu.dma_semaphore, #tpu.memory_space<semaphore_mem>>)
        %dma_wait3A_250 = arith.constant 0 : i32
        %dma_wait3A_251 = arith.constant 0 : i32
        %dma_wait3A_252 = tpu.memref_slice %arg15[%dma_wait3A_250, %dma_wait3A_251] : memref<128x128xf32, #tpu.memory_space<vmem>> -> memref<16x128xf32, #tpu.memory_space<vmem>>
        %dma_wait3A_253 = arith.constant 9984 : i32
        %dma_wait3A_254 = arith.constant 0 : i32
        %dma_wait3A_255 = tpu.memref_slice %arg17[%dma_wait3A_253, %dma_wait3A_254] : memref<10000x128xf32, #tpu.memory_space<vmem_shared>> -> memref<16x128xf32, #tpu.memory_space<vmem_shared>>
        %dma_wait3A_256 = arith.constant 9984 : i32
        %dma_wait3A_257 = arith.constant 0 : i32
        %dma_wait3A_258 = tpu.memref_slice %arg17[%dma_wait3A_256, %dma_wait3A_257] : memref<10000x128xf32, #tpu.memory_space<vmem_shared>> -> memref<16x128xf32, #tpu.memory_space<vmem_shared>>
        %dma_wait3A_259 = arith.constant 0 : i32
        %dma_wait3A_260 = arith.constant 0 : i32
        %dma_wait3A_261 = tpu.memref_slice %arg15[%dma_wait3A_259, %dma_wait3A_260] : memref<128x128xf32, #tpu.memory_space<vmem>> -> memref<16x128xf32, #tpu.memory_space<vmem>>
        tpu.wait_dma2 semaphore(%run_scoped3A : memref<!tpu.dma_semaphore, #tpu.memory_space<semaphore_mem>>) src(%dma_wait3A_261 : memref<16x128xf32, #tpu.memory_space<vmem>>) dst(%dma_wait3A_258 : memref<16x128xf32, #tpu.memory_space<vmem_shared>>)
        tpu.yield
      }) : () -> ()
    } else {
    }
    %barrier3A = arith.constant 0 : index
    tpu.barrier barrier_id(%barrier3A)
    %mul3A_38 = arith.constant 19968 : i32
    %mul3A_39 = arith.muli %arg1, %mul3A_38 : i32
    %add3A_40 = arith.addi %mul3A_2, %mul3A_39 : i32
    %mul3A_41 = arith.constant 156 : i32
    %mul3A_42 = arith.muli %arg1, %mul3A_41 : i32
    %add3A_43 = arith.constant 0 : i32
    %add3A_44 = arith.addi %mul3A_42, %add3A_43 : i32
    %min3A = arith.constant 2495 : i32
    %min3A_45 = arith.minsi %add3A_44, %min3A : i32
    %add3A_46 = arith.constant 0 : i32
    %add3A_47 = arith.addi %add3A_40, %add3A_46 : i32
    %dma_start3A = arith.constant 0 : i32
    %dma_start3A_48 = tpu.memref_slice %arg3[%add3A_47, %dma_start3A] : memref<640000x128xf32, #tpu.memory_space<hbm>> -> memref<128x128xf32, #tpu.memory_space<hbm>>
    %dma_start3A_49 = arith.constant 0 : i32
    %dma_start3A_50 = tpu.memref_slice %arg3[%add3A_47, %dma_start3A_49] : memref<640000x128xf32, #tpu.memory_space<hbm>> -> memref<128x128xf32, #tpu.memory_space<hbm>>
    tpu.enqueue_dma source(%dma_start3A_50 : memref<128x128xf32, #tpu.memory_space<hbm>>) target(%arg15 : memref<128x128xf32, #tpu.memory_space<vmem>>) target_semaphore(%arg18 : memref<!tpu.dma_semaphore, #tpu.memory_space<semaphore_mem>>)
    %dma_start3A_51 = arith.constant 0 : i32
    %dma_start3A_52 = tpu.memref_slice %arg4[%min3A_45, %dma_start3A_51] : memref<2496x128xi32, #tpu.memory_space<hbm>> -> memref<1x128xi32, #tpu.memory_space<hbm>>
    %dma_start3A_53 = tpu.memref_squeeze %dma_start3A_52 : memref<1x128xi32, #tpu.memory_space<hbm>> -> memref<128xi32, #tpu.memory_space<hbm>>
    %dma_start3A_54 = arith.constant 0 : i32
    %dma_start3A_55 = tpu.memref_slice %arg4[%min3A_45, %dma_start3A_54] : memref<2496x128xi32, #tpu.memory_space<hbm>> -> memref<1x128xi32, #tpu.memory_space<hbm>>
    %dma_start3A_56 = tpu.memref_squeeze %dma_start3A_55 : memref<1x128xi32, #tpu.memory_space<hbm>> -> memref<128xi32, #tpu.memory_space<hbm>>
    tpu.enqueue_dma source(%dma_start3A_56 : memref<128xi32, #tpu.memory_space<hbm>>) target(%arg9 : memref<128xi32, #tpu.memory_space<vmem>>) target_semaphore(%arg20 : memref<!tpu.dma_semaphore, #tpu.memory_space<semaphore_mem>>)
    %dma_start3A_57 = arith.constant 0 : i32
    %dma_start3A_58 = tpu.memref_slice %arg5[%min3A_45, %dma_start3A_57] : memref<2496x128xi32, #tpu.memory_space<hbm>> -> memref<1x128xi32, #tpu.memory_space<hbm>>
    %dma_start3A_59 = tpu.memref_squeeze %dma_start3A_58 : memref<1x128xi32, #tpu.memory_space<hbm>> -> memref<128xi32, #tpu.memory_space<hbm>>
    %dma_start3A_60 = arith.constant 0 : i32
    %dma_start3A_61 = tpu.memref_slice %arg5[%min3A_45, %dma_start3A_60] : memref<2496x128xi32, #tpu.memory_space<hbm>> -> memref<1x128xi32, #tpu.memory_space<hbm>>
    %dma_start3A_62 = tpu.memref_squeeze %dma_start3A_61 : memref<1x128xi32, #tpu.memory_space<hbm>> -> memref<128xi32, #tpu.memory_space<hbm>>
    tpu.enqueue_dma source(%dma_start3A_62 : memref<128xi32, #tpu.memory_space<hbm>>) target(%arg11 : memref<128xi32, #tpu.memory_space<vmem>>) target_semaphore(%arg22 : memref<!tpu.dma_semaphore, #tpu.memory_space<semaphore_mem>>)
    %mul3A_63 = arith.constant 156 : i32
    %mul3A_64 = arith.muli %arg1, %mul3A_63 : i32
    %add3A_65 = arith.constant 1 : i32
    %add3A_66 = arith.addi %mul3A_64, %add3A_65 : i32
    %min3A_67 = arith.constant 2495 : i32
    %min3A_68 = arith.minsi %add3A_66, %min3A_67 : i32
    %add3A_69 = arith.constant 128 : i32
    %add3A_70 = arith.addi %add3A_40, %add3A_69 : i32
    %dma_start3A_71 = arith.constant 0 : i32
    %dma_start3A_72 = tpu.memref_slice %arg3[%add3A_70, %dma_start3A_71] : memref<640000x128xf32, #tpu.memory_space<hbm>> -> memref<128x128xf32, #tpu.memory_space<hbm>>
    %dma_start3A_73 = arith.constant 0 : i32
    %dma_start3A_74 = tpu.memref_slice %arg3[%add3A_70, %dma_start3A_73] : memref<640000x128xf32, #tpu.memory_space<hbm>> -> memref<128x128xf32, #tpu.memory_space<hbm>>
    tpu.enqueue_dma source(%dma_start3A_74 : memref<128x128xf32, #tpu.memory_space<hbm>>) target(%arg16 : memref<128x128xf32, #tpu.memory_space<vmem>>) target_semaphore(%arg19 : memref<!tpu.dma_semaphore, #tpu.memory_space<semaphore_mem>>)
    %dma_start3A_75 = arith.constant 0 : i32
    %dma_start3A_76 = tpu.memref_slice %arg4[%min3A_68, %dma_start3A_75] : memref<2496x128xi32, #tpu.memory_space<hbm>> -> memref<1x128xi32, #tpu.memory_space<hbm>>
    %dma_start3A_77 = tpu.memref_squeeze %dma_start3A_76 : memref<1x128xi32, #tpu.memory_space<hbm>> -> memref<128xi32, #tpu.memory_space<hbm>>
    %dma_start3A_78 = arith.constant 0 : i32
    %dma_start3A_79 = tpu.memref_slice %arg4[%min3A_68, %dma_start3A_78] : memref<2496x128xi32, #tpu.memory_space<hbm>> -> memref<1x128xi32, #tpu.memory_space<hbm>>
    %dma_start3A_80 = tpu.memref_squeeze %dma_start3A_79 : memref<1x128xi32, #tpu.memory_space<hbm>> -> memref<128xi32, #tpu.memory_space<hbm>>
    tpu.enqueue_dma source(%dma_start3A_80 : memref<128xi32, #tpu.memory_space<hbm>>) target(%arg10 : memref<128xi32, #tpu.memory_space<vmem>>) target_semaphore(%arg21 : memref<!tpu.dma_semaphore, #tpu.memory_space<semaphore_mem>>)
    %dma_start3A_81 = arith.constant 0 : i32
    %dma_start3A_82 = tpu.memref_slice %arg5[%min3A_68, %dma_start3A_81] : memref<2496x128xi32, #tpu.memory_space<hbm>> -> memref<1x128xi32, #tpu.memory_space<hbm>>
    %dma_start3A_83 = tpu.memref_squeeze %dma_start3A_82 : memref<1x128xi32, #tpu.memory_space<hbm>> -> memref<128xi32, #tpu.memory_space<hbm>>
    %dma_start3A_84 = arith.constant 0 : i32
    %dma_start3A_85 = tpu.memref_slice %arg5[%min3A_68, %dma_start3A_84] : memref<2496x128xi32, #tpu.memory_space<hbm>> -> memref<1x128xi32, #tpu.memory_space<hbm>>
    %dma_start3A_86 = tpu.memref_squeeze %dma_start3A_85 : memref<1x128xi32, #tpu.memory_space<hbm>> -> memref<128xi32, #tpu.memory_space<hbm>>
    tpu.enqueue_dma source(%dma_start3A_86 : memref<128xi32, #tpu.memory_space<hbm>>) target(%arg12 : memref<128xi32, #tpu.memory_space<vmem>>) target_semaphore(%arg23 : memref<!tpu.dma_semaphore, #tpu.memory_space<semaphore_mem>>)
    %dma_wait3A = arith.constant 0 : i32
    %dma_wait3A_87 = arith.constant 0 : i32
    %dma_wait3A_88 = tpu.memref_slice %arg3[%dma_wait3A, %dma_wait3A_87] : memref<640000x128xf32, #tpu.memory_space<hbm>> -> memref<128x128xf32, #tpu.memory_space<hbm>>
    %dma_wait3A_89 = arith.constant 0 : i32
    %dma_wait3A_90 = arith.constant 0 : i32
    %dma_wait3A_91 = tpu.memref_slice %arg3[%dma_wait3A_89, %dma_wait3A_90] : memref<640000x128xf32, #tpu.memory_space<hbm>> -> memref<128x128xf32, #tpu.memory_space<hbm>>
    tpu.wait_dma2 semaphore(%arg18 : memref<!tpu.dma_semaphore, #tpu.memory_space<semaphore_mem>>) src(%dma_wait3A_91 : memref<128x128xf32, #tpu.memory_space<hbm>>) dst(%arg15 : memref<128x128xf32, #tpu.memory_space<vmem>>)
    %dma_wait3A_92 = arith.constant 0 : i32
    %dma_wait3A_93 = arith.constant 0 : i32
    %dma_wait3A_94 = tpu.memref_slice %arg4[%dma_wait3A_92, %dma_wait3A_93] : memref<2496x128xi32, #tpu.memory_space<hbm>> -> memref<1x128xi32, #tpu.memory_space<hbm>>
    %dma_wait3A_95 = tpu.memref_squeeze %dma_wait3A_94 : memref<1x128xi32, #tpu.memory_space<hbm>> -> memref<128xi32, #tpu.memory_space<hbm>>
    %dma_wait3A_96 = arith.constant 0 : i32
    %dma_wait3A_97 = tpu.memref_slice %arg4[%dma_wait3A_92, %dma_wait3A_96] : memref<2496x128xi32, #tpu.memory_space<hbm>> -> memref<1x128xi32, #tpu.memory_space<hbm>>
    %dma_wait3A_98 = tpu.memref_squeeze %dma_wait3A_97 : memref<1x128xi32, #tpu.memory_space<hbm>> -> memref<128xi32, #tpu.memory_space<hbm>>
    tpu.wait_dma2 semaphore(%arg20 : memref<!tpu.dma_semaphore, #tpu.memory_space<semaphore_mem>>) src(%dma_wait3A_98 : memref<128xi32, #tpu.memory_space<hbm>>) dst(%arg9 : memref<128xi32, #tpu.memory_space<vmem>>)
    %get3A_99 = arith.constant 0 : index
    %get3A_100 = tpu.vector_load %arg9[%get3A_99] {strides = array<i32>} : memref<128xi32, #tpu.memory_space<vmem>>, vector<16xi32>,
    %get3A_101 = vector.shape_cast %get3A_100 : vector<16xi32> to vector<16xi32>
    %add3A_102 = vector.broadcast %mul3A_0 : i32 to vector<16xi32>
    %add3A_103 = arith.addi %get3A_101, %add3A_102 : vector<16xi32>
    %swap3A_104 = arith.constant 0 : index
    %swap3A_105 = tpu.vector_load %arg9[%swap3A_104] {strides = array<i32>} : memref<128xi32, #tpu.memory_space<vmem>>, vector<16xi32>,
    %swap3A_106 = vector.shape_cast %swap3A_105 : vector<16xi32> to vector<16xi32>
    %swap3A_107 = vector.shape_cast %add3A_103 : vector<16xi32> to vector<16xi32>
    tpu.vector_store %arg9[%swap3A_104], %swap3A_107 {strides = array<i32>} : memref<128xi32, #tpu.memory_space<vmem>>, vector<16xi32>,
    %get3A_108 = arith.constant 16 : index
    %get3A_109 = tpu.vector_load %arg9[%get3A_108] {strides = array<i32>} : memref<128xi32, #tpu.memory_space<vmem>>, vector<16xi32>,
    %get3A_110 = vector.shape_cast %get3A_109 : vector<16xi32> to vector<16xi32>
    %add3A_111 = vector.broadcast %mul3A_0 : i32 to vector<16xi32>
    %add3A_112 = arith.addi %get3A_110, %add3A_111 : vector<16xi32>
    %swap3A_113 = arith.constant 16 : index
    %swap3A_114 = tpu.vector_load %arg9[%swap3A_113] {strides = array<i32>} : memref<128xi32, #tpu.memory_space<vmem>>, vector<16xi32>,
    %swap3A_115 = vector.shape_cast %swap3A_114 : vector<16xi32> to vector<16xi32>
    %swap3A_116 = vector.shape_cast %add3A_112 : vector<16xi32> to vector<16xi32>
    tpu.vector_store %arg9[%swap3A_113], %swap3A_116 {strides = array<i32>} : memref<128xi32, #tpu.memory_space<vmem>>, vector<16xi32>,
    %get3A_117 = arith.constant 32 : index
    %get3A_118 = tpu.vector_load %arg9[%get3A_117] {strides = array<i32>} : memref<128xi32, #tpu.memory_space<vmem>>, vector<16xi32>,
    %get3A_119 = vector.shape_cast %get3A_118 : vector<16xi32> to vector<16xi32>
    %add3A_120 = vector.broadcast %mul3A_0 : i32 to vector<16xi32>
    %add3A_121 = arith.addi %get3A_119, %add3A_120 : vector<16xi32>
    %swap3A_122 = arith.constant 32 : index
    %swap3A_123 = tpu.vector_load %arg9[%swap3A_122] {strides = array<i32>} : memref<128xi32, #tpu.memory_space<vmem>>, vector<16xi32>,
    %swap3A_124 = vector.shape_cast %swap3A_123 : vector<16xi32> to vector<16xi32>
    %swap3A_125 = vector.shape_cast %add3A_121 : vector<16xi32> to vector<16xi32>
    tpu.vector_store %arg9[%swap3A_122], %swap3A_125 {strides = array<i32>} : memref<128xi32, #tpu.memory_space<vmem>>, vector<16xi32>,
    %get3A_126 = arith.constant 48 : index
    %get3A_127 = tpu.vector_load %arg9[%get3A_126] {strides = array<i32>} : memref<128xi32, #tpu.memory_space<vmem>>, vector<16xi32>,
    %get3A_128 = vector.shape_cast %get3A_127 : vector<16xi32> to vector<16xi32>
    %add3A_129 = vector.broadcast %mul3A_0 : i32 to vector<16xi32>
    %add3A_130 = arith.addi %get3A_128, %add3A_129 : vector<16xi32>
    %swap3A_131 = arith.constant 48 : index
    %swap3A_132 = tpu.vector_load %arg9[%swap3A_131] {strides = array<i32>} : memref<128xi32, #tpu.memory_space<vmem>>, vector<16xi32>,
    %swap3A_133 = vector.shape_cast %swap3A_132 : vector<16xi32> to vector<16xi32>
    %swap3A_134 = vector.shape_cast %add3A_130 : vector<16xi32> to vector<16xi32>
    tpu.vector_store %arg9[%swap3A_131], %swap3A_134 {strides = array<i32>} : memref<128xi32, #tpu.memory_space<vmem>>, vector<16xi32>,
    %get3A_135 = arith.constant 64 : index
    %get3A_136 = tpu.vector_load %arg9[%get3A_135] {strides = array<i32>} : memref<128xi32, #tpu.memory_space<vmem>>, vector<16xi32>,
    %get3A_137 = vector.shape_cast %get3A_136 : vector<16xi32> to vector<16xi32>
    %add3A_138 = vector.broadcast %mul3A_0 : i32 to vector<16xi32>
    %add3A_139 = arith.addi %get3A_137, %add3A_138 : vector<16xi32>
    %swap3A_140 = arith.constant 64 : index
    %swap3A_141 = tpu.vector_load %arg9[%swap3A_140] {strides = array<i32>} : memref<128xi32, #tpu.memory_space<vmem>>, vector<16xi32>,
    %swap3A_142 = vector.shape_cast %swap3A_141 : vector<16xi32> to vector<16xi32>
    %swap3A_143 = vector.shape_cast %add3A_139 : vector<16xi32> to vector<16xi32>
    tpu.vector_store %arg9[%swap3A_140], %swap3A_143 {strides = array<i32>} : memref<128xi32, #tpu.memory_space<vmem>>, vector<16xi32>,
    %get3A_144 = arith.constant 80 : index
    %get3A_145 = tpu.vector_load %arg9[%get3A_144] {strides = array<i32>} : memref<128xi32, #tpu.memory_space<vmem>>, vector<16xi32>,
    %get3A_146 = vector.shape_cast %get3A_145 : vector<16xi32> to vector<16xi32>
    %add3A_147 = vector.broadcast %mul3A_0 : i32 to vector<16xi32>
    %add3A_148 = arith.addi %get3A_146, %add3A_147 : vector<16xi32>
    %swap3A_149 = arith.constant 80 : index
    %swap3A_150 = tpu.vector_load %arg9[%swap3A_149] {strides = array<i32>} : memref<128xi32, #tpu.memory_space<vmem>>, vector<16xi32>,
    %swap3A_151 = vector.shape_cast %swap3A_150 : vector<16xi32> to vector<16xi32>
    %swap3A_152 = vector.shape_cast %add3A_148 : vector<16xi32> to vector<16xi32>
    tpu.vector_store %arg9[%swap3A_149], %swap3A_152 {strides = array<i32>} : memref<128xi32, #tpu.memory_space<vmem>>, vector<16xi32>,
    %get3A_153 = arith.constant 96 : index
    %get3A_154 = tpu.vector_load %arg9[%get3A_153] {strides = array<i32>} : memref<128xi32, #tpu.memory_space<vmem>>, vector<16xi32>,
    %get3A_155 = vector.shape_cast %get3A_154 : vector<16xi32> to vector<16xi32>
    %add3A_156 = vector.broadcast %mul3A_0 : i32 to vector<16xi32>
    %add3A_157 = arith.addi %get3A_155, %add3A_156 : vector<16xi32>
    %swap3A_158 = arith.constant 96 : index
    %swap3A_159 = tpu.vector_load %arg9[%swap3A_158] {strides = array<i32>} : memref<128xi32, #tpu.memory_space<vmem>>, vector<16xi32>,
    %swap3A_160 = vector.shape_cast %swap3A_159 : vector<16xi32> to vector<16xi32>
    %swap3A_161 = vector.shape_cast %add3A_157 : vector<16xi32> to vector<16xi32>
    tpu.vector_store %arg9[%swap3A_158], %swap3A_161 {strides = array<i32>} : memref<128xi32, #tpu.memory_space<vmem>>, vector<16xi32>,
    %get3A_162 = arith.constant 112 : index
    %get3A_163 = tpu.vector_load %arg9[%get3A_162] {strides = array<i32>} : memref<128xi32, #tpu.memory_space<vmem>>, vector<16xi32>,
    %get3A_164 = vector.shape_cast %get3A_163 : vector<16xi32> to vector<16xi32>
    %add3A_165 = vector.broadcast %mul3A_0 : i32 to vector<16xi32>
    %add3A_166 = arith.addi %get3A_164, %add3A_165 : vector<16xi32>
    %swap3A_167 = arith.constant 112 : index
    %swap3A_168 = tpu.vector_load %arg9[%swap3A_167] {strides = array<i32>} : memref<128xi32, #tpu.memory_space<vmem>>, vector<16xi32>,
    %swap3A_169 = vector.shape_cast %swap3A_168 : vector<16xi32> to vector<16xi32>
    %swap3A_170 = vector.shape_cast %add3A_166 : vector<16xi32> to vector<16xi32>
    tpu.vector_store %arg9[%swap3A_167], %swap3A_170 {strides = array<i32>} : memref<128xi32, #tpu.memory_space<vmem>>, vector<16xi32>,
    %dma_start3A_171 = arith.constant 0 : i32
    %dma_start3A_172 = arith.constant 0 : i32
    %dma_start3A_173 = tpu.memref_slice %arg2[%dma_start3A_171, %dma_start3A_172] : memref<20000x128xf32, #tpu.memory_space<hbm>> -> memref<20000x128xf32, #tpu.memory_space<hbm>>
    tpu.enqueue_indirect_dma source(%dma_start3A_173 : memref<20000x128xf32, #tpu.memory_space<hbm>>) target(%arg15 : memref<128x128xf32, #tpu.memory_space<vmem>>) offsets(%arg9 : memref<128xi32, #tpu.memory_space<vmem>>) semaphore(%arg24 : memref<!tpu.dma_semaphore, #tpu.memory_space<semaphore_mem>>) {add = true}
    %scan3A_174 = arith.constant 0 : i32
    %scan3A_175 = arith.constant 0 : i32
    %scan3A_176 = arith.constant 78 : i32
    %scan3A_177 = arith.addi %scan3A_175, %scan3A_176 : i32
    %scan3A_178 = arith.constant 1 : i32
    scf.for %scan3A_238 = %scan3A_175 to %scan3A_177 step %scan3A_178  : i32 {
      %mul3A_239 = arith.constant 2 : i32
      %mul3A_240 = arith.muli %mul3A_239, %scan3A_238 : i32
      %dma_wait3A_241 = arith.constant 0 : i32
      %dma_wait3A_242 = arith.constant 0 : i32
      %dma_wait3A_243 = tpu.memref_slice %arg3[%dma_wait3A_241, %dma_wait3A_242] : memref<640000x128xf32, #tpu.memory_space<hbm>> -> memref<128x128xf32, #tpu.memory_space<hbm>>
      %dma_wait3A_244 = arith.constant 0 : i32
      %dma_wait3A_245 = arith.constant 0 : i32
      %dma_wait3A_246 = tpu.memref_slice %arg3[%dma_wait3A_244, %dma_wait3A_245] : memref<640000x128xf32, #tpu.memory_space<hbm>> -> memref<128x128xf32, #tpu.memory_space<hbm>>
      tpu.wait_dma2 semaphore(%arg19 : memref<!tpu.dma_semaphore, #tpu.memory_space<semaphore_mem>>) src(%dma_wait3A_246 : memref<128x128xf32, #tpu.memory_space<hbm>>) dst(%arg16 : memref<128x128xf32, #tpu.memory_space<vmem>>)
      %dma_wait3A_247 = arith.constant 0 : i32
      %dma_wait3A_248 = arith.constant 0 : i32
      %dma_wait3A_249 = tpu.memref_slice %arg4[%dma_wait3A_247, %dma_wait3A_248] : memref<2496x128xi32, #tpu.memory_space<hbm>> -> memref<1x128xi32, #tpu.memory_space<hbm>>
      %dma_wait3A_250 = tpu.memref_squeeze %dma_wait3A_249 : memref<1x128xi32, #tpu.memory_space<hbm>> -> memref<128xi32, #tpu.memory_space<hbm>>
      %dma_wait3A_251 = arith.constant 0 : i32
      %dma_wait3A_252 = tpu.memref_slice %arg4[%dma_wait3A_247, %dma_wait3A_251] : memref<2496x128xi32, #tpu.memory_space<hbm>> -> memref<1x128xi32, #tpu.memory_space<hbm>>
      %dma_wait3A_253 = tpu.memref_squeeze %dma_wait3A_252 : memref<1x128xi32, #tpu.memory_space<hbm>> -> memref<128xi32, #tpu.memory_space<hbm>>
      tpu.wait_dma2 semaphore(%arg21 : memref<!tpu.dma_semaphore, #tpu.memory_space<semaphore_mem>>) src(%dma_wait3A_253 : memref<128xi32, #tpu.memory_space<hbm>>) dst(%arg10 : memref<128xi32, #tpu.memory_space<vmem>>)
      %get3A_254 = arith.constant 0 : index
      %get3A_255 = tpu.vector_load %arg10[%get3A_254] {strides = array<i32>} : memref<128xi32, #tpu.memory_space<vmem>>, vector<16xi32>,
      %get3A_256 = vector.shape_cast %get3A_255 : vector<16xi32> to vector<16xi32>
      %add3A_257 = vector.broadcast %mul3A_0 : i32 to vector<16xi32>
      %add3A_258 = arith.addi %get3A_256, %add3A_257 : vector<16xi32>
      %swap3A_259 = arith.constant 0 : index
      %swap3A_260 = tpu.vector_load %arg10[%swap3A_259] {strides = array<i32>} : memref<128xi32, #tpu.memory_space<vmem>>, vector<16xi32>,
      %swap3A_261 = vector.shape_cast %swap3A_260 : vector<16xi32> to vector<16xi32>
      %swap3A_262 = vector.shape_cast %add3A_258 : vector<16xi32> to vector<16xi32>
      tpu.vector_store %arg10[%swap3A_259], %swap3A_262 {strides = array<i32>} : memref<128xi32, #tpu.memory_space<vmem>>, vector<16xi32>,
      %get3A_263 = arith.constant 16 : index
      %get3A_264 = tpu.vector_load %arg10[%get3A_263] {strides = array<i32>} : memref<128xi32, #tpu.memory_space<vmem>>, vector<16xi32>,
      %get3A_265 = vector.shape_cast %get3A_264 : vector<16xi32> to vector<16xi32>
      %add3A_266 = vector.broadcast %mul3A_0 : i32 to vector<16xi32>
      %add3A_267 = arith.addi %get3A_265, %add3A_266 : vector<16xi32>
      %swap3A_268 = arith.constant 16 : index
      %swap3A_269 = tpu.vector_load %arg10[%swap3A_268] {strides = array<i32>} : memref<128xi32, #tpu.memory_space<vmem>>, vector<16xi32>,
      %swap3A_270 = vector.shape_cast %swap3A_269 : vector<16xi32> to vector<16xi32>
      %swap3A_271 = vector.shape_cast %add3A_267 : vector<16xi32> to vector<16xi32>
      tpu.vector_store %arg10[%swap3A_268], %swap3A_271 {strides = array<i32>} : memref<128xi32, #tpu.memory_space<vmem>>, vector<16xi32>,
      %get3A_272 = arith.constant 32 : index
      %get3A_273 = tpu.vector_load %arg10[%get3A_272] {strides = array<i32>} : memref<128xi32, #tpu.memory_space<vmem>>, vector<16xi32>,
      %get3A_274 = vector.shape_cast %get3A_273 : vector<16xi32> to vector<16xi32>
      %add3A_275 = vector.broadcast %mul3A_0 : i32 to vector<16xi32>
      %add3A_276 = arith.addi %get3A_274, %add3A_275 : vector<16xi32>
      %swap3A_277 = arith.constant 32 : index
      %swap3A_278 = tpu.vector_load %arg10[%swap3A_277] {strides = array<i32>} : memref<128xi32, #tpu.memory_space<vmem>>, vector<16xi32>,
      %swap3A_279 = vector.shape_cast %swap3A_278 : vector<16xi32> to vector<16xi32>
      %swap3A_280 = vector.shape_cast %add3A_276 : vector<16xi32> to vector<16xi32>
      tpu.vector_store %arg10[%swap3A_277], %swap3A_280 {strides = array<i32>} : memref<128xi32, #tpu.memory_space<vmem>>, vector<16xi32>,
      %get3A_281 = arith.constant 48 : index
      %get3A_282 = tpu.vector_load %arg10[%get3A_281] {strides = array<i32>} : memref<128xi32, #tpu.memory_space<vmem>>, vector<16xi32>,
      %get3A_283 = vector.shape_cast %get3A_282 : vector<16xi32> to vector<16xi32>
      %add3A_284 = vector.broadcast %mul3A_0 : i32 to vector<16xi32>
      %add3A_285 = arith.addi %get3A_283, %add3A_284 : vector<16xi32>
      %swap3A_286 = arith.constant 48 : index
      %swap3A_287 = tpu.vector_load %arg10[%swap3A_286] {strides = array<i32>} : memref<128xi32, #tpu.memory_space<vmem>>, vector<16xi32>,
      %swap3A_288 = vector.shape_cast %swap3A_287 : vector<16xi32> to vector<16xi32>
      %swap3A_289 = vector.shape_cast %add3A_285 : vector<16xi32> to vector<16xi32>
      tpu.vector_store %arg10[%swap3A_286], %swap3A_289 {strides = array<i32>} : memref<128xi32, #tpu.memory_space<vmem>>, vector<16xi32>,
      %get3A_290 = arith.constant 64 : index
      %get3A_291 = tpu.vector_load %arg10[%get3A_290] {strides = array<i32>} : memref<128xi32, #tpu.memory_space<vmem>>, vector<16xi32>,
      %get3A_292 = vector.shape_cast %get3A_291 : vector<16xi32> to vector<16xi32>
      %add3A_293 = vector.broadcast %mul3A_0 : i32 to vector<16xi32>
      %add3A_294 = arith.addi %get3A_292, %add3A_293 : vector<16xi32>
      %swap3A_295 = arith.constant 64 : index
      %swap3A_296 = tpu.vector_load %arg10[%swap3A_295] {strides = array<i32>} : memref<128xi32, #tpu.memory_space<vmem>>, vector<16xi32>,
      %swap3A_297 = vector.shape_cast %swap3A_296 : vector<16xi32> to vector<16xi32>
      %swap3A_298 = vector.shape_cast %add3A_294 : vector<16xi32> to vector<16xi32>
      tpu.vector_store %arg10[%swap3A_295], %swap3A_298 {strides = array<i32>} : memref<128xi32, #tpu.memory_space<vmem>>, vector<16xi32>,
      %get3A_299 = arith.constant 80 : index
      %get3A_300 = tpu.vector_load %arg10[%get3A_299] {strides = array<i32>} : memref<128xi32, #tpu.memory_space<vmem>>, vector<16xi32>,
      %get3A_301 = vector.shape_cast %get3A_300 : vector<16xi32> to vector<16xi32>
      %add3A_302 = vector.broadcast %mul3A_0 : i32 to vector<16xi32>
      %add3A_303 = arith.addi %get3A_301, %add3A_302 : vector<16xi32>
      %swap3A_304 = arith.constant 80 : index
      %swap3A_305 = tpu.vector_load %arg10[%swap3A_304] {strides = array<i32>} : memref<128xi32, #tpu.memory_space<vmem>>, vector<16xi32>,
      %swap3A_306 = vector.shape_cast %swap3A_305 : vector<16xi32> to vector<16xi32>
      %swap3A_307 = vector.shape_cast %add3A_303 : vector<16xi32> to vector<16xi32>
      tpu.vector_store %arg10[%swap3A_304], %swap3A_307 {strides = array<i32>} : memref<128xi32, #tpu.memory_space<vmem>>, vector<16xi32>,
      %get3A_308 = arith.constant 96 : index
      %get3A_309 = tpu.vector_load %arg10[%get3A_308] {strides = array<i32>} : memref<128xi32, #tpu.memory_space<vmem>>, vector<16xi32>,
      %get3A_310 = vector.shape_cast %get3A_309 : vector<16xi32> to vector<16xi32>
      %add3A_311 = vector.broadcast %mul3A_0 : i32 to vector<16xi32>
      %add3A_312 = arith.addi %get3A_310, %add3A_311 : vector<16xi32>
      %swap3A_313 = arith.constant 96 : index
      %swap3A_314 = tpu.vector_load %arg10[%swap3A_313] {strides = array<i32>} : memref<128xi32, #tpu.memory_space<vmem>>, vector<16xi32>,
      %swap3A_315 = vector.shape_cast %swap3A_314 : vector<16xi32> to vector<16xi32>
      %swap3A_316 = vector.shape_cast %add3A_312 : vector<16xi32> to vector<16xi32>
      tpu.vector_store %arg10[%swap3A_313], %swap3A_316 {strides = array<i32>} : memref<128xi32, #tpu.memory_space<vmem>>, vector<16xi32>,
      %get3A_317 = arith.constant 112 : index
      %get3A_318 = tpu.vector_load %arg10[%get3A_317] {strides = array<i32>} : memref<128xi32, #tpu.memory_space<vmem>>, vector<16xi32>,
      %get3A_319 = vector.shape_cast %get3A_318 : vector<16xi32> to vector<16xi32>
      %add3A_320 = vector.broadcast %mul3A_0 : i32 to vector<16xi32>
      %add3A_321 = arith.addi %get3A_319, %add3A_320 : vector<16xi32>
      %swap3A_322 = arith.constant 112 : index
      %swap3A_323 = tpu.vector_load %arg10[%swap3A_322] {strides = array<i32>} : memref<128xi32, #tpu.memory_space<vmem>>, vector<16xi32>,
      %swap3A_324 = vector.shape_cast %swap3A_323 : vector<16xi32> to vector<16xi32>
      %swap3A_325 = vector.shape_cast %add3A_321 : vector<16xi32> to vector<16xi32>
      tpu.vector_store %arg10[%swap3A_322], %swap3A_325 {strides = array<i32>} : memref<128xi32, #tpu.memory_space<vmem>>, vector<16xi32>,
      %dma_start3A_326 = arith.constant 0 : i32
      %dma_start3A_327 = arith.constant 0 : i32
      %dma_start3A_328 = tpu.memref_slice %arg2[%dma_start3A_326, %dma_start3A_327] : memref<20000x128xf32, #tpu.memory_space<hbm>> -> memref<20000x128xf32, #tpu.memory_space<hbm>>
      tpu.enqueue_indirect_dma source(%dma_start3A_328 : memref<20000x128xf32, #tpu.memory_space<hbm>>) target(%arg16 : memref<128x128xf32, #tpu.memory_space<vmem>>) offsets(%arg10 : memref<128xi32, #tpu.memory_space<vmem>>) semaphore(%arg25 : memref<!tpu.dma_semaphore, #tpu.memory_space<semaphore_mem>>) {add = true}
      %dma_wait3A_329 = arith.constant 0 : i32
      %dma_wait3A_330 = arith.constant 0 : i32
      %dma_wait3A_331 = tpu.memref_slice %arg2[%dma_wait3A_329, %dma_wait3A_330] : memref<20000x128xf32, #tpu.memory_space<hbm>> -> memref<20000x128xf32, #tpu.memory_space<hbm>>
      tpu.wait_indirect_dma semaphore(%arg24 : memref<!tpu.dma_semaphore, #tpu.memory_space<semaphore_mem>>) src(%dma_wait3A_331 : memref<20000x128xf32, #tpu.memory_space<hbm>>) dst(%arg15 : memref<128x128xf32, #tpu.memory_space<vmem>>)
      %scan3A_332 = arith.constant 0 : i32
      %scan3A_333 = arith.constant 0 : i32
      %scan3A_334 = arith.constant 128 : i32
      %scan3A_335 = arith.addi %scan3A_333, %scan3A_334 : i32
      %scan3A_336 = arith.constant 1 : i32
      scf.for %scan3A_417 = %scan3A_333 to %scan3A_335 step %scan3A_336  : i32 {
        %get3A_418 = arith.index_cast %scan3A_417 : i32 to index
        %get3A_419 = arith.constant 0 : index
        %get3A_420 = tpu.vector_load %arg15[%get3A_418, %get3A_419] {strides = array<i32>} : memref<128x128xf32, #tpu.memory_space<vmem>>, vector<1x16xf32>,
        %get3A_421 = vector.shape_cast %get3A_420 : vector<1x16xf32> to vector<16xf32>
        %max3A = arith.constant 0.000000e+00 : f32
        %max3A_422 = vector.broadcast %max3A : f32 to vector<16xf32>
        %max3A_423 = arith.maximumf %get3A_421, %max3A_422 : vector<16xf32>
        %swap3A_424 = arith.index_cast %scan3A_417 : i32 to index
        %swap3A_425 = arith.constant 0 : index
        %swap3A_426 = tpu.vector_load %arg15[%swap3A_424, %swap3A_425] {strides = array<i32>} : memref<128x128xf32, #tpu.memory_space<vmem>>, vector<1x16xf32>,
        %swap3A_427 = vector.shape_cast %swap3A_426 : vector<1x16xf32> to vector<16xf32>
        %swap3A_428 = vector.shape_cast %max3A_423 : vector<16xf32> to vector<1x16xf32>
        tpu.vector_store %arg15[%swap3A_424, %swap3A_425], %swap3A_428 {strides = array<i32>} : memref<128x128xf32, #tpu.memory_space<vmem>>, vector<1x16xf32>,
        %get3A_429 = arith.index_cast %scan3A_417 : i32 to index
        %get3A_430 = arith.constant 16 : index
        %get3A_431 = tpu.vector_load %arg15[%get3A_429, %get3A_430] {strides = array<i32>} : memref<128x128xf32, #tpu.memory_space<vmem>>, vector<1x16xf32>,
        %get3A_432 = vector.shape_cast %get3A_431 : vector<1x16xf32> to vector<16xf32>
        %max3A_433 = arith.constant 0.000000e+00 : f32
        %max3A_434 = vector.broadcast %max3A_433 : f32 to vector<16xf32>
        %max3A_435 = arith.maximumf %get3A_432, %max3A_434 : vector<16xf32>
        %swap3A_436 = arith.index_cast %scan3A_417 : i32 to index
        %swap3A_437 = arith.constant 16 : index
        %swap3A_438 = tpu.vector_load %arg15[%swap3A_436, %swap3A_437] {strides = array<i32>} : memref<128x128xf32, #tpu.memory_space<vmem>>, vector<1x16xf32>,
        %swap3A_439 = vector.shape_cast %swap3A_438 : vector<1x16xf32> to vector<16xf32>
        %swap3A_440 = vector.shape_cast %max3A_435 : vector<16xf32> to vector<1x16xf32>
        tpu.vector_store %arg15[%swap3A_436, %swap3A_437], %swap3A_440 {strides = array<i32>} : memref<128x128xf32, #tpu.memory_space<vmem>>, vector<1x16xf32>,
        %get3A_441 = arith.index_cast %scan3A_417 : i32 to index
        %get3A_442 = arith.constant 32 : index
        %get3A_443 = tpu.vector_load %arg15[%get3A_441, %get3A_442] {strides = array<i32>} : memref<128x128xf32, #tpu.memory_space<vmem>>, vector<1x16xf32>,
        %get3A_444 = vector.shape_cast %get3A_443 : vector<1x16xf32> to vector<16xf32>
        %max3A_445 = arith.constant 0.000000e+00 : f32
        %max3A_446 = vector.broadcast %max3A_445 : f32 to vector<16xf32>
        %max3A_447 = arith.maximumf %get3A_444, %max3A_446 : vector<16xf32>
        %swap3A_448 = arith.index_cast %scan3A_417 : i32 to index
        %swap3A_449 = arith.constant 32 : index
        %swap3A_450 = tpu.vector_load %arg15[%swap3A_448, %swap3A_449] {strides = array<i32>} : memref<128x128xf32, #tpu.memory_space<vmem>>, vector<1x16xf32>,
        %swap3A_451 = vector.shape_cast %swap3A_450 : vector<1x16xf32> to vector<16xf32>
        %swap3A_452 = vector.shape_cast %max3A_447 : vector<16xf32> to vector<1x16xf32>
        tpu.vector_store %arg15[%swap3A_448, %swap3A_449], %swap3A_452 {strides = array<i32>} : memref<128x128xf32, #tpu.memory_space<vmem>>, vector<1x16xf32>,
        %get3A_453 = arith.index_cast %scan3A_417 : i32 to index
        %get3A_454 = arith.constant 48 : index
        %get3A_455 = tpu.vector_load %arg15[%get3A_453, %get3A_454] {strides = array<i32>} : memref<128x128xf32, #tpu.memory_space<vmem>>, vector<1x16xf32>,
        %get3A_456 = vector.shape_cast %get3A_455 : vector<1x16xf32> to vector<16xf32>
        %max3A_457 = arith.constant 0.000000e+00 : f32
        %max3A_458 = vector.broadcast %max3A_457 : f32 to vector<16xf32>
        %max3A_459 = arith.maximumf %get3A_456, %max3A_458 : vector<16xf32>
        %swap3A_460 = arith.index_cast %scan3A_417 : i32 to index
        %swap3A_461 = arith.constant 48 : index
        %swap3A_462 = tpu.vector_load %arg15[%swap3A_460, %swap3A_461] {strides = array<i32>} : memref<128x128xf32, #tpu.memory_space<vmem>>, vector<1x16xf32>,
        %swap3A_463 = vector.shape_cast %swap3A_462 : vector<1x16xf32> to vector<16xf32>
        %swap3A_464 = vector.shape_cast %max3A_459 : vector<16xf32> to vector<1x16xf32>
        tpu.vector_store %arg15[%swap3A_460, %swap3A_461], %swap3A_464 {strides = array<i32>} : memref<128x128xf32, #tpu.memory_space<vmem>>, vector<1x16xf32>,
        %get3A_465 = arith.index_cast %scan3A_417 : i32 to index
        %get3A_466 = arith.constant 64 : index
        %get3A_467 = tpu.vector_load %arg15[%get3A_465, %get3A_466] {strides = array<i32>} : memref<128x128xf32, #tpu.memory_space<vmem>>, vector<1x16xf32>,
        %get3A_468 = vector.shape_cast %get3A_467 : vector<1x16xf32> to vector<16xf32>
        %max3A_469 = arith.constant 0.000000e+00 : f32
        %max3A_470 = vector.broadcast %max3A_469 : f32 to vector<16xf32>
        %max3A_471 = arith.maximumf %get3A_468, %max3A_470 : vector<16xf32>
        %swap3A_472 = arith.index_cast %scan3A_417 : i32 to index
        %swap3A_473 = arith.constant 64 : index
        %swap3A_474 = tpu.vector_load %arg15[%swap3A_472, %swap3A_473] {strides = array<i32>} : memref<128x128xf32, #tpu.memory_space<vmem>>, vector<1x16xf32>,
        %swap3A_475 = vector.shape_cast %swap3A_474 : vector<1x16xf32> to vector<16xf32>
        %swap3A_476 = vector.shape_cast %max3A_471 : vector<16xf32> to vector<1x16xf32>
        tpu.vector_store %arg15[%swap3A_472, %swap3A_473], %swap3A_476 {strides = array<i32>} : memref<128x128xf32, #tpu.memory_space<vmem>>, vector<1x16xf32>,
        %get3A_477 = arith.index_cast %scan3A_417 : i32 to index
        %get3A_478 = arith.constant 80 : index
        %get3A_479 = tpu.vector_load %arg15[%get3A_477, %get3A_478] {strides = array<i32>} : memref<128x128xf32, #tpu.memory_space<vmem>>, vector<1x16xf32>,
        %get3A_480 = vector.shape_cast %get3A_479 : vector<1x16xf32> to vector<16xf32>
        %max3A_481 = arith.constant 0.000000e+00 : f32
        %max3A_482 = vector.broadcast %max3A_481 : f32 to vector<16xf32>
        %max3A_483 = arith.maximumf %get3A_480, %max3A_482 : vector<16xf32>
        %swap3A_484 = arith.index_cast %scan3A_417 : i32 to index
        %swap3A_485 = arith.constant 80 : index
        %swap3A_486 = tpu.vector_load %arg15[%swap3A_484, %swap3A_485] {strides = array<i32>} : memref<128x128xf32, #tpu.memory_space<vmem>>, vector<1x16xf32>,
        %swap3A_487 = vector.shape_cast %swap3A_486 : vector<1x16xf32> to vector<16xf32>
        %swap3A_488 = vector.shape_cast %max3A_483 : vector<16xf32> to vector<1x16xf32>
        tpu.vector_store %arg15[%swap3A_484, %swap3A_485], %swap3A_488 {strides = array<i32>} : memref<128x128xf32, #tpu.memory_space<vmem>>, vector<1x16xf32>,
        %get3A_489 = arith.index_cast %scan3A_417 : i32 to index
        %get3A_490 = arith.constant 96 : index
        %get3A_491 = tpu.vector_load %arg15[%get3A_489, %get3A_490] {strides = array<i32>} : memref<128x128xf32, #tpu.memory_space<vmem>>, vector<1x16xf32>,
        %get3A_492 = vector.shape_cast %get3A_491 : vector<1x16xf32> to vector<16xf32>
        %max3A_493 = arith.constant 0.000000e+00 : f32
        %max3A_494 = vector.broadcast %max3A_493 : f32 to vector<16xf32>
        %max3A_495 = arith.maximumf %get3A_492, %max3A_494 : vector<16xf32>
        %swap3A_496 = arith.index_cast %scan3A_417 : i32 to index
        %swap3A_497 = arith.constant 96 : index
        %swap3A_498 = tpu.vector_load %arg15[%swap3A_496, %swap3A_497] {strides = array<i32>} : memref<128x128xf32, #tpu.memory_space<vmem>>, vector<1x16xf32>,
        %swap3A_499 = vector.shape_cast %swap3A_498 : vector<1x16xf32> to vector<16xf32>
        %swap3A_500 = vector.shape_cast %max3A_495 : vector<16xf32> to vector<1x16xf32>
        tpu.vector_store %arg15[%swap3A_496, %swap3A_497], %swap3A_500 {strides = array<i32>} : memref<128x128xf32, #tpu.memory_space<vmem>>, vector<1x16xf32>,
        %get3A_501 = arith.index_cast %scan3A_417 : i32 to index
        %get3A_502 = arith.constant 112 : index
        %get3A_503 = tpu.vector_load %arg15[%get3A_501, %get3A_502] {strides = array<i32>} : memref<128x128xf32, #tpu.memory_space<vmem>>, vector<1x16xf32>,
        %get3A_504 = vector.shape_cast %get3A_503 : vector<1x16xf32> to vector<16xf32>
        %max3A_505 = arith.constant 0.000000e+00 : f32
        %max3A_506 = vector.broadcast %max3A_505 : f32 to vector<16xf32>
        %max3A_507 = arith.maximumf %get3A_504, %max3A_506 : vector<16xf32>
        %swap3A_508 = arith.index_cast %scan3A_417 : i32 to index
        %swap3A_509 = arith.constant 112 : index
        %swap3A_510 = tpu.vector_load %arg15[%swap3A_508, %swap3A_509] {strides = array<i32>} : memref<128x128xf32, #tpu.memory_space<vmem>>, vector<1x16xf32>,
        %swap3A_511 = vector.shape_cast %swap3A_510 : vector<1x16xf32> to vector<16xf32>
        %swap3A_512 = vector.shape_cast %max3A_507 : vector<16xf32> to vector<1x16xf32>
        tpu.vector_store %arg15[%swap3A_508, %swap3A_509], %swap3A_512 {strides = array<i32>} : memref<128x128xf32, #tpu.memory_space<vmem>>, vector<1x16xf32>,
      }
      %scan3A_337 = arith.constant 128 : i32
      %dma_wait3A_338 = arith.constant 0 : i32
      %dma_wait3A_339 = arith.constant 0 : i32
      %dma_wait3A_340 = tpu.memref_slice %arg5[%dma_wait3A_338, %dma_wait3A_339] : memref<2496x128xi32, #tpu.memory_space<hbm>> -> memref<1x128xi32, #tpu.memory_space<hbm>>
      %dma_wait3A_341 = tpu.memref_squeeze %dma_wait3A_340 : memref<1x128xi32, #tpu.memory_space<hbm>> -> memref<128xi32, #tpu.memory_space<hbm>>
      %dma_wait3A_342 = arith.constant 0 : i32
      %dma_wait3A_343 = tpu.memref_slice %arg5[%dma_wait3A_338, %dma_wait3A_342] : memref<2496x128xi32, #tpu.memory_space<hbm>> -> memref<1x128xi32, #tpu.memory_space<hbm>>
      %dma_wait3A_344 = tpu.memref_squeeze %dma_wait3A_343 : memref<1x128xi32, #tpu.memory_space<hbm>> -> memref<128xi32, #tpu.memory_space<hbm>>
      tpu.wait_dma2 semaphore(%arg22 : memref<!tpu.dma_semaphore, #tpu.memory_space<semaphore_mem>>) src(%dma_wait3A_344 : memref<128xi32, #tpu.memory_space<hbm>>) dst(%arg11 : memref<128xi32, #tpu.memory_space<vmem>>)
      "tpu.region"() ({
        %run_scoped3A = tpu.sem_alloc : memref<!tpu.dma_semaphore, #tpu.memory_space<semaphore_mem>>
        %dma_start3A_417 = arith.constant 0 : i32
        %dma_start3A_418 = arith.constant 0 : i32
        %dma_start3A_419 = tpu.memref_slice %arg17[%dma_start3A_417, %dma_start3A_418] : memref<10000x128xf32, #tpu.memory_space<vmem_shared>> -> memref<10000x128xf32, #tpu.memory_space<vmem_shared>>
        tpu.enqueue_indirect_dma source(%arg15 : memref<128x128xf32, #tpu.memory_space<vmem>>) target(%dma_start3A_419 : memref<10000x128xf32, #tpu.memory_space<vmem_shared>>) offsets(%arg11 : memref<128xi32, #tpu.memory_space<vmem>>) semaphore(%run_scoped3A : memref<!tpu.dma_semaphore, #tpu.memory_space<semaphore_mem>>) {add = true}
        %dma_wait3A_420 = arith.constant 0 : i32
        %dma_wait3A_421 = arith.constant 0 : i32
        %dma_wait3A_422 = tpu.memref_slice %arg17[%dma_wait3A_420, %dma_wait3A_421] : memref<10000x128xf32, #tpu.memory_space<vmem_shared>> -> memref<10000x128xf32, #tpu.memory_space<vmem_shared>>
        tpu.wait_indirect_dma semaphore(%run_scoped3A : memref<!tpu.dma_semaphore, #tpu.memory_space<semaphore_mem>>) src(%arg15 : memref<128x128xf32, #tpu.memory_space<vmem>>) dst(%dma_wait3A_422 : memref<10000x128xf32, #tpu.memory_space<vmem_shared>>)
        tpu.yield
      }) : () -> ()
      %add3A_345 = arith.constant 2 : i32
      %add3A_346 = arith.addi %mul3A_240, %add3A_345 : i32
      %mul3A_347 = arith.constant 156 : i32
      %mul3A_348 = arith.muli %arg1, %mul3A_347 : i32
      %add3A_349 = arith.addi %mul3A_348, %add3A_346 : i32
      %min3A_350 = arith.constant 2495 : i32
      %min3A_351 = arith.minsi %add3A_349, %min3A_350 : i32
      %mul3A_352 = arith.constant 128 : i32
      %mul3A_353 = arith.muli %add3A_346, %mul3A_352 : i32
      %add3A_354 = arith.addi %add3A_40, %mul3A_353 : i32
      %dma_start3A_355 = arith.constant 0 : i32
      %dma_start3A_356 = tpu.memref_slice %arg3[%add3A_354, %dma_start3A_355] : memref<640000x128xf32, #tpu.memory_space<hbm>> -> memref<128x128xf32, #tpu.memory_space<hbm>>
      %dma_start3A_357 = arith.constant 0 : i32
      %dma_start3A_358 = tpu.memref_slice %arg3[%add3A_354, %dma_start3A_357] : memref<640000x128xf32, #tpu.memory_space<hbm>> -> memref<128x128xf32, #tpu.memory_space<hbm>>
      tpu.enqueue_dma source(%dma_start3A_358 : memref<128x128xf32, #tpu.memory_space<hbm>>) target(%arg15 : memref<128x128xf32, #tpu.memory_space<vmem>>) target_semaphore(%arg18 : memref<!tpu.dma_semaphore, #tpu.memory_space<semaphore_mem>>)
      %dma_start3A_359 = arith.constant 0 : i32
      %dma_start3A_360 = tpu.memref_slice %arg4[%min3A_351, %dma_start3A_359] : memref<2496x128xi32, #tpu.memory_space<hbm>> -> memref<1x128xi32, #tpu.memory_space<hbm>>
      %dma_start3A_361 = tpu.memref_squeeze %dma_start3A_360 : memref<1x128xi32, #tpu.memory_space<hbm>> -> memref<128xi32, #tpu.memory_space<hbm>>
      %dma_start3A_362 = arith.constant 0 : i32
      %dma_start3A_363 = tpu.memref_slice %arg4[%min3A_351, %dma_start3A_362] : memref<2496x128xi32, #tpu.memory_space<hbm>> -> memref<1x128xi32, #tpu.memory_space<hbm>>
      %dma_start3A_364 = tpu.memref_squeeze %dma_start3A_363 : memref<1x128xi32, #tpu.memory_space<hbm>> -> memref<128xi32, #tpu.memory_space<hbm>>
      tpu.enqueue_dma source(%dma_start3A_364 : memref<128xi32, #tpu.memory_space<hbm>>) target(%arg9 : memref<128xi32, #tpu.memory_space<vmem>>) target_semaphore(%arg20 : memref<!tpu.dma_semaphore, #tpu.memory_space<semaphore_mem>>)
      %dma_start3A_365 = arith.constant 0 : i32
      %dma_start3A_366 = tpu.memref_slice %arg5[%min3A_351, %dma_start3A_365] : memref<2496x128xi32, #tpu.memory_space<hbm>> -> memref<1x128xi32, #tpu.memory_space<hbm>>
      %dma_start3A_367 = tpu.memref_squeeze %dma_start3A_366 : memref<1x128xi32, #tpu.memory_space<hbm>> -> memref<128xi32, #tpu.memory_space<hbm>>
      %dma_start3A_368 = arith.constant 0 : i32
      %dma_start3A_369 = tpu.memref_slice %arg5[%min3A_351, %dma_start3A_368] : memref<2496x128xi32, #tpu.memory_space<hbm>> -> memref<1x128xi32, #tpu.memory_space<hbm>>
      %dma_start3A_370 = tpu.memref_squeeze %dma_start3A_369 : memref<1x128xi32, #tpu.memory_space<hbm>> -> memref<128xi32, #tpu.memory_space<hbm>>
      tpu.enqueue_dma source(%dma_start3A_370 : memref<128xi32, #tpu.memory_space<hbm>>) target(%arg11 : memref<128xi32, #tpu.memory_space<vmem>>) target_semaphore(%arg22 : memref<!tpu.dma_semaphore, #tpu.memory_space<semaphore_mem>>)
      %dma_wait3A_371 = arith.constant 0 : i32
      %dma_wait3A_372 = arith.constant 0 : i32
      %dma_wait3A_373 = tpu.memref_slice %arg2[%dma_wait3A_371, %dma_wait3A_372] : memref<20000x128xf32, #tpu.memory_space<hbm>> -> memref<20000x128xf32, #tpu.memory_space<hbm>>
      tpu.wait_indirect_dma semaphore(%arg25 : memref<!tpu.dma_semaphore, #tpu.memory_space<semaphore_mem>>) src(%dma_wait3A_373 : memref<20000x128xf32, #tpu.memory_space<hbm>>) dst(%arg16 : memref<128x128xf32, #tpu.memory_space<vmem>>)
      %scan3A_374 = arith.constant 0 : i32
      %scan3A_375 = arith.constant 0 : i32
      %scan3A_376 = arith.constant 128 : i32
      %scan3A_377 = arith.addi %scan3A_375, %scan3A_376 : i32
      %scan3A_378 = arith.constant 1 : i32
      scf.for %scan3A_417 = %scan3A_375 to %scan3A_377 step %scan3A_378  : i32 {
        %get3A_418 = arith.index_cast %scan3A_417 : i32 to index
        %get3A_419 = arith.constant 0 : index
        %get3A_420 = tpu.vector_load %arg16[%get3A_418, %get3A_419] {strides = array<i32>} : memref<128x128xf32, #tpu.memory_space<vmem>>, vector<1x16xf32>,
        %get3A_421 = vector.shape_cast %get3A_420 : vector<1x16xf32> to vector<16xf32>
        %max3A = arith.constant 0.000000e+00 : f32
        %max3A_422 = vector.broadcast %max3A : f32 to vector<16xf32>
        %max3A_423 = arith.maximumf %get3A_421, %max3A_422 : vector<16xf32>
        %swap3A_424 = arith.index_cast %scan3A_417 : i32 to index
        %swap3A_425 = arith.constant 0 : index
        %swap3A_426 = tpu.vector_load %arg16[%swap3A_424, %swap3A_425] {strides = array<i32>} : memref<128x128xf32, #tpu.memory_space<vmem>>, vector<1x16xf32>,
        %swap3A_427 = vector.shape_cast %swap3A_426 : vector<1x16xf32> to vector<16xf32>
        %swap3A_428 = vector.shape_cast %max3A_423 : vector<16xf32> to vector<1x16xf32>
        tpu.vector_store %arg16[%swap3A_424, %swap3A_425], %swap3A_428 {strides = array<i32>} : memref<128x128xf32, #tpu.memory_space<vmem>>, vector<1x16xf32>,
        %get3A_429 = arith.index_cast %scan3A_417 : i32 to index
        %get3A_430 = arith.constant 16 : index
        %get3A_431 = tpu.vector_load %arg16[%get3A_429, %get3A_430] {strides = array<i32>} : memref<128x128xf32, #tpu.memory_space<vmem>>, vector<1x16xf32>,
        %get3A_432 = vector.shape_cast %get3A_431 : vector<1x16xf32> to vector<16xf32>
        %max3A_433 = arith.constant 0.000000e+00 : f32
        %max3A_434 = vector.broadcast %max3A_433 : f32 to vector<16xf32>
        %max3A_435 = arith.maximumf %get3A_432, %max3A_434 : vector<16xf32>
        %swap3A_436 = arith.index_cast %scan3A_417 : i32 to index
        %swap3A_437 = arith.constant 16 : index
        %swap3A_438 = tpu.vector_load %arg16[%swap3A_436, %swap3A_437] {strides = array<i32>} : memref<128x128xf32, #tpu.memory_space<vmem>>, vector<1x16xf32>,
        %swap3A_439 = vector.shape_cast %swap3A_438 : vector<1x16xf32> to vector<16xf32>
        %swap3A_440 = vector.shape_cast %max3A_435 : vector<16xf32> to vector<1x16xf32>
        tpu.vector_store %arg16[%swap3A_436, %swap3A_437], %swap3A_440 {strides = array<i32>} : memref<128x128xf32, #tpu.memory_space<vmem>>, vector<1x16xf32>,
        %get3A_441 = arith.index_cast %scan3A_417 : i32 to index
        %get3A_442 = arith.constant 32 : index
        %get3A_443 = tpu.vector_load %arg16[%get3A_441, %get3A_442] {strides = array<i32>} : memref<128x128xf32, #tpu.memory_space<vmem>>, vector<1x16xf32>,
        %get3A_444 = vector.shape_cast %get3A_443 : vector<1x16xf32> to vector<16xf32>
        %max3A_445 = arith.constant 0.000000e+00 : f32
        %max3A_446 = vector.broadcast %max3A_445 : f32 to vector<16xf32>
        %max3A_447 = arith.maximumf %get3A_444, %max3A_446 : vector<16xf32>
        %swap3A_448 = arith.index_cast %scan3A_417 : i32 to index
        %swap3A_449 = arith.constant 32 : index
        %swap3A_450 = tpu.vector_load %arg16[%swap3A_448, %swap3A_449] {strides = array<i32>} : memref<128x128xf32, #tpu.memory_space<vmem>>, vector<1x16xf32>,
        %swap3A_451 = vector.shape_cast %swap3A_450 : vector<1x16xf32> to vector<16xf32>
        %swap3A_452 = vector.shape_cast %max3A_447 : vector<16xf32> to vector<1x16xf32>
        tpu.vector_store %arg16[%swap3A_448, %swap3A_449], %swap3A_452 {strides = array<i32>} : memref<128x128xf32, #tpu.memory_space<vmem>>, vector<1x16xf32>,
        %get3A_453 = arith.index_cast %scan3A_417 : i32 to index
        %get3A_454 = arith.constant 48 : index
        %get3A_455 = tpu.vector_load %arg16[%get3A_453, %get3A_454] {strides = array<i32>} : memref<128x128xf32, #tpu.memory_space<vmem>>, vector<1x16xf32>,
        %get3A_456 = vector.shape_cast %get3A_455 : vector<1x16xf32> to vector<16xf32>
        %max3A_457 = arith.constant 0.000000e+00 : f32
        %max3A_458 = vector.broadcast %max3A_457 : f32 to vector<16xf32>
        %max3A_459 = arith.maximumf %get3A_456, %max3A_458 : vector<16xf32>
        %swap3A_460 = arith.index_cast %scan3A_417 : i32 to index
        %swap3A_461 = arith.constant 48 : index
        %swap3A_462 = tpu.vector_load %arg16[%swap3A_460, %swap3A_461] {strides = array<i32>} : memref<128x128xf32, #tpu.memory_space<vmem>>, vector<1x16xf32>,
        %swap3A_463 = vector.shape_cast %swap3A_462 : vector<1x16xf32> to vector<16xf32>
        %swap3A_464 = vector.shape_cast %max3A_459 : vector<16xf32> to vector<1x16xf32>
        tpu.vector_store %arg16[%swap3A_460, %swap3A_461], %swap3A_464 {strides = array<i32>} : memref<128x128xf32, #tpu.memory_space<vmem>>, vector<1x16xf32>,
        %get3A_465 = arith.index_cast %scan3A_417 : i32 to index
        %get3A_466 = arith.constant 64 : index
        %get3A_467 = tpu.vector_load %arg16[%get3A_465, %get3A_466] {strides = array<i32>} : memref<128x128xf32, #tpu.memory_space<vmem>>, vector<1x16xf32>,
        %get3A_468 = vector.shape_cast %get3A_467 : vector<1x16xf32> to vector<16xf32>
        %max3A_469 = arith.constant 0.000000e+00 : f32
        %max3A_470 = vector.broadcast %max3A_469 : f32 to vector<16xf32>
        %max3A_471 = arith.maximumf %get3A_468, %max3A_470 : vector<16xf32>
        %swap3A_472 = arith.index_cast %scan3A_417 : i32 to index
        %swap3A_473 = arith.constant 64 : index
        %swap3A_474 = tpu.vector_load %arg16[%swap3A_472, %swap3A_473] {strides = array<i32>} : memref<128x128xf32, #tpu.memory_space<vmem>>, vector<1x16xf32>,
        %swap3A_475 = vector.shape_cast %swap3A_474 : vector<1x16xf32> to vector<16xf32>
        %swap3A_476 = vector.shape_cast %max3A_471 : vector<16xf32> to vector<1x16xf32>
        tpu.vector_store %arg16[%swap3A_472, %swap3A_473], %swap3A_476 {strides = array<i32>} : memref<128x128xf32, #tpu.memory_space<vmem>>, vector<1x16xf32>,
        %get3A_477 = arith.index_cast %scan3A_417 : i32 to index
        %get3A_478 = arith.constant 80 : index
        %get3A_479 = tpu.vector_load %arg16[%get3A_477, %get3A_478] {strides = array<i32>} : memref<128x128xf32, #tpu.memory_space<vmem>>, vector<1x16xf32>,
        %get3A_480 = vector.shape_cast %get3A_479 : vector<1x16xf32> to vector<16xf32>
        %max3A_481 = arith.constant 0.000000e+00 : f32
        %max3A_482 = vector.broadcast %max3A_481 : f32 to vector<16xf32>
        %max3A_483 = arith.maximumf %get3A_480, %max3A_482 : vector<16xf32>
        %swap3A_484 = arith.index_cast %scan3A_417 : i32 to index
        %swap3A_485 = arith.constant 80 : index
        %swap3A_486 = tpu.vector_load %arg16[%swap3A_484, %swap3A_485] {strides = array<i32>} : memref<128x128xf32, #tpu.memory_space<vmem>>, vector<1x16xf32>,
        %swap3A_487 = vector.shape_cast %swap3A_486 : vector<1x16xf32> to vector<16xf32>
        %swap3A_488 = vector.shape_cast %max3A_483 : vector<16xf32> to vector<1x16xf32>
        tpu.vector_store %arg16[%swap3A_484, %swap3A_485], %swap3A_488 {strides = array<i32>} : memref<128x128xf32, #tpu.memory_space<vmem>>, vector<1x16xf32>,
        %get3A_489 = arith.index_cast %scan3A_417 : i32 to index
        %get3A_490 = arith.constant 96 : index
        %get3A_491 = tpu.vector_load %arg16[%get3A_489, %get3A_490] {strides = array<i32>} : memref<128x128xf32, #tpu.memory_space<vmem>>, vector<1x16xf32>,
        %get3A_492 = vector.shape_cast %get3A_491 : vector<1x16xf32> to vector<16xf32>
        %max3A_493 = arith.constant 0.000000e+00 : f32
        %max3A_494 = vector.broadcast %max3A_493 : f32 to vector<16xf32>
        %max3A_495 = arith.maximumf %get3A_492, %max3A_494 : vector<16xf32>
        %swap3A_496 = arith.index_cast %scan3A_417 : i32 to index
        %swap3A_497 = arith.constant 96 : index
        %swap3A_498 = tpu.vector_load %arg16[%swap3A_496, %swap3A_497] {strides = array<i32>} : memref<128x128xf32, #tpu.memory_space<vmem>>, vector<1x16xf32>,
        %swap3A_499 = vector.shape_cast %swap3A_498 : vector<1x16xf32> to vector<16xf32>
        %swap3A_500 = vector.shape_cast %max3A_495 : vector<16xf32> to vector<1x16xf32>
        tpu.vector_store %arg16[%swap3A_496, %swap3A_497], %swap3A_500 {strides = array<i32>} : memref<128x128xf32, #tpu.memory_space<vmem>>, vector<1x16xf32>,
        %get3A_501 = arith.index_cast %scan3A_417 : i32 to index
        %get3A_502 = arith.constant 112 : index
        %get3A_503 = tpu.vector_load %arg16[%get3A_501, %get3A_502] {strides = array<i32>} : memref<128x128xf32, #tpu.memory_space<vmem>>, vector<1x16xf32>,
        %get3A_504 = vector.shape_cast %get3A_503 : vector<1x16xf32> to vector<16xf32>
        %max3A_505 = arith.constant 0.000000e+00 : f32
        %max3A_506 = vector.broadcast %max3A_505 : f32 to vector<16xf32>
        %max3A_507 = arith.maximumf %get3A_504, %max3A_506 : vector<16xf32>
        %swap3A_508 = arith.index_cast %scan3A_417 : i32 to index
        %swap3A_509 = arith.constant 112 : index
        %swap3A_510 = tpu.vector_load %arg16[%swap3A_508, %swap3A_509] {strides = array<i32>} : memref<128x128xf32, #tpu.memory_space<vmem>>, vector<1x16xf32>,
        %swap3A_511 = vector.shape_cast %swap3A_510 : vector<1x16xf32> to vector<16xf32>
        %swap3A_512 = vector.shape_cast %max3A_507 : vector<16xf32> to vector<1x16xf32>
        tpu.vector_store %arg16[%swap3A_508, %swap3A_509], %swap3A_512 {strides = array<i32>} : memref<128x128xf32, #tpu.memory_space<vmem>>, vector<1x16xf32>,
      }
      %scan3A_379 = arith.constant 128 : i32
      %dma_wait3A_380 = arith.constant 0 : i32
      %dma_wait3A_381 = arith.constant 0 : i32
      %dma_wait3A_382 = tpu.memref_slice %arg5[%dma_wait3A_380, %dma_wait3A_381] : memref<2496x128xi32, #tpu.memory_space<hbm>> -> memref<1x128xi32, #tpu.memory_space<hbm>>
      %dma_wait3A_383 = tpu.memref_squeeze %dma_wait3A_382 : memref<1x128xi32, #tpu.memory_space<hbm>> -> memref<128xi32, #tpu.memory_space<hbm>>
      %dma_wait3A_384 = arith.constant 0 : i32
      %dma_wait3A_385 = tpu.memref_slice %arg5[%dma_wait3A_380, %dma_wait3A_384] : memref<2496x128xi32, #tpu.memory_space<hbm>> -> memref<1x128xi32, #tpu.memory_space<hbm>>
      %dma_wait3A_386 = tpu.memref_squeeze %dma_wait3A_385 : memref<1x128xi32, #tpu.memory_space<hbm>> -> memref<128xi32, #tpu.memory_space<hbm>>
      tpu.wait_dma2 semaphore(%arg23 : memref<!tpu.dma_semaphore, #tpu.memory_space<semaphore_mem>>) src(%dma_wait3A_386 : memref<128xi32, #tpu.memory_space<hbm>>) dst(%arg12 : memref<128xi32, #tpu.memory_space<vmem>>)
      "tpu.region"() ({
        %run_scoped3A = tpu.sem_alloc : memref<!tpu.dma_semaphore, #tpu.memory_space<semaphore_mem>>
        %dma_start3A_417 = arith.constant 0 : i32
        %dma_start3A_418 = arith.constant 0 : i32
        %dma_start3A_419 = tpu.memref_slice %arg17[%dma_start3A_417, %dma_start3A_418] : memref<10000x128xf32, #tpu.memory_space<vmem_shared>> -> memref<10000x128xf32, #tpu.memory_space<vmem_shared>>
        tpu.enqueue_indirect_dma source(%arg16 : memref<128x128xf32, #tpu.memory_space<vmem>>) target(%dma_start3A_419 : memref<10000x128xf32, #tpu.memory_space<vmem_shared>>) offsets(%arg12 : memref<128xi32, #tpu.memory_space<vmem>>) semaphore(%run_scoped3A : memref<!tpu.dma_semaphore, #tpu.memory_space<semaphore_mem>>) {add = true}
        %dma_wait3A_420 = arith.constant 0 : i32
        %dma_wait3A_421 = arith.constant 0 : i32
        %dma_wait3A_422 = tpu.memref_slice %arg17[%dma_wait3A_420, %dma_wait3A_421] : memref<10000x128xf32, #tpu.memory_space<vmem_shared>> -> memref<10000x128xf32, #tpu.memory_space<vmem_shared>>
        tpu.wait_indirect_dma semaphore(%run_scoped3A : memref<!tpu.dma_semaphore, #tpu.memory_space<semaphore_mem>>) src(%arg16 : memref<128x128xf32, #tpu.memory_space<vmem>>) dst(%dma_wait3A_422 : memref<10000x128xf32, #tpu.memory_space<vmem_shared>>)
        tpu.yield
      }) : () -> ()
      %add3A_387 = arith.constant 3 : i32
      %add3A_388 = arith.addi %mul3A_240, %add3A_387 : i32
      %mul3A_389 = arith.constant 156 : i32
      %mul3A_390 = arith.muli %arg1, %mul3A_389 : i32
      %add3A_391 = arith.addi %mul3A_390, %add3A_388 : i32
      %min3A_392 = arith.constant 2495 : i32
      %min3A_393 = arith.minsi %add3A_391, %min3A_392 : i32
      %mul3A_394 = arith.constant 128 : i32
      %mul3A_395 = arith.muli %add3A_388, %mul3A_394 : i32
      %add3A_396 = arith.addi %add3A_40, %mul3A_395 : i32
      %dma_start3A_397 = arith.constant 0 : i32
      %dma_start3A_398 = tpu.memref_slice %arg3[%add3A_396, %dma_start3A_397] : memref<640000x128xf32, #tpu.memory_space<hbm>> -> memref<128x128xf32, #tpu.memory_space<hbm>>
      %dma_start3A_399 = arith.constant 0 : i32
      %dma_start3A_400 = tpu.memref_slice %arg3[%add3A_396, %dma_start3A_399] : memref<640000x128xf32, #tpu.memory_space<hbm>> -> memref<128x128xf32, #tpu.memory_space<hbm>>
      tpu.enqueue_dma source(%dma_start3A_400 : memref<128x128xf32, #tpu.memory_space<hbm>>) target(%arg16 : memref<128x128xf32, #tpu.memory_space<vmem>>) target_semaphore(%arg19 : memref<!tpu.dma_semaphore, #tpu.memory_space<semaphore_mem>>)
      %dma_start3A_401 = arith.constant 0 : i32
      %dma_start3A_402 = tpu.memref_slice %arg4[%min3A_393, %dma_start3A_401] : memref<2496x128xi32, #tpu.memory_space<hbm>> -> memref<1x128xi32, #tpu.memory_space<hbm>>
      %dma_start3A_403 = tpu.memref_squeeze %dma_start3A_402 : memref<1x128xi32, #tpu.memory_space<hbm>> -> memref<128xi32, #tpu.memory_space<hbm>>
      %dma_start3A_404 = arith.constant 0 : i32
      %dma_start3A_405 = tpu.memref_slice %arg4[%min3A_393, %dma_start3A_404] : memref<2496x128xi32, #tpu.memory_space<hbm>> -> memref<1x128xi32, #tpu.memory_space<hbm>>
      %dma_start3A_406 = tpu.memref_squeeze %dma_start3A_405 : memref<1x128xi32, #tpu.memory_space<hbm>> -> memref<128xi32, #tpu.memory_space<hbm>>
      tpu.enqueue_dma source(%dma_start3A_406 : memref<128xi32, #tpu.memory_space<hbm>>) target(%arg10 : memref<128xi32, #tpu.memory_space<vmem>>) target_semaphore(%arg21 : memref<!tpu.dma_semaphore, #tpu.memory_space<semaphore_mem>>)
      %dma_start3A_407 = arith.constant 0 : i32
      %dma_start3A_408 = tpu.memref_slice %arg5[%min3A_393, %dma_start3A_407] : memref<2496x128xi32, #tpu.memory_space<hbm>> -> memref<1x128xi32, #tpu.memory_space<hbm>>
      %dma_start3A_409 = tpu.memref_squeeze %dma_start3A_408 : memref<1x128xi32, #tpu.memory_space<hbm>> -> memref<128xi32, #tpu.memory_space<hbm>>
      %dma_start3A_410 = arith.constant 0 : i32
      %dma_start3A_411 = tpu.memref_slice %arg5[%min3A_393, %dma_start3A_410] : memref<2496x128xi32, #tpu.memory_space<hbm>> -> memref<1x128xi32, #tpu.memory_space<hbm>>
      %dma_start3A_412 = tpu.memref_squeeze %dma_start3A_411 : memref<1x128xi32, #tpu.memory_space<hbm>> -> memref<128xi32, #tpu.memory_space<hbm>>
      tpu.enqueue_dma source(%dma_start3A_412 : memref<128xi32, #tpu.memory_space<hbm>>) target(%arg12 : memref<128xi32, #tpu.memory_space<vmem>>) target_semaphore(%arg23 : memref<!tpu.dma_semaphore, #tpu.memory_space<semaphore_mem>>)
      %lt3A = arith.constant 77 : i32
      %lt3A_413 = arith.cmpi slt, %scan3A_238, %lt3A : i32
      %convert_element_type3A_414 = arith.extui %lt3A_413 : i1 to i32
      %cond3A_415 = arith.constant 0 : i32
      %cond3A_416 = arith.cmpi ne, %convert_element_type3A_414, %cond3A_415 : i32
      scf.if %cond3A_416 {
        %dma_wait3A_417 = arith.constant 0 : i32
        %dma_wait3A_418 = arith.constant 0 : i32
        %dma_wait3A_419 = tpu.memref_slice %arg3[%dma_wait3A_417, %dma_wait3A_418] : memref<640000x128xf32, #tpu.memory_space<hbm>> -> memref<128x128xf32, #tpu.memory_space<hbm>>
        %dma_wait3A_420 = arith.constant 0 : i32
        %dma_wait3A_421 = arith.constant 0 : i32
        %dma_wait3A_422 = tpu.memref_slice %arg3[%dma_wait3A_420, %dma_wait3A_421] : memref<640000x128xf32, #tpu.memory_space<hbm>> -> memref<128x128xf32, #tpu.memory_space<hbm>>
        tpu.wait_dma2 semaphore(%arg18 : memref<!tpu.dma_semaphore, #tpu.memory_space<semaphore_mem>>) src(%dma_wait3A_422 : memref<128x128xf32, #tpu.memory_space<hbm>>) dst(%arg15 : memref<128x128xf32, #tpu.memory_space<vmem>>)
        %dma_wait3A_423 = arith.constant 0 : i32
        %dma_wait3A_424 = arith.constant 0 : i32
        %dma_wait3A_425 = tpu.memref_slice %arg4[%dma_wait3A_423, %dma_wait3A_424] : memref<2496x128xi32, #tpu.memory_space<hbm>> -> memref<1x128xi32, #tpu.memory_space<hbm>>
        %dma_wait3A_426 = tpu.memref_squeeze %dma_wait3A_425 : memref<1x128xi32, #tpu.memory_space<hbm>> -> memref<128xi32, #tpu.memory_space<hbm>>
        %dma_wait3A_427 = arith.constant 0 : i32
        %dma_wait3A_428 = tpu.memref_slice %arg4[%dma_wait3A_423, %dma_wait3A_427] : memref<2496x128xi32, #tpu.memory_space<hbm>> -> memref<1x128xi32, #tpu.memory_space<hbm>>
        %dma_wait3A_429 = tpu.memref_squeeze %dma_wait3A_428 : memref<1x128xi32, #tpu.memory_space<hbm>> -> memref<128xi32, #tpu.memory_space<hbm>>
        tpu.wait_dma2 semaphore(%arg20 : memref<!tpu.dma_semaphore, #tpu.memory_space<semaphore_mem>>) src(%dma_wait3A_429 : memref<128xi32, #tpu.memory_space<hbm>>) dst(%arg9 : memref<128xi32, #tpu.memory_space<vmem>>)
        %get3A_430 = arith.constant 0 : index
        %get3A_431 = tpu.vector_load %arg9[%get3A_430] {strides = array<i32>} : memref<128xi32, #tpu.memory_space<vmem>>, vector<16xi32>,
        %get3A_432 = vector.shape_cast %get3A_431 : vector<16xi32> to vector<16xi32>
        %add3A_433 = vector.broadcast %mul3A_0 : i32 to vector<16xi32>
        %add3A_434 = arith.addi %get3A_432, %add3A_433 : vector<16xi32>
        %swap3A_435 = arith.constant 0 : index
        %swap3A_436 = tpu.vector_load %arg9[%swap3A_435] {strides = array<i32>} : memref<128xi32, #tpu.memory_space<vmem>>, vector<16xi32>,
        %swap3A_437 = vector.shape_cast %swap3A_436 : vector<16xi32> to vector<16xi32>
        %swap3A_438 = vector.shape_cast %add3A_434 : vector<16xi32> to vector<16xi32>
        tpu.vector_store %arg9[%swap3A_435], %swap3A_438 {strides = array<i32>} : memref<128xi32, #tpu.memory_space<vmem>>, vector<16xi32>,
        %get3A_439 = arith.constant 16 : index
        %get3A_440 = tpu.vector_load %arg9[%get3A_439] {strides = array<i32>} : memref<128xi32, #tpu.memory_space<vmem>>, vector<16xi32>,
        %get3A_441 = vector.shape_cast %get3A_440 : vector<16xi32> to vector<16xi32>
        %add3A_442 = vector.broadcast %mul3A_0 : i32 to vector<16xi32>
        %add3A_443 = arith.addi %get3A_441, %add3A_442 : vector<16xi32>
        %swap3A_444 = arith.constant 16 : index
        %swap3A_445 = tpu.vector_load %arg9[%swap3A_444] {strides = array<i32>} : memref<128xi32, #tpu.memory_space<vmem>>, vector<16xi32>,
        %swap3A_446 = vector.shape_cast %swap3A_445 : vector<16xi32> to vector<16xi32>
        %swap3A_447 = vector.shape_cast %add3A_443 : vector<16xi32> to vector<16xi32>
        tpu.vector_store %arg9[%swap3A_444], %swap3A_447 {strides = array<i32>} : memref<128xi32, #tpu.memory_space<vmem>>, vector<16xi32>,
        %get3A_448 = arith.constant 32 : index
        %get3A_449 = tpu.vector_load %arg9[%get3A_448] {strides = array<i32>} : memref<128xi32, #tpu.memory_space<vmem>>, vector<16xi32>,
        %get3A_450 = vector.shape_cast %get3A_449 : vector<16xi32> to vector<16xi32>
        %add3A_451 = vector.broadcast %mul3A_0 : i32 to vector<16xi32>
        %add3A_452 = arith.addi %get3A_450, %add3A_451 : vector<16xi32>
        %swap3A_453 = arith.constant 32 : index
        %swap3A_454 = tpu.vector_load %arg9[%swap3A_453] {strides = array<i32>} : memref<128xi32, #tpu.memory_space<vmem>>, vector<16xi32>,
        %swap3A_455 = vector.shape_cast %swap3A_454 : vector<16xi32> to vector<16xi32>
        %swap3A_456 = vector.shape_cast %add3A_452 : vector<16xi32> to vector<16xi32>
        tpu.vector_store %arg9[%swap3A_453], %swap3A_456 {strides = array<i32>} : memref<128xi32, #tpu.memory_space<vmem>>, vector<16xi32>,
        %get3A_457 = arith.constant 48 : index
        %get3A_458 = tpu.vector_load %arg9[%get3A_457] {strides = array<i32>} : memref<128xi32, #tpu.memory_space<vmem>>, vector<16xi32>,
        %get3A_459 = vector.shape_cast %get3A_458 : vector<16xi32> to vector<16xi32>
        %add3A_460 = vector.broadcast %mul3A_0 : i32 to vector<16xi32>
        %add3A_461 = arith.addi %get3A_459, %add3A_460 : vector<16xi32>
        %swap3A_462 = arith.constant 48 : index
        %swap3A_463 = tpu.vector_load %arg9[%swap3A_462] {strides = array<i32>} : memref<128xi32, #tpu.memory_space<vmem>>, vector<16xi32>,
        %swap3A_464 = vector.shape_cast %swap3A_463 : vector<16xi32> to vector<16xi32>
        %swap3A_465 = vector.shape_cast %add3A_461 : vector<16xi32> to vector<16xi32>
        tpu.vector_store %arg9[%swap3A_462], %swap3A_465 {strides = array<i32>} : memref<128xi32, #tpu.memory_space<vmem>>, vector<16xi32>,
        %get3A_466 = arith.constant 64 : index
        %get3A_467 = tpu.vector_load %arg9[%get3A_466] {strides = array<i32>} : memref<128xi32, #tpu.memory_space<vmem>>, vector<16xi32>,
        %get3A_468 = vector.shape_cast %get3A_467 : vector<16xi32> to vector<16xi32>
        %add3A_469 = vector.broadcast %mul3A_0 : i32 to vector<16xi32>
        %add3A_470 = arith.addi %get3A_468, %add3A_469 : vector<16xi32>
        %swap3A_471 = arith.constant 64 : index
        %swap3A_472 = tpu.vector_load %arg9[%swap3A_471] {strides = array<i32>} : memref<128xi32, #tpu.memory_space<vmem>>, vector<16xi32>,
        %swap3A_473 = vector.shape_cast %swap3A_472 : vector<16xi32> to vector<16xi32>
        %swap3A_474 = vector.shape_cast %add3A_470 : vector<16xi32> to vector<16xi32>
        tpu.vector_store %arg9[%swap3A_471], %swap3A_474 {strides = array<i32>} : memref<128xi32, #tpu.memory_space<vmem>>, vector<16xi32>,
        %get3A_475 = arith.constant 80 : index
        %get3A_476 = tpu.vector_load %arg9[%get3A_475] {strides = array<i32>} : memref<128xi32, #tpu.memory_space<vmem>>, vector<16xi32>,
        %get3A_477 = vector.shape_cast %get3A_476 : vector<16xi32> to vector<16xi32>
        %add3A_478 = vector.broadcast %mul3A_0 : i32 to vector<16xi32>
        %add3A_479 = arith.addi %get3A_477, %add3A_478 : vector<16xi32>
        %swap3A_480 = arith.constant 80 : index
        %swap3A_481 = tpu.vector_load %arg9[%swap3A_480] {strides = array<i32>} : memref<128xi32, #tpu.memory_space<vmem>>, vector<16xi32>,
        %swap3A_482 = vector.shape_cast %swap3A_481 : vector<16xi32> to vector<16xi32>
        %swap3A_483 = vector.shape_cast %add3A_479 : vector<16xi32> to vector<16xi32>
        tpu.vector_store %arg9[%swap3A_480], %swap3A_483 {strides = array<i32>} : memref<128xi32, #tpu.memory_space<vmem>>, vector<16xi32>,
        %get3A_484 = arith.constant 96 : index
        %get3A_485 = tpu.vector_load %arg9[%get3A_484] {strides = array<i32>} : memref<128xi32, #tpu.memory_space<vmem>>, vector<16xi32>,
        %get3A_486 = vector.shape_cast %get3A_485 : vector<16xi32> to vector<16xi32>
        %add3A_487 = vector.broadcast %mul3A_0 : i32 to vector<16xi32>
        %add3A_488 = arith.addi %get3A_486, %add3A_487 : vector<16xi32>
        %swap3A_489 = arith.constant 96 : index
        %swap3A_490 = tpu.vector_load %arg9[%swap3A_489] {strides = array<i32>} : memref<128xi32, #tpu.memory_space<vmem>>, vector<16xi32>,
        %swap3A_491 = vector.shape_cast %swap3A_490 : vector<16xi32> to vector<16xi32>
        %swap3A_492 = vector.shape_cast %add3A_488 : vector<16xi32> to vector<16xi32>
        tpu.vector_store %arg9[%swap3A_489], %swap3A_492 {strides = array<i32>} : memref<128xi32, #tpu.memory_space<vmem>>, vector<16xi32>,
        %get3A_493 = arith.constant 112 : index
        %get3A_494 = tpu.vector_load %arg9[%get3A_493] {strides = array<i32>} : memref<128xi32, #tpu.memory_space<vmem>>, vector<16xi32>,
        %get3A_495 = vector.shape_cast %get3A_494 : vector<16xi32> to vector<16xi32>
        %add3A_496 = vector.broadcast %mul3A_0 : i32 to vector<16xi32>
        %add3A_497 = arith.addi %get3A_495, %add3A_496 : vector<16xi32>
        %swap3A_498 = arith.constant 112 : index
        %swap3A_499 = tpu.vector_load %arg9[%swap3A_498] {strides = array<i32>} : memref<128xi32, #tpu.memory_space<vmem>>, vector<16xi32>,
        %swap3A_500 = vector.shape_cast %swap3A_499 : vector<16xi32> to vector<16xi32>
        %swap3A_501 = vector.shape_cast %add3A_497 : vector<16xi32> to vector<16xi32>
        tpu.vector_store %arg9[%swap3A_498], %swap3A_501 {strides = array<i32>} : memref<128xi32, #tpu.memory_space<vmem>>, vector<16xi32>,
        %dma_start3A_502 = arith.constant 0 : i32
        %dma_start3A_503 = arith.constant 0 : i32
        %dma_start3A_504 = tpu.memref_slice %arg2[%dma_start3A_502, %dma_start3A_503] : memref<20000x128xf32, #tpu.memory_space<hbm>> -> memref<20000x128xf32, #tpu.memory_space<hbm>>
        tpu.enqueue_indirect_dma source(%dma_start3A_504 : memref<20000x128xf32, #tpu.memory_space<hbm>>) target(%arg15 : memref<128x128xf32, #tpu.memory_space<vmem>>) offsets(%arg9 : memref<128xi32, #tpu.memory_space<vmem>>) semaphore(%arg24 : memref<!tpu.dma_semaphore, #tpu.memory_space<semaphore_mem>>) {add = true}
      } else {
      }
    }
    %scan3A_179 = arith.constant 78 : i32
    %dma_wait3A_180 = arith.constant 0 : i32
    %dma_wait3A_181 = arith.constant 0 : i32
    %dma_wait3A_182 = tpu.memref_slice %arg3[%dma_wait3A_180, %dma_wait3A_181] : memref<640000x128xf32, #tpu.memory_space<hbm>> -> memref<128x128xf32, #tpu.memory_space<hbm>>
    %dma_wait3A_183 = arith.constant 0 : i32
    %dma_wait3A_184 = arith.constant 0 : i32
    %dma_wait3A_185 = tpu.memref_slice %arg3[%dma_wait3A_183, %dma_wait3A_184] : memref<640000x128xf32, #tpu.memory_space<hbm>> -> memref<128x128xf32, #tpu.memory_space<hbm>>
    tpu.wait_dma2 semaphore(%arg18 : memref<!tpu.dma_semaphore, #tpu.memory_space<semaphore_mem>>) src(%dma_wait3A_185 : memref<128x128xf32, #tpu.memory_space<hbm>>) dst(%arg15 : memref<128x128xf32, #tpu.memory_space<vmem>>)
    %dma_wait3A_186 = arith.constant 0 : i32
    %dma_wait3A_187 = arith.constant 0 : i32
    %dma_wait3A_188 = tpu.memref_slice %arg4[%dma_wait3A_186, %dma_wait3A_187] : memref<2496x128xi32, #tpu.memory_space<hbm>> -> memref<1x128xi32, #tpu.memory_space<hbm>>
    %dma_wait3A_189 = tpu.memref_squeeze %dma_wait3A_188 : memref<1x128xi32, #tpu.memory_space<hbm>> -> memref<128xi32, #tpu.memory_space<hbm>>
    %dma_wait3A_190 = arith.constant 0 : i32
    %dma_wait3A_191 = tpu.memref_slice %arg4[%dma_wait3A_186, %dma_wait3A_190] : memref<2496x128xi32, #tpu.memory_space<hbm>> -> memref<1x128xi32, #tpu.memory_space<hbm>>
    %dma_wait3A_192 = tpu.memref_squeeze %dma_wait3A_191 : memref<1x128xi32, #tpu.memory_space<hbm>> -> memref<128xi32, #tpu.memory_space<hbm>>
    tpu.wait_dma2 semaphore(%arg20 : memref<!tpu.dma_semaphore, #tpu.memory_space<semaphore_mem>>) src(%dma_wait3A_192 : memref<128xi32, #tpu.memory_space<hbm>>) dst(%arg9 : memref<128xi32, #tpu.memory_space<vmem>>)
    %dma_wait3A_193 = arith.constant 0 : i32
    %dma_wait3A_194 = arith.constant 0 : i32
    %dma_wait3A_195 = tpu.memref_slice %arg5[%dma_wait3A_193, %dma_wait3A_194] : memref<2496x128xi32, #tpu.memory_space<hbm>> -> memref<1x128xi32, #tpu.memory_space<hbm>>
    %dma_wait3A_196 = tpu.memref_squeeze %dma_wait3A_195 : memref<1x128xi32, #tpu.memory_space<hbm>> -> memref<128xi32, #tpu.memory_space<hbm>>
    %dma_wait3A_197 = arith.constant 0 : i32
    %dma_wait3A_198 = tpu.memref_slice %arg5[%dma_wait3A_193, %dma_wait3A_197] : memref<2496x128xi32, #tpu.memory_space<hbm>> -> memref<1x128xi32, #tpu.memory_space<hbm>>
    %dma_wait3A_199 = tpu.memref_squeeze %dma_wait3A_198 : memref<1x128xi32, #tpu.memory_space<hbm>> -> memref<128xi32, #tpu.memory_space<hbm>>
    tpu.wait_dma2 semaphore(%arg22 : memref<!tpu.dma_semaphore, #tpu.memory_space<semaphore_mem>>) src(%dma_wait3A_199 : memref<128xi32, #tpu.memory_space<hbm>>) dst(%arg11 : memref<128xi32, #tpu.memory_space<vmem>>)
    %dma_wait3A_200 = arith.constant 0 : i32
    %dma_wait3A_201 = arith.constant 0 : i32
    %dma_wait3A_202 = tpu.memref_slice %arg3[%dma_wait3A_200, %dma_wait3A_201] : memref<640000x128xf32, #tpu.memory_space<hbm>> -> memref<128x128xf32, #tpu.memory_space<hbm>>
    %dma_wait3A_203 = arith.constant 0 : i32
    %dma_wait3A_204 = arith.constant 0 : i32
    %dma_wait3A_205 = tpu.memref_slice %arg3[%dma_wait3A_203, %dma_wait3A_204] : memref<640000x128xf32, #tpu.memory_space<hbm>> -> memref<128x128xf32, #tpu.memory_space<hbm>>
    tpu.wait_dma2 semaphore(%arg19 : memref<!tpu.dma_semaphore, #tpu.memory_space<semaphore_mem>>) src(%dma_wait3A_205 : memref<128x128xf32, #tpu.memory_space<hbm>>) dst(%arg16 : memref<128x128xf32, #tpu.memory_space<vmem>>)
    %dma_wait3A_206 = arith.constant 0 : i32
    %dma_wait3A_207 = arith.constant 0 : i32
    %dma_wait3A_208 = tpu.memref_slice %arg4[%dma_wait3A_206, %dma_wait3A_207] : memref<2496x128xi32, #tpu.memory_space<hbm>> -> memref<1x128xi32, #tpu.memory_space<hbm>>
    %dma_wait3A_209 = tpu.memref_squeeze %dma_wait3A_208 : memref<1x128xi32, #tpu.memory_space<hbm>> -> memref<128xi32, #tpu.memory_space<hbm>>
    %dma_wait3A_210 = arith.constant 0 : i32
    %dma_wait3A_211 = tpu.memref_slice %arg4[%dma_wait3A_206, %dma_wait3A_210] : memref<2496x128xi32, #tpu.memory_space<hbm>> -> memref<1x128xi32, #tpu.memory_space<hbm>>
    %dma_wait3A_212 = tpu.memref_squeeze %dma_wait3A_211 : memref<1x128xi32, #tpu.memory_space<hbm>> -> memref<128xi32, #tpu.memory_space<hbm>>
    tpu.wait_dma2 semaphore(%arg21 : memref<!tpu.dma_semaphore, #tpu.memory_space<semaphore_mem>>) src(%dma_wait3A_212 : memref<128xi32, #tpu.memory_space<hbm>>) dst(%arg10 : memref<128xi32, #tpu.memory_space<vmem>>)
    %dma_wait3A_213 = arith.constant 0 : i32
    %dma_wait3A_214 = arith.constant 0 : i32
    %dma_wait3A_215 = tpu.memref_slice %arg5[%dma_wait3A_213, %dma_wait3A_214] : memref<2496x128xi32, #tpu.memory_space<hbm>> -> memref<1x128xi32, #tpu.memory_space<hbm>>
    %dma_wait3A_216 = tpu.memref_squeeze %dma_wait3A_215 : memref<1x128xi32, #tpu.memory_space<hbm>> -> memref<128xi32, #tpu.memory_space<hbm>>
    %dma_wait3A_217 = arith.constant 0 : i32
    %dma_wait3A_218 = tpu.memref_slice %arg5[%dma_wait3A_213, %dma_wait3A_217] : memref<2496x128xi32, #tpu.memory_space<hbm>> -> memref<1x128xi32, #tpu.memory_space<hbm>>
    %dma_wait3A_219 = tpu.memref_squeeze %dma_wait3A_218 : memref<1x128xi32, #tpu.memory_space<hbm>> -> memref<128xi32, #tpu.memory_space<hbm>>
    tpu.wait_dma2 semaphore(%arg23 : memref<!tpu.dma_semaphore, #tpu.memory_space<semaphore_mem>>) src(%dma_wait3A_219 : memref<128xi32, #tpu.memory_space<hbm>>) dst(%arg12 : memref<128xi32, #tpu.memory_space<vmem>>)
    %add3A_220 = arith.constant 319488 : i32
    %add3A_221 = arith.addi %mul3A_2, %add3A_220 : i32
    %mul3A_222 = arith.constant 32 : i32
    %mul3A_223 = arith.muli %arg1, %mul3A_222 : i32
    %add3A_224 = arith.addi %add3A_221, %mul3A_223 : i32
    "tpu.region"() ({
      %run_scoped3A = tpu.sem_alloc : memref<!tpu.dma_semaphore, #tpu.memory_space<semaphore_mem>>
      %dma_start3A_238 = arith.constant 0 : i32
      %dma_start3A_239 = arith.constant 0 : i32
      %dma_start3A_240 = tpu.memref_slice %arg15[%dma_start3A_238, %dma_start3A_239] : memref<128x128xf32, #tpu.memory_space<vmem>> -> memref<32x128xf32, #tpu.memory_space<vmem>>
      %dma_start3A_241 = arith.constant 0 : i32
      %dma_start3A_242 = tpu.memref_slice %arg3[%add3A_224, %dma_start3A_241] : memref<640000x128xf32, #tpu.memory_space<hbm>> -> memref<32x128xf32, #tpu.memory_space<hbm>>
      %dma_start3A_243 = arith.constant 0 : i32
      %dma_start3A_244 = arith.constant 0 : i32
      %dma_start3A_245 = tpu.memref_slice %arg15[%dma_start3A_243, %dma_start3A_244] : memref<128x128xf32, #tpu.memory_space<vmem>> -> memref<32x128xf32, #tpu.memory_space<vmem>>
      %dma_start3A_246 = arith.constant 0 : i32
      %dma_start3A_247 = tpu.memref_slice %arg3[%add3A_224, %dma_start3A_246] : memref<640000x128xf32, #tpu.memory_space<hbm>> -> memref<32x128xf32, #tpu.memory_space<hbm>>
      tpu.enqueue_dma source(%dma_start3A_247 : memref<32x128xf32, #tpu.memory_space<hbm>>) target(%dma_start3A_245 : memref<32x128xf32, #tpu.memory_space<vmem>>) target_semaphore(%run_scoped3A : memref<!tpu.dma_semaphore, #tpu.memory_space<semaphore_mem>>)
      %dma_wait3A_248 = arith.constant 0 : i32
      %dma_wait3A_249 = arith.constant 0 : i32
      %dma_wait3A_250 = tpu.memref_slice %arg15[%dma_wait3A_248, %dma_wait3A_249] : memref<128x128xf32, #tpu.memory_space<vmem>> -> memref<32x128xf32, #tpu.memory_space<vmem>>
      %dma_wait3A_251 = arith.constant 0 : i32
      %dma_wait3A_252 = tpu.memref_slice %arg3[%add3A_224, %dma_wait3A_251] : memref<640000x128xf32, #tpu.memory_space<hbm>> -> memref<32x128xf32, #tpu.memory_space<hbm>>
      %dma_wait3A_253 = arith.constant 0 : i32
      %dma_wait3A_254 = arith.constant 0 : i32
      %dma_wait3A_255 = tpu.memref_slice %arg15[%dma_wait3A_253, %dma_wait3A_254] : memref<128x128xf32, #tpu.memory_space<vmem>> -> memref<32x128xf32, #tpu.memory_space<vmem>>
      %dma_wait3A_256 = arith.constant 0 : i32
      %dma_wait3A_257 = tpu.memref_slice %arg3[%add3A_224, %dma_wait3A_256] : memref<640000x128xf32, #tpu.memory_space<hbm>> -> memref<32x128xf32, #tpu.memory_space<hbm>>
      tpu.wait_dma2 semaphore(%run_scoped3A : memref<!tpu.dma_semaphore, #tpu.memory_space<semaphore_mem>>) src(%dma_wait3A_257 : memref<32x128xf32, #tpu.memory_space<hbm>>) dst(%dma_wait3A_255 : memref<32x128xf32, #tpu.memory_space<vmem>>)
      tpu.yield
    }) : () -> ()
    "tpu.region"() ({
      %run_scoped3A = tpu.sem_alloc : memref<!tpu.dma_semaphore, #tpu.memory_space<semaphore_mem>>
      %dma_start3A_238 = arith.constant 0 : i32
      %dma_start3A_239 = arith.constant 0 : i32
      %dma_start3A_240 = tpu.memref_slice %arg15[%dma_start3A_238, %dma_start3A_239] : memref<128x128xf32, #tpu.memory_space<vmem>> -> memref<32x128xf32, #tpu.memory_space<vmem>>
      %dma_start3A_241 = arith.constant 0 : i32
      %dma_start3A_242 = arith.constant 0 : i32
      %dma_start3A_243 = tpu.memref_slice %arg2[%dma_start3A_241, %dma_start3A_242] : memref<20000x128xf32, #tpu.memory_space<hbm>> -> memref<20000x128xf32, #tpu.memory_space<hbm>>
      tpu.enqueue_indirect_dma source(%dma_start3A_243 : memref<20000x128xf32, #tpu.memory_space<hbm>>) target(%dma_start3A_240 : memref<32x128xf32, #tpu.memory_space<vmem>>) offsets(%arg13 : memref<32xi32, #tpu.memory_space<vmem>>) semaphore(%run_scoped3A : memref<!tpu.dma_semaphore, #tpu.memory_space<semaphore_mem>>) {add = true}
      %dma_wait3A_244 = arith.constant 0 : i32
      %dma_wait3A_245 = arith.constant 0 : i32
      %dma_wait3A_246 = tpu.memref_slice %arg15[%dma_wait3A_244, %dma_wait3A_245] : memref<128x128xf32, #tpu.memory_space<vmem>> -> memref<32x128xf32, #tpu.memory_space<vmem>>
      %dma_wait3A_247 = arith.constant 0 : i32
      %dma_wait3A_248 = arith.constant 0 : i32
      %dma_wait3A_249 = tpu.memref_slice %arg2[%dma_wait3A_247, %dma_wait3A_248] : memref<20000x128xf32, #tpu.memory_space<hbm>> -> memref<20000x128xf32, #tpu.memory_space<hbm>>
      tpu.wait_indirect_dma semaphore(%run_scoped3A : memref<!tpu.dma_semaphore, #tpu.memory_space<semaphore_mem>>) src(%dma_wait3A_249 : memref<20000x128xf32, #tpu.memory_space<hbm>>) dst(%dma_wait3A_246 : memref<32x128xf32, #tpu.memory_space<vmem>>)
      tpu.yield
    }) : () -> ()
    %scan3A_225 = arith.constant 0 : i32
    %scan3A_226 = arith.constant 0 : i32
    %scan3A_227 = arith.constant 32 : i32
    %scan3A_228 = arith.addi %scan3A_226, %scan3A_227 : i32
    %scan3A_229 = arith.constant 1 : i32
    scf.for %scan3A_238 = %scan3A_226 to %scan3A_228 step %scan3A_229  : i32 {
      %get3A_239 = arith.index_cast %scan3A_238 : i32 to index
      %get3A_240 = arith.constant 0 : index
      %get3A_241 = tpu.vector_load %arg15[%get3A_239, %get3A_240] {strides = array<i32>} : memref<128x128xf32, #tpu.memory_space<vmem>>, vector<1x16xf32>,
      %get3A_242 = vector.shape_cast %get3A_241 : vector<1x16xf32> to vector<16xf32>
      %max3A = arith.constant 0.000000e+00 : f32
      %max3A_243 = vector.broadcast %max3A : f32 to vector<16xf32>
      %max3A_244 = arith.maximumf %get3A_242, %max3A_243 : vector<16xf32>
      %swap3A_245 = arith.index_cast %scan3A_238 : i32 to index
      %swap3A_246 = arith.constant 0 : index
      %swap3A_247 = tpu.vector_load %arg15[%swap3A_245, %swap3A_246] {strides = array<i32>} : memref<128x128xf32, #tpu.memory_space<vmem>>, vector<1x16xf32>,
      %swap3A_248 = vector.shape_cast %swap3A_247 : vector<1x16xf32> to vector<16xf32>
      %swap3A_249 = vector.shape_cast %max3A_244 : vector<16xf32> to vector<1x16xf32>
      tpu.vector_store %arg15[%swap3A_245, %swap3A_246], %swap3A_249 {strides = array<i32>} : memref<128x128xf32, #tpu.memory_space<vmem>>, vector<1x16xf32>,
      %get3A_250 = arith.index_cast %scan3A_238 : i32 to index
      %get3A_251 = arith.constant 16 : index
      %get3A_252 = tpu.vector_load %arg15[%get3A_250, %get3A_251] {strides = array<i32>} : memref<128x128xf32, #tpu.memory_space<vmem>>, vector<1x16xf32>,
      %get3A_253 = vector.shape_cast %get3A_252 : vector<1x16xf32> to vector<16xf32>
      %max3A_254 = arith.constant 0.000000e+00 : f32
      %max3A_255 = vector.broadcast %max3A_254 : f32 to vector<16xf32>
      %max3A_256 = arith.maximumf %get3A_253, %max3A_255 : vector<16xf32>
      %swap3A_257 = arith.index_cast %scan3A_238 : i32 to index
      %swap3A_258 = arith.constant 16 : index
      %swap3A_259 = tpu.vector_load %arg15[%swap3A_257, %swap3A_258] {strides = array<i32>} : memref<128x128xf32, #tpu.memory_space<vmem>>, vector<1x16xf32>,
      %swap3A_260 = vector.shape_cast %swap3A_259 : vector<1x16xf32> to vector<16xf32>
      %swap3A_261 = vector.shape_cast %max3A_256 : vector<16xf32> to vector<1x16xf32>
      tpu.vector_store %arg15[%swap3A_257, %swap3A_258], %swap3A_261 {strides = array<i32>} : memref<128x128xf32, #tpu.memory_space<vmem>>, vector<1x16xf32>,
      %get3A_262 = arith.index_cast %scan3A_238 : i32 to index
      %get3A_263 = arith.constant 32 : index
      %get3A_264 = tpu.vector_load %arg15[%get3A_262, %get3A_263] {strides = array<i32>} : memref<128x128xf32, #tpu.memory_space<vmem>>, vector<1x16xf32>,
      %get3A_265 = vector.shape_cast %get3A_264 : vector<1x16xf32> to vector<16xf32>
      %max3A_266 = arith.constant 0.000000e+00 : f32
      %max3A_267 = vector.broadcast %max3A_266 : f32 to vector<16xf32>
      %max3A_268 = arith.maximumf %get3A_265, %max3A_267 : vector<16xf32>
      %swap3A_269 = arith.index_cast %scan3A_238 : i32 to index
      %swap3A_270 = arith.constant 32 : index
      %swap3A_271 = tpu.vector_load %arg15[%swap3A_269, %swap3A_270] {strides = array<i32>} : memref<128x128xf32, #tpu.memory_space<vmem>>, vector<1x16xf32>,
      %swap3A_272 = vector.shape_cast %swap3A_271 : vector<1x16xf32> to vector<16xf32>
      %swap3A_273 = vector.shape_cast %max3A_268 : vector<16xf32> to vector<1x16xf32>
      tpu.vector_store %arg15[%swap3A_269, %swap3A_270], %swap3A_273 {strides = array<i32>} : memref<128x128xf32, #tpu.memory_space<vmem>>, vector<1x16xf32>,
      %get3A_274 = arith.index_cast %scan3A_238 : i32 to index
      %get3A_275 = arith.constant 48 : index
      %get3A_276 = tpu.vector_load %arg15[%get3A_274, %get3A_275] {strides = array<i32>} : memref<128x128xf32, #tpu.memory_space<vmem>>, vector<1x16xf32>,
      %get3A_277 = vector.shape_cast %get3A_276 : vector<1x16xf32> to vector<16xf32>
      %max3A_278 = arith.constant 0.000000e+00 : f32
      %max3A_279 = vector.broadcast %max3A_278 : f32 to vector<16xf32>
      %max3A_280 = arith.maximumf %get3A_277, %max3A_279 : vector<16xf32>
      %swap3A_281 = arith.index_cast %scan3A_238 : i32 to index
      %swap3A_282 = arith.constant 48 : index
      %swap3A_283 = tpu.vector_load %arg15[%swap3A_281, %swap3A_282] {strides = array<i32>} : memref<128x128xf32, #tpu.memory_space<vmem>>, vector<1x16xf32>,
      %swap3A_284 = vector.shape_cast %swap3A_283 : vector<1x16xf32> to vector<16xf32>
      %swap3A_285 = vector.shape_cast %max3A_280 : vector<16xf32> to vector<1x16xf32>
      tpu.vector_store %arg15[%swap3A_281, %swap3A_282], %swap3A_285 {strides = array<i32>} : memref<128x128xf32, #tpu.memory_space<vmem>>, vector<1x16xf32>,
      %get3A_286 = arith.index_cast %scan3A_238 : i32 to index
      %get3A_287 = arith.constant 64 : index
      %get3A_288 = tpu.vector_load %arg15[%get3A_286, %get3A_287] {strides = array<i32>} : memref<128x128xf32, #tpu.memory_space<vmem>>, vector<1x16xf32>,
      %get3A_289 = vector.shape_cast %get3A_288 : vector<1x16xf32> to vector<16xf32>
      %max3A_290 = arith.constant 0.000000e+00 : f32
      %max3A_291 = vector.broadcast %max3A_290 : f32 to vector<16xf32>
      %max3A_292 = arith.maximumf %get3A_289, %max3A_291 : vector<16xf32>
      %swap3A_293 = arith.index_cast %scan3A_238 : i32 to index
      %swap3A_294 = arith.constant 64 : index
      %swap3A_295 = tpu.vector_load %arg15[%swap3A_293, %swap3A_294] {strides = array<i32>} : memref<128x128xf32, #tpu.memory_space<vmem>>, vector<1x16xf32>,
      %swap3A_296 = vector.shape_cast %swap3A_295 : vector<1x16xf32> to vector<16xf32>
      %swap3A_297 = vector.shape_cast %max3A_292 : vector<16xf32> to vector<1x16xf32>
      tpu.vector_store %arg15[%swap3A_293, %swap3A_294], %swap3A_297 {strides = array<i32>} : memref<128x128xf32, #tpu.memory_space<vmem>>, vector<1x16xf32>,
      %get3A_298 = arith.index_cast %scan3A_238 : i32 to index
      %get3A_299 = arith.constant 80 : index
      %get3A_300 = tpu.vector_load %arg15[%get3A_298, %get3A_299] {strides = array<i32>} : memref<128x128xf32, #tpu.memory_space<vmem>>, vector<1x16xf32>,
      %get3A_301 = vector.shape_cast %get3A_300 : vector<1x16xf32> to vector<16xf32>
      %max3A_302 = arith.constant 0.000000e+00 : f32
      %max3A_303 = vector.broadcast %max3A_302 : f32 to vector<16xf32>
      %max3A_304 = arith.maximumf %get3A_301, %max3A_303 : vector<16xf32>
      %swap3A_305 = arith.index_cast %scan3A_238 : i32 to index
      %swap3A_306 = arith.constant 80 : index
      %swap3A_307 = tpu.vector_load %arg15[%swap3A_305, %swap3A_306] {strides = array<i32>} : memref<128x128xf32, #tpu.memory_space<vmem>>, vector<1x16xf32>,
      %swap3A_308 = vector.shape_cast %swap3A_307 : vector<1x16xf32> to vector<16xf32>
      %swap3A_309 = vector.shape_cast %max3A_304 : vector<16xf32> to vector<1x16xf32>
      tpu.vector_store %arg15[%swap3A_305, %swap3A_306], %swap3A_309 {strides = array<i32>} : memref<128x128xf32, #tpu.memory_space<vmem>>, vector<1x16xf32>,
      %get3A_310 = arith.index_cast %scan3A_238 : i32 to index
      %get3A_311 = arith.constant 96 : index
      %get3A_312 = tpu.vector_load %arg15[%get3A_310, %get3A_311] {strides = array<i32>} : memref<128x128xf32, #tpu.memory_space<vmem>>, vector<1x16xf32>,
      %get3A_313 = vector.shape_cast %get3A_312 : vector<1x16xf32> to vector<16xf32>
      %max3A_314 = arith.constant 0.000000e+00 : f32
      %max3A_315 = vector.broadcast %max3A_314 : f32 to vector<16xf32>
      %max3A_316 = arith.maximumf %get3A_313, %max3A_315 : vector<16xf32>
      %swap3A_317 = arith.index_cast %scan3A_238 : i32 to index
      %swap3A_318 = arith.constant 96 : index
      %swap3A_319 = tpu.vector_load %arg15[%swap3A_317, %swap3A_318] {strides = array<i32>} : memref<128x128xf32, #tpu.memory_space<vmem>>, vector<1x16xf32>,
      %swap3A_320 = vector.shape_cast %swap3A_319 : vector<1x16xf32> to vector<16xf32>
      %swap3A_321 = vector.shape_cast %max3A_316 : vector<16xf32> to vector<1x16xf32>
      tpu.vector_store %arg15[%swap3A_317, %swap3A_318], %swap3A_321 {strides = array<i32>} : memref<128x128xf32, #tpu.memory_space<vmem>>, vector<1x16xf32>,
      %get3A_322 = arith.index_cast %scan3A_238 : i32 to index
      %get3A_323 = arith.constant 112 : index
      %get3A_324 = tpu.vector_load %arg15[%get3A_322, %get3A_323] {strides = array<i32>} : memref<128x128xf32, #tpu.memory_space<vmem>>, vector<1x16xf32>,
      %get3A_325 = vector.shape_cast %get3A_324 : vector<1x16xf32> to vector<16xf32>
      %max3A_326 = arith.constant 0.000000e+00 : f32
      %max3A_327 = vector.broadcast %max3A_326 : f32 to vector<16xf32>
      %max3A_328 = arith.maximumf %get3A_325, %max3A_327 : vector<16xf32>
      %swap3A_329 = arith.index_cast %scan3A_238 : i32 to index
      %swap3A_330 = arith.constant 112 : index
      %swap3A_331 = tpu.vector_load %arg15[%swap3A_329, %swap3A_330] {strides = array<i32>} : memref<128x128xf32, #tpu.memory_space<vmem>>, vector<1x16xf32>,
      %swap3A_332 = vector.shape_cast %swap3A_331 : vector<1x16xf32> to vector<16xf32>
      %swap3A_333 = vector.shape_cast %max3A_328 : vector<16xf32> to vector<1x16xf32>
      tpu.vector_store %arg15[%swap3A_329, %swap3A_330], %swap3A_333 {strides = array<i32>} : memref<128x128xf32, #tpu.memory_space<vmem>>, vector<1x16xf32>,
    }
    %scan3A_230 = arith.constant 32 : i32
    "tpu.region"() ({
      %run_scoped3A = tpu.sem_alloc : memref<!tpu.dma_semaphore, #tpu.memory_space<semaphore_mem>>
      %dma_start3A_238 = arith.constant 0 : i32
      %dma_start3A_239 = arith.constant 0 : i32
      %dma_start3A_240 = tpu.memref_slice %arg15[%dma_start3A_238, %dma_start3A_239] : memref<128x128xf32, #tpu.memory_space<vmem>> -> memref<32x128xf32, #tpu.memory_space<vmem>>
      %dma_start3A_241 = arith.constant 0 : i32
      %dma_start3A_242 = arith.constant 0 : i32
      %dma_start3A_243 = tpu.memref_slice %arg17[%dma_start3A_241, %dma_start3A_242] : memref<10000x128xf32, #tpu.memory_space<vmem_shared>> -> memref<10000x128xf32, #tpu.memory_space<vmem_shared>>
      tpu.enqueue_indirect_dma source(%dma_start3A_240 : memref<32x128xf32, #tpu.memory_space<vmem>>) target(%dma_start3A_243 : memref<10000x128xf32, #tpu.memory_space<vmem_shared>>) offsets(%arg14 : memref<32xi32, #tpu.memory_space<vmem>>) semaphore(%run_scoped3A : memref<!tpu.dma_semaphore, #tpu.memory_space<semaphore_mem>>) {add = true}
      %dma_wait3A_244 = arith.constant 0 : i32
      %dma_wait3A_245 = arith.constant 0 : i32
      %dma_wait3A_246 = tpu.memref_slice %arg15[%dma_wait3A_244, %dma_wait3A_245] : memref<128x128xf32, #tpu.memory_space<vmem>> -> memref<32x128xf32, #tpu.memory_space<vmem>>
      %dma_wait3A_247 = arith.constant 0 : i32
      %dma_wait3A_248 = arith.constant 0 : i32
      %dma_wait3A_249 = tpu.memref_slice %arg17[%dma_wait3A_247, %dma_wait3A_248] : memref<10000x128xf32, #tpu.memory_space<vmem_shared>> -> memref<10000x128xf32, #tpu.memory_space<vmem_shared>>
      tpu.wait_indirect_dma semaphore(%run_scoped3A : memref<!tpu.dma_semaphore, #tpu.memory_space<semaphore_mem>>) src(%dma_wait3A_246 : memref<32x128xf32, #tpu.memory_space<vmem>>) dst(%dma_wait3A_249 : memref<10000x128xf32, #tpu.memory_space<vmem_shared>>)
      tpu.yield
    }) : () -> ()
    %barrier3A_231 = arith.constant 0 : index
    tpu.barrier barrier_id(%barrier3A_231)
    %add3A_232 = arith.addi %mul3A_0, %mul3A_25 : i32
    "tpu.region"() ({
      %run_scoped3A = tpu.sem_alloc : memref<!tpu.dma_semaphore, #tpu.memory_space<semaphore_mem>>
      %dma_start3A_238 = arith.constant 0 : i32
      %dma_start3A_239 = tpu.memref_slice %arg8[%add3A_232, %dma_start3A_238] : memref<20000x128xf32, #tpu.memory_space<hbm>> -> memref<624x128xf32, #tpu.memory_space<hbm>>
      %dma_start3A_240 = arith.constant 0 : i32
      %dma_start3A_241 = tpu.memref_slice %arg17[%mul3A_25, %dma_start3A_240] : memref<10000x128xf32, #tpu.memory_space<vmem_shared>> -> memref<624x128xf32, #tpu.memory_space<vmem_shared>>
      tpu.enqueue_dma source(%dma_start3A_241 : memref<624x128xf32, #tpu.memory_space<vmem_shared>>) target(%dma_start3A_239 : memref<624x128xf32, #tpu.memory_space<hbm>>) target_semaphore(%run_scoped3A : memref<!tpu.dma_semaphore, #tpu.memory_space<semaphore_mem>>)
      %dma_wait3A_242 = arith.constant 0 : i32
      %dma_wait3A_243 = tpu.memref_slice %arg8[%add3A_232, %dma_wait3A_242] : memref<20000x128xf32, #tpu.memory_space<hbm>> -> memref<624x128xf32, #tpu.memory_space<hbm>>
      %dma_wait3A_244 = arith.constant 0 : i32
      %dma_wait3A_245 = tpu.memref_slice %arg17[%mul3A_25, %dma_wait3A_244] : memref<10000x128xf32, #tpu.memory_space<vmem_shared>> -> memref<624x128xf32, #tpu.memory_space<vmem_shared>>
      tpu.wait_dma2 semaphore(%run_scoped3A : memref<!tpu.dma_semaphore, #tpu.memory_space<semaphore_mem>>) src(%dma_wait3A_245 : memref<624x128xf32, #tpu.memory_space<vmem_shared>>) dst(%dma_wait3A_243 : memref<624x128xf32, #tpu.memory_space<hbm>>)
      tpu.yield
    }) : () -> ()
    %eq3A_233 = arith.constant 15 : i32
    %eq3A_234 = arith.cmpi eq, %arg1, %eq3A_233 : i32
    %convert_element_type3A_235 = arith.extui %eq3A_234 : i1 to i32
    %cond3A_236 = arith.constant 0 : i32
    %cond3A_237 = arith.cmpi ne, %convert_element_type3A_235, %cond3A_236 : i32
    scf.if %cond3A_237 {
      %add3A_238 = arith.constant 9984 : i32
      %add3A_239 = arith.addi %mul3A_0, %add3A_238 : i32
      "tpu.region"() ({
        %run_scoped3A = tpu.sem_alloc : memref<!tpu.dma_semaphore, #tpu.memory_space<semaphore_mem>>
        %dma_start3A_240 = arith.constant 0 : i32
        %dma_start3A_241 = tpu.memref_slice %arg8[%add3A_239, %dma_start3A_240] : memref<20000x128xf32, #tpu.memory_space<hbm>> -> memref<16x128xf32, #tpu.memory_space<hbm>>
        %dma_start3A_242 = arith.constant 9984 : i32
        %dma_start3A_243 = arith.constant 0 : i32
        %dma_start3A_244 = tpu.memref_slice %arg17[%dma_start3A_242, %dma_start3A_243] : memref<10000x128xf32, #tpu.memory_space<vmem_shared>> -> memref<16x128xf32, #tpu.memory_space<vmem_shared>>
        tpu.enqueue_dma source(%dma_start3A_244 : memref<16x128xf32, #tpu.memory_space<vmem_shared>>) target(%dma_start3A_241 : memref<16x128xf32, #tpu.memory_space<hbm>>) target_semaphore(%run_scoped3A : memref<!tpu.dma_semaphore, #tpu.memory_space<semaphore_mem>>)
        %dma_wait3A_245 = arith.constant 0 : i32
        %dma_wait3A_246 = tpu.memref_slice %arg8[%add3A_239, %dma_wait3A_245] : memref<20000x128xf32, #tpu.memory_space<hbm>> -> memref<16x128xf32, #tpu.memory_space<hbm>>
        %dma_wait3A_247 = arith.constant 9984 : i32
        %dma_wait3A_248 = arith.constant 0 : i32
        %dma_wait3A_249 = tpu.memref_slice %arg17[%dma_wait3A_247, %dma_wait3A_248] : memref<10000x128xf32, #tpu.memory_space<vmem_shared>> -> memref<16x128xf32, #tpu.memory_space<vmem_shared>>
        tpu.wait_dma2 semaphore(%run_scoped3A : memref<!tpu.dma_semaphore, #tpu.memory_space<semaphore_mem>>) src(%dma_wait3A_249 : memref<16x128xf32, #tpu.memory_space<vmem_shared>>) dst(%dma_wait3A_246 : memref<16x128xf32, #tpu.memory_space<hbm>>)
        tpu.yield
      }) : () -> ()
    } else {
    }
    return
  }
}

#map = affine_map<(d0, d1) -> (0, 0)>
module attributes {stable_mosaic.version = 14 : i64} {
  func.func @_sc_msg_body(%arg0: i32, %arg1: i32, %arg2: memref<20000x128xf32, #tpu.memory_space<hbm>>, %arg3: memref<640000x128xf32, #tpu.memory_space<hbm>>, %arg4: memref<2496x128xi32, #tpu.memory_space<hbm>>, %arg5: memref<2496x128xi32, #tpu.memory_space<hbm>>, %arg6: memref<16x32xi32, #tpu.memory_space<hbm>>, %arg7: memref<16x32xi32, #tpu.memory_space<hbm>>, %arg8: memref<20000x128xf32, #tpu.memory_space<hbm>>, %arg9: memref<128xi32, #tpu.memory_space<vmem>>, %arg10: memref<128xi32, #tpu.memory_space<vmem>>, %arg11: memref<128xi32, #tpu.memory_space<vmem>>, %arg12: memref<128xi32, #tpu.memory_space<vmem>>, %arg13: memref<32xi32, #tpu.memory_space<vmem>>, %arg14: memref<32xi32, #tpu.memory_space<vmem>>, %arg15: memref<128x128xf32, #tpu.memory_space<vmem>>, %arg16: memref<128x128xf32, #tpu.memory_space<vmem>>, %arg17: memref<10000x128xf32, #tpu.memory_space<vmem_shared>>, %arg18: memref<!tpu.dma_semaphore, #tpu.memory_space<semaphore_mem>>, %arg19: memref<!tpu.dma_semaphore, #tpu.memory_space<semaphore_mem>>, %arg20: memref<!tpu.dma_semaphore, #tpu.memory_space<semaphore_mem>>, %arg21: memref<!tpu.dma_semaphore, #tpu.memory_space<semaphore_mem>>, %arg22: memref<!tpu.dma_semaphore, #tpu.memory_space<semaphore_mem>>, %arg23: memref<!tpu.dma_semaphore, #tpu.memory_space<semaphore_mem>>, %arg24: memref<!tpu.dma_semaphore, #tpu.memory_space<semaphore_mem>>, %arg25: memref<!tpu.dma_semaphore, #tpu.memory_space<semaphore_mem>>) attributes {dimension_semantics = [#tpu.dimension_semantics<core_parallel>, #tpu.dimension_semantics<subcore_parallel>], iteration_bounds = array<i64: 2, 16>, scalar_prefetch = 0 : i64, scratch_operands = 17 : i64, tpu.core_type = #tpu.core_type<sc_vector_subcore>, window_params = [{transform_indices = #map}, {transform_indices = #map}, {transform_indices = #map}, {transform_indices = #map}, {transform_indices = #map}, {transform_indices = #map}, {transform_indices = #map}]} {
    %mul3A = arith.constant 10000 : i32
    %mul3A_0 = arith.muli %arg0, %mul3A : i32
    %mul3A_1 = arith.constant 320000 : i32
    %mul3A_2 = arith.muli %arg0, %mul3A_1 : i32
    "tpu.region"() ({
      %run_scoped3A = tpu.sem_alloc : memref<!tpu.dma_semaphore, #tpu.memory_space<semaphore_mem>>
      %dma_start3A_238 = arith.constant 0 : i32
      %dma_start3A_239 = tpu.memref_slice %arg6[%arg1, %dma_start3A_238] : memref<16x32xi32, #tpu.memory_space<hbm>> -> memref<1x32xi32, #tpu.memory_space<hbm>>
      %dma_start3A_240 = tpu.memref_squeeze %dma_start3A_239 : memref<1x32xi32, #tpu.memory_space<hbm>> -> memref<32xi32, #tpu.memory_space<hbm>>
      %dma_start3A_241 = arith.constant 0 : i32
      %dma_start3A_242 = tpu.memref_slice %arg6[%arg1, %dma_start3A_241] : memref<16x32xi32, #tpu.memory_space<hbm>> -> memref<1x32xi32, #tpu.memory_space<hbm>>
      %dma_start3A_243 = tpu.memref_squeeze %dma_start3A_242 : memref<1x32xi32, #tpu.memory_space<hbm>> -> memref<32xi32, #tpu.memory_space<hbm>>
      tpu.enqueue_dma source(%dma_start3A_243 : memref<32xi32, #tpu.memory_space<hbm>>) target(%arg13 : memref<32xi32, #tpu.memory_space<vmem>>) target_semaphore(%run_scoped3A : memref<!tpu.dma_semaphore, #tpu.memory_space<semaphore_mem>>)
      %dma_wait3A_244 = arith.constant 0 : i32
      %dma_wait3A_245 = tpu.memref_slice %arg6[%arg1, %dma_wait3A_244] : memref<16x32xi32, #tpu.memory_space<hbm>> -> memref<1x32xi32, #tpu.memory_space<hbm>>
      %dma_wait3A_246 = tpu.memref_squeeze %dma_wait3A_245 : memref<1x32xi32, #tpu.memory_space<hbm>> -> memref<32xi32, #tpu.memory_space<hbm>>
      %dma_wait3A_247 = arith.constant 0 : i32
      %dma_wait3A_248 = tpu.memref_slice %arg6[%arg1, %dma_wait3A_247] : memref<16x32xi32, #tpu.memory_space<hbm>> -> memref<1x32xi32, #tpu.memory_space<hbm>>
      %dma_wait3A_249 = tpu.memref_squeeze %dma_wait3A_248 : memref<1x32xi32, #tpu.memory_space<hbm>> -> memref<32xi32, #tpu.memory_space<hbm>>
      tpu.wait_dma2 semaphore(%run_scoped3A : memref<!tpu.dma_semaphore, #tpu.memory_space<semaphore_mem>>) src(%dma_wait3A_249 : memref<32xi32, #tpu.memory_space<hbm>>) dst(%arg13 : memref<32xi32, #tpu.memory_space<vmem>>)
      tpu.yield
    }) : () -> ()
    "tpu.region"() ({
      %run_scoped3A = tpu.sem_alloc : memref<!tpu.dma_semaphore, #tpu.memory_space<semaphore_mem>>
      %dma_start3A_238 = arith.constant 0 : i32
      %dma_start3A_239 = tpu.memref_slice %arg7[%arg1, %dma_start3A_238] : memref<16x32xi32, #tpu.memory_space<hbm>> -> memref<1x32xi32, #tpu.memory_space<hbm>>
      %dma_start3A_240 = tpu.memref_squeeze %dma_start3A_239 : memref<1x32xi32, #tpu.memory_space<hbm>> -> memref<32xi32, #tpu.memory_space<hbm>>
      %dma_start3A_241 = arith.constant 0 : i32
      %dma_start3A_242 = tpu.memref_slice %arg7[%arg1, %dma_start3A_241] : memref<16x32xi32, #tpu.memory_space<hbm>> -> memref<1x32xi32, #tpu.memory_space<hbm>>
      %dma_start3A_243 = tpu.memref_squeeze %dma_start3A_242 : memref<1x32xi32, #tpu.memory_space<hbm>> -> memref<32xi32, #tpu.memory_space<hbm>>
      tpu.enqueue_dma source(%dma_start3A_243 : memref<32xi32, #tpu.memory_space<hbm>>) target(%arg14 : memref<32xi32, #tpu.memory_space<vmem>>) target_semaphore(%run_scoped3A : memref<!tpu.dma_semaphore, #tpu.memory_space<semaphore_mem>>)
      %dma_wait3A_244 = arith.constant 0 : i32
      %dma_wait3A_245 = tpu.memref_slice %arg7[%arg1, %dma_wait3A_244] : memref<16x32xi32, #tpu.memory_space<hbm>> -> memref<1x32xi32, #tpu.memory_space<hbm>>
      %dma_wait3A_246 = tpu.memref_squeeze %dma_wait3A_245 : memref<1x32xi32, #tpu.memory_space<hbm>> -> memref<32xi32, #tpu.memory_space<hbm>>
      %dma_wait3A_247 = arith.constant 0 : i32
      %dma_wait3A_248 = tpu.memref_slice %arg7[%arg1, %dma_wait3A_247] : memref<16x32xi32, #tpu.memory_space<hbm>> -> memref<1x32xi32, #tpu.memory_space<hbm>>
      %dma_wait3A_249 = tpu.memref_squeeze %dma_wait3A_248 : memref<1x32xi32, #tpu.memory_space<hbm>> -> memref<32xi32, #tpu.memory_space<hbm>>
      tpu.wait_dma2 semaphore(%run_scoped3A : memref<!tpu.dma_semaphore, #tpu.memory_space<semaphore_mem>>) src(%dma_wait3A_249 : memref<32xi32, #tpu.memory_space<hbm>>) dst(%arg14 : memref<32xi32, #tpu.memory_space<vmem>>)
      tpu.yield
    }) : () -> ()
    %get3A = arith.constant 0 : index
    %get3A_3 = tpu.vector_load %arg13[%get3A] {strides = array<i32>} : memref<32xi32, #tpu.memory_space<vmem>>, vector<16xi32>,
    %get3A_4 = vector.shape_cast %get3A_3 : vector<16xi32> to vector<16xi32>
    %add3A = vector.broadcast %mul3A_0 : i32 to vector<16xi32>
    %add3A_5 = arith.addi %get3A_4, %add3A : vector<16xi32>
    %swap3A = arith.constant 0 : index
    %swap3A_6 = tpu.vector_load %arg13[%swap3A] {strides = array<i32>} : memref<32xi32, #tpu.memory_space<vmem>>, vector<16xi32>,
    %swap3A_7 = vector.shape_cast %swap3A_6 : vector<16xi32> to vector<16xi32>
    %swap3A_8 = vector.shape_cast %add3A_5 : vector<16xi32> to vector<16xi32>
    tpu.vector_store %arg13[%swap3A], %swap3A_8 {strides = array<i32>} : memref<32xi32, #tpu.memory_space<vmem>>, vector<16xi32>,
    %get3A_9 = arith.constant 16 : index
    %get3A_10 = tpu.vector_load %arg13[%get3A_9] {strides = array<i32>} : memref<32xi32, #tpu.memory_space<vmem>>, vector<16xi32>,
    %get3A_11 = vector.shape_cast %get3A_10 : vector<16xi32> to vector<16xi32>
    %add3A_12 = vector.broadcast %mul3A_0 : i32 to vector<16xi32>
    %add3A_13 = arith.addi %get3A_11, %add3A_12 : vector<16xi32>
    %swap3A_14 = arith.constant 16 : index
    %swap3A_15 = tpu.vector_load %arg13[%swap3A_14] {strides = array<i32>} : memref<32xi32, #tpu.memory_space<vmem>>, vector<16xi32>,
    %swap3A_16 = vector.shape_cast %swap3A_15 : vector<16xi32> to vector<16xi32>
    %swap3A_17 = vector.shape_cast %add3A_13 : vector<16xi32> to vector<16xi32>
    tpu.vector_store %arg13[%swap3A_14], %swap3A_17 {strides = array<i32>} : memref<32xi32, #tpu.memory_space<vmem>>, vector<16xi32>,
    %broadcast_in_dim3A = arith.constant 0.000000e+00 : f32
    %broadcast_in_dim3A_18 = vector.broadcast %broadcast_in_dim3A : f32 to vector<16xf32>
    %scan3A = arith.constant 0 : i32
    %scan3A_19 = arith.constant 0 : i32
    %scan3A_20 = arith.constant 128 : i32
    %scan3A_21 = arith.addi %scan3A_19, %scan3A_20 : i32
    %scan3A_22 = arith.constant 1 : i32
    scf.for %scan3A_238 = %scan3A_19 to %scan3A_21 step %scan3A_22  : i32 {
      %swap3A_239 = arith.index_cast %scan3A_238 : i32 to index
      %swap3A_240 = arith.constant 0 : index
      %swap3A_241 = tpu.vector_load %arg15[%swap3A_239, %swap3A_240] {strides = array<i32>} : memref<128x128xf32, #tpu.memory_space<vmem>>, vector<1x16xf32>,
      %swap3A_242 = vector.shape_cast %swap3A_241 : vector<1x16xf32> to vector<16xf32>
      %swap3A_243 = vector.shape_cast %broadcast_in_dim3A_18 : vector<16xf32> to vector<1x16xf32>
      tpu.vector_store %arg15[%swap3A_239, %swap3A_240], %swap3A_243 {strides = array<i32>} : memref<128x128xf32, #tpu.memory_space<vmem>>, vector<1x16xf32>,
      %swap3A_244 = arith.index_cast %scan3A_238 : i32 to index
      %swap3A_245 = arith.constant 16 : index
      %swap3A_246 = tpu.vector_load %arg15[%swap3A_244, %swap3A_245] {strides = array<i32>} : memref<128x128xf32, #tpu.memory_space<vmem>>, vector<1x16xf32>,
      %swap3A_247 = vector.shape_cast %swap3A_246 : vector<1x16xf32> to vector<16xf32>
      %swap3A_248 = vector.shape_cast %broadcast_in_dim3A_18 : vector<16xf32> to vector<1x16xf32>
      tpu.vector_store %arg15[%swap3A_244, %swap3A_245], %swap3A_248 {strides = array<i32>} : memref<128x128xf32, #tpu.memory_space<vmem>>, vector<1x16xf32>,
      %swap3A_249 = arith.index_cast %scan3A_238 : i32 to index
      %swap3A_250 = arith.constant 32 : index
      %swap3A_251 = tpu.vector_load %arg15[%swap3A_249, %swap3A_250] {strides = array<i32>} : memref<128x128xf32, #tpu.memory_space<vmem>>, vector<1x16xf32>,
      %swap3A_252 = vector.shape_cast %swap3A_251 : vector<1x16xf32> to vector<16xf32>
      %swap3A_253 = vector.shape_cast %broadcast_in_dim3A_18 : vector<16xf32> to vector<1x16xf32>
      tpu.vector_store %arg15[%swap3A_249, %swap3A_250], %swap3A_253 {strides = array<i32>} : memref<128x128xf32, #tpu.memory_space<vmem>>, vector<1x16xf32>,
      %swap3A_254 = arith.index_cast %scan3A_238 : i32 to index
      %swap3A_255 = arith.constant 48 : index
      %swap3A_256 = tpu.vector_load %arg15[%swap3A_254, %swap3A_255] {strides = array<i32>} : memref<128x128xf32, #tpu.memory_space<vmem>>, vector<1x16xf32>,
      %swap3A_257 = vector.shape_cast %swap3A_256 : vector<1x16xf32> to vector<16xf32>
      %swap3A_258 = vector.shape_cast %broadcast_in_dim3A_18 : vector<16xf32> to vector<1x16xf32>
      tpu.vector_store %arg15[%swap3A_254, %swap3A_255], %swap3A_258 {strides = array<i32>} : memref<128x128xf32, #tpu.memory_space<vmem>>, vector<1x16xf32>,
      %swap3A_259 = arith.index_cast %scan3A_238 : i32 to index
      %swap3A_260 = arith.constant 64 : index
      %swap3A_261 = tpu.vector_load %arg15[%swap3A_259, %swap3A_260] {strides = array<i32>} : memref<128x128xf32, #tpu.memory_space<vmem>>, vector<1x16xf32>,
      %swap3A_262 = vector.shape_cast %swap3A_261 : vector<1x16xf32> to vector<16xf32>
      %swap3A_263 = vector.shape_cast %broadcast_in_dim3A_18 : vector<16xf32> to vector<1x16xf32>
      tpu.vector_store %arg15[%swap3A_259, %swap3A_260], %swap3A_263 {strides = array<i32>} : memref<128x128xf32, #tpu.memory_space<vmem>>, vector<1x16xf32>,
      %swap3A_264 = arith.index_cast %scan3A_238 : i32 to index
      %swap3A_265 = arith.constant 80 : index
      %swap3A_266 = tpu.vector_load %arg15[%swap3A_264, %swap3A_265] {strides = array<i32>} : memref<128x128xf32, #tpu.memory_space<vmem>>, vector<1x16xf32>,
      %swap3A_267 = vector.shape_cast %swap3A_266 : vector<1x16xf32> to vector<16xf32>
      %swap3A_268 = vector.shape_cast %broadcast_in_dim3A_18 : vector<16xf32> to vector<1x16xf32>
      tpu.vector_store %arg15[%swap3A_264, %swap3A_265], %swap3A_268 {strides = array<i32>} : memref<128x128xf32, #tpu.memory_space<vmem>>, vector<1x16xf32>,
      %swap3A_269 = arith.index_cast %scan3A_238 : i32 to index
      %swap3A_270 = arith.constant 96 : index
      %swap3A_271 = tpu.vector_load %arg15[%swap3A_269, %swap3A_270] {strides = array<i32>} : memref<128x128xf32, #tpu.memory_space<vmem>>, vector<1x16xf32>,
      %swap3A_272 = vector.shape_cast %swap3A_271 : vector<1x16xf32> to vector<16xf32>
      %swap3A_273 = vector.shape_cast %broadcast_in_dim3A_18 : vector<16xf32> to vector<1x16xf32>
      tpu.vector_store %arg15[%swap3A_269, %swap3A_270], %swap3A_273 {strides = array<i32>} : memref<128x128xf32, #tpu.memory_space<vmem>>, vector<1x16xf32>,
      %swap3A_274 = arith.index_cast %scan3A_238 : i32 to index
      %swap3A_275 = arith.constant 112 : index
      %swap3A_276 = tpu.vector_load %arg15[%swap3A_274, %swap3A_275] {strides = array<i32>} : memref<128x128xf32, #tpu.memory_space<vmem>>, vector<1x16xf32>,
      %swap3A_277 = vector.shape_cast %swap3A_276 : vector<1x16xf32> to vector<16xf32>
      %swap3A_278 = vector.shape_cast %broadcast_in_dim3A_18 : vector<16xf32> to vector<1x16xf32>
      tpu.vector_store %arg15[%swap3A_274, %swap3A_275], %swap3A_278 {strides = array<i32>} : memref<128x128xf32, #tpu.memory_space<vmem>>, vector<1x16xf32>,
    }
    %scan3A_23 = arith.constant 128 : i32
    %mul3A_24 = arith.constant 624 : i32
    %mul3A_25 = arith.muli %arg1, %mul3A_24 : i32
    %add3A_26 = arith.constant 0 : i32
    %add3A_27 = arith.addi %mul3A_25, %add3A_26 : i32
    "tpu.region"() ({
      %run_scoped3A = tpu.sem_alloc : memref<!tpu.dma_semaphore, #tpu.memory_space<semaphore_mem>>
      %dma_start3A_238 = arith.constant 0 : i32
      %dma_start3A_239 = tpu.memref_slice %arg17[%add3A_27, %dma_start3A_238] : memref<10000x128xf32, #tpu.memory_space<vmem_shared>> -> memref<128x128xf32, #tpu.memory_space<vmem_shared>>
      %dma_start3A_240 = arith.constant 0 : i32
      %dma_start3A_241 = tpu.memref_slice %arg17[%add3A_27, %dma_start3A_240] : memref<10000x128xf32, #tpu.memory_space<vmem_shared>> -> memref<128x128xf32, #tpu.memory_space<vmem_shared>>
      tpu.enqueue_dma source(%arg15 : memref<128x128xf32, #tpu.memory_space<vmem>>) target(%dma_start3A_241 : memref<128x128xf32, #tpu.memory_space<vmem_shared>>) target_semaphore(%run_scoped3A : memref<!tpu.dma_semaphore, #tpu.memory_space<semaphore_mem>>)
      %dma_wait3A_242 = arith.constant 0 : i32
      %dma_wait3A_243 = tpu.memref_slice %arg17[%add3A_27, %dma_wait3A_242] : memref<10000x128xf32, #tpu.memory_space<vmem_shared>> -> memref<128x128xf32, #tpu.memory_space<vmem_shared>>
      %dma_wait3A_244 = arith.constant 0 : i32
      %dma_wait3A_245 = tpu.memref_slice %arg17[%add3A_27, %dma_wait3A_244] : memref<10000x128xf32, #tpu.memory_space<vmem_shared>> -> memref<128x128xf32, #tpu.memory_space<vmem_shared>>
      tpu.wait_dma2 semaphore(%run_scoped3A : memref<!tpu.dma_semaphore, #tpu.memory_space<semaphore_mem>>) src(%arg15 : memref<128x128xf32, #tpu.memory_space<vmem>>) dst(%dma_wait3A_245 : memref<128x128xf32, #tpu.memory_space<vmem_shared>>)
      tpu.yield
    }) : () -> ()
    %add3A_28 = arith.constant 128 : i32
    %add3A_29 = arith.addi %mul3A_25, %add3A_28 : i32
    "tpu.region"() ({
      %run_scoped3A = tpu.sem_alloc : memref<!tpu.dma_semaphore, #tpu.memory_space<semaphore_mem>>
      %dma_start3A_238 = arith.constant 0 : i32
      %dma_start3A_239 = tpu.memref_slice %arg17[%add3A_29, %dma_start3A_238] : memref<10000x128xf32, #tpu.memory_space<vmem_shared>> -> memref<128x128xf32, #tpu.memory_space<vmem_shared>>
      %dma_start3A_240 = arith.constant 0 : i32
      %dma_start3A_241 = tpu.memref_slice %arg17[%add3A_29, %dma_start3A_240] : memref<10000x128xf32, #tpu.memory_space<vmem_shared>> -> memref<128x128xf32, #tpu.memory_space<vmem_shared>>
      tpu.enqueue_dma source(%arg15 : memref<128x128xf32, #tpu.memory_space<vmem>>) target(%dma_start3A_241 : memref<128x128xf32, #tpu.memory_space<vmem_shared>>) target_semaphore(%run_scoped3A : memref<!tpu.dma_semaphore, #tpu.memory_space<semaphore_mem>>)
      %dma_wait3A_242 = arith.constant 0 : i32
      %dma_wait3A_243 = tpu.memref_slice %arg17[%add3A_29, %dma_wait3A_242] : memref<10000x128xf32, #tpu.memory_space<vmem_shared>> -> memref<128x128xf32, #tpu.memory_space<vmem_shared>>
      %dma_wait3A_244 = arith.constant 0 : i32
      %dma_wait3A_245 = tpu.memref_slice %arg17[%add3A_29, %dma_wait3A_244] : memref<10000x128xf32, #tpu.memory_space<vmem_shared>> -> memref<128x128xf32, #tpu.memory_space<vmem_shared>>
      tpu.wait_dma2 semaphore(%run_scoped3A : memref<!tpu.dma_semaphore, #tpu.memory_space<semaphore_mem>>) src(%arg15 : memref<128x128xf32, #tpu.memory_space<vmem>>) dst(%dma_wait3A_245 : memref<128x128xf32, #tpu.memory_space<vmem_shared>>)
      tpu.yield
    }) : () -> ()
    %add3A_30 = arith.constant 256 : i32
    %add3A_31 = arith.addi %mul3A_25, %add3A_30 : i32
    "tpu.region"() ({
      %run_scoped3A = tpu.sem_alloc : memref<!tpu.dma_semaphore, #tpu.memory_space<semaphore_mem>>
      %dma_start3A_238 = arith.constant 0 : i32
      %dma_start3A_239 = tpu.memref_slice %arg17[%add3A_31, %dma_start3A_238] : memref<10000x128xf32, #tpu.memory_space<vmem_shared>> -> memref<128x128xf32, #tpu.memory_space<vmem_shared>>
      %dma_start3A_240 = arith.constant 0 : i32
      %dma_start3A_241 = tpu.memref_slice %arg17[%add3A_31, %dma_start3A_240] : memref<10000x128xf32, #tpu.memory_space<vmem_shared>> -> memref<128x128xf32, #tpu.memory_space<vmem_shared>>
      tpu.enqueue_dma source(%arg15 : memref<128x128xf32, #tpu.memory_space<vmem>>) target(%dma_start3A_241 : memref<128x128xf32, #tpu.memory_space<vmem_shared>>) target_semaphore(%run_scoped3A : memref<!tpu.dma_semaphore, #tpu.memory_space<semaphore_mem>>)
      %dma_wait3A_242 = arith.constant 0 : i32
      %dma_wait3A_243 = tpu.memref_slice %arg17[%add3A_31, %dma_wait3A_242] : memref<10000x128xf32, #tpu.memory_space<vmem_shared>> -> memref<128x128xf32, #tpu.memory_space<vmem_shared>>
      %dma_wait3A_244 = arith.constant 0 : i32
      %dma_wait3A_245 = tpu.memref_slice %arg17[%add3A_31, %dma_wait3A_244] : memref<10000x128xf32, #tpu.memory_space<vmem_shared>> -> memref<128x128xf32, #tpu.memory_space<vmem_shared>>
      tpu.wait_dma2 semaphore(%run_scoped3A : memref<!tpu.dma_semaphore, #tpu.memory_space<semaphore_mem>>) src(%arg15 : memref<128x128xf32, #tpu.memory_space<vmem>>) dst(%dma_wait3A_245 : memref<128x128xf32, #tpu.memory_space<vmem_shared>>)
      tpu.yield
    }) : () -> ()
    %add3A_32 = arith.constant 384 : i32
    %add3A_33 = arith.addi %mul3A_25, %add3A_32 : i32
    "tpu.region"() ({
      %run_scoped3A = tpu.sem_alloc : memref<!tpu.dma_semaphore, #tpu.memory_space<semaphore_mem>>
      %dma_start3A_238 = arith.constant 0 : i32
      %dma_start3A_239 = tpu.memref_slice %arg17[%add3A_33, %dma_start3A_238] : memref<10000x128xf32, #tpu.memory_space<vmem_shared>> -> memref<128x128xf32, #tpu.memory_space<vmem_shared>>
      %dma_start3A_240 = arith.constant 0 : i32
      %dma_start3A_241 = tpu.memref_slice %arg17[%add3A_33, %dma_start3A_240] : memref<10000x128xf32, #tpu.memory_space<vmem_shared>> -> memref<128x128xf32, #tpu.memory_space<vmem_shared>>
      tpu.enqueue_dma source(%arg15 : memref<128x128xf32, #tpu.memory_space<vmem>>) target(%dma_start3A_241 : memref<128x128xf32, #tpu.memory_space<vmem_shared>>) target_semaphore(%run_scoped3A : memref<!tpu.dma_semaphore, #tpu.memory_space<semaphore_mem>>)
      %dma_wait3A_242 = arith.constant 0 : i32
      %dma_wait3A_243 = tpu.memref_slice %arg17[%add3A_33, %dma_wait3A_242] : memref<10000x128xf32, #tpu.memory_space<vmem_shared>> -> memref<128x128xf32, #tpu.memory_space<vmem_shared>>
      %dma_wait3A_244 = arith.constant 0 : i32
      %dma_wait3A_245 = tpu.memref_slice %arg17[%add3A_33, %dma_wait3A_244] : memref<10000x128xf32, #tpu.memory_space<vmem_shared>> -> memref<128x128xf32, #tpu.memory_space<vmem_shared>>
      tpu.wait_dma2 semaphore(%run_scoped3A : memref<!tpu.dma_semaphore, #tpu.memory_space<semaphore_mem>>) src(%arg15 : memref<128x128xf32, #tpu.memory_space<vmem>>) dst(%dma_wait3A_245 : memref<128x128xf32, #tpu.memory_space<vmem_shared>>)
      tpu.yield
    }) : () -> ()
    %add3A_34 = arith.constant 512 : i32
    %add3A_35 = arith.addi %mul3A_25, %add3A_34 : i32
    "tpu.region"() ({
      %run_scoped3A = tpu.sem_alloc : memref<!tpu.dma_semaphore, #tpu.memory_space<semaphore_mem>>
      %dma_start3A_238 = arith.constant 0 : i32
      %dma_start3A_239 = arith.constant 0 : i32
      %dma_start3A_240 = tpu.memref_slice %arg15[%dma_start3A_238, %dma_start3A_239] : memref<128x128xf32, #tpu.memory_space<vmem>> -> memref<112x128xf32, #tpu.memory_space<vmem>>
      %dma_start3A_241 = arith.constant 0 : i32
      %dma_start3A_242 = tpu.memref_slice %arg17[%add3A_35, %dma_start3A_241] : memref<10000x128xf32, #tpu.memory_space<vmem_shared>> -> memref<112x128xf32, #tpu.memory_space<vmem_shared>>
      %dma_start3A_243 = arith.constant 0 : i32
      %dma_start3A_244 = tpu.memref_slice %arg17[%add3A_35, %dma_start3A_243] : memref<10000x128xf32, #tpu.memory_space<vmem_shared>> -> memref<112x128xf32, #tpu.memory_space<vmem_shared>>
      %dma_start3A_245 = arith.constant 0 : i32
      %dma_start3A_246 = arith.constant 0 : i32
      %dma_start3A_247 = tpu.memref_slice %arg15[%dma_start3A_245, %dma_start3A_246] : memref<128x128xf32, #tpu.memory_space<vmem>> -> memref<112x128xf32, #tpu.memory_space<vmem>>
      tpu.enqueue_dma source(%dma_start3A_247 : memref<112x128xf32, #tpu.memory_space<vmem>>) target(%dma_start3A_244 : memref<112x128xf32, #tpu.memory_space<vmem_shared>>) target_semaphore(%run_scoped3A : memref<!tpu.dma_semaphore, #tpu.memory_space<semaphore_mem>>)
      %dma_wait3A_248 = arith.constant 0 : i32
      %dma_wait3A_249 = arith.constant 0 : i32
      %dma_wait3A_250 = tpu.memref_slice %arg15[%dma_wait3A_248, %dma_wait3A_249] : memref<128x128xf32, #tpu.memory_space<vmem>> -> memref<112x128xf32, #tpu.memory_space<vmem>>
      %dma_wait3A_251 = arith.constant 0 : i32
      %dma_wait3A_252 = tpu.memref_slice %arg17[%add3A_35, %dma_wait3A_251] : memref<10000x128xf32, #tpu.memory_space<vmem_shared>> -> memref<112x128xf32, #tpu.memory_space<vmem_shared>>
      %dma_wait3A_253 = arith.constant 0 : i32
      %dma_wait3A_254 = tpu.memref_slice %arg17[%add3A_35, %dma_wait3A_253] : memref<10000x128xf32, #tpu.memory_space<vmem_shared>> -> memref<112x128xf32, #tpu.memory_space<vmem_shared>>
      %dma_wait3A_255 = arith.constant 0 : i32
      %dma_wait3A_256 = arith.constant 0 : i32
      %dma_wait3A_257 = tpu.memref_slice %arg15[%dma_wait3A_255, %dma_wait3A_256] : memref<128x128xf32, #tpu.memory_space<vmem>> -> memref<112x128xf32, #tpu.memory_space<vmem>>
      tpu.wait_dma2 semaphore(%run_scoped3A : memref<!tpu.dma_semaphore, #tpu.memory_space<semaphore_mem>>) src(%dma_wait3A_257 : memref<112x128xf32, #tpu.memory_space<vmem>>) dst(%dma_wait3A_254 : memref<112x128xf32, #tpu.memory_space<vmem_shared>>)
      tpu.yield
    }) : () -> ()
    %eq3A = arith.constant 15 : i32
    %eq3A_36 = arith.cmpi eq, %arg1, %eq3A : i32
    %convert_element_type3A = arith.extui %eq3A_36 : i1 to i32
    %cond3A = arith.constant 0 : i32
    %cond3A_37 = arith.cmpi ne, %convert_element_type3A, %cond3A : i32
    scf.if %cond3A_37 {
      "tpu.region"() ({
        %run_scoped3A = tpu.sem_alloc : memref<!tpu.dma_semaphore, #tpu.memory_space<semaphore_mem>>
        %dma_start3A_238 = arith.constant 0 : i32
        %dma_start3A_239 = arith.constant 0 : i32
        %dma_start3A_240 = tpu.memref_slice %arg15[%dma_start3A_238, %dma_start3A_239] : memref<128x128xf32, #tpu.memory_space<vmem>> -> memref<16x128xf32, #tpu.memory_space<vmem>>
        %dma_start3A_241 = arith.constant 9984 : i32
        %dma_start3A_242 = arith.constant 0 : i32
        %dma_start3A_243 = tpu.memref_slice %arg17[%dma_start3A_241, %dma_start3A_242] : memref<10000x128xf32, #tpu.memory_space<vmem_shared>> -> memref<16x128xf32, #tpu.memory_space<vmem_shared>>
        %dma_start3A_244 = arith.constant 9984 : i32
        %dma_start3A_245 = arith.constant 0 : i32
        %dma_start3A_246 = tpu.memref_slice %arg17[%dma_start3A_244, %dma_start3A_245] : memref<10000x128xf32, #tpu.memory_space<vmem_shared>> -> memref<16x128xf32, #tpu.memory_space<vmem_shared>>
        %dma_start3A_247 = arith.constant 0 : i32
        %dma_start3A_248 = arith.constant 0 : i32
        %dma_start3A_249 = tpu.memref_slice %arg15[%dma_start3A_247, %dma_start3A_248] : memref<128x128xf32, #tpu.memory_space<vmem>> -> memref<16x128xf32, #tpu.memory_space<vmem>>
        tpu.enqueue_dma source(%dma_start3A_249 : memref<16x128xf32, #tpu.memory_space<vmem>>) target(%dma_start3A_246 : memref<16x128xf32, #tpu.memory_space<vmem_shared>>) target_semaphore(%run_scoped3A : memref<!tpu.dma_semaphore, #tpu.memory_space<semaphore_mem>>)
        %dma_wait3A_250 = arith.constant 0 : i32
        %dma_wait3A_251 = arith.constant 0 : i32
        %dma_wait3A_252 = tpu.memref_slice %arg15[%dma_wait3A_250, %dma_wait3A_251] : memref<128x128xf32, #tpu.memory_space<vmem>> -> memref<16x128xf32, #tpu.memory_space<vmem>>
        %dma_wait3A_253 = arith.constant 9984 : i32
        %dma_wait3A_254 = arith.constant 0 : i32
        %dma_wait3A_255 = tpu.memref_slice %arg17[%dma_wait3A_253, %dma_wait3A_254] : memref<10000x128xf32, #tpu.memory_space<vmem_shared>> -> memref<16x128xf32, #tpu.memory_space<vmem_shared>>
        %dma_wait3A_256 = arith.constant 9984 : i32
        %dma_wait3A_257 = arith.constant 0 : i32
        %dma_wait3A_258 = tpu.memref_slice %arg17[%dma_wait3A_256, %dma_wait3A_257] : memref<10000x128xf32, #tpu.memory_space<vmem_shared>> -> memref<16x128xf32, #tpu.memory_space<vmem_shared>>
        %dma_wait3A_259 = arith.constant 0 : i32
        %dma_wait3A_260 = arith.constant 0 : i32
        %dma_wait3A_261 = tpu.memref_slice %arg15[%dma_wait3A_259, %dma_wait3A_260] : memref<128x128xf32, #tpu.memory_space<vmem>> -> memref<16x128xf32, #tpu.memory_space<vmem>>
        tpu.wait_dma2 semaphore(%run_scoped3A : memref<!tpu.dma_semaphore, #tpu.memory_space<semaphore_mem>>) src(%dma_wait3A_261 : memref<16x128xf32, #tpu.memory_space<vmem>>) dst(%dma_wait3A_258 : memref<16x128xf32, #tpu.memory_space<vmem_shared>>)
        tpu.yield
      }) : () -> ()
    } else {
    }
    %barrier3A = arith.constant 0 : index
    tpu.barrier barrier_id(%barrier3A)
    %mul3A_38 = arith.constant 19968 : i32
    %mul3A_39 = arith.muli %arg1, %mul3A_38 : i32
    %add3A_40 = arith.addi %mul3A_2, %mul3A_39 : i32
    %mul3A_41 = arith.constant 156 : i32
    %mul3A_42 = arith.muli %arg1, %mul3A_41 : i32
    %add3A_43 = arith.constant 0 : i32
    %add3A_44 = arith.addi %mul3A_42, %add3A_43 : i32
    %min3A = arith.constant 2495 : i32
    %min3A_45 = arith.minsi %add3A_44, %min3A : i32
    %add3A_46 = arith.constant 0 : i32
    %add3A_47 = arith.addi %add3A_40, %add3A_46 : i32
    %dma_start3A = arith.constant 0 : i32
    %dma_start3A_48 = tpu.memref_slice %arg3[%add3A_47, %dma_start3A] : memref<640000x128xf32, #tpu.memory_space<hbm>> -> memref<128x128xf32, #tpu.memory_space<hbm>>
    %dma_start3A_49 = arith.constant 0 : i32
    %dma_start3A_50 = tpu.memref_slice %arg3[%add3A_47, %dma_start3A_49] : memref<640000x128xf32, #tpu.memory_space<hbm>> -> memref<128x128xf32, #tpu.memory_space<hbm>>
    tpu.enqueue_dma source(%dma_start3A_50 : memref<128x128xf32, #tpu.memory_space<hbm>>) target(%arg15 : memref<128x128xf32, #tpu.memory_space<vmem>>) target_semaphore(%arg18 : memref<!tpu.dma_semaphore, #tpu.memory_space<semaphore_mem>>)
    %dma_start3A_51 = arith.constant 0 : i32
    %dma_start3A_52 = tpu.memref_slice %arg4[%min3A_45, %dma_start3A_51] : memref<2496x128xi32, #tpu.memory_space<hbm>> -> memref<1x128xi32, #tpu.memory_space<hbm>>
    %dma_start3A_53 = tpu.memref_squeeze %dma_start3A_52 : memref<1x128xi32, #tpu.memory_space<hbm>> -> memref<128xi32, #tpu.memory_space<hbm>>
    %dma_start3A_54 = arith.constant 0 : i32
    %dma_start3A_55 = tpu.memref_slice %arg4[%min3A_45, %dma_start3A_54] : memref<2496x128xi32, #tpu.memory_space<hbm>> -> memref<1x128xi32, #tpu.memory_space<hbm>>
    %dma_start3A_56 = tpu.memref_squeeze %dma_start3A_55 : memref<1x128xi32, #tpu.memory_space<hbm>> -> memref<128xi32, #tpu.memory_space<hbm>>
    tpu.enqueue_dma source(%dma_start3A_56 : memref<128xi32, #tpu.memory_space<hbm>>) target(%arg9 : memref<128xi32, #tpu.memory_space<vmem>>) target_semaphore(%arg20 : memref<!tpu.dma_semaphore, #tpu.memory_space<semaphore_mem>>)
    %dma_start3A_57 = arith.constant 0 : i32
    %dma_start3A_58 = tpu.memref_slice %arg5[%min3A_45, %dma_start3A_57] : memref<2496x128xi32, #tpu.memory_space<hbm>> -> memref<1x128xi32, #tpu.memory_space<hbm>>
    %dma_start3A_59 = tpu.memref_squeeze %dma_start3A_58 : memref<1x128xi32, #tpu.memory_space<hbm>> -> memref<128xi32, #tpu.memory_space<hbm>>
    %dma_start3A_60 = arith.constant 0 : i32
    %dma_start3A_61 = tpu.memref_slice %arg5[%min3A_45, %dma_start3A_60] : memref<2496x128xi32, #tpu.memory_space<hbm>> -> memref<1x128xi32, #tpu.memory_space<hbm>>
    %dma_start3A_62 = tpu.memref_squeeze %dma_start3A_61 : memref<1x128xi32, #tpu.memory_space<hbm>> -> memref<128xi32, #tpu.memory_space<hbm>>
    tpu.enqueue_dma source(%dma_start3A_62 : memref<128xi32, #tpu.memory_space<hbm>>) target(%arg11 : memref<128xi32, #tpu.memory_space<vmem>>) target_semaphore(%arg22 : memref<!tpu.dma_semaphore, #tpu.memory_space<semaphore_mem>>)
    %mul3A_63 = arith.constant 156 : i32
    %mul3A_64 = arith.muli %arg1, %mul3A_63 : i32
    %add3A_65 = arith.constant 1 : i32
    %add3A_66 = arith.addi %mul3A_64, %add3A_65 : i32
    %min3A_67 = arith.constant 2495 : i32
    %min3A_68 = arith.minsi %add3A_66, %min3A_67 : i32
    %add3A_69 = arith.constant 128 : i32
    %add3A_70 = arith.addi %add3A_40, %add3A_69 : i32
    %dma_start3A_71 = arith.constant 0 : i32
    %dma_start3A_72 = tpu.memref_slice %arg3[%add3A_70, %dma_start3A_71] : memref<640000x128xf32, #tpu.memory_space<hbm>> -> memref<128x128xf32, #tpu.memory_space<hbm>>
    %dma_start3A_73 = arith.constant 0 : i32
    %dma_start3A_74 = tpu.memref_slice %arg3[%add3A_70, %dma_start3A_73] : memref<640000x128xf32, #tpu.memory_space<hbm>> -> memref<128x128xf32, #tpu.memory_space<hbm>>
    tpu.enqueue_dma source(%dma_start3A_74 : memref<128x128xf32, #tpu.memory_space<hbm>>) target(%arg16 : memref<128x128xf32, #tpu.memory_space<vmem>>) target_semaphore(%arg19 : memref<!tpu.dma_semaphore, #tpu.memory_space<semaphore_mem>>)
    %dma_start3A_75 = arith.constant 0 : i32
    %dma_start3A_76 = tpu.memref_slice %arg4[%min3A_68, %dma_start3A_75] : memref<2496x128xi32, #tpu.memory_space<hbm>> -> memref<1x128xi32, #tpu.memory_space<hbm>>
    %dma_start3A_77 = tpu.memref_squeeze %dma_start3A_76 : memref<1x128xi32, #tpu.memory_space<hbm>> -> memref<128xi32, #tpu.memory_space<hbm>>
    %dma_start3A_78 = arith.constant 0 : i32
    %dma_start3A_79 = tpu.memref_slice %arg4[%min3A_68, %dma_start3A_78] : memref<2496x128xi32, #tpu.memory_space<hbm>> -> memref<1x128xi32, #tpu.memory_space<hbm>>
    %dma_start3A_80 = tpu.memref_squeeze %dma_start3A_79 : memref<1x128xi32, #tpu.memory_space<hbm>> -> memref<128xi32, #tpu.memory_space<hbm>>
    tpu.enqueue_dma source(%dma_start3A_80 : memref<128xi32, #tpu.memory_space<hbm>>) target(%arg10 : memref<128xi32, #tpu.memory_space<vmem>>) target_semaphore(%arg21 : memref<!tpu.dma_semaphore, #tpu.memory_space<semaphore_mem>>)
    %dma_start3A_81 = arith.constant 0 : i32
    %dma_start3A_82 = tpu.memref_slice %arg5[%min3A_68, %dma_start3A_81] : memref<2496x128xi32, #tpu.memory_space<hbm>> -> memref<1x128xi32, #tpu.memory_space<hbm>>
    %dma_start3A_83 = tpu.memref_squeeze %dma_start3A_82 : memref<1x128xi32, #tpu.memory_space<hbm>> -> memref<128xi32, #tpu.memory_space<hbm>>
    %dma_start3A_84 = arith.constant 0 : i32
    %dma_start3A_85 = tpu.memref_slice %arg5[%min3A_68, %dma_start3A_84] : memref<2496x128xi32, #tpu.memory_space<hbm>> -> memref<1x128xi32, #tpu.memory_space<hbm>>
    %dma_start3A_86 = tpu.memref_squeeze %dma_start3A_85 : memref<1x128xi32, #tpu.memory_space<hbm>> -> memref<128xi32, #tpu.memory_space<hbm>>
    tpu.enqueue_dma source(%dma_start3A_86 : memref<128xi32, #tpu.memory_space<hbm>>) target(%arg12 : memref<128xi32, #tpu.memory_space<vmem>>) target_semaphore(%arg23 : memref<!tpu.dma_semaphore, #tpu.memory_space<semaphore_mem>>)
    %dma_wait3A = arith.constant 0 : i32
    %dma_wait3A_87 = arith.constant 0 : i32
    %dma_wait3A_88 = tpu.memref_slice %arg3[%dma_wait3A, %dma_wait3A_87] : memref<640000x128xf32, #tpu.memory_space<hbm>> -> memref<128x128xf32, #tpu.memory_space<hbm>>
    %dma_wait3A_89 = arith.constant 0 : i32
    %dma_wait3A_90 = arith.constant 0 : i32
    %dma_wait3A_91 = tpu.memref_slice %arg3[%dma_wait3A_89, %dma_wait3A_90] : memref<640000x128xf32, #tpu.memory_space<hbm>> -> memref<128x128xf32, #tpu.memory_space<hbm>>
    tpu.wait_dma2 semaphore(%arg18 : memref<!tpu.dma_semaphore, #tpu.memory_space<semaphore_mem>>) src(%dma_wait3A_91 : memref<128x128xf32, #tpu.memory_space<hbm>>) dst(%arg15 : memref<128x128xf32, #tpu.memory_space<vmem>>)
    %dma_wait3A_92 = arith.constant 0 : i32
    %dma_wait3A_93 = arith.constant 0 : i32
    %dma_wait3A_94 = tpu.memref_slice %arg4[%dma_wait3A_92, %dma_wait3A_93] : memref<2496x128xi32, #tpu.memory_space<hbm>> -> memref<1x128xi32, #tpu.memory_space<hbm>>
    %dma_wait3A_95 = tpu.memref_squeeze %dma_wait3A_94 : memref<1x128xi32, #tpu.memory_space<hbm>> -> memref<128xi32, #tpu.memory_space<hbm>>
    %dma_wait3A_96 = arith.constant 0 : i32
    %dma_wait3A_97 = tpu.memref_slice %arg4[%dma_wait3A_92, %dma_wait3A_96] : memref<2496x128xi32, #tpu.memory_space<hbm>> -> memref<1x128xi32, #tpu.memory_space<hbm>>
    %dma_wait3A_98 = tpu.memref_squeeze %dma_wait3A_97 : memref<1x128xi32, #tpu.memory_space<hbm>> -> memref<128xi32, #tpu.memory_space<hbm>>
    tpu.wait_dma2 semaphore(%arg20 : memref<!tpu.dma_semaphore, #tpu.memory_space<semaphore_mem>>) src(%dma_wait3A_98 : memref<128xi32, #tpu.memory_space<hbm>>) dst(%arg9 : memref<128xi32, #tpu.memory_space<vmem>>)
    %get3A_99 = arith.constant 0 : index
    %get3A_100 = tpu.vector_load %arg9[%get3A_99] {strides = array<i32>} : memref<128xi32, #tpu.memory_space<vmem>>, vector<16xi32>,
    %get3A_101 = vector.shape_cast %get3A_100 : vector<16xi32> to vector<16xi32>
    %add3A_102 = vector.broadcast %mul3A_0 : i32 to vector<16xi32>
    %add3A_103 = arith.addi %get3A_101, %add3A_102 : vector<16xi32>
    %swap3A_104 = arith.constant 0 : index
    %swap3A_105 = tpu.vector_load %arg9[%swap3A_104] {strides = array<i32>} : memref<128xi32, #tpu.memory_space<vmem>>, vector<16xi32>,
    %swap3A_106 = vector.shape_cast %swap3A_105 : vector<16xi32> to vector<16xi32>
    %swap3A_107 = vector.shape_cast %add3A_103 : vector<16xi32> to vector<16xi32>
    tpu.vector_store %arg9[%swap3A_104], %swap3A_107 {strides = array<i32>} : memref<128xi32, #tpu.memory_space<vmem>>, vector<16xi32>,
    %get3A_108 = arith.constant 16 : index
    %get3A_109 = tpu.vector_load %arg9[%get3A_108] {strides = array<i32>} : memref<128xi32, #tpu.memory_space<vmem>>, vector<16xi32>,
    %get3A_110 = vector.shape_cast %get3A_109 : vector<16xi32> to vector<16xi32>
    %add3A_111 = vector.broadcast %mul3A_0 : i32 to vector<16xi32>
    %add3A_112 = arith.addi %get3A_110, %add3A_111 : vector<16xi32>
    %swap3A_113 = arith.constant 16 : index
    %swap3A_114 = tpu.vector_load %arg9[%swap3A_113] {strides = array<i32>} : memref<128xi32, #tpu.memory_space<vmem>>, vector<16xi32>,
    %swap3A_115 = vector.shape_cast %swap3A_114 : vector<16xi32> to vector<16xi32>
    %swap3A_116 = vector.shape_cast %add3A_112 : vector<16xi32> to vector<16xi32>
    tpu.vector_store %arg9[%swap3A_113], %swap3A_116 {strides = array<i32>} : memref<128xi32, #tpu.memory_space<vmem>>, vector<16xi32>,
    %get3A_117 = arith.constant 32 : index
    %get3A_118 = tpu.vector_load %arg9[%get3A_117] {strides = array<i32>} : memref<128xi32, #tpu.memory_space<vmem>>, vector<16xi32>,
    %get3A_119 = vector.shape_cast %get3A_118 : vector<16xi32> to vector<16xi32>
    %add3A_120 = vector.broadcast %mul3A_0 : i32 to vector<16xi32>
    %add3A_121 = arith.addi %get3A_119, %add3A_120 : vector<16xi32>
    %swap3A_122 = arith.constant 32 : index
    %swap3A_123 = tpu.vector_load %arg9[%swap3A_122] {strides = array<i32>} : memref<128xi32, #tpu.memory_space<vmem>>, vector<16xi32>,
    %swap3A_124 = vector.shape_cast %swap3A_123 : vector<16xi32> to vector<16xi32>
    %swap3A_125 = vector.shape_cast %add3A_121 : vector<16xi32> to vector<16xi32>
    tpu.vector_store %arg9[%swap3A_122], %swap3A_125 {strides = array<i32>} : memref<128xi32, #tpu.memory_space<vmem>>, vector<16xi32>,
    %get3A_126 = arith.constant 48 : index
    %get3A_127 = tpu.vector_load %arg9[%get3A_126] {strides = array<i32>} : memref<128xi32, #tpu.memory_space<vmem>>, vector<16xi32>,
    %get3A_128 = vector.shape_cast %get3A_127 : vector<16xi32> to vector<16xi32>
    %add3A_129 = vector.broadcast %mul3A_0 : i32 to vector<16xi32>
    %add3A_130 = arith.addi %get3A_128, %add3A_129 : vector<16xi32>
    %swap3A_131 = arith.constant 48 : index
    %swap3A_132 = tpu.vector_load %arg9[%swap3A_131] {strides = array<i32>} : memref<128xi32, #tpu.memory_space<vmem>>, vector<16xi32>,
    %swap3A_133 = vector.shape_cast %swap3A_132 : vector<16xi32> to vector<16xi32>
    %swap3A_134 = vector.shape_cast %add3A_130 : vector<16xi32> to vector<16xi32>
    tpu.vector_store %arg9[%swap3A_131], %swap3A_134 {strides = array<i32>} : memref<128xi32, #tpu.memory_space<vmem>>, vector<16xi32>,
    %get3A_135 = arith.constant 64 : index
    %get3A_136 = tpu.vector_load %arg9[%get3A_135] {strides = array<i32>} : memref<128xi32, #tpu.memory_space<vmem>>, vector<16xi32>,
    %get3A_137 = vector.shape_cast %get3A_136 : vector<16xi32> to vector<16xi32>
    %add3A_138 = vector.broadcast %mul3A_0 : i32 to vector<16xi32>
    %add3A_139 = arith.addi %get3A_137, %add3A_138 : vector<16xi32>
    %swap3A_140 = arith.constant 64 : index
    %swap3A_141 = tpu.vector_load %arg9[%swap3A_140] {strides = array<i32>} : memref<128xi32, #tpu.memory_space<vmem>>, vector<16xi32>,
    %swap3A_142 = vector.shape_cast %swap3A_141 : vector<16xi32> to vector<16xi32>
    %swap3A_143 = vector.shape_cast %add3A_139 : vector<16xi32> to vector<16xi32>
    tpu.vector_store %arg9[%swap3A_140], %swap3A_143 {strides = array<i32>} : memref<128xi32, #tpu.memory_space<vmem>>, vector<16xi32>,
    %get3A_144 = arith.constant 80 : index
    %get3A_145 = tpu.vector_load %arg9[%get3A_144] {strides = array<i32>} : memref<128xi32, #tpu.memory_space<vmem>>, vector<16xi32>,
    %get3A_146 = vector.shape_cast %get3A_145 : vector<16xi32> to vector<16xi32>
    %add3A_147 = vector.broadcast %mul3A_0 : i32 to vector<16xi32>
    %add3A_148 = arith.addi %get3A_146, %add3A_147 : vector<16xi32>
    %swap3A_149 = arith.constant 80 : index
    %swap3A_150 = tpu.vector_load %arg9[%swap3A_149] {strides = array<i32>} : memref<128xi32, #tpu.memory_space<vmem>>, vector<16xi32>,
    %swap3A_151 = vector.shape_cast %swap3A_150 : vector<16xi32> to vector<16xi32>
    %swap3A_152 = vector.shape_cast %add3A_148 : vector<16xi32> to vector<16xi32>
    tpu.vector_store %arg9[%swap3A_149], %swap3A_152 {strides = array<i32>} : memref<128xi32, #tpu.memory_space<vmem>>, vector<16xi32>,
    %get3A_153 = arith.constant 96 : index
    %get3A_154 = tpu.vector_load %arg9[%get3A_153] {strides = array<i32>} : memref<128xi32, #tpu.memory_space<vmem>>, vector<16xi32>,
    %get3A_155 = vector.shape_cast %get3A_154 : vector<16xi32> to vector<16xi32>
    %add3A_156 = vector.broadcast %mul3A_0 : i32 to vector<16xi32>
    %add3A_157 = arith.addi %get3A_155, %add3A_156 : vector<16xi32>
    %swap3A_158 = arith.constant 96 : index
    %swap3A_159 = tpu.vector_load %arg9[%swap3A_158] {strides = array<i32>} : memref<128xi32, #tpu.memory_space<vmem>>, vector<16xi32>,
    %swap3A_160 = vector.shape_cast %swap3A_159 : vector<16xi32> to vector<16xi32>
    %swap3A_161 = vector.shape_cast %add3A_157 : vector<16xi32> to vector<16xi32>
    tpu.vector_store %arg9[%swap3A_158], %swap3A_161 {strides = array<i32>} : memref<128xi32, #tpu.memory_space<vmem>>, vector<16xi32>,
    %get3A_162 = arith.constant 112 : index
    %get3A_163 = tpu.vector_load %arg9[%get3A_162] {strides = array<i32>} : memref<128xi32, #tpu.memory_space<vmem>>, vector<16xi32>,
    %get3A_164 = vector.shape_cast %get3A_163 : vector<16xi32> to vector<16xi32>
    %add3A_165 = vector.broadcast %mul3A_0 : i32 to vector<16xi32>
    %add3A_166 = arith.addi %get3A_164, %add3A_165 : vector<16xi32>
    %swap3A_167 = arith.constant 112 : index
    %swap3A_168 = tpu.vector_load %arg9[%swap3A_167] {strides = array<i32>} : memref<128xi32, #tpu.memory_space<vmem>>, vector<16xi32>,
    %swap3A_169 = vector.shape_cast %swap3A_168 : vector<16xi32> to vector<16xi32>
    %swap3A_170 = vector.shape_cast %add3A_166 : vector<16xi32> to vector<16xi32>
    tpu.vector_store %arg9[%swap3A_167], %swap3A_170 {strides = array<i32>} : memref<128xi32, #tpu.memory_space<vmem>>, vector<16xi32>,
    %dma_start3A_171 = arith.constant 0 : i32
    %dma_start3A_172 = arith.constant 0 : i32
    %dma_start3A_173 = tpu.memref_slice %arg2[%dma_start3A_171, %dma_start3A_172] : memref<20000x128xf32, #tpu.memory_space<hbm>> -> memref<20000x128xf32, #tpu.memory_space<hbm>>
    tpu.enqueue_indirect_dma source(%dma_start3A_173 : memref<20000x128xf32, #tpu.memory_space<hbm>>) target(%arg15 : memref<128x128xf32, #tpu.memory_space<vmem>>) offsets(%arg9 : memref<128xi32, #tpu.memory_space<vmem>>) semaphore(%arg24 : memref<!tpu.dma_semaphore, #tpu.memory_space<semaphore_mem>>) {add = true}
    %scan3A_174 = arith.constant 0 : i32
    %scan3A_175 = arith.constant 0 : i32
    %scan3A_176 = arith.constant 78 : i32
    %scan3A_177 = arith.addi %scan3A_175, %scan3A_176 : i32
    %scan3A_178 = arith.constant 1 : i32
    scf.for %scan3A_238 = %scan3A_175 to %scan3A_177 step %scan3A_178  : i32 {
      %mul3A_239 = arith.constant 2 : i32
      %mul3A_240 = arith.muli %mul3A_239, %scan3A_238 : i32
      %dma_wait3A_241 = arith.constant 0 : i32
      %dma_wait3A_242 = arith.constant 0 : i32
      %dma_wait3A_243 = tpu.memref_slice %arg3[%dma_wait3A_241, %dma_wait3A_242] : memref<640000x128xf32, #tpu.memory_space<hbm>> -> memref<128x128xf32, #tpu.memory_space<hbm>>
      %dma_wait3A_244 = arith.constant 0 : i32
      %dma_wait3A_245 = arith.constant 0 : i32
      %dma_wait3A_246 = tpu.memref_slice %arg3[%dma_wait3A_244, %dma_wait3A_245] : memref<640000x128xf32, #tpu.memory_space<hbm>> -> memref<128x128xf32, #tpu.memory_space<hbm>>
      tpu.wait_dma2 semaphore(%arg19 : memref<!tpu.dma_semaphore, #tpu.memory_space<semaphore_mem>>) src(%dma_wait3A_246 : memref<128x128xf32, #tpu.memory_space<hbm>>) dst(%arg16 : memref<128x128xf32, #tpu.memory_space<vmem>>)
      %dma_wait3A_247 = arith.constant 0 : i32
      %dma_wait3A_248 = arith.constant 0 : i32
      %dma_wait3A_249 = tpu.memref_slice %arg4[%dma_wait3A_247, %dma_wait3A_248] : memref<2496x128xi32, #tpu.memory_space<hbm>> -> memref<1x128xi32, #tpu.memory_space<hbm>>
      %dma_wait3A_250 = tpu.memref_squeeze %dma_wait3A_249 : memref<1x128xi32, #tpu.memory_space<hbm>> -> memref<128xi32, #tpu.memory_space<hbm>>
      %dma_wait3A_251 = arith.constant 0 : i32
      %dma_wait3A_252 = tpu.memref_slice %arg4[%dma_wait3A_247, %dma_wait3A_251] : memref<2496x128xi32, #tpu.memory_space<hbm>> -> memref<1x128xi32, #tpu.memory_space<hbm>>
      %dma_wait3A_253 = tpu.memref_squeeze %dma_wait3A_252 : memref<1x128xi32, #tpu.memory_space<hbm>> -> memref<128xi32, #tpu.memory_space<hbm>>
      tpu.wait_dma2 semaphore(%arg21 : memref<!tpu.dma_semaphore, #tpu.memory_space<semaphore_mem>>) src(%dma_wait3A_253 : memref<128xi32, #tpu.memory_space<hbm>>) dst(%arg10 : memref<128xi32, #tpu.memory_space<vmem>>)
      %get3A_254 = arith.constant 0 : index
      %get3A_255 = tpu.vector_load %arg10[%get3A_254] {strides = array<i32>} : memref<128xi32, #tpu.memory_space<vmem>>, vector<16xi32>,
      %get3A_256 = vector.shape_cast %get3A_255 : vector<16xi32> to vector<16xi32>
      %add3A_257 = vector.broadcast %mul3A_0 : i32 to vector<16xi32>
      %add3A_258 = arith.addi %get3A_256, %add3A_257 : vector<16xi32>
      %swap3A_259 = arith.constant 0 : index
      %swap3A_260 = tpu.vector_load %arg10[%swap3A_259] {strides = array<i32>} : memref<128xi32, #tpu.memory_space<vmem>>, vector<16xi32>,
      %swap3A_261 = vector.shape_cast %swap3A_260 : vector<16xi32> to vector<16xi32>
      %swap3A_262 = vector.shape_cast %add3A_258 : vector<16xi32> to vector<16xi32>
      tpu.vector_store %arg10[%swap3A_259], %swap3A_262 {strides = array<i32>} : memref<128xi32, #tpu.memory_space<vmem>>, vector<16xi32>,
      %get3A_263 = arith.constant 16 : index
      %get3A_264 = tpu.vector_load %arg10[%get3A_263] {strides = array<i32>} : memref<128xi32, #tpu.memory_space<vmem>>, vector<16xi32>,
      %get3A_265 = vector.shape_cast %get3A_264 : vector<16xi32> to vector<16xi32>
      %add3A_266 = vector.broadcast %mul3A_0 : i32 to vector<16xi32>
      %add3A_267 = arith.addi %get3A_265, %add3A_266 : vector<16xi32>
      %swap3A_268 = arith.constant 16 : index
      %swap3A_269 = tpu.vector_load %arg10[%swap3A_268] {strides = array<i32>} : memref<128xi32, #tpu.memory_space<vmem>>, vector<16xi32>,
      %swap3A_270 = vector.shape_cast %swap3A_269 : vector<16xi32> to vector<16xi32>
      %swap3A_271 = vector.shape_cast %add3A_267 : vector<16xi32> to vector<16xi32>
      tpu.vector_store %arg10[%swap3A_268], %swap3A_271 {strides = array<i32>} : memref<128xi32, #tpu.memory_space<vmem>>, vector<16xi32>,
      %get3A_272 = arith.constant 32 : index
      %get3A_273 = tpu.vector_load %arg10[%get3A_272] {strides = array<i32>} : memref<128xi32, #tpu.memory_space<vmem>>, vector<16xi32>,
      %get3A_274 = vector.shape_cast %get3A_273 : vector<16xi32> to vector<16xi32>
      %add3A_275 = vector.broadcast %mul3A_0 : i32 to vector<16xi32>
      %add3A_276 = arith.addi %get3A_274, %add3A_275 : vector<16xi32>
      %swap3A_277 = arith.constant 32 : index
      %swap3A_278 = tpu.vector_load %arg10[%swap3A_277] {strides = array<i32>} : memref<128xi32, #tpu.memory_space<vmem>>, vector<16xi32>,
      %swap3A_279 = vector.shape_cast %swap3A_278 : vector<16xi32> to vector<16xi32>
      %swap3A_280 = vector.shape_cast %add3A_276 : vector<16xi32> to vector<16xi32>
      tpu.vector_store %arg10[%swap3A_277], %swap3A_280 {strides = array<i32>} : memref<128xi32, #tpu.memory_space<vmem>>, vector<16xi32>,
      %get3A_281 = arith.constant 48 : index
      %get3A_282 = tpu.vector_load %arg10[%get3A_281] {strides = array<i32>} : memref<128xi32, #tpu.memory_space<vmem>>, vector<16xi32>,
      %get3A_283 = vector.shape_cast %get3A_282 : vector<16xi32> to vector<16xi32>
      %add3A_284 = vector.broadcast %mul3A_0 : i32 to vector<16xi32>
      %add3A_285 = arith.addi %get3A_283, %add3A_284 : vector<16xi32>
      %swap3A_286 = arith.constant 48 : index
      %swap3A_287 = tpu.vector_load %arg10[%swap3A_286] {strides = array<i32>} : memref<128xi32, #tpu.memory_space<vmem>>, vector<16xi32>,
      %swap3A_288 = vector.shape_cast %swap3A_287 : vector<16xi32> to vector<16xi32>
      %swap3A_289 = vector.shape_cast %add3A_285 : vector<16xi32> to vector<16xi32>
      tpu.vector_store %arg10[%swap3A_286], %swap3A_289 {strides = array<i32>} : memref<128xi32, #tpu.memory_space<vmem>>, vector<16xi32>,
      %get3A_290 = arith.constant 64 : index
      %get3A_291 = tpu.vector_load %arg10[%get3A_290] {strides = array<i32>} : memref<128xi32, #tpu.memory_space<vmem>>, vector<16xi32>,
      %get3A_292 = vector.shape_cast %get3A_291 : vector<16xi32> to vector<16xi32>
      %add3A_293 = vector.broadcast %mul3A_0 : i32 to vector<16xi32>
      %add3A_294 = arith.addi %get3A_292, %add3A_293 : vector<16xi32>
      %swap3A_295 = arith.constant 64 : index
      %swap3A_296 = tpu.vector_load %arg10[%swap3A_295] {strides = array<i32>} : memref<128xi32, #tpu.memory_space<vmem>>, vector<16xi32>,
      %swap3A_297 = vector.shape_cast %swap3A_296 : vector<16xi32> to vector<16xi32>
      %swap3A_298 = vector.shape_cast %add3A_294 : vector<16xi32> to vector<16xi32>
      tpu.vector_store %arg10[%swap3A_295], %swap3A_298 {strides = array<i32>} : memref<128xi32, #tpu.memory_space<vmem>>, vector<16xi32>,
      %get3A_299 = arith.constant 80 : index
      %get3A_300 = tpu.vector_load %arg10[%get3A_299] {strides = array<i32>} : memref<128xi32, #tpu.memory_space<vmem>>, vector<16xi32>,
      %get3A_301 = vector.shape_cast %get3A_300 : vector<16xi32> to vector<16xi32>
      %add3A_302 = vector.broadcast %mul3A_0 : i32 to vector<16xi32>
      %add3A_303 = arith.addi %get3A_301, %add3A_302 : vector<16xi32>
      %swap3A_304 = arith.constant 80 : index
      %swap3A_305 = tpu.vector_load %arg10[%swap3A_304] {strides = array<i32>} : memref<128xi32, #tpu.memory_space<vmem>>, vector<16xi32>,
      %swap3A_306 = vector.shape_cast %swap3A_305 : vector<16xi32> to vector<16xi32>
      %swap3A_307 = vector.shape_cast %add3A_303 : vector<16xi32> to vector<16xi32>
      tpu.vector_store %arg10[%swap3A_304], %swap3A_307 {strides = array<i32>} : memref<128xi32, #tpu.memory_space<vmem>>, vector<16xi32>,
      %get3A_308 = arith.constant 96 : index
      %get3A_309 = tpu.vector_load %arg10[%get3A_308] {strides = array<i32>} : memref<128xi32, #tpu.memory_space<vmem>>, vector<16xi32>,
      %get3A_310 = vector.shape_cast %get3A_309 : vector<16xi32> to vector<16xi32>
      %add3A_311 = vector.broadcast %mul3A_0 : i32 to vector<16xi32>
      %add3A_312 = arith.addi %get3A_310, %add3A_311 : vector<16xi32>
      %swap3A_313 = arith.constant 96 : index
      %swap3A_314 = tpu.vector_load %arg10[%swap3A_313] {strides = array<i32>} : memref<128xi32, #tpu.memory_space<vmem>>, vector<16xi32>,
      %swap3A_315 = vector.shape_cast %swap3A_314 : vector<16xi32> to vector<16xi32>
      %swap3A_316 = vector.shape_cast %add3A_312 : vector<16xi32> to vector<16xi32>
      tpu.vector_store %arg10[%swap3A_313], %swap3A_316 {strides = array<i32>} : memref<128xi32, #tpu.memory_space<vmem>>, vector<16xi32>,
      %get3A_317 = arith.constant 112 : index
      %get3A_318 = tpu.vector_load %arg10[%get3A_317] {strides = array<i32>} : memref<128xi32, #tpu.memory_space<vmem>>, vector<16xi32>,
      %get3A_319 = vector.shape_cast %get3A_318 : vector<16xi32> to vector<16xi32>
      %add3A_320 = vector.broadcast %mul3A_0 : i32 to vector<16xi32>
      %add3A_321 = arith.addi %get3A_319, %add3A_320 : vector<16xi32>
      %swap3A_322 = arith.constant 112 : index
      %swap3A_323 = tpu.vector_load %arg10[%swap3A_322] {strides = array<i32>} : memref<128xi32, #tpu.memory_space<vmem>>, vector<16xi32>,
      %swap3A_324 = vector.shape_cast %swap3A_323 : vector<16xi32> to vector<16xi32>
      %swap3A_325 = vector.shape_cast %add3A_321 : vector<16xi32> to vector<16xi32>
      tpu.vector_store %arg10[%swap3A_322], %swap3A_325 {strides = array<i32>} : memref<128xi32, #tpu.memory_space<vmem>>, vector<16xi32>,
      %dma_start3A_326 = arith.constant 0 : i32
      %dma_start3A_327 = arith.constant 0 : i32
      %dma_start3A_328 = tpu.memref_slice %arg2[%dma_start3A_326, %dma_start3A_327] : memref<20000x128xf32, #tpu.memory_space<hbm>> -> memref<20000x128xf32, #tpu.memory_space<hbm>>
      tpu.enqueue_indirect_dma source(%dma_start3A_328 : memref<20000x128xf32, #tpu.memory_space<hbm>>) target(%arg16 : memref<128x128xf32, #tpu.memory_space<vmem>>) offsets(%arg10 : memref<128xi32, #tpu.memory_space<vmem>>) semaphore(%arg25 : memref<!tpu.dma_semaphore, #tpu.memory_space<semaphore_mem>>) {add = true}
      %dma_wait3A_329 = arith.constant 0 : i32
      %dma_wait3A_330 = arith.constant 0 : i32
      %dma_wait3A_331 = tpu.memref_slice %arg2[%dma_wait3A_329, %dma_wait3A_330] : memref<20000x128xf32, #tpu.memory_space<hbm>> -> memref<20000x128xf32, #tpu.memory_space<hbm>>
      tpu.wait_indirect_dma semaphore(%arg24 : memref<!tpu.dma_semaphore, #tpu.memory_space<semaphore_mem>>) src(%dma_wait3A_331 : memref<20000x128xf32, #tpu.memory_space<hbm>>) dst(%arg15 : memref<128x128xf32, #tpu.memory_space<vmem>>)
      %scan3A_332 = arith.constant 0 : i32
      %scan3A_333 = arith.constant 0 : i32
      %scan3A_334 = arith.constant 128 : i32
      %scan3A_335 = arith.addi %scan3A_333, %scan3A_334 : i32
      %scan3A_336 = arith.constant 1 : i32
      scf.for %scan3A_417 = %scan3A_333 to %scan3A_335 step %scan3A_336  : i32 {
        %get3A_418 = arith.index_cast %scan3A_417 : i32 to index
        %get3A_419 = arith.constant 0 : index
        %get3A_420 = tpu.vector_load %arg15[%get3A_418, %get3A_419] {strides = array<i32>} : memref<128x128xf32, #tpu.memory_space<vmem>>, vector<1x16xf32>,
        %get3A_421 = vector.shape_cast %get3A_420 : vector<1x16xf32> to vector<16xf32>
        %max3A = arith.constant 0.000000e+00 : f32
        %max3A_422 = vector.broadcast %max3A : f32 to vector<16xf32>
        %max3A_423 = arith.maximumf %get3A_421, %max3A_422 : vector<16xf32>
        %swap3A_424 = arith.index_cast %scan3A_417 : i32 to index
        %swap3A_425 = arith.constant 0 : index
        %swap3A_426 = tpu.vector_load %arg15[%swap3A_424, %swap3A_425] {strides = array<i32>} : memref<128x128xf32, #tpu.memory_space<vmem>>, vector<1x16xf32>,
        %swap3A_427 = vector.shape_cast %swap3A_426 : vector<1x16xf32> to vector<16xf32>
        %swap3A_428 = vector.shape_cast %max3A_423 : vector<16xf32> to vector<1x16xf32>
        tpu.vector_store %arg15[%swap3A_424, %swap3A_425], %swap3A_428 {strides = array<i32>} : memref<128x128xf32, #tpu.memory_space<vmem>>, vector<1x16xf32>,
        %get3A_429 = arith.index_cast %scan3A_417 : i32 to index
        %get3A_430 = arith.constant 16 : index
        %get3A_431 = tpu.vector_load %arg15[%get3A_429, %get3A_430] {strides = array<i32>} : memref<128x128xf32, #tpu.memory_space<vmem>>, vector<1x16xf32>,
        %get3A_432 = vector.shape_cast %get3A_431 : vector<1x16xf32> to vector<16xf32>
        %max3A_433 = arith.constant 0.000000e+00 : f32
        %max3A_434 = vector.broadcast %max3A_433 : f32 to vector<16xf32>
        %max3A_435 = arith.maximumf %get3A_432, %max3A_434 : vector<16xf32>
        %swap3A_436 = arith.index_cast %scan3A_417 : i32 to index
        %swap3A_437 = arith.constant 16 : index
        %swap3A_438 = tpu.vector_load %arg15[%swap3A_436, %swap3A_437] {strides = array<i32>} : memref<128x128xf32, #tpu.memory_space<vmem>>, vector<1x16xf32>,
        %swap3A_439 = vector.shape_cast %swap3A_438 : vector<1x16xf32> to vector<16xf32>
        %swap3A_440 = vector.shape_cast %max3A_435 : vector<16xf32> to vector<1x16xf32>
        tpu.vector_store %arg15[%swap3A_436, %swap3A_437], %swap3A_440 {strides = array<i32>} : memref<128x128xf32, #tpu.memory_space<vmem>>, vector<1x16xf32>,
        %get3A_441 = arith.index_cast %scan3A_417 : i32 to index
        %get3A_442 = arith.constant 32 : index
        %get3A_443 = tpu.vector_load %arg15[%get3A_441, %get3A_442] {strides = array<i32>} : memref<128x128xf32, #tpu.memory_space<vmem>>, vector<1x16xf32>,
        %get3A_444 = vector.shape_cast %get3A_443 : vector<1x16xf32> to vector<16xf32>
        %max3A_445 = arith.constant 0.000000e+00 : f32
        %max3A_446 = vector.broadcast %max3A_445 : f32 to vector<16xf32>
        %max3A_447 = arith.maximumf %get3A_444, %max3A_446 : vector<16xf32>
        %swap3A_448 = arith.index_cast %scan3A_417 : i32 to index
        %swap3A_449 = arith.constant 32 : index
        %swap3A_450 = tpu.vector_load %arg15[%swap3A_448, %swap3A_449] {strides = array<i32>} : memref<128x128xf32, #tpu.memory_space<vmem>>, vector<1x16xf32>,
        %swap3A_451 = vector.shape_cast %swap3A_450 : vector<1x16xf32> to vector<16xf32>
        %swap3A_452 = vector.shape_cast %max3A_447 : vector<16xf32> to vector<1x16xf32>
        tpu.vector_store %arg15[%swap3A_448, %swap3A_449], %swap3A_452 {strides = array<i32>} : memref<128x128xf32, #tpu.memory_space<vmem>>, vector<1x16xf32>,
        %get3A_453 = arith.index_cast %scan3A_417 : i32 to index
        %get3A_454 = arith.constant 48 : index
        %get3A_455 = tpu.vector_load %arg15[%get3A_453, %get3A_454] {strides = array<i32>} : memref<128x128xf32, #tpu.memory_space<vmem>>, vector<1x16xf32>,
        %get3A_456 = vector.shape_cast %get3A_455 : vector<1x16xf32> to vector<16xf32>
        %max3A_457 = arith.constant 0.000000e+00 : f32
        %max3A_458 = vector.broadcast %max3A_457 : f32 to vector<16xf32>
        %max3A_459 = arith.maximumf %get3A_456, %max3A_458 : vector<16xf32>
        %swap3A_460 = arith.index_cast %scan3A_417 : i32 to index
        %swap3A_461 = arith.constant 48 : index
        %swap3A_462 = tpu.vector_load %arg15[%swap3A_460, %swap3A_461] {strides = array<i32>} : memref<128x128xf32, #tpu.memory_space<vmem>>, vector<1x16xf32>,
        %swap3A_463 = vector.shape_cast %swap3A_462 : vector<1x16xf32> to vector<16xf32>
        %swap3A_464 = vector.shape_cast %max3A_459 : vector<16xf32> to vector<1x16xf32>
        tpu.vector_store %arg15[%swap3A_460, %swap3A_461], %swap3A_464 {strides = array<i32>} : memref<128x128xf32, #tpu.memory_space<vmem>>, vector<1x16xf32>,
        %get3A_465 = arith.index_cast %scan3A_417 : i32 to index
        %get3A_466 = arith.constant 64 : index
        %get3A_467 = tpu.vector_load %arg15[%get3A_465, %get3A_466] {strides = array<i32>} : memref<128x128xf32, #tpu.memory_space<vmem>>, vector<1x16xf32>,
        %get3A_468 = vector.shape_cast %get3A_467 : vector<1x16xf32> to vector<16xf32>
        %max3A_469 = arith.constant 0.000000e+00 : f32
        %max3A_470 = vector.broadcast %max3A_469 : f32 to vector<16xf32>
        %max3A_471 = arith.maximumf %get3A_468, %max3A_470 : vector<16xf32>
        %swap3A_472 = arith.index_cast %scan3A_417 : i32 to index
        %swap3A_473 = arith.constant 64 : index
        %swap3A_474 = tpu.vector_load %arg15[%swap3A_472, %swap3A_473] {strides = array<i32>} : memref<128x128xf32, #tpu.memory_space<vmem>>, vector<1x16xf32>,
        %swap3A_475 = vector.shape_cast %swap3A_474 : vector<1x16xf32> to vector<16xf32>
        %swap3A_476 = vector.shape_cast %max3A_471 : vector<16xf32> to vector<1x16xf32>
        tpu.vector_store %arg15[%swap3A_472, %swap3A_473], %swap3A_476 {strides = array<i32>} : memref<128x128xf32, #tpu.memory_space<vmem>>, vector<1x16xf32>,
        %get3A_477 = arith.index_cast %scan3A_417 : i32 to index
        %get3A_478 = arith.constant 80 : index
        %get3A_479 = tpu.vector_load %arg15[%get3A_477, %get3A_478] {strides = array<i32>} : memref<128x128xf32, #tpu.memory_space<vmem>>, vector<1x16xf32>,
        %get3A_480 = vector.shape_cast %get3A_479 : vector<1x16xf32> to vector<16xf32>
        %max3A_481 = arith.constant 0.000000e+00 : f32
        %max3A_482 = vector.broadcast %max3A_481 : f32 to vector<16xf32>
        %max3A_483 = arith.maximumf %get3A_480, %max3A_482 : vector<16xf32>
        %swap3A_484 = arith.index_cast %scan3A_417 : i32 to index
        %swap3A_485 = arith.constant 80 : index
        %swap3A_486 = tpu.vector_load %arg15[%swap3A_484, %swap3A_485] {strides = array<i32>} : memref<128x128xf32, #tpu.memory_space<vmem>>, vector<1x16xf32>,
        %swap3A_487 = vector.shape_cast %swap3A_486 : vector<1x16xf32> to vector<16xf32>
        %swap3A_488 = vector.shape_cast %max3A_483 : vector<16xf32> to vector<1x16xf32>
        tpu.vector_store %arg15[%swap3A_484, %swap3A_485], %swap3A_488 {strides = array<i32>} : memref<128x128xf32, #tpu.memory_space<vmem>>, vector<1x16xf32>,
        %get3A_489 = arith.index_cast %scan3A_417 : i32 to index
        %get3A_490 = arith.constant 96 : index
        %get3A_491 = tpu.vector_load %arg15[%get3A_489, %get3A_490] {strides = array<i32>} : memref<128x128xf32, #tpu.memory_space<vmem>>, vector<1x16xf32>,
        %get3A_492 = vector.shape_cast %get3A_491 : vector<1x16xf32> to vector<16xf32>
        %max3A_493 = arith.constant 0.000000e+00 : f32
        %max3A_494 = vector.broadcast %max3A_493 : f32 to vector<16xf32>
        %max3A_495 = arith.maximumf %get3A_492, %max3A_494 : vector<16xf32>
        %swap3A_496 = arith.index_cast %scan3A_417 : i32 to index
        %swap3A_497 = arith.constant 96 : index
        %swap3A_498 = tpu.vector_load %arg15[%swap3A_496, %swap3A_497] {strides = array<i32>} : memref<128x128xf32, #tpu.memory_space<vmem>>, vector<1x16xf32>,
        %swap3A_499 = vector.shape_cast %swap3A_498 : vector<1x16xf32> to vector<16xf32>
        %swap3A_500 = vector.shape_cast %max3A_495 : vector<16xf32> to vector<1x16xf32>
        tpu.vector_store %arg15[%swap3A_496, %swap3A_497], %swap3A_500 {strides = array<i32>} : memref<128x128xf32, #tpu.memory_space<vmem>>, vector<1x16xf32>,
        %get3A_501 = arith.index_cast %scan3A_417 : i32 to index
        %get3A_502 = arith.constant 112 : index
        %get3A_503 = tpu.vector_load %arg15[%get3A_501, %get3A_502] {strides = array<i32>} : memref<128x128xf32, #tpu.memory_space<vmem>>, vector<1x16xf32>,
        %get3A_504 = vector.shape_cast %get3A_503 : vector<1x16xf32> to vector<16xf32>
        %max3A_505 = arith.constant 0.000000e+00 : f32
        %max3A_506 = vector.broadcast %max3A_505 : f32 to vector<16xf32>
        %max3A_507 = arith.maximumf %get3A_504, %max3A_506 : vector<16xf32>
        %swap3A_508 = arith.index_cast %scan3A_417 : i32 to index
        %swap3A_509 = arith.constant 112 : index
        %swap3A_510 = tpu.vector_load %arg15[%swap3A_508, %swap3A_509] {strides = array<i32>} : memref<128x128xf32, #tpu.memory_space<vmem>>, vector<1x16xf32>,
        %swap3A_511 = vector.shape_cast %swap3A_510 : vector<1x16xf32> to vector<16xf32>
        %swap3A_512 = vector.shape_cast %max3A_507 : vector<16xf32> to vector<1x16xf32>
        tpu.vector_store %arg15[%swap3A_508, %swap3A_509], %swap3A_512 {strides = array<i32>} : memref<128x128xf32, #tpu.memory_space<vmem>>, vector<1x16xf32>,
      }
      %scan3A_337 = arith.constant 128 : i32
      %dma_wait3A_338 = arith.constant 0 : i32
      %dma_wait3A_339 = arith.constant 0 : i32
      %dma_wait3A_340 = tpu.memref_slice %arg5[%dma_wait3A_338, %dma_wait3A_339] : memref<2496x128xi32, #tpu.memory_space<hbm>> -> memref<1x128xi32, #tpu.memory_space<hbm>>
      %dma_wait3A_341 = tpu.memref_squeeze %dma_wait3A_340 : memref<1x128xi32, #tpu.memory_space<hbm>> -> memref<128xi32, #tpu.memory_space<hbm>>
      %dma_wait3A_342 = arith.constant 0 : i32
      %dma_wait3A_343 = tpu.memref_slice %arg5[%dma_wait3A_338, %dma_wait3A_342] : memref<2496x128xi32, #tpu.memory_space<hbm>> -> memref<1x128xi32, #tpu.memory_space<hbm>>
      %dma_wait3A_344 = tpu.memref_squeeze %dma_wait3A_343 : memref<1x128xi32, #tpu.memory_space<hbm>> -> memref<128xi32, #tpu.memory_space<hbm>>
      tpu.wait_dma2 semaphore(%arg22 : memref<!tpu.dma_semaphore, #tpu.memory_space<semaphore_mem>>) src(%dma_wait3A_344 : memref<128xi32, #tpu.memory_space<hbm>>) dst(%arg11 : memref<128xi32, #tpu.memory_space<vmem>>)
      "tpu.region"() ({
        %run_scoped3A = tpu.sem_alloc : memref<!tpu.dma_semaphore, #tpu.memory_space<semaphore_mem>>
        %dma_start3A_417 = arith.constant 0 : i32
        %dma_start3A_418 = arith.constant 0 : i32
        %dma_start3A_419 = tpu.memref_slice %arg17[%dma_start3A_417, %dma_start3A_418] : memref<10000x128xf32, #tpu.memory_space<vmem_shared>> -> memref<10000x128xf32, #tpu.memory_space<vmem_shared>>
        tpu.enqueue_indirect_dma source(%arg15 : memref<128x128xf32, #tpu.memory_space<vmem>>) target(%dma_start3A_419 : memref<10000x128xf32, #tpu.memory_space<vmem_shared>>) offsets(%arg11 : memref<128xi32, #tpu.memory_space<vmem>>) semaphore(%run_scoped3A : memref<!tpu.dma_semaphore, #tpu.memory_space<semaphore_mem>>) {add = true}
        %dma_wait3A_420 = arith.constant 0 : i32
        %dma_wait3A_421 = arith.constant 0 : i32
        %dma_wait3A_422 = tpu.memref_slice %arg17[%dma_wait3A_420, %dma_wait3A_421] : memref<10000x128xf32, #tpu.memory_space<vmem_shared>> -> memref<10000x128xf32, #tpu.memory_space<vmem_shared>>
        tpu.wait_indirect_dma semaphore(%run_scoped3A : memref<!tpu.dma_semaphore, #tpu.memory_space<semaphore_mem>>) src(%arg15 : memref<128x128xf32, #tpu.memory_space<vmem>>) dst(%dma_wait3A_422 : memref<10000x128xf32, #tpu.memory_space<vmem_shared>>)
        tpu.yield
      }) : () -> ()
      %add3A_345 = arith.constant 2 : i32
      %add3A_346 = arith.addi %mul3A_240, %add3A_345 : i32
      %mul3A_347 = arith.constant 156 : i32
      %mul3A_348 = arith.muli %arg1, %mul3A_347 : i32
      %add3A_349 = arith.addi %mul3A_348, %add3A_346 : i32
      %min3A_350 = arith.constant 2495 : i32
      %min3A_351 = arith.minsi %add3A_349, %min3A_350 : i32
      %mul3A_352 = arith.constant 128 : i32
      %mul3A_353 = arith.muli %add3A_346, %mul3A_352 : i32
      %add3A_354 = arith.addi %add3A_40, %mul3A_353 : i32
      %dma_start3A_355 = arith.constant 0 : i32
      %dma_start3A_356 = tpu.memref_slice %arg3[%add3A_354, %dma_start3A_355] : memref<640000x128xf32, #tpu.memory_space<hbm>> -> memref<128x128xf32, #tpu.memory_space<hbm>>
      %dma_start3A_357 = arith.constant 0 : i32
      %dma_start3A_358 = tpu.memref_slice %arg3[%add3A_354, %dma_start3A_357] : memref<640000x128xf32, #tpu.memory_space<hbm>> -> memref<128x128xf32, #tpu.memory_space<hbm>>
      tpu.enqueue_dma source(%dma_start3A_358 : memref<128x128xf32, #tpu.memory_space<hbm>>) target(%arg15 : memref<128x128xf32, #tpu.memory_space<vmem>>) target_semaphore(%arg18 : memref<!tpu.dma_semaphore, #tpu.memory_space<semaphore_mem>>)
      %dma_start3A_359 = arith.constant 0 : i32
      %dma_start3A_360 = tpu.memref_slice %arg4[%min3A_351, %dma_start3A_359] : memref<2496x128xi32, #tpu.memory_space<hbm>> -> memref<1x128xi32, #tpu.memory_space<hbm>>
      %dma_start3A_361 = tpu.memref_squeeze %dma_start3A_360 : memref<1x128xi32, #tpu.memory_space<hbm>> -> memref<128xi32, #tpu.memory_space<hbm>>
      %dma_start3A_362 = arith.constant 0 : i32
      %dma_start3A_363 = tpu.memref_slice %arg4[%min3A_351, %dma_start3A_362] : memref<2496x128xi32, #tpu.memory_space<hbm>> -> memref<1x128xi32, #tpu.memory_space<hbm>>
      %dma_start3A_364 = tpu.memref_squeeze %dma_start3A_363 : memref<1x128xi32, #tpu.memory_space<hbm>> -> memref<128xi32, #tpu.memory_space<hbm>>
      tpu.enqueue_dma source(%dma_start3A_364 : memref<128xi32, #tpu.memory_space<hbm>>) target(%arg9 : memref<128xi32, #tpu.memory_space<vmem>>) target_semaphore(%arg20 : memref<!tpu.dma_semaphore, #tpu.memory_space<semaphore_mem>>)
      %dma_start3A_365 = arith.constant 0 : i32
      %dma_start3A_366 = tpu.memref_slice %arg5[%min3A_351, %dma_start3A_365] : memref<2496x128xi32, #tpu.memory_space<hbm>> -> memref<1x128xi32, #tpu.memory_space<hbm>>
      %dma_start3A_367 = tpu.memref_squeeze %dma_start3A_366 : memref<1x128xi32, #tpu.memory_space<hbm>> -> memref<128xi32, #tpu.memory_space<hbm>>
      %dma_start3A_368 = arith.constant 0 : i32
      %dma_start3A_369 = tpu.memref_slice %arg5[%min3A_351, %dma_start3A_368] : memref<2496x128xi32, #tpu.memory_space<hbm>> -> memref<1x128xi32, #tpu.memory_space<hbm>>
      %dma_start3A_370 = tpu.memref_squeeze %dma_start3A_369 : memref<1x128xi32, #tpu.memory_space<hbm>> -> memref<128xi32, #tpu.memory_space<hbm>>
      tpu.enqueue_dma source(%dma_start3A_370 : memref<128xi32, #tpu.memory_space<hbm>>) target(%arg11 : memref<128xi32, #tpu.memory_space<vmem>>) target_semaphore(%arg22 : memref<!tpu.dma_semaphore, #tpu.memory_space<semaphore_mem>>)
      %dma_wait3A_371 = arith.constant 0 : i32
      %dma_wait3A_372 = arith.constant 0 : i32
      %dma_wait3A_373 = tpu.memref_slice %arg2[%dma_wait3A_371, %dma_wait3A_372] : memref<20000x128xf32, #tpu.memory_space<hbm>> -> memref<20000x128xf32, #tpu.memory_space<hbm>>
      tpu.wait_indirect_dma semaphore(%arg25 : memref<!tpu.dma_semaphore, #tpu.memory_space<semaphore_mem>>) src(%dma_wait3A_373 : memref<20000x128xf32, #tpu.memory_space<hbm>>) dst(%arg16 : memref<128x128xf32, #tpu.memory_space<vmem>>)
      %scan3A_374 = arith.constant 0 : i32
      %scan3A_375 = arith.constant 0 : i32
      %scan3A_376 = arith.constant 128 : i32
      %scan3A_377 = arith.addi %scan3A_375, %scan3A_376 : i32
      %scan3A_378 = arith.constant 1 : i32
      scf.for %scan3A_417 = %scan3A_375 to %scan3A_377 step %scan3A_378  : i32 {
        %get3A_418 = arith.index_cast %scan3A_417 : i32 to index
        %get3A_419 = arith.constant 0 : index
        %get3A_420 = tpu.vector_load %arg16[%get3A_418, %get3A_419] {strides = array<i32>} : memref<128x128xf32, #tpu.memory_space<vmem>>, vector<1x16xf32>,
        %get3A_421 = vector.shape_cast %get3A_420 : vector<1x16xf32> to vector<16xf32>
        %max3A = arith.constant 0.000000e+00 : f32
        %max3A_422 = vector.broadcast %max3A : f32 to vector<16xf32>
        %max3A_423 = arith.maximumf %get3A_421, %max3A_422 : vector<16xf32>
        %swap3A_424 = arith.index_cast %scan3A_417 : i32 to index
        %swap3A_425 = arith.constant 0 : index
        %swap3A_426 = tpu.vector_load %arg16[%swap3A_424, %swap3A_425] {strides = array<i32>} : memref<128x128xf32, #tpu.memory_space<vmem>>, vector<1x16xf32>,
        %swap3A_427 = vector.shape_cast %swap3A_426 : vector<1x16xf32> to vector<16xf32>
        %swap3A_428 = vector.shape_cast %max3A_423 : vector<16xf32> to vector<1x16xf32>
        tpu.vector_store %arg16[%swap3A_424, %swap3A_425], %swap3A_428 {strides = array<i32>} : memref<128x128xf32, #tpu.memory_space<vmem>>, vector<1x16xf32>,
        %get3A_429 = arith.index_cast %scan3A_417 : i32 to index
        %get3A_430 = arith.constant 16 : index
        %get3A_431 = tpu.vector_load %arg16[%get3A_429, %get3A_430] {strides = array<i32>} : memref<128x128xf32, #tpu.memory_space<vmem>>, vector<1x16xf32>,
        %get3A_432 = vector.shape_cast %get3A_431 : vector<1x16xf32> to vector<16xf32>
        %max3A_433 = arith.constant 0.000000e+00 : f32
        %max3A_434 = vector.broadcast %max3A_433 : f32 to vector<16xf32>
        %max3A_435 = arith.maximumf %get3A_432, %max3A_434 : vector<16xf32>
        %swap3A_436 = arith.index_cast %scan3A_417 : i32 to index
        %swap3A_437 = arith.constant 16 : index
        %swap3A_438 = tpu.vector_load %arg16[%swap3A_436, %swap3A_437] {strides = array<i32>} : memref<128x128xf32, #tpu.memory_space<vmem>>, vector<1x16xf32>,
        %swap3A_439 = vector.shape_cast %swap3A_438 : vector<1x16xf32> to vector<16xf32>
        %swap3A_440 = vector.shape_cast %max3A_435 : vector<16xf32> to vector<1x16xf32>
        tpu.vector_store %arg16[%swap3A_436, %swap3A_437], %swap3A_440 {strides = array<i32>} : memref<128x128xf32, #tpu.memory_space<vmem>>, vector<1x16xf32>,
        %get3A_441 = arith.index_cast %scan3A_417 : i32 to index
        %get3A_442 = arith.constant 32 : index
        %get3A_443 = tpu.vector_load %arg16[%get3A_441, %get3A_442] {strides = array<i32>} : memref<128x128xf32, #tpu.memory_space<vmem>>, vector<1x16xf32>,
        %get3A_444 = vector.shape_cast %get3A_443 : vector<1x16xf32> to vector<16xf32>
        %max3A_445 = arith.constant 0.000000e+00 : f32
        %max3A_446 = vector.broadcast %max3A_445 : f32 to vector<16xf32>
        %max3A_447 = arith.maximumf %get3A_444, %max3A_446 : vector<16xf32>
        %swap3A_448 = arith.index_cast %scan3A_417 : i32 to index
        %swap3A_449 = arith.constant 32 : index
        %swap3A_450 = tpu.vector_load %arg16[%swap3A_448, %swap3A_449] {strides = array<i32>} : memref<128x128xf32, #tpu.memory_space<vmem>>, vector<1x16xf32>,
        %swap3A_451 = vector.shape_cast %swap3A_450 : vector<1x16xf32> to vector<16xf32>
        %swap3A_452 = vector.shape_cast %max3A_447 : vector<16xf32> to vector<1x16xf32>
        tpu.vector_store %arg16[%swap3A_448, %swap3A_449], %swap3A_452 {strides = array<i32>} : memref<128x128xf32, #tpu.memory_space<vmem>>, vector<1x16xf32>,
        %get3A_453 = arith.index_cast %scan3A_417 : i32 to index
        %get3A_454 = arith.constant 48 : index
        %get3A_455 = tpu.vector_load %arg16[%get3A_453, %get3A_454] {strides = array<i32>} : memref<128x128xf32, #tpu.memory_space<vmem>>, vector<1x16xf32>,
        %get3A_456 = vector.shape_cast %get3A_455 : vector<1x16xf32> to vector<16xf32>
        %max3A_457 = arith.constant 0.000000e+00 : f32
        %max3A_458 = vector.broadcast %max3A_457 : f32 to vector<16xf32>
        %max3A_459 = arith.maximumf %get3A_456, %max3A_458 : vector<16xf32>
        %swap3A_460 = arith.index_cast %scan3A_417 : i32 to index
        %swap3A_461 = arith.constant 48 : index
        %swap3A_462 = tpu.vector_load %arg16[%swap3A_460, %swap3A_461] {strides = array<i32>} : memref<128x128xf32, #tpu.memory_space<vmem>>, vector<1x16xf32>,
        %swap3A_463 = vector.shape_cast %swap3A_462 : vector<1x16xf32> to vector<16xf32>
        %swap3A_464 = vector.shape_cast %max3A_459 : vector<16xf32> to vector<1x16xf32>
        tpu.vector_store %arg16[%swap3A_460, %swap3A_461], %swap3A_464 {strides = array<i32>} : memref<128x128xf32, #tpu.memory_space<vmem>>, vector<1x16xf32>,
        %get3A_465 = arith.index_cast %scan3A_417 : i32 to index
        %get3A_466 = arith.constant 64 : index
        %get3A_467 = tpu.vector_load %arg16[%get3A_465, %get3A_466] {strides = array<i32>} : memref<128x128xf32, #tpu.memory_space<vmem>>, vector<1x16xf32>,
        %get3A_468 = vector.shape_cast %get3A_467 : vector<1x16xf32> to vector<16xf32>
        %max3A_469 = arith.constant 0.000000e+00 : f32
        %max3A_470 = vector.broadcast %max3A_469 : f32 to vector<16xf32>
        %max3A_471 = arith.maximumf %get3A_468, %max3A_470 : vector<16xf32>
        %swap3A_472 = arith.index_cast %scan3A_417 : i32 to index
        %swap3A_473 = arith.constant 64 : index
        %swap3A_474 = tpu.vector_load %arg16[%swap3A_472, %swap3A_473] {strides = array<i32>} : memref<128x128xf32, #tpu.memory_space<vmem>>, vector<1x16xf32>,
        %swap3A_475 = vector.shape_cast %swap3A_474 : vector<1x16xf32> to vector<16xf32>
        %swap3A_476 = vector.shape_cast %max3A_471 : vector<16xf32> to vector<1x16xf32>
        tpu.vector_store %arg16[%swap3A_472, %swap3A_473], %swap3A_476 {strides = array<i32>} : memref<128x128xf32, #tpu.memory_space<vmem>>, vector<1x16xf32>,
        %get3A_477 = arith.index_cast %scan3A_417 : i32 to index
        %get3A_478 = arith.constant 80 : index
        %get3A_479 = tpu.vector_load %arg16[%get3A_477, %get3A_478] {strides = array<i32>} : memref<128x128xf32, #tpu.memory_space<vmem>>, vector<1x16xf32>,
        %get3A_480 = vector.shape_cast %get3A_479 : vector<1x16xf32> to vector<16xf32>
        %max3A_481 = arith.constant 0.000000e+00 : f32
        %max3A_482 = vector.broadcast %max3A_481 : f32 to vector<16xf32>
        %max3A_483 = arith.maximumf %get3A_480, %max3A_482 : vector<16xf32>
        %swap3A_484 = arith.index_cast %scan3A_417 : i32 to index
        %swap3A_485 = arith.constant 80 : index
        %swap3A_486 = tpu.vector_load %arg16[%swap3A_484, %swap3A_485] {strides = array<i32>} : memref<128x128xf32, #tpu.memory_space<vmem>>, vector<1x16xf32>,
        %swap3A_487 = vector.shape_cast %swap3A_486 : vector<1x16xf32> to vector<16xf32>
        %swap3A_488 = vector.shape_cast %max3A_483 : vector<16xf32> to vector<1x16xf32>
        tpu.vector_store %arg16[%swap3A_484, %swap3A_485], %swap3A_488 {strides = array<i32>} : memref<128x128xf32, #tpu.memory_space<vmem>>, vector<1x16xf32>,
        %get3A_489 = arith.index_cast %scan3A_417 : i32 to index
        %get3A_490 = arith.constant 96 : index
        %get3A_491 = tpu.vector_load %arg16[%get3A_489, %get3A_490] {strides = array<i32>} : memref<128x128xf32, #tpu.memory_space<vmem>>, vector<1x16xf32>,
        %get3A_492 = vector.shape_cast %get3A_491 : vector<1x16xf32> to vector<16xf32>
        %max3A_493 = arith.constant 0.000000e+00 : f32
        %max3A_494 = vector.broadcast %max3A_493 : f32 to vector<16xf32>
        %max3A_495 = arith.maximumf %get3A_492, %max3A_494 : vector<16xf32>
        %swap3A_496 = arith.index_cast %scan3A_417 : i32 to index
        %swap3A_497 = arith.constant 96 : index
        %swap3A_498 = tpu.vector_load %arg16[%swap3A_496, %swap3A_497] {strides = array<i32>} : memref<128x128xf32, #tpu.memory_space<vmem>>, vector<1x16xf32>,
        %swap3A_499 = vector.shape_cast %swap3A_498 : vector<1x16xf32> to vector<16xf32>
        %swap3A_500 = vector.shape_cast %max3A_495 : vector<16xf32> to vector<1x16xf32>
        tpu.vector_store %arg16[%swap3A_496, %swap3A_497], %swap3A_500 {strides = array<i32>} : memref<128x128xf32, #tpu.memory_space<vmem>>, vector<1x16xf32>,
        %get3A_501 = arith.index_cast %scan3A_417 : i32 to index
        %get3A_502 = arith.constant 112 : index
        %get3A_503 = tpu.vector_load %arg16[%get3A_501, %get3A_502] {strides = array<i32>} : memref<128x128xf32, #tpu.memory_space<vmem>>, vector<1x16xf32>,
        %get3A_504 = vector.shape_cast %get3A_503 : vector<1x16xf32> to vector<16xf32>
        %max3A_505 = arith.constant 0.000000e+00 : f32
        %max3A_506 = vector.broadcast %max3A_505 : f32 to vector<16xf32>
        %max3A_507 = arith.maximumf %get3A_504, %max3A_506 : vector<16xf32>
        %swap3A_508 = arith.index_cast %scan3A_417 : i32 to index
        %swap3A_509 = arith.constant 112 : index
        %swap3A_510 = tpu.vector_load %arg16[%swap3A_508, %swap3A_509] {strides = array<i32>} : memref<128x128xf32, #tpu.memory_space<vmem>>, vector<1x16xf32>,
        %swap3A_511 = vector.shape_cast %swap3A_510 : vector<1x16xf32> to vector<16xf32>
        %swap3A_512 = vector.shape_cast %max3A_507 : vector<16xf32> to vector<1x16xf32>
        tpu.vector_store %arg16[%swap3A_508, %swap3A_509], %swap3A_512 {strides = array<i32>} : memref<128x128xf32, #tpu.memory_space<vmem>>, vector<1x16xf32>,
      }
      %scan3A_379 = arith.constant 128 : i32
      %dma_wait3A_380 = arith.constant 0 : i32
      %dma_wait3A_381 = arith.constant 0 : i32
      %dma_wait3A_382 = tpu.memref_slice %arg5[%dma_wait3A_380, %dma_wait3A_381] : memref<2496x128xi32, #tpu.memory_space<hbm>> -> memref<1x128xi32, #tpu.memory_space<hbm>>
      %dma_wait3A_383 = tpu.memref_squeeze %dma_wait3A_382 : memref<1x128xi32, #tpu.memory_space<hbm>> -> memref<128xi32, #tpu.memory_space<hbm>>
      %dma_wait3A_384 = arith.constant 0 : i32
      %dma_wait3A_385 = tpu.memref_slice %arg5[%dma_wait3A_380, %dma_wait3A_384] : memref<2496x128xi32, #tpu.memory_space<hbm>> -> memref<1x128xi32, #tpu.memory_space<hbm>>
      %dma_wait3A_386 = tpu.memref_squeeze %dma_wait3A_385 : memref<1x128xi32, #tpu.memory_space<hbm>> -> memref<128xi32, #tpu.memory_space<hbm>>
      tpu.wait_dma2 semaphore(%arg23 : memref<!tpu.dma_semaphore, #tpu.memory_space<semaphore_mem>>) src(%dma_wait3A_386 : memref<128xi32, #tpu.memory_space<hbm>>) dst(%arg12 : memref<128xi32, #tpu.memory_space<vmem>>)
      "tpu.region"() ({
        %run_scoped3A = tpu.sem_alloc : memref<!tpu.dma_semaphore, #tpu.memory_space<semaphore_mem>>
        %dma_start3A_417 = arith.constant 0 : i32
        %dma_start3A_418 = arith.constant 0 : i32
        %dma_start3A_419 = tpu.memref_slice %arg17[%dma_start3A_417, %dma_start3A_418] : memref<10000x128xf32, #tpu.memory_space<vmem_shared>> -> memref<10000x128xf32, #tpu.memory_space<vmem_shared>>
        tpu.enqueue_indirect_dma source(%arg16 : memref<128x128xf32, #tpu.memory_space<vmem>>) target(%dma_start3A_419 : memref<10000x128xf32, #tpu.memory_space<vmem_shared>>) offsets(%arg12 : memref<128xi32, #tpu.memory_space<vmem>>) semaphore(%run_scoped3A : memref<!tpu.dma_semaphore, #tpu.memory_space<semaphore_mem>>) {add = true}
        %dma_wait3A_420 = arith.constant 0 : i32
        %dma_wait3A_421 = arith.constant 0 : i32
        %dma_wait3A_422 = tpu.memref_slice %arg17[%dma_wait3A_420, %dma_wait3A_421] : memref<10000x128xf32, #tpu.memory_space<vmem_shared>> -> memref<10000x128xf32, #tpu.memory_space<vmem_shared>>
        tpu.wait_indirect_dma semaphore(%run_scoped3A : memref<!tpu.dma_semaphore, #tpu.memory_space<semaphore_mem>>) src(%arg16 : memref<128x128xf32, #tpu.memory_space<vmem>>) dst(%dma_wait3A_422 : memref<10000x128xf32, #tpu.memory_space<vmem_shared>>)
        tpu.yield
      }) : () -> ()
      %add3A_387 = arith.constant 3 : i32
      %add3A_388 = arith.addi %mul3A_240, %add3A_387 : i32
      %mul3A_389 = arith.constant 156 : i32
      %mul3A_390 = arith.muli %arg1, %mul3A_389 : i32
      %add3A_391 = arith.addi %mul3A_390, %add3A_388 : i32
      %min3A_392 = arith.constant 2495 : i32
      %min3A_393 = arith.minsi %add3A_391, %min3A_392 : i32
      %mul3A_394 = arith.constant 128 : i32
      %mul3A_395 = arith.muli %add3A_388, %mul3A_394 : i32
      %add3A_396 = arith.addi %add3A_40, %mul3A_395 : i32
      %dma_start3A_397 = arith.constant 0 : i32
      %dma_start3A_398 = tpu.memref_slice %arg3[%add3A_396, %dma_start3A_397] : memref<640000x128xf32, #tpu.memory_space<hbm>> -> memref<128x128xf32, #tpu.memory_space<hbm>>
      %dma_start3A_399 = arith.constant 0 : i32
      %dma_start3A_400 = tpu.memref_slice %arg3[%add3A_396, %dma_start3A_399] : memref<640000x128xf32, #tpu.memory_space<hbm>> -> memref<128x128xf32, #tpu.memory_space<hbm>>
      tpu.enqueue_dma source(%dma_start3A_400 : memref<128x128xf32, #tpu.memory_space<hbm>>) target(%arg16 : memref<128x128xf32, #tpu.memory_space<vmem>>) target_semaphore(%arg19 : memref<!tpu.dma_semaphore, #tpu.memory_space<semaphore_mem>>)
      %dma_start3A_401 = arith.constant 0 : i32
      %dma_start3A_402 = tpu.memref_slice %arg4[%min3A_393, %dma_start3A_401] : memref<2496x128xi32, #tpu.memory_space<hbm>> -> memref<1x128xi32, #tpu.memory_space<hbm>>
      %dma_start3A_403 = tpu.memref_squeeze %dma_start3A_402 : memref<1x128xi32, #tpu.memory_space<hbm>> -> memref<128xi32, #tpu.memory_space<hbm>>
      %dma_start3A_404 = arith.constant 0 : i32
      %dma_start3A_405 = tpu.memref_slice %arg4[%min3A_393, %dma_start3A_404] : memref<2496x128xi32, #tpu.memory_space<hbm>> -> memref<1x128xi32, #tpu.memory_space<hbm>>
      %dma_start3A_406 = tpu.memref_squeeze %dma_start3A_405 : memref<1x128xi32, #tpu.memory_space<hbm>> -> memref<128xi32, #tpu.memory_space<hbm>>
      tpu.enqueue_dma source(%dma_start3A_406 : memref<128xi32, #tpu.memory_space<hbm>>) target(%arg10 : memref<128xi32, #tpu.memory_space<vmem>>) target_semaphore(%arg21 : memref<!tpu.dma_semaphore, #tpu.memory_space<semaphore_mem>>)
      %dma_start3A_407 = arith.constant 0 : i32
      %dma_start3A_408 = tpu.memref_slice %arg5[%min3A_393, %dma_start3A_407] : memref<2496x128xi32, #tpu.memory_space<hbm>> -> memref<1x128xi32, #tpu.memory_space<hbm>>
      %dma_start3A_409 = tpu.memref_squeeze %dma_start3A_408 : memref<1x128xi32, #tpu.memory_space<hbm>> -> memref<128xi32, #tpu.memory_space<hbm>>
      %dma_start3A_410 = arith.constant 0 : i32
      %dma_start3A_411 = tpu.memref_slice %arg5[%min3A_393, %dma_start3A_410] : memref<2496x128xi32, #tpu.memory_space<hbm>> -> memref<1x128xi32, #tpu.memory_space<hbm>>
      %dma_start3A_412 = tpu.memref_squeeze %dma_start3A_411 : memref<1x128xi32, #tpu.memory_space<hbm>> -> memref<128xi32, #tpu.memory_space<hbm>>
      tpu.enqueue_dma source(%dma_start3A_412 : memref<128xi32, #tpu.memory_space<hbm>>) target(%arg12 : memref<128xi32, #tpu.memory_space<vmem>>) target_semaphore(%arg23 : memref<!tpu.dma_semaphore, #tpu.memory_space<semaphore_mem>>)
      %lt3A = arith.constant 77 : i32
      %lt3A_413 = arith.cmpi slt, %scan3A_238, %lt3A : i32
      %convert_element_type3A_414 = arith.extui %lt3A_413 : i1 to i32
      %cond3A_415 = arith.constant 0 : i32
      %cond3A_416 = arith.cmpi ne, %convert_element_type3A_414, %cond3A_415 : i32
      scf.if %cond3A_416 {
        %dma_wait3A_417 = arith.constant 0 : i32
        %dma_wait3A_418 = arith.constant 0 : i32
        %dma_wait3A_419 = tpu.memref_slice %arg3[%dma_wait3A_417, %dma_wait3A_418] : memref<640000x128xf32, #tpu.memory_space<hbm>> -> memref<128x128xf32, #tpu.memory_space<hbm>>
        %dma_wait3A_420 = arith.constant 0 : i32
        %dma_wait3A_421 = arith.constant 0 : i32
        %dma_wait3A_422 = tpu.memref_slice %arg3[%dma_wait3A_420, %dma_wait3A_421] : memref<640000x128xf32, #tpu.memory_space<hbm>> -> memref<128x128xf32, #tpu.memory_space<hbm>>
        tpu.wait_dma2 semaphore(%arg18 : memref<!tpu.dma_semaphore, #tpu.memory_space<semaphore_mem>>) src(%dma_wait3A_422 : memref<128x128xf32, #tpu.memory_space<hbm>>) dst(%arg15 : memref<128x128xf32, #tpu.memory_space<vmem>>)
        %dma_wait3A_423 = arith.constant 0 : i32
        %dma_wait3A_424 = arith.constant 0 : i32
        %dma_wait3A_425 = tpu.memref_slice %arg4[%dma_wait3A_423, %dma_wait3A_424] : memref<2496x128xi32, #tpu.memory_space<hbm>> -> memref<1x128xi32, #tpu.memory_space<hbm>>
        %dma_wait3A_426 = tpu.memref_squeeze %dma_wait3A_425 : memref<1x128xi32, #tpu.memory_space<hbm>> -> memref<128xi32, #tpu.memory_space<hbm>>
        %dma_wait3A_427 = arith.constant 0 : i32
        %dma_wait3A_428 = tpu.memref_slice %arg4[%dma_wait3A_423, %dma_wait3A_427] : memref<2496x128xi32, #tpu.memory_space<hbm>> -> memref<1x128xi32, #tpu.memory_space<hbm>>
        %dma_wait3A_429 = tpu.memref_squeeze %dma_wait3A_428 : memref<1x128xi32, #tpu.memory_space<hbm>> -> memref<128xi32, #tpu.memory_space<hbm>>
        tpu.wait_dma2 semaphore(%arg20 : memref<!tpu.dma_semaphore, #tpu.memory_space<semaphore_mem>>) src(%dma_wait3A_429 : memref<128xi32, #tpu.memory_space<hbm>>) dst(%arg9 : memref<128xi32, #tpu.memory_space<vmem>>)
        %get3A_430 = arith.constant 0 : index
        %get3A_431 = tpu.vector_load %arg9[%get3A_430] {strides = array<i32>} : memref<128xi32, #tpu.memory_space<vmem>>, vector<16xi32>,
        %get3A_432 = vector.shape_cast %get3A_431 : vector<16xi32> to vector<16xi32>
        %add3A_433 = vector.broadcast %mul3A_0 : i32 to vector<16xi32>
        %add3A_434 = arith.addi %get3A_432, %add3A_433 : vector<16xi32>
        %swap3A_435 = arith.constant 0 : index
        %swap3A_436 = tpu.vector_load %arg9[%swap3A_435] {strides = array<i32>} : memref<128xi32, #tpu.memory_space<vmem>>, vector<16xi32>,
        %swap3A_437 = vector.shape_cast %swap3A_436 : vector<16xi32> to vector<16xi32>
        %swap3A_438 = vector.shape_cast %add3A_434 : vector<16xi32> to vector<16xi32>
        tpu.vector_store %arg9[%swap3A_435], %swap3A_438 {strides = array<i32>} : memref<128xi32, #tpu.memory_space<vmem>>, vector<16xi32>,
        %get3A_439 = arith.constant 16 : index
        %get3A_440 = tpu.vector_load %arg9[%get3A_439] {strides = array<i32>} : memref<128xi32, #tpu.memory_space<vmem>>, vector<16xi32>,
        %get3A_441 = vector.shape_cast %get3A_440 : vector<16xi32> to vector<16xi32>
        %add3A_442 = vector.broadcast %mul3A_0 : i32 to vector<16xi32>
        %add3A_443 = arith.addi %get3A_441, %add3A_442 : vector<16xi32>
        %swap3A_444 = arith.constant 16 : index
        %swap3A_445 = tpu.vector_load %arg9[%swap3A_444] {strides = array<i32>} : memref<128xi32, #tpu.memory_space<vmem>>, vector<16xi32>,
        %swap3A_446 = vector.shape_cast %swap3A_445 : vector<16xi32> to vector<16xi32>
        %swap3A_447 = vector.shape_cast %add3A_443 : vector<16xi32> to vector<16xi32>
        tpu.vector_store %arg9[%swap3A_444], %swap3A_447 {strides = array<i32>} : memref<128xi32, #tpu.memory_space<vmem>>, vector<16xi32>,
        %get3A_448 = arith.constant 32 : index
        %get3A_449 = tpu.vector_load %arg9[%get3A_448] {strides = array<i32>} : memref<128xi32, #tpu.memory_space<vmem>>, vector<16xi32>,
        %get3A_450 = vector.shape_cast %get3A_449 : vector<16xi32> to vector<16xi32>
        %add3A_451 = vector.broadcast %mul3A_0 : i32 to vector<16xi32>
        %add3A_452 = arith.addi %get3A_450, %add3A_451 : vector<16xi32>
        %swap3A_453 = arith.constant 32 : index
        %swap3A_454 = tpu.vector_load %arg9[%swap3A_453] {strides = array<i32>} : memref<128xi32, #tpu.memory_space<vmem>>, vector<16xi32>,
        %swap3A_455 = vector.shape_cast %swap3A_454 : vector<16xi32> to vector<16xi32>
        %swap3A_456 = vector.shape_cast %add3A_452 : vector<16xi32> to vector<16xi32>
        tpu.vector_store %arg9[%swap3A_453], %swap3A_456 {strides = array<i32>} : memref<128xi32, #tpu.memory_space<vmem>>, vector<16xi32>,
        %get3A_457 = arith.constant 48 : index
        %get3A_458 = tpu.vector_load %arg9[%get3A_457] {strides = array<i32>} : memref<128xi32, #tpu.memory_space<vmem>>, vector<16xi32>,
        %get3A_459 = vector.shape_cast %get3A_458 : vector<16xi32> to vector<16xi32>
        %add3A_460 = vector.broadcast %mul3A_0 : i32 to vector<16xi32>
        %add3A_461 = arith.addi %get3A_459, %add3A_460 : vector<16xi32>
        %swap3A_462 = arith.constant 48 : index
        %swap3A_463 = tpu.vector_load %arg9[%swap3A_462] {strides = array<i32>} : memref<128xi32, #tpu.memory_space<vmem>>, vector<16xi32>,
        %swap3A_464 = vector.shape_cast %swap3A_463 : vector<16xi32> to vector<16xi32>
        %swap3A_465 = vector.shape_cast %add3A_461 : vector<16xi32> to vector<16xi32>
        tpu.vector_store %arg9[%swap3A_462], %swap3A_465 {strides = array<i32>} : memref<128xi32, #tpu.memory_space<vmem>>, vector<16xi32>,
        %get3A_466 = arith.constant 64 : index
        %get3A_467 = tpu.vector_load %arg9[%get3A_466] {strides = array<i32>} : memref<128xi32, #tpu.memory_space<vmem>>, vector<16xi32>,
        %get3A_468 = vector.shape_cast %get3A_467 : vector<16xi32> to vector<16xi32>
        %add3A_469 = vector.broadcast %mul3A_0 : i32 to vector<16xi32>
        %add3A_470 = arith.addi %get3A_468, %add3A_469 : vector<16xi32>
        %swap3A_471 = arith.constant 64 : index
        %swap3A_472 = tpu.vector_load %arg9[%swap3A_471] {strides = array<i32>} : memref<128xi32, #tpu.memory_space<vmem>>, vector<16xi32>,
        %swap3A_473 = vector.shape_cast %swap3A_472 : vector<16xi32> to vector<16xi32>
        %swap3A_474 = vector.shape_cast %add3A_470 : vector<16xi32> to vector<16xi32>
        tpu.vector_store %arg9[%swap3A_471], %swap3A_474 {strides = array<i32>} : memref<128xi32, #tpu.memory_space<vmem>>, vector<16xi32>,
        %get3A_475 = arith.constant 80 : index
        %get3A_476 = tpu.vector_load %arg9[%get3A_475] {strides = array<i32>} : memref<128xi32, #tpu.memory_space<vmem>>, vector<16xi32>,
        %get3A_477 = vector.shape_cast %get3A_476 : vector<16xi32> to vector<16xi32>
        %add3A_478 = vector.broadcast %mul3A_0 : i32 to vector<16xi32>
        %add3A_479 = arith.addi %get3A_477, %add3A_478 : vector<16xi32>
        %swap3A_480 = arith.constant 80 : index
        %swap3A_481 = tpu.vector_load %arg9[%swap3A_480] {strides = array<i32>} : memref<128xi32, #tpu.memory_space<vmem>>, vector<16xi32>,
        %swap3A_482 = vector.shape_cast %swap3A_481 : vector<16xi32> to vector<16xi32>
        %swap3A_483 = vector.shape_cast %add3A_479 : vector<16xi32> to vector<16xi32>
        tpu.vector_store %arg9[%swap3A_480], %swap3A_483 {strides = array<i32>} : memref<128xi32, #tpu.memory_space<vmem>>, vector<16xi32>,
        %get3A_484 = arith.constant 96 : index
        %get3A_485 = tpu.vector_load %arg9[%get3A_484] {strides = array<i32>} : memref<128xi32, #tpu.memory_space<vmem>>, vector<16xi32>,
        %get3A_486 = vector.shape_cast %get3A_485 : vector<16xi32> to vector<16xi32>
        %add3A_487 = vector.broadcast %mul3A_0 : i32 to vector<16xi32>
        %add3A_488 = arith.addi %get3A_486, %add3A_487 : vector<16xi32>
        %swap3A_489 = arith.constant 96 : index
        %swap3A_490 = tpu.vector_load %arg9[%swap3A_489] {strides = array<i32>} : memref<128xi32, #tpu.memory_space<vmem>>, vector<16xi32>,
        %swap3A_491 = vector.shape_cast %swap3A_490 : vector<16xi32> to vector<16xi32>
        %swap3A_492 = vector.shape_cast %add3A_488 : vector<16xi32> to vector<16xi32>
        tpu.vector_store %arg9[%swap3A_489], %swap3A_492 {strides = array<i32>} : memref<128xi32, #tpu.memory_space<vmem>>, vector<16xi32>,
        %get3A_493 = arith.constant 112 : index
        %get3A_494 = tpu.vector_load %arg9[%get3A_493] {strides = array<i32>} : memref<128xi32, #tpu.memory_space<vmem>>, vector<16xi32>,
        %get3A_495 = vector.shape_cast %get3A_494 : vector<16xi32> to vector<16xi32>
        %add3A_496 = vector.broadcast %mul3A_0 : i32 to vector<16xi32>
        %add3A_497 = arith.addi %get3A_495, %add3A_496 : vector<16xi32>
        %swap3A_498 = arith.constant 112 : index
        %swap3A_499 = tpu.vector_load %arg9[%swap3A_498] {strides = array<i32>} : memref<128xi32, #tpu.memory_space<vmem>>, vector<16xi32>,
        %swap3A_500 = vector.shape_cast %swap3A_499 : vector<16xi32> to vector<16xi32>
        %swap3A_501 = vector.shape_cast %add3A_497 : vector<16xi32> to vector<16xi32>
        tpu.vector_store %arg9[%swap3A_498], %swap3A_501 {strides = array<i32>} : memref<128xi32, #tpu.memory_space<vmem>>, vector<16xi32>,
        %dma_start3A_502 = arith.constant 0 : i32
        %dma_start3A_503 = arith.constant 0 : i32
        %dma_start3A_504 = tpu.memref_slice %arg2[%dma_start3A_502, %dma_start3A_503] : memref<20000x128xf32, #tpu.memory_space<hbm>> -> memref<20000x128xf32, #tpu.memory_space<hbm>>
        tpu.enqueue_indirect_dma source(%dma_start3A_504 : memref<20000x128xf32, #tpu.memory_space<hbm>>) target(%arg15 : memref<128x128xf32, #tpu.memory_space<vmem>>) offsets(%arg9 : memref<128xi32, #tpu.memory_space<vmem>>) semaphore(%arg24 : memref<!tpu.dma_semaphore, #tpu.memory_space<semaphore_mem>>) {add = true}
      } else {
      }
    }
    %scan3A_179 = arith.constant 78 : i32
    %dma_wait3A_180 = arith.constant 0 : i32
    %dma_wait3A_181 = arith.constant 0 : i32
    %dma_wait3A_182 = tpu.memref_slice %arg3[%dma_wait3A_180, %dma_wait3A_181] : memref<640000x128xf32, #tpu.memory_space<hbm>> -> memref<128x128xf32, #tpu.memory_space<hbm>>
    %dma_wait3A_183 = arith.constant 0 : i32
    %dma_wait3A_184 = arith.constant 0 : i32
    %dma_wait3A_185 = tpu.memref_slice %arg3[%dma_wait3A_183, %dma_wait3A_184] : memref<640000x128xf32, #tpu.memory_space<hbm>> -> memref<128x128xf32, #tpu.memory_space<hbm>>
    tpu.wait_dma2 semaphore(%arg18 : memref<!tpu.dma_semaphore, #tpu.memory_space<semaphore_mem>>) src(%dma_wait3A_185 : memref<128x128xf32, #tpu.memory_space<hbm>>) dst(%arg15 : memref<128x128xf32, #tpu.memory_space<vmem>>)
    %dma_wait3A_186 = arith.constant 0 : i32
    %dma_wait3A_187 = arith.constant 0 : i32
    %dma_wait3A_188 = tpu.memref_slice %arg4[%dma_wait3A_186, %dma_wait3A_187] : memref<2496x128xi32, #tpu.memory_space<hbm>> -> memref<1x128xi32, #tpu.memory_space<hbm>>
    %dma_wait3A_189 = tpu.memref_squeeze %dma_wait3A_188 : memref<1x128xi32, #tpu.memory_space<hbm>> -> memref<128xi32, #tpu.memory_space<hbm>>
    %dma_wait3A_190 = arith.constant 0 : i32
    %dma_wait3A_191 = tpu.memref_slice %arg4[%dma_wait3A_186, %dma_wait3A_190] : memref<2496x128xi32, #tpu.memory_space<hbm>> -> memref<1x128xi32, #tpu.memory_space<hbm>>
    %dma_wait3A_192 = tpu.memref_squeeze %dma_wait3A_191 : memref<1x128xi32, #tpu.memory_space<hbm>> -> memref<128xi32, #tpu.memory_space<hbm>>
    tpu.wait_dma2 semaphore(%arg20 : memref<!tpu.dma_semaphore, #tpu.memory_space<semaphore_mem>>) src(%dma_wait3A_192 : memref<128xi32, #tpu.memory_space<hbm>>) dst(%arg9 : memref<128xi32, #tpu.memory_space<vmem>>)
    %dma_wait3A_193 = arith.constant 0 : i32
    %dma_wait3A_194 = arith.constant 0 : i32
    %dma_wait3A_195 = tpu.memref_slice %arg5[%dma_wait3A_193, %dma_wait3A_194] : memref<2496x128xi32, #tpu.memory_space<hbm>> -> memref<1x128xi32, #tpu.memory_space<hbm>>
    %dma_wait3A_196 = tpu.memref_squeeze %dma_wait3A_195 : memref<1x128xi32, #tpu.memory_space<hbm>> -> memref<128xi32, #tpu.memory_space<hbm>>
    %dma_wait3A_197 = arith.constant 0 : i32
    %dma_wait3A_198 = tpu.memref_slice %arg5[%dma_wait3A_193, %dma_wait3A_197] : memref<2496x128xi32, #tpu.memory_space<hbm>> -> memref<1x128xi32, #tpu.memory_space<hbm>>
    %dma_wait3A_199 = tpu.memref_squeeze %dma_wait3A_198 : memref<1x128xi32, #tpu.memory_space<hbm>> -> memref<128xi32, #tpu.memory_space<hbm>>
    tpu.wait_dma2 semaphore(%arg22 : memref<!tpu.dma_semaphore, #tpu.memory_space<semaphore_mem>>) src(%dma_wait3A_199 : memref<128xi32, #tpu.memory_space<hbm>>) dst(%arg11 : memref<128xi32, #tpu.memory_space<vmem>>)
    %dma_wait3A_200 = arith.constant 0 : i32
    %dma_wait3A_201 = arith.constant 0 : i32
    %dma_wait3A_202 = tpu.memref_slice %arg3[%dma_wait3A_200, %dma_wait3A_201] : memref<640000x128xf32, #tpu.memory_space<hbm>> -> memref<128x128xf32, #tpu.memory_space<hbm>>
    %dma_wait3A_203 = arith.constant 0 : i32
    %dma_wait3A_204 = arith.constant 0 : i32
    %dma_wait3A_205 = tpu.memref_slice %arg3[%dma_wait3A_203, %dma_wait3A_204] : memref<640000x128xf32, #tpu.memory_space<hbm>> -> memref<128x128xf32, #tpu.memory_space<hbm>>
    tpu.wait_dma2 semaphore(%arg19 : memref<!tpu.dma_semaphore, #tpu.memory_space<semaphore_mem>>) src(%dma_wait3A_205 : memref<128x128xf32, #tpu.memory_space<hbm>>) dst(%arg16 : memref<128x128xf32, #tpu.memory_space<vmem>>)
    %dma_wait3A_206 = arith.constant 0 : i32
    %dma_wait3A_207 = arith.constant 0 : i32
    %dma_wait3A_208 = tpu.memref_slice %arg4[%dma_wait3A_206, %dma_wait3A_207] : memref<2496x128xi32, #tpu.memory_space<hbm>> -> memref<1x128xi32, #tpu.memory_space<hbm>>
    %dma_wait3A_209 = tpu.memref_squeeze %dma_wait3A_208 : memref<1x128xi32, #tpu.memory_space<hbm>> -> memref<128xi32, #tpu.memory_space<hbm>>
    %dma_wait3A_210 = arith.constant 0 : i32
    %dma_wait3A_211 = tpu.memref_slice %arg4[%dma_wait3A_206, %dma_wait3A_210] : memref<2496x128xi32, #tpu.memory_space<hbm>> -> memref<1x128xi32, #tpu.memory_space<hbm>>
    %dma_wait3A_212 = tpu.memref_squeeze %dma_wait3A_211 : memref<1x128xi32, #tpu.memory_space<hbm>> -> memref<128xi32, #tpu.memory_space<hbm>>
    tpu.wait_dma2 semaphore(%arg21 : memref<!tpu.dma_semaphore, #tpu.memory_space<semaphore_mem>>) src(%dma_wait3A_212 : memref<128xi32, #tpu.memory_space<hbm>>) dst(%arg10 : memref<128xi32, #tpu.memory_space<vmem>>)
    %dma_wait3A_213 = arith.constant 0 : i32
    %dma_wait3A_214 = arith.constant 0 : i32
    %dma_wait3A_215 = tpu.memref_slice %arg5[%dma_wait3A_213, %dma_wait3A_214] : memref<2496x128xi32, #tpu.memory_space<hbm>> -> memref<1x128xi32, #tpu.memory_space<hbm>>
    %dma_wait3A_216 = tpu.memref_squeeze %dma_wait3A_215 : memref<1x128xi32, #tpu.memory_space<hbm>> -> memref<128xi32, #tpu.memory_space<hbm>>
    %dma_wait3A_217 = arith.constant 0 : i32
    %dma_wait3A_218 = tpu.memref_slice %arg5[%dma_wait3A_213, %dma_wait3A_217] : memref<2496x128xi32, #tpu.memory_space<hbm>> -> memref<1x128xi32, #tpu.memory_space<hbm>>
    %dma_wait3A_219 = tpu.memref_squeeze %dma_wait3A_218 : memref<1x128xi32, #tpu.memory_space<hbm>> -> memref<128xi32, #tpu.memory_space<hbm>>
    tpu.wait_dma2 semaphore(%arg23 : memref<!tpu.dma_semaphore, #tpu.memory_space<semaphore_mem>>) src(%dma_wait3A_219 : memref<128xi32, #tpu.memory_space<hbm>>) dst(%arg12 : memref<128xi32, #tpu.memory_space<vmem>>)
    %add3A_220 = arith.constant 319488 : i32
    %add3A_221 = arith.addi %mul3A_2, %add3A_220 : i32
    %mul3A_222 = arith.constant 32 : i32
    %mul3A_223 = arith.muli %arg1, %mul3A_222 : i32
    %add3A_224 = arith.addi %add3A_221, %mul3A_223 : i32
    "tpu.region"() ({
      %run_scoped3A = tpu.sem_alloc : memref<!tpu.dma_semaphore, #tpu.memory_space<semaphore_mem>>
      %dma_start3A_238 = arith.constant 0 : i32
      %dma_start3A_239 = arith.constant 0 : i32
      %dma_start3A_240 = tpu.memref_slice %arg15[%dma_start3A_238, %dma_start3A_239] : memref<128x128xf32, #tpu.memory_space<vmem>> -> memref<32x128xf32, #tpu.memory_space<vmem>>
      %dma_start3A_241 = arith.constant 0 : i32
      %dma_start3A_242 = tpu.memref_slice %arg3[%add3A_224, %dma_start3A_241] : memref<640000x128xf32, #tpu.memory_space<hbm>> -> memref<32x128xf32, #tpu.memory_space<hbm>>
      %dma_start3A_243 = arith.constant 0 : i32
      %dma_start3A_244 = arith.constant 0 : i32
      %dma_start3A_245 = tpu.memref_slice %arg15[%dma_start3A_243, %dma_start3A_244] : memref<128x128xf32, #tpu.memory_space<vmem>> -> memref<32x128xf32, #tpu.memory_space<vmem>>
      %dma_start3A_246 = arith.constant 0 : i32
      %dma_start3A_247 = tpu.memref_slice %arg3[%add3A_224, %dma_start3A_246] : memref<640000x128xf32, #tpu.memory_space<hbm>> -> memref<32x128xf32, #tpu.memory_space<hbm>>
      tpu.enqueue_dma source(%dma_start3A_247 : memref<32x128xf32, #tpu.memory_space<hbm>>) target(%dma_start3A_245 : memref<32x128xf32, #tpu.memory_space<vmem>>) target_semaphore(%run_scoped3A : memref<!tpu.dma_semaphore, #tpu.memory_space<semaphore_mem>>)
      %dma_wait3A_248 = arith.constant 0 : i32
      %dma_wait3A_249 = arith.constant 0 : i32
      %dma_wait3A_250 = tpu.memref_slice %arg15[%dma_wait3A_248, %dma_wait3A_249] : memref<128x128xf32, #tpu.memory_space<vmem>> -> memref<32x128xf32, #tpu.memory_space<vmem>>
      %dma_wait3A_251 = arith.constant 0 : i32
      %dma_wait3A_252 = tpu.memref_slice %arg3[%add3A_224, %dma_wait3A_251] : memref<640000x128xf32, #tpu.memory_space<hbm>> -> memref<32x128xf32, #tpu.memory_space<hbm>>
      %dma_wait3A_253 = arith.constant 0 : i32
      %dma_wait3A_254 = arith.constant 0 : i32
      %dma_wait3A_255 = tpu.memref_slice %arg15[%dma_wait3A_253, %dma_wait3A_254] : memref<128x128xf32, #tpu.memory_space<vmem>> -> memref<32x128xf32, #tpu.memory_space<vmem>>
      %dma_wait3A_256 = arith.constant 0 : i32
      %dma_wait3A_257 = tpu.memref_slice %arg3[%add3A_224, %dma_wait3A_256] : memref<640000x128xf32, #tpu.memory_space<hbm>> -> memref<32x128xf32, #tpu.memory_space<hbm>>
      tpu.wait_dma2 semaphore(%run_scoped3A : memref<!tpu.dma_semaphore, #tpu.memory_space<semaphore_mem>>) src(%dma_wait3A_257 : memref<32x128xf32, #tpu.memory_space<hbm>>) dst(%dma_wait3A_255 : memref<32x128xf32, #tpu.memory_space<vmem>>)
      tpu.yield
    }) : () -> ()
    "tpu.region"() ({
      %run_scoped3A = tpu.sem_alloc : memref<!tpu.dma_semaphore, #tpu.memory_space<semaphore_mem>>
      %dma_start3A_238 = arith.constant 0 : i32
      %dma_start3A_239 = arith.constant 0 : i32
      %dma_start3A_240 = tpu.memref_slice %arg15[%dma_start3A_238, %dma_start3A_239] : memref<128x128xf32, #tpu.memory_space<vmem>> -> memref<32x128xf32, #tpu.memory_space<vmem>>
      %dma_start3A_241 = arith.constant 0 : i32
      %dma_start3A_242 = arith.constant 0 : i32
      %dma_start3A_243 = tpu.memref_slice %arg2[%dma_start3A_241, %dma_start3A_242] : memref<20000x128xf32, #tpu.memory_space<hbm>> -> memref<20000x128xf32, #tpu.memory_space<hbm>>
      tpu.enqueue_indirect_dma source(%dma_start3A_243 : memref<20000x128xf32, #tpu.memory_space<hbm>>) target(%dma_start3A_240 : memref<32x128xf32, #tpu.memory_space<vmem>>) offsets(%arg13 : memref<32xi32, #tpu.memory_space<vmem>>) semaphore(%run_scoped3A : memref<!tpu.dma_semaphore, #tpu.memory_space<semaphore_mem>>) {add = true}
      %dma_wait3A_244 = arith.constant 0 : i32
      %dma_wait3A_245 = arith.constant 0 : i32
      %dma_wait3A_246 = tpu.memref_slice %arg15[%dma_wait3A_244, %dma_wait3A_245] : memref<128x128xf32, #tpu.memory_space<vmem>> -> memref<32x128xf32, #tpu.memory_space<vmem>>
      %dma_wait3A_247 = arith.constant 0 : i32
      %dma_wait3A_248 = arith.constant 0 : i32
      %dma_wait3A_249 = tpu.memref_slice %arg2[%dma_wait3A_247, %dma_wait3A_248] : memref<20000x128xf32, #tpu.memory_space<hbm>> -> memref<20000x128xf32, #tpu.memory_space<hbm>>
      tpu.wait_indirect_dma semaphore(%run_scoped3A : memref<!tpu.dma_semaphore, #tpu.memory_space<semaphore_mem>>) src(%dma_wait3A_249 : memref<20000x128xf32, #tpu.memory_space<hbm>>) dst(%dma_wait3A_246 : memref<32x128xf32, #tpu.memory_space<vmem>>)
      tpu.yield
    }) : () -> ()
    %scan3A_225 = arith.constant 0 : i32
    %scan3A_226 = arith.constant 0 : i32
    %scan3A_227 = arith.constant 32 : i32
    %scan3A_228 = arith.addi %scan3A_226, %scan3A_227 : i32
    %scan3A_229 = arith.constant 1 : i32
    scf.for %scan3A_238 = %scan3A_226 to %scan3A_228 step %scan3A_229  : i32 {
      %get3A_239 = arith.index_cast %scan3A_238 : i32 to index
      %get3A_240 = arith.constant 0 : index
      %get3A_241 = tpu.vector_load %arg15[%get3A_239, %get3A_240] {strides = array<i32>} : memref<128x128xf32, #tpu.memory_space<vmem>>, vector<1x16xf32>,
      %get3A_242 = vector.shape_cast %get3A_241 : vector<1x16xf32> to vector<16xf32>
      %max3A = arith.constant 0.000000e+00 : f32
      %max3A_243 = vector.broadcast %max3A : f32 to vector<16xf32>
      %max3A_244 = arith.maximumf %get3A_242, %max3A_243 : vector<16xf32>
      %swap3A_245 = arith.index_cast %scan3A_238 : i32 to index
      %swap3A_246 = arith.constant 0 : index
      %swap3A_247 = tpu.vector_load %arg15[%swap3A_245, %swap3A_246] {strides = array<i32>} : memref<128x128xf32, #tpu.memory_space<vmem>>, vector<1x16xf32>,
      %swap3A_248 = vector.shape_cast %swap3A_247 : vector<1x16xf32> to vector<16xf32>
      %swap3A_249 = vector.shape_cast %max3A_244 : vector<16xf32> to vector<1x16xf32>
      tpu.vector_store %arg15[%swap3A_245, %swap3A_246], %swap3A_249 {strides = array<i32>} : memref<128x128xf32, #tpu.memory_space<vmem>>, vector<1x16xf32>,
      %get3A_250 = arith.index_cast %scan3A_238 : i32 to index
      %get3A_251 = arith.constant 16 : index
      %get3A_252 = tpu.vector_load %arg15[%get3A_250, %get3A_251] {strides = array<i32>} : memref<128x128xf32, #tpu.memory_space<vmem>>, vector<1x16xf32>,
      %get3A_253 = vector.shape_cast %get3A_252 : vector<1x16xf32> to vector<16xf32>
      %max3A_254 = arith.constant 0.000000e+00 : f32
      %max3A_255 = vector.broadcast %max3A_254 : f32 to vector<16xf32>
      %max3A_256 = arith.maximumf %get3A_253, %max3A_255 : vector<16xf32>
      %swap3A_257 = arith.index_cast %scan3A_238 : i32 to index
      %swap3A_258 = arith.constant 16 : index
      %swap3A_259 = tpu.vector_load %arg15[%swap3A_257, %swap3A_258] {strides = array<i32>} : memref<128x128xf32, #tpu.memory_space<vmem>>, vector<1x16xf32>,
      %swap3A_260 = vector.shape_cast %swap3A_259 : vector<1x16xf32> to vector<16xf32>
      %swap3A_261 = vector.shape_cast %max3A_256 : vector<16xf32> to vector<1x16xf32>
      tpu.vector_store %arg15[%swap3A_257, %swap3A_258], %swap3A_261 {strides = array<i32>} : memref<128x128xf32, #tpu.memory_space<vmem>>, vector<1x16xf32>,
      %get3A_262 = arith.index_cast %scan3A_238 : i32 to index
      %get3A_263 = arith.constant 32 : index
      %get3A_264 = tpu.vector_load %arg15[%get3A_262, %get3A_263] {strides = array<i32>} : memref<128x128xf32, #tpu.memory_space<vmem>>, vector<1x16xf32>,
      %get3A_265 = vector.shape_cast %get3A_264 : vector<1x16xf32> to vector<16xf32>
      %max3A_266 = arith.constant 0.000000e+00 : f32
      %max3A_267 = vector.broadcast %max3A_266 : f32 to vector<16xf32>
      %max3A_268 = arith.maximumf %get3A_265, %max3A_267 : vector<16xf32>
      %swap3A_269 = arith.index_cast %scan3A_238 : i32 to index
      %swap3A_270 = arith.constant 32 : index
      %swap3A_271 = tpu.vector_load %arg15[%swap3A_269, %swap3A_270] {strides = array<i32>} : memref<128x128xf32, #tpu.memory_space<vmem>>, vector<1x16xf32>,
      %swap3A_272 = vector.shape_cast %swap3A_271 : vector<1x16xf32> to vector<16xf32>
      %swap3A_273 = vector.shape_cast %max3A_268 : vector<16xf32> to vector<1x16xf32>
      tpu.vector_store %arg15[%swap3A_269, %swap3A_270], %swap3A_273 {strides = array<i32>} : memref<128x128xf32, #tpu.memory_space<vmem>>, vector<1x16xf32>,
      %get3A_274 = arith.index_cast %scan3A_238 : i32 to index
      %get3A_275 = arith.constant 48 : index
      %get3A_276 = tpu.vector_load %arg15[%get3A_274, %get3A_275] {strides = array<i32>} : memref<128x128xf32, #tpu.memory_space<vmem>>, vector<1x16xf32>,
      %get3A_277 = vector.shape_cast %get3A_276 : vector<1x16xf32> to vector<16xf32>
      %max3A_278 = arith.constant 0.000000e+00 : f32
      %max3A_279 = vector.broadcast %max3A_278 : f32 to vector<16xf32>
      %max3A_280 = arith.maximumf %get3A_277, %max3A_279 : vector<16xf32>
      %swap3A_281 = arith.index_cast %scan3A_238 : i32 to index
      %swap3A_282 = arith.constant 48 : index
      %swap3A_283 = tpu.vector_load %arg15[%swap3A_281, %swap3A_282] {strides = array<i32>} : memref<128x128xf32, #tpu.memory_space<vmem>>, vector<1x16xf32>,
      %swap3A_284 = vector.shape_cast %swap3A_283 : vector<1x16xf32> to vector<16xf32>
      %swap3A_285 = vector.shape_cast %max3A_280 : vector<16xf32> to vector<1x16xf32>
      tpu.vector_store %arg15[%swap3A_281, %swap3A_282], %swap3A_285 {strides = array<i32>} : memref<128x128xf32, #tpu.memory_space<vmem>>, vector<1x16xf32>,
      %get3A_286 = arith.index_cast %scan3A_238 : i32 to index
      %get3A_287 = arith.constant 64 : index
      %get3A_288 = tpu.vector_load %arg15[%get3A_286, %get3A_287] {strides = array<i32>} : memref<128x128xf32, #tpu.memory_space<vmem>>, vector<1x16xf32>,
      %get3A_289 = vector.shape_cast %get3A_288 : vector<1x16xf32> to vector<16xf32>
      %max3A_290 = arith.constant 0.000000e+00 : f32
      %max3A_291 = vector.broadcast %max3A_290 : f32 to vector<16xf32>
      %max3A_292 = arith.maximumf %get3A_289, %max3A_291 : vector<16xf32>
      %swap3A_293 = arith.index_cast %scan3A_238 : i32 to index
      %swap3A_294 = arith.constant 64 : index
      %swap3A_295 = tpu.vector_load %arg15[%swap3A_293, %swap3A_294] {strides = array<i32>} : memref<128x128xf32, #tpu.memory_space<vmem>>, vector<1x16xf32>,
      %swap3A_296 = vector.shape_cast %swap3A_295 : vector<1x16xf32> to vector<16xf32>
      %swap3A_297 = vector.shape_cast %max3A_292 : vector<16xf32> to vector<1x16xf32>
      tpu.vector_store %arg15[%swap3A_293, %swap3A_294], %swap3A_297 {strides = array<i32>} : memref<128x128xf32, #tpu.memory_space<vmem>>, vector<1x16xf32>,
      %get3A_298 = arith.index_cast %scan3A_238 : i32 to index
      %get3A_299 = arith.constant 80 : index
      %get3A_300 = tpu.vector_load %arg15[%get3A_298, %get3A_299] {strides = array<i32>} : memref<128x128xf32, #tpu.memory_space<vmem>>, vector<1x16xf32>,
      %get3A_301 = vector.shape_cast %get3A_300 : vector<1x16xf32> to vector<16xf32>
      %max3A_302 = arith.constant 0.000000e+00 : f32
      %max3A_303 = vector.broadcast %max3A_302 : f32 to vector<16xf32>
      %max3A_304 = arith.maximumf %get3A_301, %max3A_303 : vector<16xf32>
      %swap3A_305 = arith.index_cast %scan3A_238 : i32 to index
      %swap3A_306 = arith.constant 80 : index
      %swap3A_307 = tpu.vector_load %arg15[%swap3A_305, %swap3A_306] {strides = array<i32>} : memref<128x128xf32, #tpu.memory_space<vmem>>, vector<1x16xf32>,
      %swap3A_308 = vector.shape_cast %swap3A_307 : vector<1x16xf32> to vector<16xf32>
      %swap3A_309 = vector.shape_cast %max3A_304 : vector<16xf32> to vector<1x16xf32>
      tpu.vector_store %arg15[%swap3A_305, %swap3A_306], %swap3A_309 {strides = array<i32>} : memref<128x128xf32, #tpu.memory_space<vmem>>, vector<1x16xf32>,
      %get3A_310 = arith.index_cast %scan3A_238 : i32 to index
      %get3A_311 = arith.constant 96 : index
      %get3A_312 = tpu.vector_load %arg15[%get3A_310, %get3A_311] {strides = array<i32>} : memref<128x128xf32, #tpu.memory_space<vmem>>, vector<1x16xf32>,
      %get3A_313 = vector.shape_cast %get3A_312 : vector<1x16xf32> to vector<16xf32>
      %max3A_314 = arith.constant 0.000000e+00 : f32
      %max3A_315 = vector.broadcast %max3A_314 : f32 to vector<16xf32>
      %max3A_316 = arith.maximumf %get3A_313, %max3A_315 : vector<16xf32>
      %swap3A_317 = arith.index_cast %scan3A_238 : i32 to index
      %swap3A_318 = arith.constant 96 : index
      %swap3A_319 = tpu.vector_load %arg15[%swap3A_317, %swap3A_318] {strides = array<i32>} : memref<128x128xf32, #tpu.memory_space<vmem>>, vector<1x16xf32>,
      %swap3A_320 = vector.shape_cast %swap3A_319 : vector<1x16xf32> to vector<16xf32>
      %swap3A_321 = vector.shape_cast %max3A_316 : vector<16xf32> to vector<1x16xf32>
      tpu.vector_store %arg15[%swap3A_317, %swap3A_318], %swap3A_321 {strides = array<i32>} : memref<128x128xf32, #tpu.memory_space<vmem>>, vector<1x16xf32>,
      %get3A_322 = arith.index_cast %scan3A_238 : i32 to index
      %get3A_323 = arith.constant 112 : index
      %get3A_324 = tpu.vector_load %arg15[%get3A_322, %get3A_323] {strides = array<i32>} : memref<128x128xf32, #tpu.memory_space<vmem>>, vector<1x16xf32>,
      %get3A_325 = vector.shape_cast %get3A_324 : vector<1x16xf32> to vector<16xf32>
      %max3A_326 = arith.constant 0.000000e+00 : f32
      %max3A_327 = vector.broadcast %max3A_326 : f32 to vector<16xf32>
      %max3A_328 = arith.maximumf %get3A_325, %max3A_327 : vector<16xf32>
      %swap3A_329 = arith.index_cast %scan3A_238 : i32 to index
      %swap3A_330 = arith.constant 112 : index
      %swap3A_331 = tpu.vector_load %arg15[%swap3A_329, %swap3A_330] {strides = array<i32>} : memref<128x128xf32, #tpu.memory_space<vmem>>, vector<1x16xf32>,
      %swap3A_332 = vector.shape_cast %swap3A_331 : vector<1x16xf32> to vector<16xf32>
      %swap3A_333 = vector.shape_cast %max3A_328 : vector<16xf32> to vector<1x16xf32>
      tpu.vector_store %arg15[%swap3A_329, %swap3A_330], %swap3A_333 {strides = array<i32>} : memref<128x128xf32, #tpu.memory_space<vmem>>, vector<1x16xf32>,
    }
    %scan3A_230 = arith.constant 32 : i32
    "tpu.region"() ({
      %run_scoped3A = tpu.sem_alloc : memref<!tpu.dma_semaphore, #tpu.memory_space<semaphore_mem>>
      %dma_start3A_238 = arith.constant 0 : i32
      %dma_start3A_239 = arith.constant 0 : i32
      %dma_start3A_240 = tpu.memref_slice %arg15[%dma_start3A_238, %dma_start3A_239] : memref<128x128xf32, #tpu.memory_space<vmem>> -> memref<32x128xf32, #tpu.memory_space<vmem>>
      %dma_start3A_241 = arith.constant 0 : i32
      %dma_start3A_242 = arith.constant 0 : i32
      %dma_start3A_243 = tpu.memref_slice %arg17[%dma_start3A_241, %dma_start3A_242] : memref<10000x128xf32, #tpu.memory_space<vmem_shared>> -> memref<10000x128xf32, #tpu.memory_space<vmem_shared>>
      tpu.enqueue_indirect_dma source(%dma_start3A_240 : memref<32x128xf32, #tpu.memory_space<vmem>>) target(%dma_start3A_243 : memref<10000x128xf32, #tpu.memory_space<vmem_shared>>) offsets(%arg14 : memref<32xi32, #tpu.memory_space<vmem>>) semaphore(%run_scoped3A : memref<!tpu.dma_semaphore, #tpu.memory_space<semaphore_mem>>) {add = true}
      %dma_wait3A_244 = arith.constant 0 : i32
      %dma_wait3A_245 = arith.constant 0 : i32
      %dma_wait3A_246 = tpu.memref_slice %arg15[%dma_wait3A_244, %dma_wait3A_245] : memref<128x128xf32, #tpu.memory_space<vmem>> -> memref<32x128xf32, #tpu.memory_space<vmem>>
      %dma_wait3A_247 = arith.constant 0 : i32
      %dma_wait3A_248 = arith.constant 0 : i32
      %dma_wait3A_249 = tpu.memref_slice %arg17[%dma_wait3A_247, %dma_wait3A_248] : memref<10000x128xf32, #tpu.memory_space<vmem_shared>> -> memref<10000x128xf32, #tpu.memory_space<vmem_shared>>
      tpu.wait_indirect_dma semaphore(%run_scoped3A : memref<!tpu.dma_semaphore, #tpu.memory_space<semaphore_mem>>) src(%dma_wait3A_246 : memref<32x128xf32, #tpu.memory_space<vmem>>) dst(%dma_wait3A_249 : memref<10000x128xf32, #tpu.memory_space<vmem_shared>>)
      tpu.yield
    }) : () -> ()
    %barrier3A_231 = arith.constant 0 : index
    tpu.barrier barrier_id(%barrier3A_231)
    %add3A_232 = arith.addi %mul3A_0, %mul3A_25 : i32
    "tpu.region"() ({
      %run_scoped3A = tpu.sem_alloc : memref<!tpu.dma_semaphore, #tpu.memory_space<semaphore_mem>>
      %dma_start3A_238 = arith.constant 0 : i32
      %dma_start3A_239 = tpu.memref_slice %arg8[%add3A_232, %dma_start3A_238] : memref<20000x128xf32, #tpu.memory_space<hbm>> -> memref<624x128xf32, #tpu.memory_space<hbm>>
      %dma_start3A_240 = arith.constant 0 : i32
      %dma_start3A_241 = tpu.memref_slice %arg17[%mul3A_25, %dma_start3A_240] : memref<10000x128xf32, #tpu.memory_space<vmem_shared>> -> memref<624x128xf32, #tpu.memory_space<vmem_shared>>
      tpu.enqueue_dma source(%dma_start3A_241 : memref<624x128xf32, #tpu.memory_space<vmem_shared>>) target(%dma_start3A_239 : memref<624x128xf32, #tpu.memory_space<hbm>>) target_semaphore(%run_scoped3A : memref<!tpu.dma_semaphore, #tpu.memory_space<semaphore_mem>>)
      %dma_wait3A_242 = arith.constant 0 : i32
      %dma_wait3A_243 = tpu.memref_slice %arg8[%add3A_232, %dma_wait3A_242] : memref<20000x128xf32, #tpu.memory_space<hbm>> -> memref<624x128xf32, #tpu.memory_space<hbm>>
      %dma_wait3A_244 = arith.constant 0 : i32
      %dma_wait3A_245 = tpu.memref_slice %arg17[%mul3A_25, %dma_wait3A_244] : memref<10000x128xf32, #tpu.memory_space<vmem_shared>> -> memref<624x128xf32, #tpu.memory_space<vmem_shared>>
      tpu.wait_dma2 semaphore(%run_scoped3A : memref<!tpu.dma_semaphore, #tpu.memory_space<semaphore_mem>>) src(%dma_wait3A_245 : memref<624x128xf32, #tpu.memory_space<vmem_shared>>) dst(%dma_wait3A_243 : memref<624x128xf32, #tpu.memory_space<hbm>>)
      tpu.yield
    }) : () -> ()
    %eq3A_233 = arith.constant 15 : i32
    %eq3A_234 = arith.cmpi eq, %arg1, %eq3A_233 : i32
    %convert_element_type3A_235 = arith.extui %eq3A_234 : i1 to i32
    %cond3A_236 = arith.constant 0 : i32
    %cond3A_237 = arith.cmpi ne, %convert_element_type3A_235, %cond3A_236 : i32
    scf.if %cond3A_237 {
      %add3A_238 = arith.constant 9984 : i32
      %add3A_239 = arith.addi %mul3A_0, %add3A_238 : i32
      "tpu.region"() ({
        %run_scoped3A = tpu.sem_alloc : memref<!tpu.dma_semaphore, #tpu.memory_space<semaphore_mem>>
        %dma_start3A_240 = arith.constant 0 : i32
        %dma_start3A_241 = tpu.memref_slice %arg8[%add3A_239, %dma_start3A_240] : memref<20000x128xf32, #tpu.memory_space<hbm>> -> memref<16x128xf32, #tpu.memory_space<hbm>>
        %dma_start3A_242 = arith.constant 9984 : i32
        %dma_start3A_243 = arith.constant 0 : i32
        %dma_start3A_244 = tpu.memref_slice %arg17[%dma_start3A_242, %dma_start3A_243] : memref<10000x128xf32, #tpu.memory_space<vmem_shared>> -> memref<16x128xf32, #tpu.memory_space<vmem_shared>>
        tpu.enqueue_dma source(%dma_start3A_244 : memref<16x128xf32, #tpu.memory_space<vmem_shared>>) target(%dma_start3A_241 : memref<16x128xf32, #tpu.memory_space<hbm>>) target_semaphore(%run_scoped3A : memref<!tpu.dma_semaphore, #tpu.memory_space<semaphore_mem>>)
        %dma_wait3A_245 = arith.constant 0 : i32
        %dma_wait3A_246 = tpu.memref_slice %arg8[%add3A_239, %dma_wait3A_245] : memref<20000x128xf32, #tpu.memory_space<hbm>> -> memref<16x128xf32, #tpu.memory_space<hbm>>
        %dma_wait3A_247 = arith.constant 9984 : i32
        %dma_wait3A_248 = arith.constant 0 : i32
        %dma_wait3A_249 = tpu.memref_slice %arg17[%dma_wait3A_247, %dma_wait3A_248] : memref<10000x128xf32, #tpu.memory_space<vmem_shared>> -> memref<16x128xf32, #tpu.memory_space<vmem_shared>>
        tpu.wait_dma2 semaphore(%run_scoped3A : memref<!tpu.dma_semaphore, #tpu.memory_space<semaphore_mem>>) src(%dma_wait3A_249 : memref<16x128xf32, #tpu.memory_space<vmem_shared>>) dst(%dma_wait3A_246 : memref<16x128xf32, #tpu.memory_space<hbm>>)
        tpu.yield
      }) : () -> ()
    } else {
    }
    return
  }
}

#map = affine_map<(d0, d1) -> (0, 0)>
module attributes {stable_mosaic.version = 14 : i64} {
  func.func @_sc_msg_body(%arg0: i32, %arg1: i32, %arg2: memref<20000x128xf32, #tpu.memory_space<hbm>>, %arg3: memref<640000x128xf32, #tpu.memory_space<hbm>>, %arg4: memref<2496x128xi32, #tpu.memory_space<hbm>>, %arg5: memref<2496x128xi32, #tpu.memory_space<hbm>>, %arg6: memref<16x32xi32, #tpu.memory_space<hbm>>, %arg7: memref<16x32xi32, #tpu.memory_space<hbm>>, %arg8: memref<20000x128xf32, #tpu.memory_space<hbm>>, %arg9: memref<128xi32, #tpu.memory_space<vmem>>, %arg10: memref<128xi32, #tpu.memory_space<vmem>>, %arg11: memref<128xi32, #tpu.memory_space<vmem>>, %arg12: memref<128xi32, #tpu.memory_space<vmem>>, %arg13: memref<32xi32, #tpu.memory_space<vmem>>, %arg14: memref<32xi32, #tpu.memory_space<vmem>>, %arg15: memref<128x128xf32, #tpu.memory_space<vmem>>, %arg16: memref<128x128xf32, #tpu.memory_space<vmem>>, %arg17: memref<10000x128xf32, #tpu.memory_space<vmem_shared>>, %arg18: memref<!tpu.dma_semaphore, #tpu.memory_space<semaphore_mem>>, %arg19: memref<!tpu.dma_semaphore, #tpu.memory_space<semaphore_mem>>, %arg20: memref<!tpu.dma_semaphore, #tpu.memory_space<semaphore_mem>>, %arg21: memref<!tpu.dma_semaphore, #tpu.memory_space<semaphore_mem>>, %arg22: memref<!tpu.dma_semaphore, #tpu.memory_space<semaphore_mem>>, %arg23: memref<!tpu.dma_semaphore, #tpu.memory_space<semaphore_mem>>, %arg24: memref<!tpu.dma_semaphore, #tpu.memory_space<semaphore_mem>>, %arg25: memref<!tpu.dma_semaphore, #tpu.memory_space<semaphore_mem>>) attributes {dimension_semantics = [#tpu.dimension_semantics<core_parallel>, #tpu.dimension_semantics<subcore_parallel>], iteration_bounds = array<i64: 2, 16>, scalar_prefetch = 0 : i64, scratch_operands = 17 : i64, tpu.core_type = #tpu.core_type<sc_vector_subcore>, window_params = [{transform_indices = #map}, {transform_indices = #map}, {transform_indices = #map}, {transform_indices = #map}, {transform_indices = #map}, {transform_indices = #map}, {transform_indices = #map}]} {
    %mul3A = arith.constant 10000 : i32
    %mul3A_0 = arith.muli %arg0, %mul3A : i32
    %mul3A_1 = arith.constant 320000 : i32
    %mul3A_2 = arith.muli %arg0, %mul3A_1 : i32
    "tpu.region"() ({
      %run_scoped3A = tpu.sem_alloc : memref<!tpu.dma_semaphore, #tpu.memory_space<semaphore_mem>>
      %dma_start3A_238 = arith.constant 0 : i32
      %dma_start3A_239 = tpu.memref_slice %arg6[%arg1, %dma_start3A_238] : memref<16x32xi32, #tpu.memory_space<hbm>> -> memref<1x32xi32, #tpu.memory_space<hbm>>
      %dma_start3A_240 = tpu.memref_squeeze %dma_start3A_239 : memref<1x32xi32, #tpu.memory_space<hbm>> -> memref<32xi32, #tpu.memory_space<hbm>>
      %dma_start3A_241 = arith.constant 0 : i32
      %dma_start3A_242 = tpu.memref_slice %arg6[%arg1, %dma_start3A_241] : memref<16x32xi32, #tpu.memory_space<hbm>> -> memref<1x32xi32, #tpu.memory_space<hbm>>
      %dma_start3A_243 = tpu.memref_squeeze %dma_start3A_242 : memref<1x32xi32, #tpu.memory_space<hbm>> -> memref<32xi32, #tpu.memory_space<hbm>>
      tpu.enqueue_dma source(%dma_start3A_243 : memref<32xi32, #tpu.memory_space<hbm>>) target(%arg13 : memref<32xi32, #tpu.memory_space<vmem>>) target_semaphore(%run_scoped3A : memref<!tpu.dma_semaphore, #tpu.memory_space<semaphore_mem>>)
      %dma_wait3A_244 = arith.constant 0 : i32
      %dma_wait3A_245 = tpu.memref_slice %arg6[%arg1, %dma_wait3A_244] : memref<16x32xi32, #tpu.memory_space<hbm>> -> memref<1x32xi32, #tpu.memory_space<hbm>>
      %dma_wait3A_246 = tpu.memref_squeeze %dma_wait3A_245 : memref<1x32xi32, #tpu.memory_space<hbm>> -> memref<32xi32, #tpu.memory_space<hbm>>
      %dma_wait3A_247 = arith.constant 0 : i32
      %dma_wait3A_248 = tpu.memref_slice %arg6[%arg1, %dma_wait3A_247] : memref<16x32xi32, #tpu.memory_space<hbm>> -> memref<1x32xi32, #tpu.memory_space<hbm>>
      %dma_wait3A_249 = tpu.memref_squeeze %dma_wait3A_248 : memref<1x32xi32, #tpu.memory_space<hbm>> -> memref<32xi32, #tpu.memory_space<hbm>>
      tpu.wait_dma2 semaphore(%run_scoped3A : memref<!tpu.dma_semaphore, #tpu.memory_space<semaphore_mem>>) src(%dma_wait3A_249 : memref<32xi32, #tpu.memory_space<hbm>>) dst(%arg13 : memref<32xi32, #tpu.memory_space<vmem>>)
      tpu.yield
    }) : () -> ()
    "tpu.region"() ({
      %run_scoped3A = tpu.sem_alloc : memref<!tpu.dma_semaphore, #tpu.memory_space<semaphore_mem>>
      %dma_start3A_238 = arith.constant 0 : i32
      %dma_start3A_239 = tpu.memref_slice %arg7[%arg1, %dma_start3A_238] : memref<16x32xi32, #tpu.memory_space<hbm>> -> memref<1x32xi32, #tpu.memory_space<hbm>>
      %dma_start3A_240 = tpu.memref_squeeze %dma_start3A_239 : memref<1x32xi32, #tpu.memory_space<hbm>> -> memref<32xi32, #tpu.memory_space<hbm>>
      %dma_start3A_241 = arith.constant 0 : i32
      %dma_start3A_242 = tpu.memref_slice %arg7[%arg1, %dma_start3A_241] : memref<16x32xi32, #tpu.memory_space<hbm>> -> memref<1x32xi32, #tpu.memory_space<hbm>>
      %dma_start3A_243 = tpu.memref_squeeze %dma_start3A_242 : memref<1x32xi32, #tpu.memory_space<hbm>> -> memref<32xi32, #tpu.memory_space<hbm>>
      tpu.enqueue_dma source(%dma_start3A_243 : memref<32xi32, #tpu.memory_space<hbm>>) target(%arg14 : memref<32xi32, #tpu.memory_space<vmem>>) target_semaphore(%run_scoped3A : memref<!tpu.dma_semaphore, #tpu.memory_space<semaphore_mem>>)
      %dma_wait3A_244 = arith.constant 0 : i32
      %dma_wait3A_245 = tpu.memref_slice %arg7[%arg1, %dma_wait3A_244] : memref<16x32xi32, #tpu.memory_space<hbm>> -> memref<1x32xi32, #tpu.memory_space<hbm>>
      %dma_wait3A_246 = tpu.memref_squeeze %dma_wait3A_245 : memref<1x32xi32, #tpu.memory_space<hbm>> -> memref<32xi32, #tpu.memory_space<hbm>>
      %dma_wait3A_247 = arith.constant 0 : i32
      %dma_wait3A_248 = tpu.memref_slice %arg7[%arg1, %dma_wait3A_247] : memref<16x32xi32, #tpu.memory_space<hbm>> -> memref<1x32xi32, #tpu.memory_space<hbm>>
      %dma_wait3A_249 = tpu.memref_squeeze %dma_wait3A_248 : memref<1x32xi32, #tpu.memory_space<hbm>> -> memref<32xi32, #tpu.memory_space<hbm>>
      tpu.wait_dma2 semaphore(%run_scoped3A : memref<!tpu.dma_semaphore, #tpu.memory_space<semaphore_mem>>) src(%dma_wait3A_249 : memref<32xi32, #tpu.memory_space<hbm>>) dst(%arg14 : memref<32xi32, #tpu.memory_space<vmem>>)
      tpu.yield
    }) : () -> ()
    %get3A = arith.constant 0 : index
    %get3A_3 = tpu.vector_load %arg13[%get3A] {strides = array<i32>} : memref<32xi32, #tpu.memory_space<vmem>>, vector<16xi32>,
    %get3A_4 = vector.shape_cast %get3A_3 : vector<16xi32> to vector<16xi32>
    %add3A = vector.broadcast %mul3A_0 : i32 to vector<16xi32>
    %add3A_5 = arith.addi %get3A_4, %add3A : vector<16xi32>
    %swap3A = arith.constant 0 : index
    %swap3A_6 = tpu.vector_load %arg13[%swap3A] {strides = array<i32>} : memref<32xi32, #tpu.memory_space<vmem>>, vector<16xi32>,
    %swap3A_7 = vector.shape_cast %swap3A_6 : vector<16xi32> to vector<16xi32>
    %swap3A_8 = vector.shape_cast %add3A_5 : vector<16xi32> to vector<16xi32>
    tpu.vector_store %arg13[%swap3A], %swap3A_8 {strides = array<i32>} : memref<32xi32, #tpu.memory_space<vmem>>, vector<16xi32>,
    %get3A_9 = arith.constant 16 : index
    %get3A_10 = tpu.vector_load %arg13[%get3A_9] {strides = array<i32>} : memref<32xi32, #tpu.memory_space<vmem>>, vector<16xi32>,
    %get3A_11 = vector.shape_cast %get3A_10 : vector<16xi32> to vector<16xi32>
    %add3A_12 = vector.broadcast %mul3A_0 : i32 to vector<16xi32>
    %add3A_13 = arith.addi %get3A_11, %add3A_12 : vector<16xi32>
    %swap3A_14 = arith.constant 16 : index
    %swap3A_15 = tpu.vector_load %arg13[%swap3A_14] {strides = array<i32>} : memref<32xi32, #tpu.memory_space<vmem>>, vector<16xi32>,
    %swap3A_16 = vector.shape_cast %swap3A_15 : vector<16xi32> to vector<16xi32>
    %swap3A_17 = vector.shape_cast %add3A_13 : vector<16xi32> to vector<16xi32>
    tpu.vector_store %arg13[%swap3A_14], %swap3A_17 {strides = array<i32>} : memref<32xi32, #tpu.memory_space<vmem>>, vector<16xi32>,
    %broadcast_in_dim3A = arith.constant 0.000000e+00 : f32
    %broadcast_in_dim3A_18 = vector.broadcast %broadcast_in_dim3A : f32 to vector<16xf32>
    %scan3A = arith.constant 0 : i32
    %scan3A_19 = arith.constant 0 : i32
    %scan3A_20 = arith.constant 128 : i32
    %scan3A_21 = arith.addi %scan3A_19, %scan3A_20 : i32
    %scan3A_22 = arith.constant 1 : i32
    scf.for %scan3A_238 = %scan3A_19 to %scan3A_21 step %scan3A_22  : i32 {
      %swap3A_239 = arith.index_cast %scan3A_238 : i32 to index
      %swap3A_240 = arith.constant 0 : index
      %swap3A_241 = tpu.vector_load %arg15[%swap3A_239, %swap3A_240] {strides = array<i32>} : memref<128x128xf32, #tpu.memory_space<vmem>>, vector<1x16xf32>,
      %swap3A_242 = vector.shape_cast %swap3A_241 : vector<1x16xf32> to vector<16xf32>
      %swap3A_243 = vector.shape_cast %broadcast_in_dim3A_18 : vector<16xf32> to vector<1x16xf32>
      tpu.vector_store %arg15[%swap3A_239, %swap3A_240], %swap3A_243 {strides = array<i32>} : memref<128x128xf32, #tpu.memory_space<vmem>>, vector<1x16xf32>,
      %swap3A_244 = arith.index_cast %scan3A_238 : i32 to index
      %swap3A_245 = arith.constant 16 : index
      %swap3A_246 = tpu.vector_load %arg15[%swap3A_244, %swap3A_245] {strides = array<i32>} : memref<128x128xf32, #tpu.memory_space<vmem>>, vector<1x16xf32>,
      %swap3A_247 = vector.shape_cast %swap3A_246 : vector<1x16xf32> to vector<16xf32>
      %swap3A_248 = vector.shape_cast %broadcast_in_dim3A_18 : vector<16xf32> to vector<1x16xf32>
      tpu.vector_store %arg15[%swap3A_244, %swap3A_245], %swap3A_248 {strides = array<i32>} : memref<128x128xf32, #tpu.memory_space<vmem>>, vector<1x16xf32>,
      %swap3A_249 = arith.index_cast %scan3A_238 : i32 to index
      %swap3A_250 = arith.constant 32 : index
      %swap3A_251 = tpu.vector_load %arg15[%swap3A_249, %swap3A_250] {strides = array<i32>} : memref<128x128xf32, #tpu.memory_space<vmem>>, vector<1x16xf32>,
      %swap3A_252 = vector.shape_cast %swap3A_251 : vector<1x16xf32> to vector<16xf32>
      %swap3A_253 = vector.shape_cast %broadcast_in_dim3A_18 : vector<16xf32> to vector<1x16xf32>
      tpu.vector_store %arg15[%swap3A_249, %swap3A_250], %swap3A_253 {strides = array<i32>} : memref<128x128xf32, #tpu.memory_space<vmem>>, vector<1x16xf32>,
      %swap3A_254 = arith.index_cast %scan3A_238 : i32 to index
      %swap3A_255 = arith.constant 48 : index
      %swap3A_256 = tpu.vector_load %arg15[%swap3A_254, %swap3A_255] {strides = array<i32>} : memref<128x128xf32, #tpu.memory_space<vmem>>, vector<1x16xf32>,
      %swap3A_257 = vector.shape_cast %swap3A_256 : vector<1x16xf32> to vector<16xf32>
      %swap3A_258 = vector.shape_cast %broadcast_in_dim3A_18 : vector<16xf32> to vector<1x16xf32>
      tpu.vector_store %arg15[%swap3A_254, %swap3A_255], %swap3A_258 {strides = array<i32>} : memref<128x128xf32, #tpu.memory_space<vmem>>, vector<1x16xf32>,
      %swap3A_259 = arith.index_cast %scan3A_238 : i32 to index
      %swap3A_260 = arith.constant 64 : index
      %swap3A_261 = tpu.vector_load %arg15[%swap3A_259, %swap3A_260] {strides = array<i32>} : memref<128x128xf32, #tpu.memory_space<vmem>>, vector<1x16xf32>,
      %swap3A_262 = vector.shape_cast %swap3A_261 : vector<1x16xf32> to vector<16xf32>
      %swap3A_263 = vector.shape_cast %broadcast_in_dim3A_18 : vector<16xf32> to vector<1x16xf32>
      tpu.vector_store %arg15[%swap3A_259, %swap3A_260], %swap3A_263 {strides = array<i32>} : memref<128x128xf32, #tpu.memory_space<vmem>>, vector<1x16xf32>,
      %swap3A_264 = arith.index_cast %scan3A_238 : i32 to index
      %swap3A_265 = arith.constant 80 : index
      %swap3A_266 = tpu.vector_load %arg15[%swap3A_264, %swap3A_265] {strides = array<i32>} : memref<128x128xf32, #tpu.memory_space<vmem>>, vector<1x16xf32>,
      %swap3A_267 = vector.shape_cast %swap3A_266 : vector<1x16xf32> to vector<16xf32>
      %swap3A_268 = vector.shape_cast %broadcast_in_dim3A_18 : vector<16xf32> to vector<1x16xf32>
      tpu.vector_store %arg15[%swap3A_264, %swap3A_265], %swap3A_268 {strides = array<i32>} : memref<128x128xf32, #tpu.memory_space<vmem>>, vector<1x16xf32>,
      %swap3A_269 = arith.index_cast %scan3A_238 : i32 to index
      %swap3A_270 = arith.constant 96 : index
      %swap3A_271 = tpu.vector_load %arg15[%swap3A_269, %swap3A_270] {strides = array<i32>} : memref<128x128xf32, #tpu.memory_space<vmem>>, vector<1x16xf32>,
      %swap3A_272 = vector.shape_cast %swap3A_271 : vector<1x16xf32> to vector<16xf32>
      %swap3A_273 = vector.shape_cast %broadcast_in_dim3A_18 : vector<16xf32> to vector<1x16xf32>
      tpu.vector_store %arg15[%swap3A_269, %swap3A_270], %swap3A_273 {strides = array<i32>} : memref<128x128xf32, #tpu.memory_space<vmem>>, vector<1x16xf32>,
      %swap3A_274 = arith.index_cast %scan3A_238 : i32 to index
      %swap3A_275 = arith.constant 112 : index
      %swap3A_276 = tpu.vector_load %arg15[%swap3A_274, %swap3A_275] {strides = array<i32>} : memref<128x128xf32, #tpu.memory_space<vmem>>, vector<1x16xf32>,
      %swap3A_277 = vector.shape_cast %swap3A_276 : vector<1x16xf32> to vector<16xf32>
      %swap3A_278 = vector.shape_cast %broadcast_in_dim3A_18 : vector<16xf32> to vector<1x16xf32>
      tpu.vector_store %arg15[%swap3A_274, %swap3A_275], %swap3A_278 {strides = array<i32>} : memref<128x128xf32, #tpu.memory_space<vmem>>, vector<1x16xf32>,
    }
    %scan3A_23 = arith.constant 128 : i32
    %mul3A_24 = arith.constant 624 : i32
    %mul3A_25 = arith.muli %arg1, %mul3A_24 : i32
    %add3A_26 = arith.constant 0 : i32
    %add3A_27 = arith.addi %mul3A_25, %add3A_26 : i32
    "tpu.region"() ({
      %run_scoped3A = tpu.sem_alloc : memref<!tpu.dma_semaphore, #tpu.memory_space<semaphore_mem>>
      %dma_start3A_238 = arith.constant 0 : i32
      %dma_start3A_239 = tpu.memref_slice %arg17[%add3A_27, %dma_start3A_238] : memref<10000x128xf32, #tpu.memory_space<vmem_shared>> -> memref<128x128xf32, #tpu.memory_space<vmem_shared>>
      %dma_start3A_240 = arith.constant 0 : i32
      %dma_start3A_241 = tpu.memref_slice %arg17[%add3A_27, %dma_start3A_240] : memref<10000x128xf32, #tpu.memory_space<vmem_shared>> -> memref<128x128xf32, #tpu.memory_space<vmem_shared>>
      tpu.enqueue_dma source(%arg15 : memref<128x128xf32, #tpu.memory_space<vmem>>) target(%dma_start3A_241 : memref<128x128xf32, #tpu.memory_space<vmem_shared>>) target_semaphore(%run_scoped3A : memref<!tpu.dma_semaphore, #tpu.memory_space<semaphore_mem>>)
      %dma_wait3A_242 = arith.constant 0 : i32
      %dma_wait3A_243 = tpu.memref_slice %arg17[%add3A_27, %dma_wait3A_242] : memref<10000x128xf32, #tpu.memory_space<vmem_shared>> -> memref<128x128xf32, #tpu.memory_space<vmem_shared>>
      %dma_wait3A_244 = arith.constant 0 : i32
      %dma_wait3A_245 = tpu.memref_slice %arg17[%add3A_27, %dma_wait3A_244] : memref<10000x128xf32, #tpu.memory_space<vmem_shared>> -> memref<128x128xf32, #tpu.memory_space<vmem_shared>>
      tpu.wait_dma2 semaphore(%run_scoped3A : memref<!tpu.dma_semaphore, #tpu.memory_space<semaphore_mem>>) src(%arg15 : memref<128x128xf32, #tpu.memory_space<vmem>>) dst(%dma_wait3A_245 : memref<128x128xf32, #tpu.memory_space<vmem_shared>>)
      tpu.yield
    }) : () -> ()
    %add3A_28 = arith.constant 128 : i32
    %add3A_29 = arith.addi %mul3A_25, %add3A_28 : i32
    "tpu.region"() ({
      %run_scoped3A = tpu.sem_alloc : memref<!tpu.dma_semaphore, #tpu.memory_space<semaphore_mem>>
      %dma_start3A_238 = arith.constant 0 : i32
      %dma_start3A_239 = tpu.memref_slice %arg17[%add3A_29, %dma_start3A_238] : memref<10000x128xf32, #tpu.memory_space<vmem_shared>> -> memref<128x128xf32, #tpu.memory_space<vmem_shared>>
      %dma_start3A_240 = arith.constant 0 : i32
      %dma_start3A_241 = tpu.memref_slice %arg17[%add3A_29, %dma_start3A_240] : memref<10000x128xf32, #tpu.memory_space<vmem_shared>> -> memref<128x128xf32, #tpu.memory_space<vmem_shared>>
      tpu.enqueue_dma source(%arg15 : memref<128x128xf32, #tpu.memory_space<vmem>>) target(%dma_start3A_241 : memref<128x128xf32, #tpu.memory_space<vmem_shared>>) target_semaphore(%run_scoped3A : memref<!tpu.dma_semaphore, #tpu.memory_space<semaphore_mem>>)
      %dma_wait3A_242 = arith.constant 0 : i32
      %dma_wait3A_243 = tpu.memref_slice %arg17[%add3A_29, %dma_wait3A_242] : memref<10000x128xf32, #tpu.memory_space<vmem_shared>> -> memref<128x128xf32, #tpu.memory_space<vmem_shared>>
      %dma_wait3A_244 = arith.constant 0 : i32
      %dma_wait3A_245 = tpu.memref_slice %arg17[%add3A_29, %dma_wait3A_244] : memref<10000x128xf32, #tpu.memory_space<vmem_shared>> -> memref<128x128xf32, #tpu.memory_space<vmem_shared>>
      tpu.wait_dma2 semaphore(%run_scoped3A : memref<!tpu.dma_semaphore, #tpu.memory_space<semaphore_mem>>) src(%arg15 : memref<128x128xf32, #tpu.memory_space<vmem>>) dst(%dma_wait3A_245 : memref<128x128xf32, #tpu.memory_space<vmem_shared>>)
      tpu.yield
    }) : () -> ()
    %add3A_30 = arith.constant 256 : i32
    %add3A_31 = arith.addi %mul3A_25, %add3A_30 : i32
    "tpu.region"() ({
      %run_scoped3A = tpu.sem_alloc : memref<!tpu.dma_semaphore, #tpu.memory_space<semaphore_mem>>
      %dma_start3A_238 = arith.constant 0 : i32
      %dma_start3A_239 = tpu.memref_slice %arg17[%add3A_31, %dma_start3A_238] : memref<10000x128xf32, #tpu.memory_space<vmem_shared>> -> memref<128x128xf32, #tpu.memory_space<vmem_shared>>
      %dma_start3A_240 = arith.constant 0 : i32
      %dma_start3A_241 = tpu.memref_slice %arg17[%add3A_31, %dma_start3A_240] : memref<10000x128xf32, #tpu.memory_space<vmem_shared>> -> memref<128x128xf32, #tpu.memory_space<vmem_shared>>
      tpu.enqueue_dma source(%arg15 : memref<128x128xf32, #tpu.memory_space<vmem>>) target(%dma_start3A_241 : memref<128x128xf32, #tpu.memory_space<vmem_shared>>) target_semaphore(%run_scoped3A : memref<!tpu.dma_semaphore, #tpu.memory_space<semaphore_mem>>)
      %dma_wait3A_242 = arith.constant 0 : i32
      %dma_wait3A_243 = tpu.memref_slice %arg17[%add3A_31, %dma_wait3A_242] : memref<10000x128xf32, #tpu.memory_space<vmem_shared>> -> memref<128x128xf32, #tpu.memory_space<vmem_shared>>
      %dma_wait3A_244 = arith.constant 0 : i32
      %dma_wait3A_245 = tpu.memref_slice %arg17[%add3A_31, %dma_wait3A_244] : memref<10000x128xf32, #tpu.memory_space<vmem_shared>> -> memref<128x128xf32, #tpu.memory_space<vmem_shared>>
      tpu.wait_dma2 semaphore(%run_scoped3A : memref<!tpu.dma_semaphore, #tpu.memory_space<semaphore_mem>>) src(%arg15 : memref<128x128xf32, #tpu.memory_space<vmem>>) dst(%dma_wait3A_245 : memref<128x128xf32, #tpu.memory_space<vmem_shared>>)
      tpu.yield
    }) : () -> ()
    %add3A_32 = arith.constant 384 : i32
    %add3A_33 = arith.addi %mul3A_25, %add3A_32 : i32
    "tpu.region"() ({
      %run_scoped3A = tpu.sem_alloc : memref<!tpu.dma_semaphore, #tpu.memory_space<semaphore_mem>>
      %dma_start3A_238 = arith.constant 0 : i32
      %dma_start3A_239 = tpu.memref_slice %arg17[%add3A_33, %dma_start3A_238] : memref<10000x128xf32, #tpu.memory_space<vmem_shared>> -> memref<128x128xf32, #tpu.memory_space<vmem_shared>>
      %dma_start3A_240 = arith.constant 0 : i32
      %dma_start3A_241 = tpu.memref_slice %arg17[%add3A_33, %dma_start3A_240] : memref<10000x128xf32, #tpu.memory_space<vmem_shared>> -> memref<128x128xf32, #tpu.memory_space<vmem_shared>>
      tpu.enqueue_dma source(%arg15 : memref<128x128xf32, #tpu.memory_space<vmem>>) target(%dma_start3A_241 : memref<128x128xf32, #tpu.memory_space<vmem_shared>>) target_semaphore(%run_scoped3A : memref<!tpu.dma_semaphore, #tpu.memory_space<semaphore_mem>>)
      %dma_wait3A_242 = arith.constant 0 : i32
      %dma_wait3A_243 = tpu.memref_slice %arg17[%add3A_33, %dma_wait3A_242] : memref<10000x128xf32, #tpu.memory_space<vmem_shared>> -> memref<128x128xf32, #tpu.memory_space<vmem_shared>>
      %dma_wait3A_244 = arith.constant 0 : i32
      %dma_wait3A_245 = tpu.memref_slice %arg17[%add3A_33, %dma_wait3A_244] : memref<10000x128xf32, #tpu.memory_space<vmem_shared>> -> memref<128x128xf32, #tpu.memory_space<vmem_shared>>
      tpu.wait_dma2 semaphore(%run_scoped3A : memref<!tpu.dma_semaphore, #tpu.memory_space<semaphore_mem>>) src(%arg15 : memref<128x128xf32, #tpu.memory_space<vmem>>) dst(%dma_wait3A_245 : memref<128x128xf32, #tpu.memory_space<vmem_shared>>)
      tpu.yield
    }) : () -> ()
    %add3A_34 = arith.constant 512 : i32
    %add3A_35 = arith.addi %mul3A_25, %add3A_34 : i32
    "tpu.region"() ({
      %run_scoped3A = tpu.sem_alloc : memref<!tpu.dma_semaphore, #tpu.memory_space<semaphore_mem>>
      %dma_start3A_238 = arith.constant 0 : i32
      %dma_start3A_239 = arith.constant 0 : i32
      %dma_start3A_240 = tpu.memref_slice %arg15[%dma_start3A_238, %dma_start3A_239] : memref<128x128xf32, #tpu.memory_space<vmem>> -> memref<112x128xf32, #tpu.memory_space<vmem>>
      %dma_start3A_241 = arith.constant 0 : i32
      %dma_start3A_242 = tpu.memref_slice %arg17[%add3A_35, %dma_start3A_241] : memref<10000x128xf32, #tpu.memory_space<vmem_shared>> -> memref<112x128xf32, #tpu.memory_space<vmem_shared>>
      %dma_start3A_243 = arith.constant 0 : i32
      %dma_start3A_244 = tpu.memref_slice %arg17[%add3A_35, %dma_start3A_243] : memref<10000x128xf32, #tpu.memory_space<vmem_shared>> -> memref<112x128xf32, #tpu.memory_space<vmem_shared>>
      %dma_start3A_245 = arith.constant 0 : i32
      %dma_start3A_246 = arith.constant 0 : i32
      %dma_start3A_247 = tpu.memref_slice %arg15[%dma_start3A_245, %dma_start3A_246] : memref<128x128xf32, #tpu.memory_space<vmem>> -> memref<112x128xf32, #tpu.memory_space<vmem>>
      tpu.enqueue_dma source(%dma_start3A_247 : memref<112x128xf32, #tpu.memory_space<vmem>>) target(%dma_start3A_244 : memref<112x128xf32, #tpu.memory_space<vmem_shared>>) target_semaphore(%run_scoped3A : memref<!tpu.dma_semaphore, #tpu.memory_space<semaphore_mem>>)
      %dma_wait3A_248 = arith.constant 0 : i32
      %dma_wait3A_249 = arith.constant 0 : i32
      %dma_wait3A_250 = tpu.memref_slice %arg15[%dma_wait3A_248, %dma_wait3A_249] : memref<128x128xf32, #tpu.memory_space<vmem>> -> memref<112x128xf32, #tpu.memory_space<vmem>>
      %dma_wait3A_251 = arith.constant 0 : i32
      %dma_wait3A_252 = tpu.memref_slice %arg17[%add3A_35, %dma_wait3A_251] : memref<10000x128xf32, #tpu.memory_space<vmem_shared>> -> memref<112x128xf32, #tpu.memory_space<vmem_shared>>
      %dma_wait3A_253 = arith.constant 0 : i32
      %dma_wait3A_254 = tpu.memref_slice %arg17[%add3A_35, %dma_wait3A_253] : memref<10000x128xf32, #tpu.memory_space<vmem_shared>> -> memref<112x128xf32, #tpu.memory_space<vmem_shared>>
      %dma_wait3A_255 = arith.constant 0 : i32
      %dma_wait3A_256 = arith.constant 0 : i32
      %dma_wait3A_257 = tpu.memref_slice %arg15[%dma_wait3A_255, %dma_wait3A_256] : memref<128x128xf32, #tpu.memory_space<vmem>> -> memref<112x128xf32, #tpu.memory_space<vmem>>
      tpu.wait_dma2 semaphore(%run_scoped3A : memref<!tpu.dma_semaphore, #tpu.memory_space<semaphore_mem>>) src(%dma_wait3A_257 : memref<112x128xf32, #tpu.memory_space<vmem>>) dst(%dma_wait3A_254 : memref<112x128xf32, #tpu.memory_space<vmem_shared>>)
      tpu.yield
    }) : () -> ()
    %eq3A = arith.constant 15 : i32
    %eq3A_36 = arith.cmpi eq, %arg1, %eq3A : i32
    %convert_element_type3A = arith.extui %eq3A_36 : i1 to i32
    %cond3A = arith.constant 0 : i32
    %cond3A_37 = arith.cmpi ne, %convert_element_type3A, %cond3A : i32
    scf.if %cond3A_37 {
      "tpu.region"() ({
        %run_scoped3A = tpu.sem_alloc : memref<!tpu.dma_semaphore, #tpu.memory_space<semaphore_mem>>
        %dma_start3A_238 = arith.constant 0 : i32
        %dma_start3A_239 = arith.constant 0 : i32
        %dma_start3A_240 = tpu.memref_slice %arg15[%dma_start3A_238, %dma_start3A_239] : memref<128x128xf32, #tpu.memory_space<vmem>> -> memref<16x128xf32, #tpu.memory_space<vmem>>
        %dma_start3A_241 = arith.constant 9984 : i32
        %dma_start3A_242 = arith.constant 0 : i32
        %dma_start3A_243 = tpu.memref_slice %arg17[%dma_start3A_241, %dma_start3A_242] : memref<10000x128xf32, #tpu.memory_space<vmem_shared>> -> memref<16x128xf32, #tpu.memory_space<vmem_shared>>
        %dma_start3A_244 = arith.constant 9984 : i32
        %dma_start3A_245 = arith.constant 0 : i32
        %dma_start3A_246 = tpu.memref_slice %arg17[%dma_start3A_244, %dma_start3A_245] : memref<10000x128xf32, #tpu.memory_space<vmem_shared>> -> memref<16x128xf32, #tpu.memory_space<vmem_shared>>
        %dma_start3A_247 = arith.constant 0 : i32
        %dma_start3A_248 = arith.constant 0 : i32
        %dma_start3A_249 = tpu.memref_slice %arg15[%dma_start3A_247, %dma_start3A_248] : memref<128x128xf32, #tpu.memory_space<vmem>> -> memref<16x128xf32, #tpu.memory_space<vmem>>
        tpu.enqueue_dma source(%dma_start3A_249 : memref<16x128xf32, #tpu.memory_space<vmem>>) target(%dma_start3A_246 : memref<16x128xf32, #tpu.memory_space<vmem_shared>>) target_semaphore(%run_scoped3A : memref<!tpu.dma_semaphore, #tpu.memory_space<semaphore_mem>>)
        %dma_wait3A_250 = arith.constant 0 : i32
        %dma_wait3A_251 = arith.constant 0 : i32
        %dma_wait3A_252 = tpu.memref_slice %arg15[%dma_wait3A_250, %dma_wait3A_251] : memref<128x128xf32, #tpu.memory_space<vmem>> -> memref<16x128xf32, #tpu.memory_space<vmem>>
        %dma_wait3A_253 = arith.constant 9984 : i32
        %dma_wait3A_254 = arith.constant 0 : i32
        %dma_wait3A_255 = tpu.memref_slice %arg17[%dma_wait3A_253, %dma_wait3A_254] : memref<10000x128xf32, #tpu.memory_space<vmem_shared>> -> memref<16x128xf32, #tpu.memory_space<vmem_shared>>
        %dma_wait3A_256 = arith.constant 9984 : i32
        %dma_wait3A_257 = arith.constant 0 : i32
        %dma_wait3A_258 = tpu.memref_slice %arg17[%dma_wait3A_256, %dma_wait3A_257] : memref<10000x128xf32, #tpu.memory_space<vmem_shared>> -> memref<16x128xf32, #tpu.memory_space<vmem_shared>>
        %dma_wait3A_259 = arith.constant 0 : i32
        %dma_wait3A_260 = arith.constant 0 : i32
        %dma_wait3A_261 = tpu.memref_slice %arg15[%dma_wait3A_259, %dma_wait3A_260] : memref<128x128xf32, #tpu.memory_space<vmem>> -> memref<16x128xf32, #tpu.memory_space<vmem>>
        tpu.wait_dma2 semaphore(%run_scoped3A : memref<!tpu.dma_semaphore, #tpu.memory_space<semaphore_mem>>) src(%dma_wait3A_261 : memref<16x128xf32, #tpu.memory_space<vmem>>) dst(%dma_wait3A_258 : memref<16x128xf32, #tpu.memory_space<vmem_shared>>)
        tpu.yield
      }) : () -> ()
    } else {
    }
    %barrier3A = arith.constant 0 : index
    tpu.barrier barrier_id(%barrier3A)
    %mul3A_38 = arith.constant 19968 : i32
    %mul3A_39 = arith.muli %arg1, %mul3A_38 : i32
    %add3A_40 = arith.addi %mul3A_2, %mul3A_39 : i32
    %mul3A_41 = arith.constant 156 : i32
    %mul3A_42 = arith.muli %arg1, %mul3A_41 : i32
    %add3A_43 = arith.constant 0 : i32
    %add3A_44 = arith.addi %mul3A_42, %add3A_43 : i32
    %min3A = arith.constant 2495 : i32
    %min3A_45 = arith.minsi %add3A_44, %min3A : i32
    %add3A_46 = arith.constant 0 : i32
    %add3A_47 = arith.addi %add3A_40, %add3A_46 : i32
    %dma_start3A = arith.constant 0 : i32
    %dma_start3A_48 = tpu.memref_slice %arg3[%add3A_47, %dma_start3A] : memref<640000x128xf32, #tpu.memory_space<hbm>> -> memref<128x128xf32, #tpu.memory_space<hbm>>
    %dma_start3A_49 = arith.constant 0 : i32
    %dma_start3A_50 = tpu.memref_slice %arg3[%add3A_47, %dma_start3A_49] : memref<640000x128xf32, #tpu.memory_space<hbm>> -> memref<128x128xf32, #tpu.memory_space<hbm>>
    tpu.enqueue_dma source(%dma_start3A_50 : memref<128x128xf32, #tpu.memory_space<hbm>>) target(%arg15 : memref<128x128xf32, #tpu.memory_space<vmem>>) target_semaphore(%arg18 : memref<!tpu.dma_semaphore, #tpu.memory_space<semaphore_mem>>)
    %dma_start3A_51 = arith.constant 0 : i32
    %dma_start3A_52 = tpu.memref_slice %arg4[%min3A_45, %dma_start3A_51] : memref<2496x128xi32, #tpu.memory_space<hbm>> -> memref<1x128xi32, #tpu.memory_space<hbm>>
    %dma_start3A_53 = tpu.memref_squeeze %dma_start3A_52 : memref<1x128xi32, #tpu.memory_space<hbm>> -> memref<128xi32, #tpu.memory_space<hbm>>
    %dma_start3A_54 = arith.constant 0 : i32
    %dma_start3A_55 = tpu.memref_slice %arg4[%min3A_45, %dma_start3A_54] : memref<2496x128xi32, #tpu.memory_space<hbm>> -> memref<1x128xi32, #tpu.memory_space<hbm>>
    %dma_start3A_56 = tpu.memref_squeeze %dma_start3A_55 : memref<1x128xi32, #tpu.memory_space<hbm>> -> memref<128xi32, #tpu.memory_space<hbm>>
    tpu.enqueue_dma source(%dma_start3A_56 : memref<128xi32, #tpu.memory_space<hbm>>) target(%arg9 : memref<128xi32, #tpu.memory_space<vmem>>) target_semaphore(%arg20 : memref<!tpu.dma_semaphore, #tpu.memory_space<semaphore_mem>>)
    %dma_start3A_57 = arith.constant 0 : i32
    %dma_start3A_58 = tpu.memref_slice %arg5[%min3A_45, %dma_start3A_57] : memref<2496x128xi32, #tpu.memory_space<hbm>> -> memref<1x128xi32, #tpu.memory_space<hbm>>
    %dma_start3A_59 = tpu.memref_squeeze %dma_start3A_58 : memref<1x128xi32, #tpu.memory_space<hbm>> -> memref<128xi32, #tpu.memory_space<hbm>>
    %dma_start3A_60 = arith.constant 0 : i32
    %dma_start3A_61 = tpu.memref_slice %arg5[%min3A_45, %dma_start3A_60] : memref<2496x128xi32, #tpu.memory_space<hbm>> -> memref<1x128xi32, #tpu.memory_space<hbm>>
    %dma_start3A_62 = tpu.memref_squeeze %dma_start3A_61 : memref<1x128xi32, #tpu.memory_space<hbm>> -> memref<128xi32, #tpu.memory_space<hbm>>
    tpu.enqueue_dma source(%dma_start3A_62 : memref<128xi32, #tpu.memory_space<hbm>>) target(%arg11 : memref<128xi32, #tpu.memory_space<vmem>>) target_semaphore(%arg22 : memref<!tpu.dma_semaphore, #tpu.memory_space<semaphore_mem>>)
    %mul3A_63 = arith.constant 156 : i32
    %mul3A_64 = arith.muli %arg1, %mul3A_63 : i32
    %add3A_65 = arith.constant 1 : i32
    %add3A_66 = arith.addi %mul3A_64, %add3A_65 : i32
    %min3A_67 = arith.constant 2495 : i32
    %min3A_68 = arith.minsi %add3A_66, %min3A_67 : i32
    %add3A_69 = arith.constant 128 : i32
    %add3A_70 = arith.addi %add3A_40, %add3A_69 : i32
    %dma_start3A_71 = arith.constant 0 : i32
    %dma_start3A_72 = tpu.memref_slice %arg3[%add3A_70, %dma_start3A_71] : memref<640000x128xf32, #tpu.memory_space<hbm>> -> memref<128x128xf32, #tpu.memory_space<hbm>>
    %dma_start3A_73 = arith.constant 0 : i32
    %dma_start3A_74 = tpu.memref_slice %arg3[%add3A_70, %dma_start3A_73] : memref<640000x128xf32, #tpu.memory_space<hbm>> -> memref<128x128xf32, #tpu.memory_space<hbm>>
    tpu.enqueue_dma source(%dma_start3A_74 : memref<128x128xf32, #tpu.memory_space<hbm>>) target(%arg16 : memref<128x128xf32, #tpu.memory_space<vmem>>) target_semaphore(%arg19 : memref<!tpu.dma_semaphore, #tpu.memory_space<semaphore_mem>>)
    %dma_start3A_75 = arith.constant 0 : i32
    %dma_start3A_76 = tpu.memref_slice %arg4[%min3A_68, %dma_start3A_75] : memref<2496x128xi32, #tpu.memory_space<hbm>> -> memref<1x128xi32, #tpu.memory_space<hbm>>
    %dma_start3A_77 = tpu.memref_squeeze %dma_start3A_76 : memref<1x128xi32, #tpu.memory_space<hbm>> -> memref<128xi32, #tpu.memory_space<hbm>>
    %dma_start3A_78 = arith.constant 0 : i32
    %dma_start3A_79 = tpu.memref_slice %arg4[%min3A_68, %dma_start3A_78] : memref<2496x128xi32, #tpu.memory_space<hbm>> -> memref<1x128xi32, #tpu.memory_space<hbm>>
    %dma_start3A_80 = tpu.memref_squeeze %dma_start3A_79 : memref<1x128xi32, #tpu.memory_space<hbm>> -> memref<128xi32, #tpu.memory_space<hbm>>
    tpu.enqueue_dma source(%dma_start3A_80 : memref<128xi32, #tpu.memory_space<hbm>>) target(%arg10 : memref<128xi32, #tpu.memory_space<vmem>>) target_semaphore(%arg21 : memref<!tpu.dma_semaphore, #tpu.memory_space<semaphore_mem>>)
    %dma_start3A_81 = arith.constant 0 : i32
    %dma_start3A_82 = tpu.memref_slice %arg5[%min3A_68, %dma_start3A_81] : memref<2496x128xi32, #tpu.memory_space<hbm>> -> memref<1x128xi32, #tpu.memory_space<hbm>>
    %dma_start3A_83 = tpu.memref_squeeze %dma_start3A_82 : memref<1x128xi32, #tpu.memory_space<hbm>> -> memref<128xi32, #tpu.memory_space<hbm>>
    %dma_start3A_84 = arith.constant 0 : i32
    %dma_start3A_85 = tpu.memref_slice %arg5[%min3A_68, %dma_start3A_84] : memref<2496x128xi32, #tpu.memory_space<hbm>> -> memref<1x128xi32, #tpu.memory_space<hbm>>
    %dma_start3A_86 = tpu.memref_squeeze %dma_start3A_85 : memref<1x128xi32, #tpu.memory_space<hbm>> -> memref<128xi32, #tpu.memory_space<hbm>>
    tpu.enqueue_dma source(%dma_start3A_86 : memref<128xi32, #tpu.memory_space<hbm>>) target(%arg12 : memref<128xi32, #tpu.memory_space<vmem>>) target_semaphore(%arg23 : memref<!tpu.dma_semaphore, #tpu.memory_space<semaphore_mem>>)
    %dma_wait3A = arith.constant 0 : i32
    %dma_wait3A_87 = arith.constant 0 : i32
    %dma_wait3A_88 = tpu.memref_slice %arg3[%dma_wait3A, %dma_wait3A_87] : memref<640000x128xf32, #tpu.memory_space<hbm>> -> memref<128x128xf32, #tpu.memory_space<hbm>>
    %dma_wait3A_89 = arith.constant 0 : i32
    %dma_wait3A_90 = arith.constant 0 : i32
    %dma_wait3A_91 = tpu.memref_slice %arg3[%dma_wait3A_89, %dma_wait3A_90] : memref<640000x128xf32, #tpu.memory_space<hbm>> -> memref<128x128xf32, #tpu.memory_space<hbm>>
    tpu.wait_dma2 semaphore(%arg18 : memref<!tpu.dma_semaphore, #tpu.memory_space<semaphore_mem>>) src(%dma_wait3A_91 : memref<128x128xf32, #tpu.memory_space<hbm>>) dst(%arg15 : memref<128x128xf32, #tpu.memory_space<vmem>>)
    %dma_wait3A_92 = arith.constant 0 : i32
    %dma_wait3A_93 = arith.constant 0 : i32
    %dma_wait3A_94 = tpu.memref_slice %arg4[%dma_wait3A_92, %dma_wait3A_93] : memref<2496x128xi32, #tpu.memory_space<hbm>> -> memref<1x128xi32, #tpu.memory_space<hbm>>
    %dma_wait3A_95 = tpu.memref_squeeze %dma_wait3A_94 : memref<1x128xi32, #tpu.memory_space<hbm>> -> memref<128xi32, #tpu.memory_space<hbm>>
    %dma_wait3A_96 = arith.constant 0 : i32
    %dma_wait3A_97 = tpu.memref_slice %arg4[%dma_wait3A_92, %dma_wait3A_96] : memref<2496x128xi32, #tpu.memory_space<hbm>> -> memref<1x128xi32, #tpu.memory_space<hbm>>
    %dma_wait3A_98 = tpu.memref_squeeze %dma_wait3A_97 : memref<1x128xi32, #tpu.memory_space<hbm>> -> memref<128xi32, #tpu.memory_space<hbm>>
    tpu.wait_dma2 semaphore(%arg20 : memref<!tpu.dma_semaphore, #tpu.memory_space<semaphore_mem>>) src(%dma_wait3A_98 : memref<128xi32, #tpu.memory_space<hbm>>) dst(%arg9 : memref<128xi32, #tpu.memory_space<vmem>>)
    %get3A_99 = arith.constant 0 : index
    %get3A_100 = tpu.vector_load %arg9[%get3A_99] {strides = array<i32>} : memref<128xi32, #tpu.memory_space<vmem>>, vector<16xi32>,
    %get3A_101 = vector.shape_cast %get3A_100 : vector<16xi32> to vector<16xi32>
    %add3A_102 = vector.broadcast %mul3A_0 : i32 to vector<16xi32>
    %add3A_103 = arith.addi %get3A_101, %add3A_102 : vector<16xi32>
    %swap3A_104 = arith.constant 0 : index
    %swap3A_105 = tpu.vector_load %arg9[%swap3A_104] {strides = array<i32>} : memref<128xi32, #tpu.memory_space<vmem>>, vector<16xi32>,
    %swap3A_106 = vector.shape_cast %swap3A_105 : vector<16xi32> to vector<16xi32>
    %swap3A_107 = vector.shape_cast %add3A_103 : vector<16xi32> to vector<16xi32>
    tpu.vector_store %arg9[%swap3A_104], %swap3A_107 {strides = array<i32>} : memref<128xi32, #tpu.memory_space<vmem>>, vector<16xi32>,
    %get3A_108 = arith.constant 16 : index
    %get3A_109 = tpu.vector_load %arg9[%get3A_108] {strides = array<i32>} : memref<128xi32, #tpu.memory_space<vmem>>, vector<16xi32>,
    %get3A_110 = vector.shape_cast %get3A_109 : vector<16xi32> to vector<16xi32>
    %add3A_111 = vector.broadcast %mul3A_0 : i32 to vector<16xi32>
    %add3A_112 = arith.addi %get3A_110, %add3A_111 : vector<16xi32>
    %swap3A_113 = arith.constant 16 : index
    %swap3A_114 = tpu.vector_load %arg9[%swap3A_113] {strides = array<i32>} : memref<128xi32, #tpu.memory_space<vmem>>, vector<16xi32>,
    %swap3A_115 = vector.shape_cast %swap3A_114 : vector<16xi32> to vector<16xi32>
    %swap3A_116 = vector.shape_cast %add3A_112 : vector<16xi32> to vector<16xi32>
    tpu.vector_store %arg9[%swap3A_113], %swap3A_116 {strides = array<i32>} : memref<128xi32, #tpu.memory_space<vmem>>, vector<16xi32>,
    %get3A_117 = arith.constant 32 : index
    %get3A_118 = tpu.vector_load %arg9[%get3A_117] {strides = array<i32>} : memref<128xi32, #tpu.memory_space<vmem>>, vector<16xi32>,
    %get3A_119 = vector.shape_cast %get3A_118 : vector<16xi32> to vector<16xi32>
    %add3A_120 = vector.broadcast %mul3A_0 : i32 to vector<16xi32>
    %add3A_121 = arith.addi %get3A_119, %add3A_120 : vector<16xi32>
    %swap3A_122 = arith.constant 32 : index
    %swap3A_123 = tpu.vector_load %arg9[%swap3A_122] {strides = array<i32>} : memref<128xi32, #tpu.memory_space<vmem>>, vector<16xi32>,
    %swap3A_124 = vector.shape_cast %swap3A_123 : vector<16xi32> to vector<16xi32>
    %swap3A_125 = vector.shape_cast %add3A_121 : vector<16xi32> to vector<16xi32>
    tpu.vector_store %arg9[%swap3A_122], %swap3A_125 {strides = array<i32>} : memref<128xi32, #tpu.memory_space<vmem>>, vector<16xi32>,
    %get3A_126 = arith.constant 48 : index
    %get3A_127 = tpu.vector_load %arg9[%get3A_126] {strides = array<i32>} : memref<128xi32, #tpu.memory_space<vmem>>, vector<16xi32>,
    %get3A_128 = vector.shape_cast %get3A_127 : vector<16xi32> to vector<16xi32>
    %add3A_129 = vector.broadcast %mul3A_0 : i32 to vector<16xi32>
    %add3A_130 = arith.addi %get3A_128, %add3A_129 : vector<16xi32>
    %swap3A_131 = arith.constant 48 : index
    %swap3A_132 = tpu.vector_load %arg9[%swap3A_131] {strides = array<i32>} : memref<128xi32, #tpu.memory_space<vmem>>, vector<16xi32>,
    %swap3A_133 = vector.shape_cast %swap3A_132 : vector<16xi32> to vector<16xi32>
    %swap3A_134 = vector.shape_cast %add3A_130 : vector<16xi32> to vector<16xi32>
    tpu.vector_store %arg9[%swap3A_131], %swap3A_134 {strides = array<i32>} : memref<128xi32, #tpu.memory_space<vmem>>, vector<16xi32>,
    %get3A_135 = arith.constant 64 : index
    %get3A_136 = tpu.vector_load %arg9[%get3A_135] {strides = array<i32>} : memref<128xi32, #tpu.memory_space<vmem>>, vector<16xi32>,
    %get3A_137 = vector.shape_cast %get3A_136 : vector<16xi32> to vector<16xi32>
    %add3A_138 = vector.broadcast %mul3A_0 : i32 to vector<16xi32>
    %add3A_139 = arith.addi %get3A_137, %add3A_138 : vector<16xi32>
    %swap3A_140 = arith.constant 64 : index
    %swap3A_141 = tpu.vector_load %arg9[%swap3A_140] {strides = array<i32>} : memref<128xi32, #tpu.memory_space<vmem>>, vector<16xi32>,
    %swap3A_142 = vector.shape_cast %swap3A_141 : vector<16xi32> to vector<16xi32>
    %swap3A_143 = vector.shape_cast %add3A_139 : vector<16xi32> to vector<16xi32>
    tpu.vector_store %arg9[%swap3A_140], %swap3A_143 {strides = array<i32>} : memref<128xi32, #tpu.memory_space<vmem>>, vector<16xi32>,
    %get3A_144 = arith.constant 80 : index
    %get3A_145 = tpu.vector_load %arg9[%get3A_144] {strides = array<i32>} : memref<128xi32, #tpu.memory_space<vmem>>, vector<16xi32>,
    %get3A_146 = vector.shape_cast %get3A_145 : vector<16xi32> to vector<16xi32>
    %add3A_147 = vector.broadcast %mul3A_0 : i32 to vector<16xi32>
    %add3A_148 = arith.addi %get3A_146, %add3A_147 : vector<16xi32>
    %swap3A_149 = arith.constant 80 : index
    %swap3A_150 = tpu.vector_load %arg9[%swap3A_149] {strides = array<i32>} : memref<128xi32, #tpu.memory_space<vmem>>, vector<16xi32>,
    %swap3A_151 = vector.shape_cast %swap3A_150 : vector<16xi32> to vector<16xi32>
    %swap3A_152 = vector.shape_cast %add3A_148 : vector<16xi32> to vector<16xi32>
    tpu.vector_store %arg9[%swap3A_149], %swap3A_152 {strides = array<i32>} : memref<128xi32, #tpu.memory_space<vmem>>, vector<16xi32>,
    %get3A_153 = arith.constant 96 : index
    %get3A_154 = tpu.vector_load %arg9[%get3A_153] {strides = array<i32>} : memref<128xi32, #tpu.memory_space<vmem>>, vector<16xi32>,
    %get3A_155 = vector.shape_cast %get3A_154 : vector<16xi32> to vector<16xi32>
    %add3A_156 = vector.broadcast %mul3A_0 : i32 to vector<16xi32>
    %add3A_157 = arith.addi %get3A_155, %add3A_156 : vector<16xi32>
    %swap3A_158 = arith.constant 96 : index
    %swap3A_159 = tpu.vector_load %arg9[%swap3A_158] {strides = array<i32>} : memref<128xi32, #tpu.memory_space<vmem>>, vector<16xi32>,
    %swap3A_160 = vector.shape_cast %swap3A_159 : vector<16xi32> to vector<16xi32>
    %swap3A_161 = vector.shape_cast %add3A_157 : vector<16xi32> to vector<16xi32>
    tpu.vector_store %arg9[%swap3A_158], %swap3A_161 {strides = array<i32>} : memref<128xi32, #tpu.memory_space<vmem>>, vector<16xi32>,
    %get3A_162 = arith.constant 112 : index
    %get3A_163 = tpu.vector_load %arg9[%get3A_162] {strides = array<i32>} : memref<128xi32, #tpu.memory_space<vmem>>, vector<16xi32>,
    %get3A_164 = vector.shape_cast %get3A_163 : vector<16xi32> to vector<16xi32>
    %add3A_165 = vector.broadcast %mul3A_0 : i32 to vector<16xi32>
    %add3A_166 = arith.addi %get3A_164, %add3A_165 : vector<16xi32>
    %swap3A_167 = arith.constant 112 : index
    %swap3A_168 = tpu.vector_load %arg9[%swap3A_167] {strides = array<i32>} : memref<128xi32, #tpu.memory_space<vmem>>, vector<16xi32>,
    %swap3A_169 = vector.shape_cast %swap3A_168 : vector<16xi32> to vector<16xi32>
    %swap3A_170 = vector.shape_cast %add3A_166 : vector<16xi32> to vector<16xi32>
    tpu.vector_store %arg9[%swap3A_167], %swap3A_170 {strides = array<i32>} : memref<128xi32, #tpu.memory_space<vmem>>, vector<16xi32>,
    %dma_start3A_171 = arith.constant 0 : i32
    %dma_start3A_172 = arith.constant 0 : i32
    %dma_start3A_173 = tpu.memref_slice %arg2[%dma_start3A_171, %dma_start3A_172] : memref<20000x128xf32, #tpu.memory_space<hbm>> -> memref<20000x128xf32, #tpu.memory_space<hbm>>
    tpu.enqueue_indirect_dma source(%dma_start3A_173 : memref<20000x128xf32, #tpu.memory_space<hbm>>) target(%arg15 : memref<128x128xf32, #tpu.memory_space<vmem>>) offsets(%arg9 : memref<128xi32, #tpu.memory_space<vmem>>) semaphore(%arg24 : memref<!tpu.dma_semaphore, #tpu.memory_space<semaphore_mem>>) {add = true}
    %scan3A_174 = arith.constant 0 : i32
    %scan3A_175 = arith.constant 0 : i32
    %scan3A_176 = arith.constant 78 : i32
    %scan3A_177 = arith.addi %scan3A_175, %scan3A_176 : i32
    %scan3A_178 = arith.constant 1 : i32
    scf.for %scan3A_238 = %scan3A_175 to %scan3A_177 step %scan3A_178  : i32 {
      %mul3A_239 = arith.constant 2 : i32
      %mul3A_240 = arith.muli %mul3A_239, %scan3A_238 : i32
      %dma_wait3A_241 = arith.constant 0 : i32
      %dma_wait3A_242 = arith.constant 0 : i32
      %dma_wait3A_243 = tpu.memref_slice %arg3[%dma_wait3A_241, %dma_wait3A_242] : memref<640000x128xf32, #tpu.memory_space<hbm>> -> memref<128x128xf32, #tpu.memory_space<hbm>>
      %dma_wait3A_244 = arith.constant 0 : i32
      %dma_wait3A_245 = arith.constant 0 : i32
      %dma_wait3A_246 = tpu.memref_slice %arg3[%dma_wait3A_244, %dma_wait3A_245] : memref<640000x128xf32, #tpu.memory_space<hbm>> -> memref<128x128xf32, #tpu.memory_space<hbm>>
      tpu.wait_dma2 semaphore(%arg19 : memref<!tpu.dma_semaphore, #tpu.memory_space<semaphore_mem>>) src(%dma_wait3A_246 : memref<128x128xf32, #tpu.memory_space<hbm>>) dst(%arg16 : memref<128x128xf32, #tpu.memory_space<vmem>>)
      %dma_wait3A_247 = arith.constant 0 : i32
      %dma_wait3A_248 = arith.constant 0 : i32
      %dma_wait3A_249 = tpu.memref_slice %arg4[%dma_wait3A_247, %dma_wait3A_248] : memref<2496x128xi32, #tpu.memory_space<hbm>> -> memref<1x128xi32, #tpu.memory_space<hbm>>
      %dma_wait3A_250 = tpu.memref_squeeze %dma_wait3A_249 : memref<1x128xi32, #tpu.memory_space<hbm>> -> memref<128xi32, #tpu.memory_space<hbm>>
      %dma_wait3A_251 = arith.constant 0 : i32
      %dma_wait3A_252 = tpu.memref_slice %arg4[%dma_wait3A_247, %dma_wait3A_251] : memref<2496x128xi32, #tpu.memory_space<hbm>> -> memref<1x128xi32, #tpu.memory_space<hbm>>
      %dma_wait3A_253 = tpu.memref_squeeze %dma_wait3A_252 : memref<1x128xi32, #tpu.memory_space<hbm>> -> memref<128xi32, #tpu.memory_space<hbm>>
      tpu.wait_dma2 semaphore(%arg21 : memref<!tpu.dma_semaphore, #tpu.memory_space<semaphore_mem>>) src(%dma_wait3A_253 : memref<128xi32, #tpu.memory_space<hbm>>) dst(%arg10 : memref<128xi32, #tpu.memory_space<vmem>>)
      %get3A_254 = arith.constant 0 : index
      %get3A_255 = tpu.vector_load %arg10[%get3A_254] {strides = array<i32>} : memref<128xi32, #tpu.memory_space<vmem>>, vector<16xi32>,
      %get3A_256 = vector.shape_cast %get3A_255 : vector<16xi32> to vector<16xi32>
      %add3A_257 = vector.broadcast %mul3A_0 : i32 to vector<16xi32>
      %add3A_258 = arith.addi %get3A_256, %add3A_257 : vector<16xi32>
      %swap3A_259 = arith.constant 0 : index
      %swap3A_260 = tpu.vector_load %arg10[%swap3A_259] {strides = array<i32>} : memref<128xi32, #tpu.memory_space<vmem>>, vector<16xi32>,
      %swap3A_261 = vector.shape_cast %swap3A_260 : vector<16xi32> to vector<16xi32>
      %swap3A_262 = vector.shape_cast %add3A_258 : vector<16xi32> to vector<16xi32>
      tpu.vector_store %arg10[%swap3A_259], %swap3A_262 {strides = array<i32>} : memref<128xi32, #tpu.memory_space<vmem>>, vector<16xi32>,
      %get3A_263 = arith.constant 16 : index
      %get3A_264 = tpu.vector_load %arg10[%get3A_263] {strides = array<i32>} : memref<128xi32, #tpu.memory_space<vmem>>, vector<16xi32>,
      %get3A_265 = vector.shape_cast %get3A_264 : vector<16xi32> to vector<16xi32>
      %add3A_266 = vector.broadcast %mul3A_0 : i32 to vector<16xi32>
      %add3A_267 = arith.addi %get3A_265, %add3A_266 : vector<16xi32>
      %swap3A_268 = arith.constant 16 : index
      %swap3A_269 = tpu.vector_load %arg10[%swap3A_268] {strides = array<i32>} : memref<128xi32, #tpu.memory_space<vmem>>, vector<16xi32>,
      %swap3A_270 = vector.shape_cast %swap3A_269 : vector<16xi32> to vector<16xi32>
      %swap3A_271 = vector.shape_cast %add3A_267 : vector<16xi32> to vector<16xi32>
      tpu.vector_store %arg10[%swap3A_268], %swap3A_271 {strides = array<i32>} : memref<128xi32, #tpu.memory_space<vmem>>, vector<16xi32>,
      %get3A_272 = arith.constant 32 : index
      %get3A_273 = tpu.vector_load %arg10[%get3A_272] {strides = array<i32>} : memref<128xi32, #tpu.memory_space<vmem>>, vector<16xi32>,
      %get3A_274 = vector.shape_cast %get3A_273 : vector<16xi32> to vector<16xi32>
      %add3A_275 = vector.broadcast %mul3A_0 : i32 to vector<16xi32>
      %add3A_276 = arith.addi %get3A_274, %add3A_275 : vector<16xi32>
      %swap3A_277 = arith.constant 32 : index
      %swap3A_278 = tpu.vector_load %arg10[%swap3A_277] {strides = array<i32>} : memref<128xi32, #tpu.memory_space<vmem>>, vector<16xi32>,
      %swap3A_279 = vector.shape_cast %swap3A_278 : vector<16xi32> to vector<16xi32>
      %swap3A_280 = vector.shape_cast %add3A_276 : vector<16xi32> to vector<16xi32>
      tpu.vector_store %arg10[%swap3A_277], %swap3A_280 {strides = array<i32>} : memref<128xi32, #tpu.memory_space<vmem>>, vector<16xi32>,
      %get3A_281 = arith.constant 48 : index
      %get3A_282 = tpu.vector_load %arg10[%get3A_281] {strides = array<i32>} : memref<128xi32, #tpu.memory_space<vmem>>, vector<16xi32>,
      %get3A_283 = vector.shape_cast %get3A_282 : vector<16xi32> to vector<16xi32>
      %add3A_284 = vector.broadcast %mul3A_0 : i32 to vector<16xi32>
      %add3A_285 = arith.addi %get3A_283, %add3A_284 : vector<16xi32>
      %swap3A_286 = arith.constant 48 : index
      %swap3A_287 = tpu.vector_load %arg10[%swap3A_286] {strides = array<i32>} : memref<128xi32, #tpu.memory_space<vmem>>, vector<16xi32>,
      %swap3A_288 = vector.shape_cast %swap3A_287 : vector<16xi32> to vector<16xi32>
      %swap3A_289 = vector.shape_cast %add3A_285 : vector<16xi32> to vector<16xi32>
      tpu.vector_store %arg10[%swap3A_286], %swap3A_289 {strides = array<i32>} : memref<128xi32, #tpu.memory_space<vmem>>, vector<16xi32>,
      %get3A_290 = arith.constant 64 : index
      %get3A_291 = tpu.vector_load %arg10[%get3A_290] {strides = array<i32>} : memref<128xi32, #tpu.memory_space<vmem>>, vector<16xi32>,
      %get3A_292 = vector.shape_cast %get3A_291 : vector<16xi32> to vector<16xi32>
      %add3A_293 = vector.broadcast %mul3A_0 : i32 to vector<16xi32>
      %add3A_294 = arith.addi %get3A_292, %add3A_293 : vector<16xi32>
      %swap3A_295 = arith.constant 64 : index
      %swap3A_296 = tpu.vector_load %arg10[%swap3A_295] {strides = array<i32>} : memref<128xi32, #tpu.memory_space<vmem>>, vector<16xi32>,
      %swap3A_297 = vector.shape_cast %swap3A_296 : vector<16xi32> to vector<16xi32>
      %swap3A_298 = vector.shape_cast %add3A_294 : vector<16xi32> to vector<16xi32>
      tpu.vector_store %arg10[%swap3A_295], %swap3A_298 {strides = array<i32>} : memref<128xi32, #tpu.memory_space<vmem>>, vector<16xi32>,
      %get3A_299 = arith.constant 80 : index
      %get3A_300 = tpu.vector_load %arg10[%get3A_299] {strides = array<i32>} : memref<128xi32, #tpu.memory_space<vmem>>, vector<16xi32>,
      %get3A_301 = vector.shape_cast %get3A_300 : vector<16xi32> to vector<16xi32>
      %add3A_302 = vector.broadcast %mul3A_0 : i32 to vector<16xi32>
      %add3A_303 = arith.addi %get3A_301, %add3A_302 : vector<16xi32>
      %swap3A_304 = arith.constant 80 : index
      %swap3A_305 = tpu.vector_load %arg10[%swap3A_304] {strides = array<i32>} : memref<128xi32, #tpu.memory_space<vmem>>, vector<16xi32>,
      %swap3A_306 = vector.shape_cast %swap3A_305 : vector<16xi32> to vector<16xi32>
      %swap3A_307 = vector.shape_cast %add3A_303 : vector<16xi32> to vector<16xi32>
      tpu.vector_store %arg10[%swap3A_304], %swap3A_307 {strides = array<i32>} : memref<128xi32, #tpu.memory_space<vmem>>, vector<16xi32>,
      %get3A_308 = arith.constant 96 : index
      %get3A_309 = tpu.vector_load %arg10[%get3A_308] {strides = array<i32>} : memref<128xi32, #tpu.memory_space<vmem>>, vector<16xi32>,
      %get3A_310 = vector.shape_cast %get3A_309 : vector<16xi32> to vector<16xi32>
      %add3A_311 = vector.broadcast %mul3A_0 : i32 to vector<16xi32>
      %add3A_312 = arith.addi %get3A_310, %add3A_311 : vector<16xi32>
      %swap3A_313 = arith.constant 96 : index
      %swap3A_314 = tpu.vector_load %arg10[%swap3A_313] {strides = array<i32>} : memref<128xi32, #tpu.memory_space<vmem>>, vector<16xi32>,
      %swap3A_315 = vector.shape_cast %swap3A_314 : vector<16xi32> to vector<16xi32>
      %swap3A_316 = vector.shape_cast %add3A_312 : vector<16xi32> to vector<16xi32>
      tpu.vector_store %arg10[%swap3A_313], %swap3A_316 {strides = array<i32>} : memref<128xi32, #tpu.memory_space<vmem>>, vector<16xi32>,
      %get3A_317 = arith.constant 112 : index
      %get3A_318 = tpu.vector_load %arg10[%get3A_317] {strides = array<i32>} : memref<128xi32, #tpu.memory_space<vmem>>, vector<16xi32>,
      %get3A_319 = vector.shape_cast %get3A_318 : vector<16xi32> to vector<16xi32>
      %add3A_320 = vector.broadcast %mul3A_0 : i32 to vector<16xi32>
      %add3A_321 = arith.addi %get3A_319, %add3A_320 : vector<16xi32>
      %swap3A_322 = arith.constant 112 : index
      %swap3A_323 = tpu.vector_load %arg10[%swap3A_322] {strides = array<i32>} : memref<128xi32, #tpu.memory_space<vmem>>, vector<16xi32>,
      %swap3A_324 = vector.shape_cast %swap3A_323 : vector<16xi32> to vector<16xi32>
      %swap3A_325 = vector.shape_cast %add3A_321 : vector<16xi32> to vector<16xi32>
      tpu.vector_store %arg10[%swap3A_322], %swap3A_325 {strides = array<i32>} : memref<128xi32, #tpu.memory_space<vmem>>, vector<16xi32>,
      %dma_start3A_326 = arith.constant 0 : i32
      %dma_start3A_327 = arith.constant 0 : i32
      %dma_start3A_328 = tpu.memref_slice %arg2[%dma_start3A_326, %dma_start3A_327] : memref<20000x128xf32, #tpu.memory_space<hbm>> -> memref<20000x128xf32, #tpu.memory_space<hbm>>
      tpu.enqueue_indirect_dma source(%dma_start3A_328 : memref<20000x128xf32, #tpu.memory_space<hbm>>) target(%arg16 : memref<128x128xf32, #tpu.memory_space<vmem>>) offsets(%arg10 : memref<128xi32, #tpu.memory_space<vmem>>) semaphore(%arg25 : memref<!tpu.dma_semaphore, #tpu.memory_space<semaphore_mem>>) {add = true}
      %dma_wait3A_329 = arith.constant 0 : i32
      %dma_wait3A_330 = arith.constant 0 : i32
      %dma_wait3A_331 = tpu.memref_slice %arg2[%dma_wait3A_329, %dma_wait3A_330] : memref<20000x128xf32, #tpu.memory_space<hbm>> -> memref<20000x128xf32, #tpu.memory_space<hbm>>
      tpu.wait_indirect_dma semaphore(%arg24 : memref<!tpu.dma_semaphore, #tpu.memory_space<semaphore_mem>>) src(%dma_wait3A_331 : memref<20000x128xf32, #tpu.memory_space<hbm>>) dst(%arg15 : memref<128x128xf32, #tpu.memory_space<vmem>>)
      %scan3A_332 = arith.constant 0 : i32
      %scan3A_333 = arith.constant 0 : i32
      %scan3A_334 = arith.constant 128 : i32
      %scan3A_335 = arith.addi %scan3A_333, %scan3A_334 : i32
      %scan3A_336 = arith.constant 1 : i32
      scf.for %scan3A_417 = %scan3A_333 to %scan3A_335 step %scan3A_336  : i32 {
        %get3A_418 = arith.index_cast %scan3A_417 : i32 to index
        %get3A_419 = arith.constant 0 : index
        %get3A_420 = tpu.vector_load %arg15[%get3A_418, %get3A_419] {strides = array<i32>} : memref<128x128xf32, #tpu.memory_space<vmem>>, vector<1x16xf32>,
        %get3A_421 = vector.shape_cast %get3A_420 : vector<1x16xf32> to vector<16xf32>
        %max3A = arith.constant 0.000000e+00 : f32
        %max3A_422 = vector.broadcast %max3A : f32 to vector<16xf32>
        %max3A_423 = arith.maximumf %get3A_421, %max3A_422 : vector<16xf32>
        %swap3A_424 = arith.index_cast %scan3A_417 : i32 to index
        %swap3A_425 = arith.constant 0 : index
        %swap3A_426 = tpu.vector_load %arg15[%swap3A_424, %swap3A_425] {strides = array<i32>} : memref<128x128xf32, #tpu.memory_space<vmem>>, vector<1x16xf32>,
        %swap3A_427 = vector.shape_cast %swap3A_426 : vector<1x16xf32> to vector<16xf32>
        %swap3A_428 = vector.shape_cast %max3A_423 : vector<16xf32> to vector<1x16xf32>
        tpu.vector_store %arg15[%swap3A_424, %swap3A_425], %swap3A_428 {strides = array<i32>} : memref<128x128xf32, #tpu.memory_space<vmem>>, vector<1x16xf32>,
        %get3A_429 = arith.index_cast %scan3A_417 : i32 to index
        %get3A_430 = arith.constant 16 : index
        %get3A_431 = tpu.vector_load %arg15[%get3A_429, %get3A_430] {strides = array<i32>} : memref<128x128xf32, #tpu.memory_space<vmem>>, vector<1x16xf32>,
        %get3A_432 = vector.shape_cast %get3A_431 : vector<1x16xf32> to vector<16xf32>
        %max3A_433 = arith.constant 0.000000e+00 : f32
        %max3A_434 = vector.broadcast %max3A_433 : f32 to vector<16xf32>
        %max3A_435 = arith.maximumf %get3A_432, %max3A_434 : vector<16xf32>
        %swap3A_436 = arith.index_cast %scan3A_417 : i32 to index
        %swap3A_437 = arith.constant 16 : index
        %swap3A_438 = tpu.vector_load %arg15[%swap3A_436, %swap3A_437] {strides = array<i32>} : memref<128x128xf32, #tpu.memory_space<vmem>>, vector<1x16xf32>,
        %swap3A_439 = vector.shape_cast %swap3A_438 : vector<1x16xf32> to vector<16xf32>
        %swap3A_440 = vector.shape_cast %max3A_435 : vector<16xf32> to vector<1x16xf32>
        tpu.vector_store %arg15[%swap3A_436, %swap3A_437], %swap3A_440 {strides = array<i32>} : memref<128x128xf32, #tpu.memory_space<vmem>>, vector<1x16xf32>,
        %get3A_441 = arith.index_cast %scan3A_417 : i32 to index
        %get3A_442 = arith.constant 32 : index
        %get3A_443 = tpu.vector_load %arg15[%get3A_441, %get3A_442] {strides = array<i32>} : memref<128x128xf32, #tpu.memory_space<vmem>>, vector<1x16xf32>,
        %get3A_444 = vector.shape_cast %get3A_443 : vector<1x16xf32> to vector<16xf32>
        %max3A_445 = arith.constant 0.000000e+00 : f32
        %max3A_446 = vector.broadcast %max3A_445 : f32 to vector<16xf32>
        %max3A_447 = arith.maximumf %get3A_444, %max3A_446 : vector<16xf32>
        %swap3A_448 = arith.index_cast %scan3A_417 : i32 to index
        %swap3A_449 = arith.constant 32 : index
        %swap3A_450 = tpu.vector_load %arg15[%swap3A_448, %swap3A_449] {strides = array<i32>} : memref<128x128xf32, #tpu.memory_space<vmem>>, vector<1x16xf32>,
        %swap3A_451 = vector.shape_cast %swap3A_450 : vector<1x16xf32> to vector<16xf32>
        %swap3A_452 = vector.shape_cast %max3A_447 : vector<16xf32> to vector<1x16xf32>
        tpu.vector_store %arg15[%swap3A_448, %swap3A_449], %swap3A_452 {strides = array<i32>} : memref<128x128xf32, #tpu.memory_space<vmem>>, vector<1x16xf32>,
        %get3A_453 = arith.index_cast %scan3A_417 : i32 to index
        %get3A_454 = arith.constant 48 : index
        %get3A_455 = tpu.vector_load %arg15[%get3A_453, %get3A_454] {strides = array<i32>} : memref<128x128xf32, #tpu.memory_space<vmem>>, vector<1x16xf32>,
        %get3A_456 = vector.shape_cast %get3A_455 : vector<1x16xf32> to vector<16xf32>
        %max3A_457 = arith.constant 0.000000e+00 : f32
        %max3A_458 = vector.broadcast %max3A_457 : f32 to vector<16xf32>
        %max3A_459 = arith.maximumf %get3A_456, %max3A_458 : vector<16xf32>
        %swap3A_460 = arith.index_cast %scan3A_417 : i32 to index
        %swap3A_461 = arith.constant 48 : index
        %swap3A_462 = tpu.vector_load %arg15[%swap3A_460, %swap3A_461] {strides = array<i32>} : memref<128x128xf32, #tpu.memory_space<vmem>>, vector<1x16xf32>,
        %swap3A_463 = vector.shape_cast %swap3A_462 : vector<1x16xf32> to vector<16xf32>
        %swap3A_464 = vector.shape_cast %max3A_459 : vector<16xf32> to vector<1x16xf32>
        tpu.vector_store %arg15[%swap3A_460, %swap3A_461], %swap3A_464 {strides = array<i32>} : memref<128x128xf32, #tpu.memory_space<vmem>>, vector<1x16xf32>,
        %get3A_465 = arith.index_cast %scan3A_417 : i32 to index
        %get3A_466 = arith.constant 64 : index
        %get3A_467 = tpu.vector_load %arg15[%get3A_465, %get3A_466] {strides = array<i32>} : memref<128x128xf32, #tpu.memory_space<vmem>>, vector<1x16xf32>,
        %get3A_468 = vector.shape_cast %get3A_467 : vector<1x16xf32> to vector<16xf32>
        %max3A_469 = arith.constant 0.000000e+00 : f32
        %max3A_470 = vector.broadcast %max3A_469 : f32 to vector<16xf32>
        %max3A_471 = arith.maximumf %get3A_468, %max3A_470 : vector<16xf32>
        %swap3A_472 = arith.index_cast %scan3A_417 : i32 to index
        %swap3A_473 = arith.constant 64 : index
        %swap3A_474 = tpu.vector_load %arg15[%swap3A_472, %swap3A_473] {strides = array<i32>} : memref<128x128xf32, #tpu.memory_space<vmem>>, vector<1x16xf32>,
        %swap3A_475 = vector.shape_cast %swap3A_474 : vector<1x16xf32> to vector<16xf32>
        %swap3A_476 = vector.shape_cast %max3A_471 : vector<16xf32> to vector<1x16xf32>
        tpu.vector_store %arg15[%swap3A_472, %swap3A_473], %swap3A_476 {strides = array<i32>} : memref<128x128xf32, #tpu.memory_space<vmem>>, vector<1x16xf32>,
        %get3A_477 = arith.index_cast %scan3A_417 : i32 to index
        %get3A_478 = arith.constant 80 : index
        %get3A_479 = tpu.vector_load %arg15[%get3A_477, %get3A_478] {strides = array<i32>} : memref<128x128xf32, #tpu.memory_space<vmem>>, vector<1x16xf32>,
        %get3A_480 = vector.shape_cast %get3A_479 : vector<1x16xf32> to vector<16xf32>
        %max3A_481 = arith.constant 0.000000e+00 : f32
        %max3A_482 = vector.broadcast %max3A_481 : f32 to vector<16xf32>
        %max3A_483 = arith.maximumf %get3A_480, %max3A_482 : vector<16xf32>
        %swap3A_484 = arith.index_cast %scan3A_417 : i32 to index
        %swap3A_485 = arith.constant 80 : index
        %swap3A_486 = tpu.vector_load %arg15[%swap3A_484, %swap3A_485] {strides = array<i32>} : memref<128x128xf32, #tpu.memory_space<vmem>>, vector<1x16xf32>,
        %swap3A_487 = vector.shape_cast %swap3A_486 : vector<1x16xf32> to vector<16xf32>
        %swap3A_488 = vector.shape_cast %max3A_483 : vector<16xf32> to vector<1x16xf32>
        tpu.vector_store %arg15[%swap3A_484, %swap3A_485], %swap3A_488 {strides = array<i32>} : memref<128x128xf32, #tpu.memory_space<vmem>>, vector<1x16xf32>,
        %get3A_489 = arith.index_cast %scan3A_417 : i32 to index
        %get3A_490 = arith.constant 96 : index
        %get3A_491 = tpu.vector_load %arg15[%get3A_489, %get3A_490] {strides = array<i32>} : memref<128x128xf32, #tpu.memory_space<vmem>>, vector<1x16xf32>,
        %get3A_492 = vector.shape_cast %get3A_491 : vector<1x16xf32> to vector<16xf32>
        %max3A_493 = arith.constant 0.000000e+00 : f32
        %max3A_494 = vector.broadcast %max3A_493 : f32 to vector<16xf32>
        %max3A_495 = arith.maximumf %get3A_492, %max3A_494 : vector<16xf32>
        %swap3A_496 = arith.index_cast %scan3A_417 : i32 to index
        %swap3A_497 = arith.constant 96 : index
        %swap3A_498 = tpu.vector_load %arg15[%swap3A_496, %swap3A_497] {strides = array<i32>} : memref<128x128xf32, #tpu.memory_space<vmem>>, vector<1x16xf32>,
        %swap3A_499 = vector.shape_cast %swap3A_498 : vector<1x16xf32> to vector<16xf32>
        %swap3A_500 = vector.shape_cast %max3A_495 : vector<16xf32> to vector<1x16xf32>
        tpu.vector_store %arg15[%swap3A_496, %swap3A_497], %swap3A_500 {strides = array<i32>} : memref<128x128xf32, #tpu.memory_space<vmem>>, vector<1x16xf32>,
        %get3A_501 = arith.index_cast %scan3A_417 : i32 to index
        %get3A_502 = arith.constant 112 : index
        %get3A_503 = tpu.vector_load %arg15[%get3A_501, %get3A_502] {strides = array<i32>} : memref<128x128xf32, #tpu.memory_space<vmem>>, vector<1x16xf32>,
        %get3A_504 = vector.shape_cast %get3A_503 : vector<1x16xf32> to vector<16xf32>
        %max3A_505 = arith.constant 0.000000e+00 : f32
        %max3A_506 = vector.broadcast %max3A_505 : f32 to vector<16xf32>
        %max3A_507 = arith.maximumf %get3A_504, %max3A_506 : vector<16xf32>
        %swap3A_508 = arith.index_cast %scan3A_417 : i32 to index
        %swap3A_509 = arith.constant 112 : index
        %swap3A_510 = tpu.vector_load %arg15[%swap3A_508, %swap3A_509] {strides = array<i32>} : memref<128x128xf32, #tpu.memory_space<vmem>>, vector<1x16xf32>,
        %swap3A_511 = vector.shape_cast %swap3A_510 : vector<1x16xf32> to vector<16xf32>
        %swap3A_512 = vector.shape_cast %max3A_507 : vector<16xf32> to vector<1x16xf32>
        tpu.vector_store %arg15[%swap3A_508, %swap3A_509], %swap3A_512 {strides = array<i32>} : memref<128x128xf32, #tpu.memory_space<vmem>>, vector<1x16xf32>,
      }
      %scan3A_337 = arith.constant 128 : i32
      %dma_wait3A_338 = arith.constant 0 : i32
      %dma_wait3A_339 = arith.constant 0 : i32
      %dma_wait3A_340 = tpu.memref_slice %arg5[%dma_wait3A_338, %dma_wait3A_339] : memref<2496x128xi32, #tpu.memory_space<hbm>> -> memref<1x128xi32, #tpu.memory_space<hbm>>
      %dma_wait3A_341 = tpu.memref_squeeze %dma_wait3A_340 : memref<1x128xi32, #tpu.memory_space<hbm>> -> memref<128xi32, #tpu.memory_space<hbm>>
      %dma_wait3A_342 = arith.constant 0 : i32
      %dma_wait3A_343 = tpu.memref_slice %arg5[%dma_wait3A_338, %dma_wait3A_342] : memref<2496x128xi32, #tpu.memory_space<hbm>> -> memref<1x128xi32, #tpu.memory_space<hbm>>
      %dma_wait3A_344 = tpu.memref_squeeze %dma_wait3A_343 : memref<1x128xi32, #tpu.memory_space<hbm>> -> memref<128xi32, #tpu.memory_space<hbm>>
      tpu.wait_dma2 semaphore(%arg22 : memref<!tpu.dma_semaphore, #tpu.memory_space<semaphore_mem>>) src(%dma_wait3A_344 : memref<128xi32, #tpu.memory_space<hbm>>) dst(%arg11 : memref<128xi32, #tpu.memory_space<vmem>>)
      "tpu.region"() ({
        %run_scoped3A = tpu.sem_alloc : memref<!tpu.dma_semaphore, #tpu.memory_space<semaphore_mem>>
        %dma_start3A_417 = arith.constant 0 : i32
        %dma_start3A_418 = arith.constant 0 : i32
        %dma_start3A_419 = tpu.memref_slice %arg17[%dma_start3A_417, %dma_start3A_418] : memref<10000x128xf32, #tpu.memory_space<vmem_shared>> -> memref<10000x128xf32, #tpu.memory_space<vmem_shared>>
        tpu.enqueue_indirect_dma source(%arg15 : memref<128x128xf32, #tpu.memory_space<vmem>>) target(%dma_start3A_419 : memref<10000x128xf32, #tpu.memory_space<vmem_shared>>) offsets(%arg11 : memref<128xi32, #tpu.memory_space<vmem>>) semaphore(%run_scoped3A : memref<!tpu.dma_semaphore, #tpu.memory_space<semaphore_mem>>) {add = true}
        %dma_wait3A_420 = arith.constant 0 : i32
        %dma_wait3A_421 = arith.constant 0 : i32
        %dma_wait3A_422 = tpu.memref_slice %arg17[%dma_wait3A_420, %dma_wait3A_421] : memref<10000x128xf32, #tpu.memory_space<vmem_shared>> -> memref<10000x128xf32, #tpu.memory_space<vmem_shared>>
        tpu.wait_indirect_dma semaphore(%run_scoped3A : memref<!tpu.dma_semaphore, #tpu.memory_space<semaphore_mem>>) src(%arg15 : memref<128x128xf32, #tpu.memory_space<vmem>>) dst(%dma_wait3A_422 : memref<10000x128xf32, #tpu.memory_space<vmem_shared>>)
        tpu.yield
      }) : () -> ()
      %add3A_345 = arith.constant 2 : i32
      %add3A_346 = arith.addi %mul3A_240, %add3A_345 : i32
      %mul3A_347 = arith.constant 156 : i32
      %mul3A_348 = arith.muli %arg1, %mul3A_347 : i32
      %add3A_349 = arith.addi %mul3A_348, %add3A_346 : i32
      %min3A_350 = arith.constant 2495 : i32
      %min3A_351 = arith.minsi %add3A_349, %min3A_350 : i32
      %mul3A_352 = arith.constant 128 : i32
      %mul3A_353 = arith.muli %add3A_346, %mul3A_352 : i32
      %add3A_354 = arith.addi %add3A_40, %mul3A_353 : i32
      %dma_start3A_355 = arith.constant 0 : i32
      %dma_start3A_356 = tpu.memref_slice %arg3[%add3A_354, %dma_start3A_355] : memref<640000x128xf32, #tpu.memory_space<hbm>> -> memref<128x128xf32, #tpu.memory_space<hbm>>
      %dma_start3A_357 = arith.constant 0 : i32
      %dma_start3A_358 = tpu.memref_slice %arg3[%add3A_354, %dma_start3A_357] : memref<640000x128xf32, #tpu.memory_space<hbm>> -> memref<128x128xf32, #tpu.memory_space<hbm>>
      tpu.enqueue_dma source(%dma_start3A_358 : memref<128x128xf32, #tpu.memory_space<hbm>>) target(%arg15 : memref<128x128xf32, #tpu.memory_space<vmem>>) target_semaphore(%arg18 : memref<!tpu.dma_semaphore, #tpu.memory_space<semaphore_mem>>)
      %dma_start3A_359 = arith.constant 0 : i32
      %dma_start3A_360 = tpu.memref_slice %arg4[%min3A_351, %dma_start3A_359] : memref<2496x128xi32, #tpu.memory_space<hbm>> -> memref<1x128xi32, #tpu.memory_space<hbm>>
      %dma_start3A_361 = tpu.memref_squeeze %dma_start3A_360 : memref<1x128xi32, #tpu.memory_space<hbm>> -> memref<128xi32, #tpu.memory_space<hbm>>
      %dma_start3A_362 = arith.constant 0 : i32
      %dma_start3A_363 = tpu.memref_slice %arg4[%min3A_351, %dma_start3A_362] : memref<2496x128xi32, #tpu.memory_space<hbm>> -> memref<1x128xi32, #tpu.memory_space<hbm>>
      %dma_start3A_364 = tpu.memref_squeeze %dma_start3A_363 : memref<1x128xi32, #tpu.memory_space<hbm>> -> memref<128xi32, #tpu.memory_space<hbm>>
      tpu.enqueue_dma source(%dma_start3A_364 : memref<128xi32, #tpu.memory_space<hbm>>) target(%arg9 : memref<128xi32, #tpu.memory_space<vmem>>) target_semaphore(%arg20 : memref<!tpu.dma_semaphore, #tpu.memory_space<semaphore_mem>>)
      %dma_start3A_365 = arith.constant 0 : i32
      %dma_start3A_366 = tpu.memref_slice %arg5[%min3A_351, %dma_start3A_365] : memref<2496x128xi32, #tpu.memory_space<hbm>> -> memref<1x128xi32, #tpu.memory_space<hbm>>
      %dma_start3A_367 = tpu.memref_squeeze %dma_start3A_366 : memref<1x128xi32, #tpu.memory_space<hbm>> -> memref<128xi32, #tpu.memory_space<hbm>>
      %dma_start3A_368 = arith.constant 0 : i32
      %dma_start3A_369 = tpu.memref_slice %arg5[%min3A_351, %dma_start3A_368] : memref<2496x128xi32, #tpu.memory_space<hbm>> -> memref<1x128xi32, #tpu.memory_space<hbm>>
      %dma_start3A_370 = tpu.memref_squeeze %dma_start3A_369 : memref<1x128xi32, #tpu.memory_space<hbm>> -> memref<128xi32, #tpu.memory_space<hbm>>
      tpu.enqueue_dma source(%dma_start3A_370 : memref<128xi32, #tpu.memory_space<hbm>>) target(%arg11 : memref<128xi32, #tpu.memory_space<vmem>>) target_semaphore(%arg22 : memref<!tpu.dma_semaphore, #tpu.memory_space<semaphore_mem>>)
      %dma_wait3A_371 = arith.constant 0 : i32
      %dma_wait3A_372 = arith.constant 0 : i32
      %dma_wait3A_373 = tpu.memref_slice %arg2[%dma_wait3A_371, %dma_wait3A_372] : memref<20000x128xf32, #tpu.memory_space<hbm>> -> memref<20000x128xf32, #tpu.memory_space<hbm>>
      tpu.wait_indirect_dma semaphore(%arg25 : memref<!tpu.dma_semaphore, #tpu.memory_space<semaphore_mem>>) src(%dma_wait3A_373 : memref<20000x128xf32, #tpu.memory_space<hbm>>) dst(%arg16 : memref<128x128xf32, #tpu.memory_space<vmem>>)
      %scan3A_374 = arith.constant 0 : i32
      %scan3A_375 = arith.constant 0 : i32
      %scan3A_376 = arith.constant 128 : i32
      %scan3A_377 = arith.addi %scan3A_375, %scan3A_376 : i32
      %scan3A_378 = arith.constant 1 : i32
      scf.for %scan3A_417 = %scan3A_375 to %scan3A_377 step %scan3A_378  : i32 {
        %get3A_418 = arith.index_cast %scan3A_417 : i32 to index
        %get3A_419 = arith.constant 0 : index
        %get3A_420 = tpu.vector_load %arg16[%get3A_418, %get3A_419] {strides = array<i32>} : memref<128x128xf32, #tpu.memory_space<vmem>>, vector<1x16xf32>,
        %get3A_421 = vector.shape_cast %get3A_420 : vector<1x16xf32> to vector<16xf32>
        %max3A = arith.constant 0.000000e+00 : f32
        %max3A_422 = vector.broadcast %max3A : f32 to vector<16xf32>
        %max3A_423 = arith.maximumf %get3A_421, %max3A_422 : vector<16xf32>
        %swap3A_424 = arith.index_cast %scan3A_417 : i32 to index
        %swap3A_425 = arith.constant 0 : index
        %swap3A_426 = tpu.vector_load %arg16[%swap3A_424, %swap3A_425] {strides = array<i32>} : memref<128x128xf32, #tpu.memory_space<vmem>>, vector<1x16xf32>,
        %swap3A_427 = vector.shape_cast %swap3A_426 : vector<1x16xf32> to vector<16xf32>
        %swap3A_428 = vector.shape_cast %max3A_423 : vector<16xf32> to vector<1x16xf32>
        tpu.vector_store %arg16[%swap3A_424, %swap3A_425], %swap3A_428 {strides = array<i32>} : memref<128x128xf32, #tpu.memory_space<vmem>>, vector<1x16xf32>,
        %get3A_429 = arith.index_cast %scan3A_417 : i32 to index
        %get3A_430 = arith.constant 16 : index
        %get3A_431 = tpu.vector_load %arg16[%get3A_429, %get3A_430] {strides = array<i32>} : memref<128x128xf32, #tpu.memory_space<vmem>>, vector<1x16xf32>,
        %get3A_432 = vector.shape_cast %get3A_431 : vector<1x16xf32> to vector<16xf32>
        %max3A_433 = arith.constant 0.000000e+00 : f32
        %max3A_434 = vector.broadcast %max3A_433 : f32 to vector<16xf32>
        %max3A_435 = arith.maximumf %get3A_432, %max3A_434 : vector<16xf32>
        %swap3A_436 = arith.index_cast %scan3A_417 : i32 to index
        %swap3A_437 = arith.constant 16 : index
        %swap3A_438 = tpu.vector_load %arg16[%swap3A_436, %swap3A_437] {strides = array<i32>} : memref<128x128xf32, #tpu.memory_space<vmem>>, vector<1x16xf32>,
        %swap3A_439 = vector.shape_cast %swap3A_438 : vector<1x16xf32> to vector<16xf32>
        %swap3A_440 = vector.shape_cast %max3A_435 : vector<16xf32> to vector<1x16xf32>
        tpu.vector_store %arg16[%swap3A_436, %swap3A_437], %swap3A_440 {strides = array<i32>} : memref<128x128xf32, #tpu.memory_space<vmem>>, vector<1x16xf32>,
        %get3A_441 = arith.index_cast %scan3A_417 : i32 to index
        %get3A_442 = arith.constant 32 : index
        %get3A_443 = tpu.vector_load %arg16[%get3A_441, %get3A_442] {strides = array<i32>} : memref<128x128xf32, #tpu.memory_space<vmem>>, vector<1x16xf32>,
        %get3A_444 = vector.shape_cast %get3A_443 : vector<1x16xf32> to vector<16xf32>
        %max3A_445 = arith.constant 0.000000e+00 : f32
        %max3A_446 = vector.broadcast %max3A_445 : f32 to vector<16xf32>
        %max3A_447 = arith.maximumf %get3A_444, %max3A_446 : vector<16xf32>
        %swap3A_448 = arith.index_cast %scan3A_417 : i32 to index
        %swap3A_449 = arith.constant 32 : index
        %swap3A_450 = tpu.vector_load %arg16[%swap3A_448, %swap3A_449] {strides = array<i32>} : memref<128x128xf32, #tpu.memory_space<vmem>>, vector<1x16xf32>,
        %swap3A_451 = vector.shape_cast %swap3A_450 : vector<1x16xf32> to vector<16xf32>
        %swap3A_452 = vector.shape_cast %max3A_447 : vector<16xf32> to vector<1x16xf32>
        tpu.vector_store %arg16[%swap3A_448, %swap3A_449], %swap3A_452 {strides = array<i32>} : memref<128x128xf32, #tpu.memory_space<vmem>>, vector<1x16xf32>,
        %get3A_453 = arith.index_cast %scan3A_417 : i32 to index
        %get3A_454 = arith.constant 48 : index
        %get3A_455 = tpu.vector_load %arg16[%get3A_453, %get3A_454] {strides = array<i32>} : memref<128x128xf32, #tpu.memory_space<vmem>>, vector<1x16xf32>,
        %get3A_456 = vector.shape_cast %get3A_455 : vector<1x16xf32> to vector<16xf32>
        %max3A_457 = arith.constant 0.000000e+00 : f32
        %max3A_458 = vector.broadcast %max3A_457 : f32 to vector<16xf32>
        %max3A_459 = arith.maximumf %get3A_456, %max3A_458 : vector<16xf32>
        %swap3A_460 = arith.index_cast %scan3A_417 : i32 to index
        %swap3A_461 = arith.constant 48 : index
        %swap3A_462 = tpu.vector_load %arg16[%swap3A_460, %swap3A_461] {strides = array<i32>} : memref<128x128xf32, #tpu.memory_space<vmem>>, vector<1x16xf32>,
        %swap3A_463 = vector.shape_cast %swap3A_462 : vector<1x16xf32> to vector<16xf32>
        %swap3A_464 = vector.shape_cast %max3A_459 : vector<16xf32> to vector<1x16xf32>
        tpu.vector_store %arg16[%swap3A_460, %swap3A_461], %swap3A_464 {strides = array<i32>} : memref<128x128xf32, #tpu.memory_space<vmem>>, vector<1x16xf32>,
        %get3A_465 = arith.index_cast %scan3A_417 : i32 to index
        %get3A_466 = arith.constant 64 : index
        %get3A_467 = tpu.vector_load %arg16[%get3A_465, %get3A_466] {strides = array<i32>} : memref<128x128xf32, #tpu.memory_space<vmem>>, vector<1x16xf32>,
        %get3A_468 = vector.shape_cast %get3A_467 : vector<1x16xf32> to vector<16xf32>
        %max3A_469 = arith.constant 0.000000e+00 : f32
        %max3A_470 = vector.broadcast %max3A_469 : f32 to vector<16xf32>
        %max3A_471 = arith.maximumf %get3A_468, %max3A_470 : vector<16xf32>
        %swap3A_472 = arith.index_cast %scan3A_417 : i32 to index
        %swap3A_473 = arith.constant 64 : index
        %swap3A_474 = tpu.vector_load %arg16[%swap3A_472, %swap3A_473] {strides = array<i32>} : memref<128x128xf32, #tpu.memory_space<vmem>>, vector<1x16xf32>,
        %swap3A_475 = vector.shape_cast %swap3A_474 : vector<1x16xf32> to vector<16xf32>
        %swap3A_476 = vector.shape_cast %max3A_471 : vector<16xf32> to vector<1x16xf32>
        tpu.vector_store %arg16[%swap3A_472, %swap3A_473], %swap3A_476 {strides = array<i32>} : memref<128x128xf32, #tpu.memory_space<vmem>>, vector<1x16xf32>,
        %get3A_477 = arith.index_cast %scan3A_417 : i32 to index
        %get3A_478 = arith.constant 80 : index
        %get3A_479 = tpu.vector_load %arg16[%get3A_477, %get3A_478] {strides = array<i32>} : memref<128x128xf32, #tpu.memory_space<vmem>>, vector<1x16xf32>,
        %get3A_480 = vector.shape_cast %get3A_479 : vector<1x16xf32> to vector<16xf32>
        %max3A_481 = arith.constant 0.000000e+00 : f32
        %max3A_482 = vector.broadcast %max3A_481 : f32 to vector<16xf32>
        %max3A_483 = arith.maximumf %get3A_480, %max3A_482 : vector<16xf32>
        %swap3A_484 = arith.index_cast %scan3A_417 : i32 to index
        %swap3A_485 = arith.constant 80 : index
        %swap3A_486 = tpu.vector_load %arg16[%swap3A_484, %swap3A_485] {strides = array<i32>} : memref<128x128xf32, #tpu.memory_space<vmem>>, vector<1x16xf32>,
        %swap3A_487 = vector.shape_cast %swap3A_486 : vector<1x16xf32> to vector<16xf32>
        %swap3A_488 = vector.shape_cast %max3A_483 : vector<16xf32> to vector<1x16xf32>
        tpu.vector_store %arg16[%swap3A_484, %swap3A_485], %swap3A_488 {strides = array<i32>} : memref<128x128xf32, #tpu.memory_space<vmem>>, vector<1x16xf32>,
        %get3A_489 = arith.index_cast %scan3A_417 : i32 to index
        %get3A_490 = arith.constant 96 : index
        %get3A_491 = tpu.vector_load %arg16[%get3A_489, %get3A_490] {strides = array<i32>} : memref<128x128xf32, #tpu.memory_space<vmem>>, vector<1x16xf32>,
        %get3A_492 = vector.shape_cast %get3A_491 : vector<1x16xf32> to vector<16xf32>
        %max3A_493 = arith.constant 0.000000e+00 : f32
        %max3A_494 = vector.broadcast %max3A_493 : f32 to vector<16xf32>
        %max3A_495 = arith.maximumf %get3A_492, %max3A_494 : vector<16xf32>
        %swap3A_496 = arith.index_cast %scan3A_417 : i32 to index
        %swap3A_497 = arith.constant 96 : index
        %swap3A_498 = tpu.vector_load %arg16[%swap3A_496, %swap3A_497] {strides = array<i32>} : memref<128x128xf32, #tpu.memory_space<vmem>>, vector<1x16xf32>,
        %swap3A_499 = vector.shape_cast %swap3A_498 : vector<1x16xf32> to vector<16xf32>
        %swap3A_500 = vector.shape_cast %max3A_495 : vector<16xf32> to vector<1x16xf32>
        tpu.vector_store %arg16[%swap3A_496, %swap3A_497], %swap3A_500 {strides = array<i32>} : memref<128x128xf32, #tpu.memory_space<vmem>>, vector<1x16xf32>,
        %get3A_501 = arith.index_cast %scan3A_417 : i32 to index
        %get3A_502 = arith.constant 112 : index
        %get3A_503 = tpu.vector_load %arg16[%get3A_501, %get3A_502] {strides = array<i32>} : memref<128x128xf32, #tpu.memory_space<vmem>>, vector<1x16xf32>,
        %get3A_504 = vector.shape_cast %get3A_503 : vector<1x16xf32> to vector<16xf32>
        %max3A_505 = arith.constant 0.000000e+00 : f32
        %max3A_506 = vector.broadcast %max3A_505 : f32 to vector<16xf32>
        %max3A_507 = arith.maximumf %get3A_504, %max3A_506 : vector<16xf32>
        %swap3A_508 = arith.index_cast %scan3A_417 : i32 to index
        %swap3A_509 = arith.constant 112 : index
        %swap3A_510 = tpu.vector_load %arg16[%swap3A_508, %swap3A_509] {strides = array<i32>} : memref<128x128xf32, #tpu.memory_space<vmem>>, vector<1x16xf32>,
        %swap3A_511 = vector.shape_cast %swap3A_510 : vector<1x16xf32> to vector<16xf32>
        %swap3A_512 = vector.shape_cast %max3A_507 : vector<16xf32> to vector<1x16xf32>
        tpu.vector_store %arg16[%swap3A_508, %swap3A_509], %swap3A_512 {strides = array<i32>} : memref<128x128xf32, #tpu.memory_space<vmem>>, vector<1x16xf32>,
      }
      %scan3A_379 = arith.constant 128 : i32
      %dma_wait3A_380 = arith.constant 0 : i32
      %dma_wait3A_381 = arith.constant 0 : i32
      %dma_wait3A_382 = tpu.memref_slice %arg5[%dma_wait3A_380, %dma_wait3A_381] : memref<2496x128xi32, #tpu.memory_space<hbm>> -> memref<1x128xi32, #tpu.memory_space<hbm>>
      %dma_wait3A_383 = tpu.memref_squeeze %dma_wait3A_382 : memref<1x128xi32, #tpu.memory_space<hbm>> -> memref<128xi32, #tpu.memory_space<hbm>>
      %dma_wait3A_384 = arith.constant 0 : i32
      %dma_wait3A_385 = tpu.memref_slice %arg5[%dma_wait3A_380, %dma_wait3A_384] : memref<2496x128xi32, #tpu.memory_space<hbm>> -> memref<1x128xi32, #tpu.memory_space<hbm>>
      %dma_wait3A_386 = tpu.memref_squeeze %dma_wait3A_385 : memref<1x128xi32, #tpu.memory_space<hbm>> -> memref<128xi32, #tpu.memory_space<hbm>>
      tpu.wait_dma2 semaphore(%arg23 : memref<!tpu.dma_semaphore, #tpu.memory_space<semaphore_mem>>) src(%dma_wait3A_386 : memref<128xi32, #tpu.memory_space<hbm>>) dst(%arg12 : memref<128xi32, #tpu.memory_space<vmem>>)
      "tpu.region"() ({
        %run_scoped3A = tpu.sem_alloc : memref<!tpu.dma_semaphore, #tpu.memory_space<semaphore_mem>>
        %dma_start3A_417 = arith.constant 0 : i32
        %dma_start3A_418 = arith.constant 0 : i32
        %dma_start3A_419 = tpu.memref_slice %arg17[%dma_start3A_417, %dma_start3A_418] : memref<10000x128xf32, #tpu.memory_space<vmem_shared>> -> memref<10000x128xf32, #tpu.memory_space<vmem_shared>>
        tpu.enqueue_indirect_dma source(%arg16 : memref<128x128xf32, #tpu.memory_space<vmem>>) target(%dma_start3A_419 : memref<10000x128xf32, #tpu.memory_space<vmem_shared>>) offsets(%arg12 : memref<128xi32, #tpu.memory_space<vmem>>) semaphore(%run_scoped3A : memref<!tpu.dma_semaphore, #tpu.memory_space<semaphore_mem>>) {add = true}
        %dma_wait3A_420 = arith.constant 0 : i32
        %dma_wait3A_421 = arith.constant 0 : i32
        %dma_wait3A_422 = tpu.memref_slice %arg17[%dma_wait3A_420, %dma_wait3A_421] : memref<10000x128xf32, #tpu.memory_space<vmem_shared>> -> memref<10000x128xf32, #tpu.memory_space<vmem_shared>>
        tpu.wait_indirect_dma semaphore(%run_scoped3A : memref<!tpu.dma_semaphore, #tpu.memory_space<semaphore_mem>>) src(%arg16 : memref<128x128xf32, #tpu.memory_space<vmem>>) dst(%dma_wait3A_422 : memref<10000x128xf32, #tpu.memory_space<vmem_shared>>)
        tpu.yield
      }) : () -> ()
      %add3A_387 = arith.constant 3 : i32
      %add3A_388 = arith.addi %mul3A_240, %add3A_387 : i32
      %mul3A_389 = arith.constant 156 : i32
      %mul3A_390 = arith.muli %arg1, %mul3A_389 : i32
      %add3A_391 = arith.addi %mul3A_390, %add3A_388 : i32
      %min3A_392 = arith.constant 2495 : i32
      %min3A_393 = arith.minsi %add3A_391, %min3A_392 : i32
      %mul3A_394 = arith.constant 128 : i32
      %mul3A_395 = arith.muli %add3A_388, %mul3A_394 : i32
      %add3A_396 = arith.addi %add3A_40, %mul3A_395 : i32
      %dma_start3A_397 = arith.constant 0 : i32
      %dma_start3A_398 = tpu.memref_slice %arg3[%add3A_396, %dma_start3A_397] : memref<640000x128xf32, #tpu.memory_space<hbm>> -> memref<128x128xf32, #tpu.memory_space<hbm>>
      %dma_start3A_399 = arith.constant 0 : i32
      %dma_start3A_400 = tpu.memref_slice %arg3[%add3A_396, %dma_start3A_399] : memref<640000x128xf32, #tpu.memory_space<hbm>> -> memref<128x128xf32, #tpu.memory_space<hbm>>
      tpu.enqueue_dma source(%dma_start3A_400 : memref<128x128xf32, #tpu.memory_space<hbm>>) target(%arg16 : memref<128x128xf32, #tpu.memory_space<vmem>>) target_semaphore(%arg19 : memref<!tpu.dma_semaphore, #tpu.memory_space<semaphore_mem>>)
      %dma_start3A_401 = arith.constant 0 : i32
      %dma_start3A_402 = tpu.memref_slice %arg4[%min3A_393, %dma_start3A_401] : memref<2496x128xi32, #tpu.memory_space<hbm>> -> memref<1x128xi32, #tpu.memory_space<hbm>>
      %dma_start3A_403 = tpu.memref_squeeze %dma_start3A_402 : memref<1x128xi32, #tpu.memory_space<hbm>> -> memref<128xi32, #tpu.memory_space<hbm>>
      %dma_start3A_404 = arith.constant 0 : i32
      %dma_start3A_405 = tpu.memref_slice %arg4[%min3A_393, %dma_start3A_404] : memref<2496x128xi32, #tpu.memory_space<hbm>> -> memref<1x128xi32, #tpu.memory_space<hbm>>
      %dma_start3A_406 = tpu.memref_squeeze %dma_start3A_405 : memref<1x128xi32, #tpu.memory_space<hbm>> -> memref<128xi32, #tpu.memory_space<hbm>>
      tpu.enqueue_dma source(%dma_start3A_406 : memref<128xi32, #tpu.memory_space<hbm>>) target(%arg10 : memref<128xi32, #tpu.memory_space<vmem>>) target_semaphore(%arg21 : memref<!tpu.dma_semaphore, #tpu.memory_space<semaphore_mem>>)
      %dma_start3A_407 = arith.constant 0 : i32
      %dma_start3A_408 = tpu.memref_slice %arg5[%min3A_393, %dma_start3A_407] : memref<2496x128xi32, #tpu.memory_space<hbm>> -> memref<1x128xi32, #tpu.memory_space<hbm>>
      %dma_start3A_409 = tpu.memref_squeeze %dma_start3A_408 : memref<1x128xi32, #tpu.memory_space<hbm>> -> memref<128xi32, #tpu.memory_space<hbm>>
      %dma_start3A_410 = arith.constant 0 : i32
      %dma_start3A_411 = tpu.memref_slice %arg5[%min3A_393, %dma_start3A_410] : memref<2496x128xi32, #tpu.memory_space<hbm>> -> memref<1x128xi32, #tpu.memory_space<hbm>>
      %dma_start3A_412 = tpu.memref_squeeze %dma_start3A_411 : memref<1x128xi32, #tpu.memory_space<hbm>> -> memref<128xi32, #tpu.memory_space<hbm>>
      tpu.enqueue_dma source(%dma_start3A_412 : memref<128xi32, #tpu.memory_space<hbm>>) target(%arg12 : memref<128xi32, #tpu.memory_space<vmem>>) target_semaphore(%arg23 : memref<!tpu.dma_semaphore, #tpu.memory_space<semaphore_mem>>)
      %lt3A = arith.constant 77 : i32
      %lt3A_413 = arith.cmpi slt, %scan3A_238, %lt3A : i32
      %convert_element_type3A_414 = arith.extui %lt3A_413 : i1 to i32
      %cond3A_415 = arith.constant 0 : i32
      %cond3A_416 = arith.cmpi ne, %convert_element_type3A_414, %cond3A_415 : i32
      scf.if %cond3A_416 {
        %dma_wait3A_417 = arith.constant 0 : i32
        %dma_wait3A_418 = arith.constant 0 : i32
        %dma_wait3A_419 = tpu.memref_slice %arg3[%dma_wait3A_417, %dma_wait3A_418] : memref<640000x128xf32, #tpu.memory_space<hbm>> -> memref<128x128xf32, #tpu.memory_space<hbm>>
        %dma_wait3A_420 = arith.constant 0 : i32
        %dma_wait3A_421 = arith.constant 0 : i32
        %dma_wait3A_422 = tpu.memref_slice %arg3[%dma_wait3A_420, %dma_wait3A_421] : memref<640000x128xf32, #tpu.memory_space<hbm>> -> memref<128x128xf32, #tpu.memory_space<hbm>>
        tpu.wait_dma2 semaphore(%arg18 : memref<!tpu.dma_semaphore, #tpu.memory_space<semaphore_mem>>) src(%dma_wait3A_422 : memref<128x128xf32, #tpu.memory_space<hbm>>) dst(%arg15 : memref<128x128xf32, #tpu.memory_space<vmem>>)
        %dma_wait3A_423 = arith.constant 0 : i32
        %dma_wait3A_424 = arith.constant 0 : i32
        %dma_wait3A_425 = tpu.memref_slice %arg4[%dma_wait3A_423, %dma_wait3A_424] : memref<2496x128xi32, #tpu.memory_space<hbm>> -> memref<1x128xi32, #tpu.memory_space<hbm>>
        %dma_wait3A_426 = tpu.memref_squeeze %dma_wait3A_425 : memref<1x128xi32, #tpu.memory_space<hbm>> -> memref<128xi32, #tpu.memory_space<hbm>>
        %dma_wait3A_427 = arith.constant 0 : i32
        %dma_wait3A_428 = tpu.memref_slice %arg4[%dma_wait3A_423, %dma_wait3A_427] : memref<2496x128xi32, #tpu.memory_space<hbm>> -> memref<1x128xi32, #tpu.memory_space<hbm>>
        %dma_wait3A_429 = tpu.memref_squeeze %dma_wait3A_428 : memref<1x128xi32, #tpu.memory_space<hbm>> -> memref<128xi32, #tpu.memory_space<hbm>>
        tpu.wait_dma2 semaphore(%arg20 : memref<!tpu.dma_semaphore, #tpu.memory_space<semaphore_mem>>) src(%dma_wait3A_429 : memref<128xi32, #tpu.memory_space<hbm>>) dst(%arg9 : memref<128xi32, #tpu.memory_space<vmem>>)
        %get3A_430 = arith.constant 0 : index
        %get3A_431 = tpu.vector_load %arg9[%get3A_430] {strides = array<i32>} : memref<128xi32, #tpu.memory_space<vmem>>, vector<16xi32>,
        %get3A_432 = vector.shape_cast %get3A_431 : vector<16xi32> to vector<16xi32>
        %add3A_433 = vector.broadcast %mul3A_0 : i32 to vector<16xi32>
        %add3A_434 = arith.addi %get3A_432, %add3A_433 : vector<16xi32>
        %swap3A_435 = arith.constant 0 : index
        %swap3A_436 = tpu.vector_load %arg9[%swap3A_435] {strides = array<i32>} : memref<128xi32, #tpu.memory_space<vmem>>, vector<16xi32>,
        %swap3A_437 = vector.shape_cast %swap3A_436 : vector<16xi32> to vector<16xi32>
        %swap3A_438 = vector.shape_cast %add3A_434 : vector<16xi32> to vector<16xi32>
        tpu.vector_store %arg9[%swap3A_435], %swap3A_438 {strides = array<i32>} : memref<128xi32, #tpu.memory_space<vmem>>, vector<16xi32>,
        %get3A_439 = arith.constant 16 : index
        %get3A_440 = tpu.vector_load %arg9[%get3A_439] {strides = array<i32>} : memref<128xi32, #tpu.memory_space<vmem>>, vector<16xi32>,
        %get3A_441 = vector.shape_cast %get3A_440 : vector<16xi32> to vector<16xi32>
        %add3A_442 = vector.broadcast %mul3A_0 : i32 to vector<16xi32>
        %add3A_443 = arith.addi %get3A_441, %add3A_442 : vector<16xi32>
        %swap3A_444 = arith.constant 16 : index
        %swap3A_445 = tpu.vector_load %arg9[%swap3A_444] {strides = array<i32>} : memref<128xi32, #tpu.memory_space<vmem>>, vector<16xi32>,
        %swap3A_446 = vector.shape_cast %swap3A_445 : vector<16xi32> to vector<16xi32>
        %swap3A_447 = vector.shape_cast %add3A_443 : vector<16xi32> to vector<16xi32>
        tpu.vector_store %arg9[%swap3A_444], %swap3A_447 {strides = array<i32>} : memref<128xi32, #tpu.memory_space<vmem>>, vector<16xi32>,
        %get3A_448 = arith.constant 32 : index
        %get3A_449 = tpu.vector_load %arg9[%get3A_448] {strides = array<i32>} : memref<128xi32, #tpu.memory_space<vmem>>, vector<16xi32>,
        %get3A_450 = vector.shape_cast %get3A_449 : vector<16xi32> to vector<16xi32>
        %add3A_451 = vector.broadcast %mul3A_0 : i32 to vector<16xi32>
        %add3A_452 = arith.addi %get3A_450, %add3A_451 : vector<16xi32>
        %swap3A_453 = arith.constant 32 : index
        %swap3A_454 = tpu.vector_load %arg9[%swap3A_453] {strides = array<i32>} : memref<128xi32, #tpu.memory_space<vmem>>, vector<16xi32>,
        %swap3A_455 = vector.shape_cast %swap3A_454 : vector<16xi32> to vector<16xi32>
        %swap3A_456 = vector.shape_cast %add3A_452 : vector<16xi32> to vector<16xi32>
        tpu.vector_store %arg9[%swap3A_453], %swap3A_456 {strides = array<i32>} : memref<128xi32, #tpu.memory_space<vmem>>, vector<16xi32>,
        %get3A_457 = arith.constant 48 : index
        %get3A_458 = tpu.vector_load %arg9[%get3A_457] {strides = array<i32>} : memref<128xi32, #tpu.memory_space<vmem>>, vector<16xi32>,
        %get3A_459 = vector.shape_cast %get3A_458 : vector<16xi32> to vector<16xi32>
        %add3A_460 = vector.broadcast %mul3A_0 : i32 to vector<16xi32>
        %add3A_461 = arith.addi %get3A_459, %add3A_460 : vector<16xi32>
        %swap3A_462 = arith.constant 48 : index
        %swap3A_463 = tpu.vector_load %arg9[%swap3A_462] {strides = array<i32>} : memref<128xi32, #tpu.memory_space<vmem>>, vector<16xi32>,
        %swap3A_464 = vector.shape_cast %swap3A_463 : vector<16xi32> to vector<16xi32>
        %swap3A_465 = vector.shape_cast %add3A_461 : vector<16xi32> to vector<16xi32>
        tpu.vector_store %arg9[%swap3A_462], %swap3A_465 {strides = array<i32>} : memref<128xi32, #tpu.memory_space<vmem>>, vector<16xi32>,
        %get3A_466 = arith.constant 64 : index
        %get3A_467 = tpu.vector_load %arg9[%get3A_466] {strides = array<i32>} : memref<128xi32, #tpu.memory_space<vmem>>, vector<16xi32>,
        %get3A_468 = vector.shape_cast %get3A_467 : vector<16xi32> to vector<16xi32>
        %add3A_469 = vector.broadcast %mul3A_0 : i32 to vector<16xi32>
        %add3A_470 = arith.addi %get3A_468, %add3A_469 : vector<16xi32>
        %swap3A_471 = arith.constant 64 : index
        %swap3A_472 = tpu.vector_load %arg9[%swap3A_471] {strides = array<i32>} : memref<128xi32, #tpu.memory_space<vmem>>, vector<16xi32>,
        %swap3A_473 = vector.shape_cast %swap3A_472 : vector<16xi32> to vector<16xi32>
        %swap3A_474 = vector.shape_cast %add3A_470 : vector<16xi32> to vector<16xi32>
        tpu.vector_store %arg9[%swap3A_471], %swap3A_474 {strides = array<i32>} : memref<128xi32, #tpu.memory_space<vmem>>, vector<16xi32>,
        %get3A_475 = arith.constant 80 : index
        %get3A_476 = tpu.vector_load %arg9[%get3A_475] {strides = array<i32>} : memref<128xi32, #tpu.memory_space<vmem>>, vector<16xi32>,
        %get3A_477 = vector.shape_cast %get3A_476 : vector<16xi32> to vector<16xi32>
        %add3A_478 = vector.broadcast %mul3A_0 : i32 to vector<16xi32>
        %add3A_479 = arith.addi %get3A_477, %add3A_478 : vector<16xi32>
        %swap3A_480 = arith.constant 80 : index
        %swap3A_481 = tpu.vector_load %arg9[%swap3A_480] {strides = array<i32>} : memref<128xi32, #tpu.memory_space<vmem>>, vector<16xi32>,
        %swap3A_482 = vector.shape_cast %swap3A_481 : vector<16xi32> to vector<16xi32>
        %swap3A_483 = vector.shape_cast %add3A_479 : vector<16xi32> to vector<16xi32>
        tpu.vector_store %arg9[%swap3A_480], %swap3A_483 {strides = array<i32>} : memref<128xi32, #tpu.memory_space<vmem>>, vector<16xi32>,
        %get3A_484 = arith.constant 96 : index
        %get3A_485 = tpu.vector_load %arg9[%get3A_484] {strides = array<i32>} : memref<128xi32, #tpu.memory_space<vmem>>, vector<16xi32>,
        %get3A_486 = vector.shape_cast %get3A_485 : vector<16xi32> to vector<16xi32>
        %add3A_487 = vector.broadcast %mul3A_0 : i32 to vector<16xi32>
        %add3A_488 = arith.addi %get3A_486, %add3A_487 : vector<16xi32>
        %swap3A_489 = arith.constant 96 : index
        %swap3A_490 = tpu.vector_load %arg9[%swap3A_489] {strides = array<i32>} : memref<128xi32, #tpu.memory_space<vmem>>, vector<16xi32>,
        %swap3A_491 = vector.shape_cast %swap3A_490 : vector<16xi32> to vector<16xi32>
        %swap3A_492 = vector.shape_cast %add3A_488 : vector<16xi32> to vector<16xi32>
        tpu.vector_store %arg9[%swap3A_489], %swap3A_492 {strides = array<i32>} : memref<128xi32, #tpu.memory_space<vmem>>, vector<16xi32>,
        %get3A_493 = arith.constant 112 : index
        %get3A_494 = tpu.vector_load %arg9[%get3A_493] {strides = array<i32>} : memref<128xi32, #tpu.memory_space<vmem>>, vector<16xi32>,
        %get3A_495 = vector.shape_cast %get3A_494 : vector<16xi32> to vector<16xi32>
        %add3A_496 = vector.broadcast %mul3A_0 : i32 to vector<16xi32>
        %add3A_497 = arith.addi %get3A_495, %add3A_496 : vector<16xi32>
        %swap3A_498 = arith.constant 112 : index
        %swap3A_499 = tpu.vector_load %arg9[%swap3A_498] {strides = array<i32>} : memref<128xi32, #tpu.memory_space<vmem>>, vector<16xi32>,
        %swap3A_500 = vector.shape_cast %swap3A_499 : vector<16xi32> to vector<16xi32>
        %swap3A_501 = vector.shape_cast %add3A_497 : vector<16xi32> to vector<16xi32>
        tpu.vector_store %arg9[%swap3A_498], %swap3A_501 {strides = array<i32>} : memref<128xi32, #tpu.memory_space<vmem>>, vector<16xi32>,
        %dma_start3A_502 = arith.constant 0 : i32
        %dma_start3A_503 = arith.constant 0 : i32
        %dma_start3A_504 = tpu.memref_slice %arg2[%dma_start3A_502, %dma_start3A_503] : memref<20000x128xf32, #tpu.memory_space<hbm>> -> memref<20000x128xf32, #tpu.memory_space<hbm>>
        tpu.enqueue_indirect_dma source(%dma_start3A_504 : memref<20000x128xf32, #tpu.memory_space<hbm>>) target(%arg15 : memref<128x128xf32, #tpu.memory_space<vmem>>) offsets(%arg9 : memref<128xi32, #tpu.memory_space<vmem>>) semaphore(%arg24 : memref<!tpu.dma_semaphore, #tpu.memory_space<semaphore_mem>>) {add = true}
      } else {
      }
    }
    %scan3A_179 = arith.constant 78 : i32
    %dma_wait3A_180 = arith.constant 0 : i32
    %dma_wait3A_181 = arith.constant 0 : i32
    %dma_wait3A_182 = tpu.memref_slice %arg3[%dma_wait3A_180, %dma_wait3A_181] : memref<640000x128xf32, #tpu.memory_space<hbm>> -> memref<128x128xf32, #tpu.memory_space<hbm>>
    %dma_wait3A_183 = arith.constant 0 : i32
    %dma_wait3A_184 = arith.constant 0 : i32
    %dma_wait3A_185 = tpu.memref_slice %arg3[%dma_wait3A_183, %dma_wait3A_184] : memref<640000x128xf32, #tpu.memory_space<hbm>> -> memref<128x128xf32, #tpu.memory_space<hbm>>
    tpu.wait_dma2 semaphore(%arg18 : memref<!tpu.dma_semaphore, #tpu.memory_space<semaphore_mem>>) src(%dma_wait3A_185 : memref<128x128xf32, #tpu.memory_space<hbm>>) dst(%arg15 : memref<128x128xf32, #tpu.memory_space<vmem>>)
    %dma_wait3A_186 = arith.constant 0 : i32
    %dma_wait3A_187 = arith.constant 0 : i32
    %dma_wait3A_188 = tpu.memref_slice %arg4[%dma_wait3A_186, %dma_wait3A_187] : memref<2496x128xi32, #tpu.memory_space<hbm>> -> memref<1x128xi32, #tpu.memory_space<hbm>>
    %dma_wait3A_189 = tpu.memref_squeeze %dma_wait3A_188 : memref<1x128xi32, #tpu.memory_space<hbm>> -> memref<128xi32, #tpu.memory_space<hbm>>
    %dma_wait3A_190 = arith.constant 0 : i32
    %dma_wait3A_191 = tpu.memref_slice %arg4[%dma_wait3A_186, %dma_wait3A_190] : memref<2496x128xi32, #tpu.memory_space<hbm>> -> memref<1x128xi32, #tpu.memory_space<hbm>>
    %dma_wait3A_192 = tpu.memref_squeeze %dma_wait3A_191 : memref<1x128xi32, #tpu.memory_space<hbm>> -> memref<128xi32, #tpu.memory_space<hbm>>
    tpu.wait_dma2 semaphore(%arg20 : memref<!tpu.dma_semaphore, #tpu.memory_space<semaphore_mem>>) src(%dma_wait3A_192 : memref<128xi32, #tpu.memory_space<hbm>>) dst(%arg9 : memref<128xi32, #tpu.memory_space<vmem>>)
    %dma_wait3A_193 = arith.constant 0 : i32
    %dma_wait3A_194 = arith.constant 0 : i32
    %dma_wait3A_195 = tpu.memref_slice %arg5[%dma_wait3A_193, %dma_wait3A_194] : memref<2496x128xi32, #tpu.memory_space<hbm>> -> memref<1x128xi32, #tpu.memory_space<hbm>>
    %dma_wait3A_196 = tpu.memref_squeeze %dma_wait3A_195 : memref<1x128xi32, #tpu.memory_space<hbm>> -> memref<128xi32, #tpu.memory_space<hbm>>
    %dma_wait3A_197 = arith.constant 0 : i32
    %dma_wait3A_198 = tpu.memref_slice %arg5[%dma_wait3A_193, %dma_wait3A_197] : memref<2496x128xi32, #tpu.memory_space<hbm>> -> memref<1x128xi32, #tpu.memory_space<hbm>>
    %dma_wait3A_199 = tpu.memref_squeeze %dma_wait3A_198 : memref<1x128xi32, #tpu.memory_space<hbm>> -> memref<128xi32, #tpu.memory_space<hbm>>
    tpu.wait_dma2 semaphore(%arg22 : memref<!tpu.dma_semaphore, #tpu.memory_space<semaphore_mem>>) src(%dma_wait3A_199 : memref<128xi32, #tpu.memory_space<hbm>>) dst(%arg11 : memref<128xi32, #tpu.memory_space<vmem>>)
    %dma_wait3A_200 = arith.constant 0 : i32
    %dma_wait3A_201 = arith.constant 0 : i32
    %dma_wait3A_202 = tpu.memref_slice %arg3[%dma_wait3A_200, %dma_wait3A_201] : memref<640000x128xf32, #tpu.memory_space<hbm>> -> memref<128x128xf32, #tpu.memory_space<hbm>>
    %dma_wait3A_203 = arith.constant 0 : i32
    %dma_wait3A_204 = arith.constant 0 : i32
    %dma_wait3A_205 = tpu.memref_slice %arg3[%dma_wait3A_203, %dma_wait3A_204] : memref<640000x128xf32, #tpu.memory_space<hbm>> -> memref<128x128xf32, #tpu.memory_space<hbm>>
    tpu.wait_dma2 semaphore(%arg19 : memref<!tpu.dma_semaphore, #tpu.memory_space<semaphore_mem>>) src(%dma_wait3A_205 : memref<128x128xf32, #tpu.memory_space<hbm>>) dst(%arg16 : memref<128x128xf32, #tpu.memory_space<vmem>>)
    %dma_wait3A_206 = arith.constant 0 : i32
    %dma_wait3A_207 = arith.constant 0 : i32
    %dma_wait3A_208 = tpu.memref_slice %arg4[%dma_wait3A_206, %dma_wait3A_207] : memref<2496x128xi32, #tpu.memory_space<hbm>> -> memref<1x128xi32, #tpu.memory_space<hbm>>
    %dma_wait3A_209 = tpu.memref_squeeze %dma_wait3A_208 : memref<1x128xi32, #tpu.memory_space<hbm>> -> memref<128xi32, #tpu.memory_space<hbm>>
    %dma_wait3A_210 = arith.constant 0 : i32
    %dma_wait3A_211 = tpu.memref_slice %arg4[%dma_wait3A_206, %dma_wait3A_210] : memref<2496x128xi32, #tpu.memory_space<hbm>> -> memref<1x128xi32, #tpu.memory_space<hbm>>
    %dma_wait3A_212 = tpu.memref_squeeze %dma_wait3A_211 : memref<1x128xi32, #tpu.memory_space<hbm>> -> memref<128xi32, #tpu.memory_space<hbm>>
    tpu.wait_dma2 semaphore(%arg21 : memref<!tpu.dma_semaphore, #tpu.memory_space<semaphore_mem>>) src(%dma_wait3A_212 : memref<128xi32, #tpu.memory_space<hbm>>) dst(%arg10 : memref<128xi32, #tpu.memory_space<vmem>>)
    %dma_wait3A_213 = arith.constant 0 : i32
    %dma_wait3A_214 = arith.constant 0 : i32
    %dma_wait3A_215 = tpu.memref_slice %arg5[%dma_wait3A_213, %dma_wait3A_214] : memref<2496x128xi32, #tpu.memory_space<hbm>> -> memref<1x128xi32, #tpu.memory_space<hbm>>
    %dma_wait3A_216 = tpu.memref_squeeze %dma_wait3A_215 : memref<1x128xi32, #tpu.memory_space<hbm>> -> memref<128xi32, #tpu.memory_space<hbm>>
    %dma_wait3A_217 = arith.constant 0 : i32
    %dma_wait3A_218 = tpu.memref_slice %arg5[%dma_wait3A_213, %dma_wait3A_217] : memref<2496x128xi32, #tpu.memory_space<hbm>> -> memref<1x128xi32, #tpu.memory_space<hbm>>
    %dma_wait3A_219 = tpu.memref_squeeze %dma_wait3A_218 : memref<1x128xi32, #tpu.memory_space<hbm>> -> memref<128xi32, #tpu.memory_space<hbm>>
    tpu.wait_dma2 semaphore(%arg23 : memref<!tpu.dma_semaphore, #tpu.memory_space<semaphore_mem>>) src(%dma_wait3A_219 : memref<128xi32, #tpu.memory_space<hbm>>) dst(%arg12 : memref<128xi32, #tpu.memory_space<vmem>>)
    %add3A_220 = arith.constant 319488 : i32
    %add3A_221 = arith.addi %mul3A_2, %add3A_220 : i32
    %mul3A_222 = arith.constant 32 : i32
    %mul3A_223 = arith.muli %arg1, %mul3A_222 : i32
    %add3A_224 = arith.addi %add3A_221, %mul3A_223 : i32
    "tpu.region"() ({
      %run_scoped3A = tpu.sem_alloc : memref<!tpu.dma_semaphore, #tpu.memory_space<semaphore_mem>>
      %dma_start3A_238 = arith.constant 0 : i32
      %dma_start3A_239 = arith.constant 0 : i32
      %dma_start3A_240 = tpu.memref_slice %arg15[%dma_start3A_238, %dma_start3A_239] : memref<128x128xf32, #tpu.memory_space<vmem>> -> memref<32x128xf32, #tpu.memory_space<vmem>>
      %dma_start3A_241 = arith.constant 0 : i32
      %dma_start3A_242 = tpu.memref_slice %arg3[%add3A_224, %dma_start3A_241] : memref<640000x128xf32, #tpu.memory_space<hbm>> -> memref<32x128xf32, #tpu.memory_space<hbm>>
      %dma_start3A_243 = arith.constant 0 : i32
      %dma_start3A_244 = arith.constant 0 : i32
      %dma_start3A_245 = tpu.memref_slice %arg15[%dma_start3A_243, %dma_start3A_244] : memref<128x128xf32, #tpu.memory_space<vmem>> -> memref<32x128xf32, #tpu.memory_space<vmem>>
      %dma_start3A_246 = arith.constant 0 : i32
      %dma_start3A_247 = tpu.memref_slice %arg3[%add3A_224, %dma_start3A_246] : memref<640000x128xf32, #tpu.memory_space<hbm>> -> memref<32x128xf32, #tpu.memory_space<hbm>>
      tpu.enqueue_dma source(%dma_start3A_247 : memref<32x128xf32, #tpu.memory_space<hbm>>) target(%dma_start3A_245 : memref<32x128xf32, #tpu.memory_space<vmem>>) target_semaphore(%run_scoped3A : memref<!tpu.dma_semaphore, #tpu.memory_space<semaphore_mem>>)
      %dma_wait3A_248 = arith.constant 0 : i32
      %dma_wait3A_249 = arith.constant 0 : i32
      %dma_wait3A_250 = tpu.memref_slice %arg15[%dma_wait3A_248, %dma_wait3A_249] : memref<128x128xf32, #tpu.memory_space<vmem>> -> memref<32x128xf32, #tpu.memory_space<vmem>>
      %dma_wait3A_251 = arith.constant 0 : i32
      %dma_wait3A_252 = tpu.memref_slice %arg3[%add3A_224, %dma_wait3A_251] : memref<640000x128xf32, #tpu.memory_space<hbm>> -> memref<32x128xf32, #tpu.memory_space<hbm>>
      %dma_wait3A_253 = arith.constant 0 : i32
      %dma_wait3A_254 = arith.constant 0 : i32
      %dma_wait3A_255 = tpu.memref_slice %arg15[%dma_wait3A_253, %dma_wait3A_254] : memref<128x128xf32, #tpu.memory_space<vmem>> -> memref<32x128xf32, #tpu.memory_space<vmem>>
      %dma_wait3A_256 = arith.constant 0 : i32
      %dma_wait3A_257 = tpu.memref_slice %arg3[%add3A_224, %dma_wait3A_256] : memref<640000x128xf32, #tpu.memory_space<hbm>> -> memref<32x128xf32, #tpu.memory_space<hbm>>
      tpu.wait_dma2 semaphore(%run_scoped3A : memref<!tpu.dma_semaphore, #tpu.memory_space<semaphore_mem>>) src(%dma_wait3A_257 : memref<32x128xf32, #tpu.memory_space<hbm>>) dst(%dma_wait3A_255 : memref<32x128xf32, #tpu.memory_space<vmem>>)
      tpu.yield
    }) : () -> ()
    "tpu.region"() ({
      %run_scoped3A = tpu.sem_alloc : memref<!tpu.dma_semaphore, #tpu.memory_space<semaphore_mem>>
      %dma_start3A_238 = arith.constant 0 : i32
      %dma_start3A_239 = arith.constant 0 : i32
      %dma_start3A_240 = tpu.memref_slice %arg15[%dma_start3A_238, %dma_start3A_239] : memref<128x128xf32, #tpu.memory_space<vmem>> -> memref<32x128xf32, #tpu.memory_space<vmem>>
      %dma_start3A_241 = arith.constant 0 : i32
      %dma_start3A_242 = arith.constant 0 : i32
      %dma_start3A_243 = tpu.memref_slice %arg2[%dma_start3A_241, %dma_start3A_242] : memref<20000x128xf32, #tpu.memory_space<hbm>> -> memref<20000x128xf32, #tpu.memory_space<hbm>>
      tpu.enqueue_indirect_dma source(%dma_start3A_243 : memref<20000x128xf32, #tpu.memory_space<hbm>>) target(%dma_start3A_240 : memref<32x128xf32, #tpu.memory_space<vmem>>) offsets(%arg13 : memref<32xi32, #tpu.memory_space<vmem>>) semaphore(%run_scoped3A : memref<!tpu.dma_semaphore, #tpu.memory_space<semaphore_mem>>) {add = true}
      %dma_wait3A_244 = arith.constant 0 : i32
      %dma_wait3A_245 = arith.constant 0 : i32
      %dma_wait3A_246 = tpu.memref_slice %arg15[%dma_wait3A_244, %dma_wait3A_245] : memref<128x128xf32, #tpu.memory_space<vmem>> -> memref<32x128xf32, #tpu.memory_space<vmem>>
      %dma_wait3A_247 = arith.constant 0 : i32
      %dma_wait3A_248 = arith.constant 0 : i32
      %dma_wait3A_249 = tpu.memref_slice %arg2[%dma_wait3A_247, %dma_wait3A_248] : memref<20000x128xf32, #tpu.memory_space<hbm>> -> memref<20000x128xf32, #tpu.memory_space<hbm>>
      tpu.wait_indirect_dma semaphore(%run_scoped3A : memref<!tpu.dma_semaphore, #tpu.memory_space<semaphore_mem>>) src(%dma_wait3A_249 : memref<20000x128xf32, #tpu.memory_space<hbm>>) dst(%dma_wait3A_246 : memref<32x128xf32, #tpu.memory_space<vmem>>)
      tpu.yield
    }) : () -> ()
    %scan3A_225 = arith.constant 0 : i32
    %scan3A_226 = arith.constant 0 : i32
    %scan3A_227 = arith.constant 32 : i32
    %scan3A_228 = arith.addi %scan3A_226, %scan3A_227 : i32
    %scan3A_229 = arith.constant 1 : i32
    scf.for %scan3A_238 = %scan3A_226 to %scan3A_228 step %scan3A_229  : i32 {
      %get3A_239 = arith.index_cast %scan3A_238 : i32 to index
      %get3A_240 = arith.constant 0 : index
      %get3A_241 = tpu.vector_load %arg15[%get3A_239, %get3A_240] {strides = array<i32>} : memref<128x128xf32, #tpu.memory_space<vmem>>, vector<1x16xf32>,
      %get3A_242 = vector.shape_cast %get3A_241 : vector<1x16xf32> to vector<16xf32>
      %max3A = arith.constant 0.000000e+00 : f32
      %max3A_243 = vector.broadcast %max3A : f32 to vector<16xf32>
      %max3A_244 = arith.maximumf %get3A_242, %max3A_243 : vector<16xf32>
      %swap3A_245 = arith.index_cast %scan3A_238 : i32 to index
      %swap3A_246 = arith.constant 0 : index
      %swap3A_247 = tpu.vector_load %arg15[%swap3A_245, %swap3A_246] {strides = array<i32>} : memref<128x128xf32, #tpu.memory_space<vmem>>, vector<1x16xf32>,
      %swap3A_248 = vector.shape_cast %swap3A_247 : vector<1x16xf32> to vector<16xf32>
      %swap3A_249 = vector.shape_cast %max3A_244 : vector<16xf32> to vector<1x16xf32>
      tpu.vector_store %arg15[%swap3A_245, %swap3A_246], %swap3A_249 {strides = array<i32>} : memref<128x128xf32, #tpu.memory_space<vmem>>, vector<1x16xf32>,
      %get3A_250 = arith.index_cast %scan3A_238 : i32 to index
      %get3A_251 = arith.constant 16 : index
      %get3A_252 = tpu.vector_load %arg15[%get3A_250, %get3A_251] {strides = array<i32>} : memref<128x128xf32, #tpu.memory_space<vmem>>, vector<1x16xf32>,
      %get3A_253 = vector.shape_cast %get3A_252 : vector<1x16xf32> to vector<16xf32>
      %max3A_254 = arith.constant 0.000000e+00 : f32
      %max3A_255 = vector.broadcast %max3A_254 : f32 to vector<16xf32>
      %max3A_256 = arith.maximumf %get3A_253, %max3A_255 : vector<16xf32>
      %swap3A_257 = arith.index_cast %scan3A_238 : i32 to index
      %swap3A_258 = arith.constant 16 : index
      %swap3A_259 = tpu.vector_load %arg15[%swap3A_257, %swap3A_258] {strides = array<i32>} : memref<128x128xf32, #tpu.memory_space<vmem>>, vector<1x16xf32>,
      %swap3A_260 = vector.shape_cast %swap3A_259 : vector<1x16xf32> to vector<16xf32>
      %swap3A_261 = vector.shape_cast %max3A_256 : vector<16xf32> to vector<1x16xf32>
      tpu.vector_store %arg15[%swap3A_257, %swap3A_258], %swap3A_261 {strides = array<i32>} : memref<128x128xf32, #tpu.memory_space<vmem>>, vector<1x16xf32>,
      %get3A_262 = arith.index_cast %scan3A_238 : i32 to index
      %get3A_263 = arith.constant 32 : index
      %get3A_264 = tpu.vector_load %arg15[%get3A_262, %get3A_263] {strides = array<i32>} : memref<128x128xf32, #tpu.memory_space<vmem>>, vector<1x16xf32>,
      %get3A_265 = vector.shape_cast %get3A_264 : vector<1x16xf32> to vector<16xf32>
      %max3A_266 = arith.constant 0.000000e+00 : f32
      %max3A_267 = vector.broadcast %max3A_266 : f32 to vector<16xf32>
      %max3A_268 = arith.maximumf %get3A_265, %max3A_267 : vector<16xf32>
      %swap3A_269 = arith.index_cast %scan3A_238 : i32 to index
      %swap3A_270 = arith.constant 32 : index
      %swap3A_271 = tpu.vector_load %arg15[%swap3A_269, %swap3A_270] {strides = array<i32>} : memref<128x128xf32, #tpu.memory_space<vmem>>, vector<1x16xf32>,
      %swap3A_272 = vector.shape_cast %swap3A_271 : vector<1x16xf32> to vector<16xf32>
      %swap3A_273 = vector.shape_cast %max3A_268 : vector<16xf32> to vector<1x16xf32>
      tpu.vector_store %arg15[%swap3A_269, %swap3A_270], %swap3A_273 {strides = array<i32>} : memref<128x128xf32, #tpu.memory_space<vmem>>, vector<1x16xf32>,
      %get3A_274 = arith.index_cast %scan3A_238 : i32 to index
      %get3A_275 = arith.constant 48 : index
      %get3A_276 = tpu.vector_load %arg15[%get3A_274, %get3A_275] {strides = array<i32>} : memref<128x128xf32, #tpu.memory_space<vmem>>, vector<1x16xf32>,
      %get3A_277 = vector.shape_cast %get3A_276 : vector<1x16xf32> to vector<16xf32>
      %max3A_278 = arith.constant 0.000000e+00 : f32
      %max3A_279 = vector.broadcast %max3A_278 : f32 to vector<16xf32>
      %max3A_280 = arith.maximumf %get3A_277, %max3A_279 : vector<16xf32>
      %swap3A_281 = arith.index_cast %scan3A_238 : i32 to index
      %swap3A_282 = arith.constant 48 : index
      %swap3A_283 = tpu.vector_load %arg15[%swap3A_281, %swap3A_282] {strides = array<i32>} : memref<128x128xf32, #tpu.memory_space<vmem>>, vector<1x16xf32>,
      %swap3A_284 = vector.shape_cast %swap3A_283 : vector<1x16xf32> to vector<16xf32>
      %swap3A_285 = vector.shape_cast %max3A_280 : vector<16xf32> to vector<1x16xf32>
      tpu.vector_store %arg15[%swap3A_281, %swap3A_282], %swap3A_285 {strides = array<i32>} : memref<128x128xf32, #tpu.memory_space<vmem>>, vector<1x16xf32>,
      %get3A_286 = arith.index_cast %scan3A_238 : i32 to index
      %get3A_287 = arith.constant 64 : index
      %get3A_288 = tpu.vector_load %arg15[%get3A_286, %get3A_287] {strides = array<i32>} : memref<128x128xf32, #tpu.memory_space<vmem>>, vector<1x16xf32>,
      %get3A_289 = vector.shape_cast %get3A_288 : vector<1x16xf32> to vector<16xf32>
      %max3A_290 = arith.constant 0.000000e+00 : f32
      %max3A_291 = vector.broadcast %max3A_290 : f32 to vector<16xf32>
      %max3A_292 = arith.maximumf %get3A_289, %max3A_291 : vector<16xf32>
      %swap3A_293 = arith.index_cast %scan3A_238 : i32 to index
      %swap3A_294 = arith.constant 64 : index
      %swap3A_295 = tpu.vector_load %arg15[%swap3A_293, %swap3A_294] {strides = array<i32>} : memref<128x128xf32, #tpu.memory_space<vmem>>, vector<1x16xf32>,
      %swap3A_296 = vector.shape_cast %swap3A_295 : vector<1x16xf32> to vector<16xf32>
      %swap3A_297 = vector.shape_cast %max3A_292 : vector<16xf32> to vector<1x16xf32>
      tpu.vector_store %arg15[%swap3A_293, %swap3A_294], %swap3A_297 {strides = array<i32>} : memref<128x128xf32, #tpu.memory_space<vmem>>, vector<1x16xf32>,
      %get3A_298 = arith.index_cast %scan3A_238 : i32 to index
      %get3A_299 = arith.constant 80 : index
      %get3A_300 = tpu.vector_load %arg15[%get3A_298, %get3A_299] {strides = array<i32>} : memref<128x128xf32, #tpu.memory_space<vmem>>, vector<1x16xf32>,
      %get3A_301 = vector.shape_cast %get3A_300 : vector<1x16xf32> to vector<16xf32>
      %max3A_302 = arith.constant 0.000000e+00 : f32
      %max3A_303 = vector.broadcast %max3A_302 : f32 to vector<16xf32>
      %max3A_304 = arith.maximumf %get3A_301, %max3A_303 : vector<16xf32>
      %swap3A_305 = arith.index_cast %scan3A_238 : i32 to index
      %swap3A_306 = arith.constant 80 : index
      %swap3A_307 = tpu.vector_load %arg15[%swap3A_305, %swap3A_306] {strides = array<i32>} : memref<128x128xf32, #tpu.memory_space<vmem>>, vector<1x16xf32>,
      %swap3A_308 = vector.shape_cast %swap3A_307 : vector<1x16xf32> to vector<16xf32>
      %swap3A_309 = vector.shape_cast %max3A_304 : vector<16xf32> to vector<1x16xf32>
      tpu.vector_store %arg15[%swap3A_305, %swap3A_306], %swap3A_309 {strides = array<i32>} : memref<128x128xf32, #tpu.memory_space<vmem>>, vector<1x16xf32>,
      %get3A_310 = arith.index_cast %scan3A_238 : i32 to index
      %get3A_311 = arith.constant 96 : index
      %get3A_312 = tpu.vector_load %arg15[%get3A_310, %get3A_311] {strides = array<i32>} : memref<128x128xf32, #tpu.memory_space<vmem>>, vector<1x16xf32>,
      %get3A_313 = vector.shape_cast %get3A_312 : vector<1x16xf32> to vector<16xf32>
      %max3A_314 = arith.constant 0.000000e+00 : f32
      %max3A_315 = vector.broadcast %max3A_314 : f32 to vector<16xf32>
      %max3A_316 = arith.maximumf %get3A_313, %max3A_315 : vector<16xf32>
      %swap3A_317 = arith.index_cast %scan3A_238 : i32 to index
      %swap3A_318 = arith.constant 96 : index
      %swap3A_319 = tpu.vector_load %arg15[%swap3A_317, %swap3A_318] {strides = array<i32>} : memref<128x128xf32, #tpu.memory_space<vmem>>, vector<1x16xf32>,
      %swap3A_320 = vector.shape_cast %swap3A_319 : vector<1x16xf32> to vector<16xf32>
      %swap3A_321 = vector.shape_cast %max3A_316 : vector<16xf32> to vector<1x16xf32>
      tpu.vector_store %arg15[%swap3A_317, %swap3A_318], %swap3A_321 {strides = array<i32>} : memref<128x128xf32, #tpu.memory_space<vmem>>, vector<1x16xf32>,
      %get3A_322 = arith.index_cast %scan3A_238 : i32 to index
      %get3A_323 = arith.constant 112 : index
      %get3A_324 = tpu.vector_load %arg15[%get3A_322, %get3A_323] {strides = array<i32>} : memref<128x128xf32, #tpu.memory_space<vmem>>, vector<1x16xf32>,
      %get3A_325 = vector.shape_cast %get3A_324 : vector<1x16xf32> to vector<16xf32>
      %max3A_326 = arith.constant 0.000000e+00 : f32
      %max3A_327 = vector.broadcast %max3A_326 : f32 to vector<16xf32>
      %max3A_328 = arith.maximumf %get3A_325, %max3A_327 : vector<16xf32>
      %swap3A_329 = arith.index_cast %scan3A_238 : i32 to index
      %swap3A_330 = arith.constant 112 : index
      %swap3A_331 = tpu.vector_load %arg15[%swap3A_329, %swap3A_330] {strides = array<i32>} : memref<128x128xf32, #tpu.memory_space<vmem>>, vector<1x16xf32>,
      %swap3A_332 = vector.shape_cast %swap3A_331 : vector<1x16xf32> to vector<16xf32>
      %swap3A_333 = vector.shape_cast %max3A_328 : vector<16xf32> to vector<1x16xf32>
      tpu.vector_store %arg15[%swap3A_329, %swap3A_330], %swap3A_333 {strides = array<i32>} : memref<128x128xf32, #tpu.memory_space<vmem>>, vector<1x16xf32>,
    }
    %scan3A_230 = arith.constant 32 : i32
    "tpu.region"() ({
      %run_scoped3A = tpu.sem_alloc : memref<!tpu.dma_semaphore, #tpu.memory_space<semaphore_mem>>
      %dma_start3A_238 = arith.constant 0 : i32
      %dma_start3A_239 = arith.constant 0 : i32
      %dma_start3A_240 = tpu.memref_slice %arg15[%dma_start3A_238, %dma_start3A_239] : memref<128x128xf32, #tpu.memory_space<vmem>> -> memref<32x128xf32, #tpu.memory_space<vmem>>
      %dma_start3A_241 = arith.constant 0 : i32
      %dma_start3A_242 = arith.constant 0 : i32
      %dma_start3A_243 = tpu.memref_slice %arg17[%dma_start3A_241, %dma_start3A_242] : memref<10000x128xf32, #tpu.memory_space<vmem_shared>> -> memref<10000x128xf32, #tpu.memory_space<vmem_shared>>
      tpu.enqueue_indirect_dma source(%dma_start3A_240 : memref<32x128xf32, #tpu.memory_space<vmem>>) target(%dma_start3A_243 : memref<10000x128xf32, #tpu.memory_space<vmem_shared>>) offsets(%arg14 : memref<32xi32, #tpu.memory_space<vmem>>) semaphore(%run_scoped3A : memref<!tpu.dma_semaphore, #tpu.memory_space<semaphore_mem>>) {add = true}
      %dma_wait3A_244 = arith.constant 0 : i32
      %dma_wait3A_245 = arith.constant 0 : i32
      %dma_wait3A_246 = tpu.memref_slice %arg15[%dma_wait3A_244, %dma_wait3A_245] : memref<128x128xf32, #tpu.memory_space<vmem>> -> memref<32x128xf32, #tpu.memory_space<vmem>>
      %dma_wait3A_247 = arith.constant 0 : i32
      %dma_wait3A_248 = arith.constant 0 : i32
      %dma_wait3A_249 = tpu.memref_slice %arg17[%dma_wait3A_247, %dma_wait3A_248] : memref<10000x128xf32, #tpu.memory_space<vmem_shared>> -> memref<10000x128xf32, #tpu.memory_space<vmem_shared>>
      tpu.wait_indirect_dma semaphore(%run_scoped3A : memref<!tpu.dma_semaphore, #tpu.memory_space<semaphore_mem>>) src(%dma_wait3A_246 : memref<32x128xf32, #tpu.memory_space<vmem>>) dst(%dma_wait3A_249 : memref<10000x128xf32, #tpu.memory_space<vmem_shared>>)
      tpu.yield
    }) : () -> ()
    %barrier3A_231 = arith.constant 0 : index
    tpu.barrier barrier_id(%barrier3A_231)
    %add3A_232 = arith.addi %mul3A_0, %mul3A_25 : i32
    "tpu.region"() ({
      %run_scoped3A = tpu.sem_alloc : memref<!tpu.dma_semaphore, #tpu.memory_space<semaphore_mem>>
      %dma_start3A_238 = arith.constant 0 : i32
      %dma_start3A_239 = tpu.memref_slice %arg8[%add3A_232, %dma_start3A_238] : memref<20000x128xf32, #tpu.memory_space<hbm>> -> memref<624x128xf32, #tpu.memory_space<hbm>>
      %dma_start3A_240 = arith.constant 0 : i32
      %dma_start3A_241 = tpu.memref_slice %arg17[%mul3A_25, %dma_start3A_240] : memref<10000x128xf32, #tpu.memory_space<vmem_shared>> -> memref<624x128xf32, #tpu.memory_space<vmem_shared>>
      tpu.enqueue_dma source(%dma_start3A_241 : memref<624x128xf32, #tpu.memory_space<vmem_shared>>) target(%dma_start3A_239 : memref<624x128xf32, #tpu.memory_space<hbm>>) target_semaphore(%run_scoped3A : memref<!tpu.dma_semaphore, #tpu.memory_space<semaphore_mem>>)
      %dma_wait3A_242 = arith.constant 0 : i32
      %dma_wait3A_243 = tpu.memref_slice %arg8[%add3A_232, %dma_wait3A_242] : memref<20000x128xf32, #tpu.memory_space<hbm>> -> memref<624x128xf32, #tpu.memory_space<hbm>>
      %dma_wait3A_244 = arith.constant 0 : i32
      %dma_wait3A_245 = tpu.memref_slice %arg17[%mul3A_25, %dma_wait3A_244] : memref<10000x128xf32, #tpu.memory_space<vmem_shared>> -> memref<624x128xf32, #tpu.memory_space<vmem_shared>>
      tpu.wait_dma2 semaphore(%run_scoped3A : memref<!tpu.dma_semaphore, #tpu.memory_space<semaphore_mem>>) src(%dma_wait3A_245 : memref<624x128xf32, #tpu.memory_space<vmem_shared>>) dst(%dma_wait3A_243 : memref<624x128xf32, #tpu.memory_space<hbm>>)
      tpu.yield
    }) : () -> ()
    %eq3A_233 = arith.constant 15 : i32
    %eq3A_234 = arith.cmpi eq, %arg1, %eq3A_233 : i32
    %convert_element_type3A_235 = arith.extui %eq3A_234 : i1 to i32
    %cond3A_236 = arith.constant 0 : i32
    %cond3A_237 = arith.cmpi ne, %convert_element_type3A_235, %cond3A_236 : i32
    scf.if %cond3A_237 {
      %add3A_238 = arith.constant 9984 : i32
      %add3A_239 = arith.addi %mul3A_0, %add3A_238 : i32
      "tpu.region"() ({
        %run_scoped3A = tpu.sem_alloc : memref<!tpu.dma_semaphore, #tpu.memory_space<semaphore_mem>>
        %dma_start3A_240 = arith.constant 0 : i32
        %dma_start3A_241 = tpu.memref_slice %arg8[%add3A_239, %dma_start3A_240] : memref<20000x128xf32, #tpu.memory_space<hbm>> -> memref<16x128xf32, #tpu.memory_space<hbm>>
        %dma_start3A_242 = arith.constant 9984 : i32
        %dma_start3A_243 = arith.constant 0 : i32
        %dma_start3A_244 = tpu.memref_slice %arg17[%dma_start3A_242, %dma_start3A_243] : memref<10000x128xf32, #tpu.memory_space<vmem_shared>> -> memref<16x128xf32, #tpu.memory_space<vmem_shared>>
        tpu.enqueue_dma source(%dma_start3A_244 : memref<16x128xf32, #tpu.memory_space<vmem_shared>>) target(%dma_start3A_241 : memref<16x128xf32, #tpu.memory_space<hbm>>) target_semaphore(%run_scoped3A : memref<!tpu.dma_semaphore, #tpu.memory_space<semaphore_mem>>)
        %dma_wait3A_245 = arith.constant 0 : i32
        %dma_wait3A_246 = tpu.memref_slice %arg8[%add3A_239, %dma_wait3A_245] : memref<20000x128xf32, #tpu.memory_space<hbm>> -> memref<16x128xf32, #tpu.memory_space<hbm>>
        %dma_wait3A_247 = arith.constant 9984 : i32
        %dma_wait3A_248 = arith.constant 0 : i32
        %dma_wait3A_249 = tpu.memref_slice %arg17[%dma_wait3A_247, %dma_wait3A_248] : memref<10000x128xf32, #tpu.memory_space<vmem_shared>> -> memref<16x128xf32, #tpu.memory_space<vmem_shared>>
        tpu.wait_dma2 semaphore(%run_scoped3A : memref<!tpu.dma_semaphore, #tpu.memory_space<semaphore_mem>>) src(%dma_wait3A_249 : memref<16x128xf32, #tpu.memory_space<vmem_shared>>) dst(%dma_wait3A_246 : memref<16x128xf32, #tpu.memory_space<hbm>>)
        tpu.yield
      }) : () -> ()
    } else {
    }
    return
  }
}

module attributes {stable_mosaic.version = 14 : i64} {
  func.func @_edge_proj_body(%arg0: i32, %arg1: i32, %arg2: memref<4000x16xf32, #tpu.memory_space<vmem>>, %arg3: memref<16x128xf32, #tpu.memory_space<vmem>>, %arg4: memref<1x1x128xf32, #tpu.memory_space<vmem>>, %arg5: memref<4000x128xf32, #tpu.memory_space<vmem>>) attributes {dimension_semantics = [#tpu.dimension_semantics<arbitrary>, #tpu.dimension_semantics<arbitrary>], iteration_bounds = array<i64: 2, 80>, scalar_prefetch = 0 : i64, scratch_operands = 0 : i64, tpu.core_type = #tpu.core_type<tc>, window_params = [{transform_indices = @transform_0, window_bounds = array<i64: 4000, 16>}, {transform_indices = @transform_1, window_bounds = array<i64: 16, 128>}, {transform_indices = @transform_2, window_bounds = array<i64: 1, 1, 128>}, {transform_indices = @transform_3, window_bounds = array<i64: 4000, 128>}]} {
    %get3A = arith.constant 0 : index
    %get3A_0 = arith.constant 0 : index
    %get3A_1 = vector.load %arg2[%get3A, %get3A_0] : memref<4000x16xf32, #tpu.memory_space<vmem>>, vector<4000x16xf32>
    %get3A_2 = arith.constant 0 : index
    %get3A_3 = arith.constant 0 : index
    %get3A_4 = vector.load %arg3[%get3A_2, %get3A_3] : memref<16x128xf32, #tpu.memory_space<vmem>>, vector<16x128xf32>
    %dot_general3A = arith.constant dense<0.000000e+00> : vector<4000x128xf32>
    %dot_general3A_5 = tpu.matmul %get3A_1, %get3A_4, %dot_general3A {dimension_numbers = #tpu.dot_dimension_numbers<[1], [0], [0], [1], [0, 0, 1, 1], [], []>, transpose_lhs_hint = false} : vector<4000x16xf32>, vector<16x128xf32>, vector<4000x128xf32> -> vector<4000x128xf32>
    %get3A_6 = arith.constant 0 : index
    %get3A_7 = arith.constant 0 : index
    %get3A_8 = arith.constant 0 : index
    %get3A_9 = vector.load %arg4[%get3A_6, %get3A_7, %get3A_8] : memref<1x1x128xf32, #tpu.memory_space<vmem>>, vector<1x1x128xf32>
    %reshape3A = vector.shape_cast %get3A_9 : vector<1x1x128xf32> to vector<1x128xf32>
    %add3A = vector.broadcast %reshape3A : vector<1x128xf32> to vector<4000x128xf32>
    %add3A_10 = arith.addf %dot_general3A_5, %add3A : vector<4000x128xf32>
    %swap3A = arith.constant 0 : index
    %swap3A_11 = arith.constant 0 : index
    %swap3A_12 = vector.load %arg5[%swap3A, %swap3A_11] : memref<4000x128xf32, #tpu.memory_space<vmem>>, vector<4000x128xf32>
    tpu.vector_store %arg5[%swap3A, %swap3A_11], %add3A_10 {strides = array<i32>} : memref<4000x128xf32, #tpu.memory_space<vmem>>, vector<4000x128xf32>,
    return
  }
  func.func @transform_0(%arg0: i32, %arg1: i32) -> (i32, i32) {
    %c0_i32 = arith.constant 0 : i32
    %c0_i32_0 = arith.constant 0 : i32
    return %arg1, %c0_i32 : i32, i32
  }
  func.func @transform_1(%arg0: i32, %arg1: i32) -> (i32, i32) {
    %c0_i32 = arith.constant 0 : i32
    %c0_i32_0 = arith.constant 0 : i32
    return %c0_i32, %arg0 : i32, i32
  }
  func.func @transform_2(%arg0: i32, %arg1: i32) -> (i32, i32, i32) {
    %c0_i32 = arith.constant 0 : i32
    %c0_i32_0 = arith.constant 0 : i32
    %c0_i32_1 = arith.constant 0 : i32
    return %arg0, %c0_i32, %c0_i32_0 : i32, i32, i32
  }
  func.func @transform_3(%arg0: i32, %arg1: i32) -> (i32, i32) {
    %mul3A = arith.constant 80 : i32
    %mul3A_0 = arith.muli %arg0, %mul3A : i32
    %add3A = arith.addi %mul3A_0, %arg1 : i32
    %c0_i32 = arith.constant 0 : i32
    %c0_i32_1 = arith.constant 0 : i32
    return %add3A, %c0_i32 : i32, i32
  }
}

module attributes {stable_mosaic.version = 14 : i64} {
  func.func @_node_enc_body(%arg0: i32, %arg1: i32, %arg2: memref<1000x128xf32, #tpu.memory_space<vmem>>, %arg3: memref<128x128xf32, #tpu.memory_space<vmem>>, %arg4: memref<1x1x128xf32, #tpu.memory_space<vmem>>, %arg5: memref<1000x128xf32, #tpu.memory_space<vmem>>) attributes {dimension_semantics = [#tpu.dimension_semantics<arbitrary>, #tpu.dimension_semantics<arbitrary>], iteration_bounds = array<i64: 2, 10>, scalar_prefetch = 0 : i64, scratch_operands = 0 : i64, tpu.core_type = #tpu.core_type<tc>, window_params = [{transform_indices = @transform_0, window_bounds = array<i64: 1000, 128>}, {transform_indices = @transform_1, window_bounds = array<i64: 128, 128>}, {transform_indices = @transform_2, window_bounds = array<i64: 1, 1, 128>}, {transform_indices = @transform_3, window_bounds = array<i64: 1000, 128>}]} {
    %get3A = arith.constant 0 : index
    %get3A_0 = arith.constant 0 : index
    %get3A_1 = vector.load %arg2[%get3A, %get3A_0] : memref<1000x128xf32, #tpu.memory_space<vmem>>, vector<1000x128xf32>
    %get3A_2 = arith.constant 0 : index
    %get3A_3 = arith.constant 0 : index
    %get3A_4 = vector.load %arg3[%get3A_2, %get3A_3] : memref<128x128xf32, #tpu.memory_space<vmem>>, vector<128x128xf32>
    %dot_general3A = arith.constant dense<0.000000e+00> : vector<1000x128xf32>
    %dot_general3A_5 = tpu.matmul %get3A_1, %get3A_4, %dot_general3A {dimension_numbers = #tpu.dot_dimension_numbers<[1], [0], [0], [1], [0, 0, 1, 1], [], []>, transpose_lhs_hint = false} : vector<1000x128xf32>, vector<128x128xf32>, vector<1000x128xf32> -> vector<1000x128xf32>
    %get3A_6 = arith.constant 0 : index
    %get3A_7 = arith.constant 0 : index
    %get3A_8 = arith.constant 0 : index
    %get3A_9 = vector.load %arg4[%get3A_6, %get3A_7, %get3A_8] : memref<1x1x128xf32, #tpu.memory_space<vmem>>, vector<1x1x128xf32>
    %reshape3A = vector.shape_cast %get3A_9 : vector<1x1x128xf32> to vector<1x128xf32>
    %add3A = vector.broadcast %reshape3A : vector<1x128xf32> to vector<1000x128xf32>
    %add3A_10 = arith.addf %dot_general3A_5, %add3A : vector<1000x128xf32>
    %swap3A = arith.constant 0 : index
    %swap3A_11 = arith.constant 0 : index
    %swap3A_12 = vector.load %arg5[%swap3A, %swap3A_11] : memref<1000x128xf32, #tpu.memory_space<vmem>>, vector<1000x128xf32>
    tpu.vector_store %arg5[%swap3A, %swap3A_11], %add3A_10 {strides = array<i32>} : memref<1000x128xf32, #tpu.memory_space<vmem>>, vector<1000x128xf32>,
    return
  }
  func.func @transform_0(%arg0: i32, %arg1: i32) -> (i32, i32) {
    %c0_i32 = arith.constant 0 : i32
    %c0_i32_0 = arith.constant 0 : i32
    return %arg1, %c0_i32 : i32, i32
  }
  func.func @transform_1(%arg0: i32, %arg1: i32) -> (i32, i32) {
    %c0_i32 = arith.constant 0 : i32
    %c0_i32_0 = arith.constant 0 : i32
    return %c0_i32, %arg0 : i32, i32
  }
  func.func @transform_2(%arg0: i32, %arg1: i32) -> (i32, i32, i32) {
    %c0_i32 = arith.constant 0 : i32
    %c0_i32_0 = arith.constant 0 : i32
    %c0_i32_1 = arith.constant 0 : i32
    return %arg0, %c0_i32, %c0_i32_0 : i32, i32, i32
  }
  func.func @transform_3(%arg0: i32, %arg1: i32) -> (i32, i32) {
    %mul3A = arith.constant 10 : i32
    %mul3A_0 = arith.muli %arg0, %mul3A : i32
    %add3A = arith.addi %mul3A_0, %arg1 : i32
    %c0_i32 = arith.constant 0 : i32
    %c0_i32_1 = arith.constant 0 : i32
    return %add3A, %c0_i32 : i32, i32
  }
}

module attributes {stable_mosaic.version = 14 : i64} {
  func.func @_mlp_body(%arg0: i32, %arg1: i32, %arg2: memref<1000x128xf32, #tpu.memory_space<vmem>>, %arg3: memref<1000x128xf32, #tpu.memory_space<vmem>>, %arg4: memref<1000x128xf32, #tpu.memory_space<vmem>>, %arg5: memref<1000x128xf32, #tpu.memory_space<vmem>>, %arg6: memref<256x256xf32, #tpu.memory_space<vmem>>, %arg7: memref<1x256xf32, #tpu.memory_space<vmem>>, %arg8: memref<256x128xf32, #tpu.memory_space<vmem>>, %arg9: memref<1x1x128xf32, #tpu.memory_space<vmem>>, %arg10: memref<1000x128xf32, #tpu.memory_space<vmem>>) attributes {dimension_semantics = [#tpu.dimension_semantics<arbitrary>, #tpu.dimension_semantics<arbitrary>], iteration_bounds = array<i64: 2, 10>, scalar_prefetch = 0 : i64, scratch_operands = 0 : i64, tpu.core_type = #tpu.core_type<tc>, window_params = [{transform_indices = @transform_0, window_bounds = array<i64: 1000, 128>}, {transform_indices = @transform_1, window_bounds = array<i64: 1000, 128>}, {transform_indices = @transform_2, window_bounds = array<i64: 1000, 128>}, {transform_indices = @transform_3, window_bounds = array<i64: 1000, 128>}, {pipeline_mode = #tpu.pipeline_mode<synchronous>, transform_indices = @transform_4, window_bounds = array<i64: 256, 256>}, {pipeline_mode = #tpu.pipeline_mode<synchronous>, transform_indices = @transform_5, window_bounds = array<i64: 1, 256>}, {transform_indices = @transform_6, window_bounds = array<i64: 256, 128>}, {transform_indices = @transform_7, window_bounds = array<i64: 1, 1, 128>}, {transform_indices = @transform_8, window_bounds = array<i64: 1000, 128>}]} {
    %get3A = arith.constant 0 : index
    %get3A_0 = arith.constant 0 : index
    %get3A_1 = vector.load %arg2[%get3A, %get3A_0] : memref<1000x128xf32, #tpu.memory_space<vmem>>, vector<1000x128xf32>
    %get3A_2 = arith.constant 0 : index
    %get3A_3 = arith.constant 0 : index
    %get3A_4 = vector.load %arg4[%get3A_2, %get3A_3] : memref<1000x128xf32, #tpu.memory_space<vmem>>, vector<1000x128xf32>
    %add3A = arith.addf %get3A_1, %get3A_4 : vector<1000x128xf32>
    %get3A_5 = arith.constant 0 : index
    %get3A_6 = arith.constant 0 : index
    %get3A_7 = vector.load %arg3[%get3A_5, %get3A_6] : memref<1000x128xf32, #tpu.memory_space<vmem>>, vector<1000x128xf32>
    %get3A_8 = arith.constant 0 : index
    %get3A_9 = arith.constant 0 : index
    %get3A_10 = vector.load %arg5[%get3A_8, %get3A_9] : memref<1000x128xf32, #tpu.memory_space<vmem>>, vector<1000x128xf32>
    %add3A_11 = arith.addf %get3A_7, %get3A_10 : vector<1000x128xf32>
    %concatenate3A = tpu.concatenate %add3A, %add3A_11 in 1 : vector<1000x128xf32>, vector<1000x128xf32> -> vector<1000x256xf32>
    %get3A_12 = arith.constant 0 : index
    %get3A_13 = arith.constant 0 : index
    %get3A_14 = vector.load %arg6[%get3A_12, %get3A_13] : memref<256x256xf32, #tpu.memory_space<vmem>>, vector<256x256xf32>
    %dot_general3A = arith.constant dense<0.000000e+00> : vector<1000x256xf32>
    %dot_general3A_15 = tpu.matmul %concatenate3A, %get3A_14, %dot_general3A {dimension_numbers = #tpu.dot_dimension_numbers<[1], [0], [0], [1], [0, 0, 1, 1], [], []>, transpose_lhs_hint = false} : vector<1000x256xf32>, vector<256x256xf32>, vector<1000x256xf32> -> vector<1000x256xf32>
    %get3A_16 = arith.constant 0 : index
    %get3A_17 = arith.constant 0 : index
    %get3A_18 = vector.load %arg7[%get3A_16, %get3A_17] : memref<1x256xf32, #tpu.memory_space<vmem>>, vector<1x256xf32>
    %add3A_19 = vector.broadcast %get3A_18 : vector<1x256xf32> to vector<1000x256xf32>
    %add3A_20 = arith.addf %dot_general3A_15, %add3A_19 : vector<1000x256xf32>
    %max3A = arith.constant 0.000000e+00 : f32
    %max3A_21 = vector.broadcast %max3A : f32 to vector<1000x256xf32>
    %max3A_22 = arith.maximumf %add3A_20, %max3A_21 : vector<1000x256xf32>
    %get3A_23 = arith.constant 0 : index
    %get3A_24 = arith.constant 0 : index
    %get3A_25 = vector.load %arg8[%get3A_23, %get3A_24] : memref<256x128xf32, #tpu.memory_space<vmem>>, vector<256x128xf32>
    %dot_general3A_26 = arith.constant dense<0.000000e+00> : vector<1000x128xf32>
    %dot_general3A_27 = tpu.matmul %max3A_22, %get3A_25, %dot_general3A_26 {dimension_numbers = #tpu.dot_dimension_numbers<[1], [0], [0], [1], [0, 0, 1, 1], [], []>, transpose_lhs_hint = false} : vector<1000x256xf32>, vector<256x128xf32>, vector<1000x128xf32> -> vector<1000x128xf32>
    %get3A_28 = arith.constant 0 : index
    %get3A_29 = arith.constant 0 : index
    %get3A_30 = arith.constant 0 : index
    %get3A_31 = vector.load %arg9[%get3A_28, %get3A_29, %get3A_30] : memref<1x1x128xf32, #tpu.memory_space<vmem>>, vector<1x1x128xf32>
    %reshape3A = vector.shape_cast %get3A_31 : vector<1x1x128xf32> to vector<1x128xf32>
    %add3A_32 = vector.broadcast %reshape3A : vector<1x128xf32> to vector<1000x128xf32>
    %add3A_33 = arith.addf %dot_general3A_27, %add3A_32 : vector<1000x128xf32>
    %max3A_34 = arith.constant 0.000000e+00 : f32
    %max3A_35 = vector.broadcast %max3A_34 : f32 to vector<1000x128xf32>
    %max3A_36 = arith.maximumf %add3A_33, %max3A_35 : vector<1000x128xf32>
    %swap3A = arith.constant 0 : index
    %swap3A_37 = arith.constant 0 : index
    %swap3A_38 = vector.load %arg10[%swap3A, %swap3A_37] : memref<1000x128xf32, #tpu.memory_space<vmem>>, vector<1000x128xf32>
    tpu.vector_store %arg10[%swap3A, %swap3A_37], %max3A_36 {strides = array<i32>} : memref<1000x128xf32, #tpu.memory_space<vmem>>, vector<1000x128xf32>,
    return
  }
  func.func @transform_0(%arg0: i32, %arg1: i32) -> (i32, i32) {
    %c0_i32 = arith.constant 0 : i32
    %c0_i32_0 = arith.constant 0 : i32
    return %arg1, %c0_i32 : i32, i32
  }
  func.func @transform_1(%arg0: i32, %arg1: i32) -> (i32, i32) {
    %add3A = arith.constant 10 : i32
    %add3A_0 = arith.addi %add3A, %arg1 : i32
    %c0_i32 = arith.constant 0 : i32
    %c0_i32_1 = arith.constant 0 : i32
    return %add3A_0, %c0_i32 : i32, i32
  }
  func.func @transform_2(%arg0: i32, %arg1: i32) -> (i32, i32) {
    %c0_i32 = arith.constant 0 : i32
    %c0_i32_0 = arith.constant 0 : i32
    return %arg1, %c0_i32 : i32, i32
  }
  func.func @transform_3(%arg0: i32, %arg1: i32) -> (i32, i32) {
    %add3A = arith.constant 10 : i32
    %add3A_0 = arith.addi %add3A, %arg1 : i32
    %c0_i32 = arith.constant 0 : i32
    %c0_i32_1 = arith.constant 0 : i32
    return %add3A_0, %c0_i32 : i32, i32
  }
  func.func @transform_4(%arg0: i32, %arg1: i32) -> (i32, i32) {
    %c0_i32 = arith.constant 0 : i32
    %c0_i32_0 = arith.constant 0 : i32
    %c0_i32_1 = arith.constant 0 : i32
    return %c0_i32, %c0_i32_0 : i32, i32
  }
  func.func @transform_5(%arg0: i32, %arg1: i32) -> (i32, i32) {
    %c0_i32 = arith.constant 0 : i32
    %c0_i32_0 = arith.constant 0 : i32
    %c0_i32_1 = arith.constant 0 : i32
    return %c0_i32, %c0_i32_0 : i32, i32
  }
  func.func @transform_6(%arg0: i32, %arg1: i32) -> (i32, i32) {
    %c0_i32 = arith.constant 0 : i32
    %c0_i32_0 = arith.constant 0 : i32
    return %c0_i32, %arg0 : i32, i32
  }
  func.func @transform_7(%arg0: i32, %arg1: i32) -> (i32, i32, i32) {
    %c0_i32 = arith.constant 0 : i32
    %c0_i32_0 = arith.constant 0 : i32
    %c0_i32_1 = arith.constant 0 : i32
    return %arg0, %c0_i32, %c0_i32_0 : i32, i32, i32
  }
  func.func @transform_8(%arg0: i32, %arg1: i32) -> (i32, i32) {
    %mul3A = arith.constant 10 : i32
    %mul3A_0 = arith.muli %arg0, %mul3A : i32
    %add3A = arith.addi %mul3A_0, %arg1 : i32
    %c0_i32 = arith.constant 0 : i32
    %c0_i32_1 = arith.constant 0 : i32
    return %add3A, %c0_i32 : i32, i32
  }
}

module attributes {stable_mosaic.version = 14 : i64} {
  func.func @_pool_body(%arg0: i32, %arg1: memref<1000x128xf32, #tpu.memory_space<vmem>>, %arg2: memref<1000x128xf32, #tpu.memory_space<vmem>>, %arg3: memref<1x1x1000xi32, #tpu.memory_space<vmem>>, %arg4: memref<128x1xf32, #tpu.memory_space<vmem>>, %arg5: memref<128x1xf32, #tpu.memory_space<vmem>>, %arg6: memref<1x1xf32, #tpu.memory_space<vmem>>, %arg7: memref<64x1xf32, #tpu.memory_space<vmem>>) attributes {dimension_semantics = [#tpu.dimension_semantics<arbitrary>], iteration_bounds = array<i64: 10>, scalar_prefetch = 0 : i64, scratch_operands = 0 : i64, tpu.core_type = #tpu.core_type<tc>, window_params = [{transform_indices = @transform_0, window_bounds = array<i64: 1000, 128>}, {transform_indices = @transform_1, window_bounds = array<i64: 1000, 128>}, {transform_indices = @transform_2, window_bounds = array<i64: 1, 1, 1000>}, {pipeline_mode = #tpu.pipeline_mode<synchronous>, transform_indices = @transform_3, window_bounds = array<i64: 128, 1>}, {pipeline_mode = #tpu.pipeline_mode<synchronous>, transform_indices = @transform_4, window_bounds = array<i64: 128, 1>}, {pipeline_mode = #tpu.pipeline_mode<synchronous>, transform_indices = @transform_5, window_bounds = array<i64: 1, 1>}, {pipeline_mode = #tpu.pipeline_mode<synchronous>, transform_indices = @transform_6, window_bounds = array<i64: 64, 1>}]} {
    %get3A = arith.constant 0 : index
    %get3A_0 = arith.constant 0 : index
    %get3A_1 = vector.load %arg1[%get3A, %get3A_0] : memref<1000x128xf32, #tpu.memory_space<vmem>>, vector<1000x128xf32>
    %get3A_2 = arith.constant 0 : index
    %get3A_3 = arith.constant 0 : index
    %get3A_4 = vector.load %arg4[%get3A_2, %get3A_3] : memref<128x1xf32, #tpu.memory_space<vmem>>, vector<128x1xf32>
    %dot_general3A = arith.constant dense<0.000000e+00> : vector<1000x1xf32>
    %dot_general3A_5 = tpu.matmul %get3A_1, %get3A_4, %dot_general3A {dimension_numbers = #tpu.dot_dimension_numbers<[1], [0], [0], [1], [0, 0, 1, 1], [], []>, transpose_lhs_hint = false} : vector<1000x128xf32>, vector<128x1xf32>, vector<1000x1xf32> -> vector<1000x1xf32>
    %get3A_6 = arith.constant 0 : index
    %get3A_7 = arith.constant 0 : index
    %get3A_8 = vector.load %arg2[%get3A_6, %get3A_7] : memref<1000x128xf32, #tpu.memory_space<vmem>>, vector<1000x128xf32>
    %get3A_9 = arith.constant 0 : index
    %get3A_10 = arith.constant 0 : index
    %get3A_11 = vector.load %arg5[%get3A_9, %get3A_10] : memref<128x1xf32, #tpu.memory_space<vmem>>, vector<128x1xf32>
    %dot_general3A_12 = arith.constant dense<0.000000e+00> : vector<1000x1xf32>
    %dot_general3A_13 = tpu.matmul %get3A_8, %get3A_11, %dot_general3A_12 {dimension_numbers = #tpu.dot_dimension_numbers<[1], [0], [0], [1], [0, 0, 1, 1], [], []>, transpose_lhs_hint = false} : vector<1000x128xf32>, vector<128x1xf32>, vector<1000x1xf32> -> vector<1000x1xf32>
    %add3A = arith.addf %dot_general3A_5, %dot_general3A_13 : vector<1000x1xf32>
    %iota3A = tpu.iota {dimensions = array<i32: 0>} : vector<64x1000xi32>
    %get3A_14 = arith.constant 0 : index
    %get3A_15 = arith.constant 0 : index
    %get3A_16 = arith.constant 0 : index
    %get3A_17 = vector.load %arg3[%get3A_14, %get3A_15, %get3A_16] : memref<1x1x1000xi32, #tpu.memory_space<vmem>>, vector<1x1x1000xi32>
    %reshape3A = vector.shape_cast %get3A_17 : vector<1x1x1000xi32> to vector<1x1000xi32>
    %broadcast_in_dim3A = vector.shape_cast %reshape3A : vector<1x1000xi32> to vector<1x1000xi32>
    %broadcast_in_dim3A_18 = vector.broadcast %broadcast_in_dim3A : vector<1x1000xi32> to vector<64x1000xi32>
    %eq3A = arith.cmpi eq, %iota3A, %broadcast_in_dim3A_18 : vector<64x1000xi32>
    %convert_element_type3A = arith.extui %eq3A : vector<64x1000xi1> to vector<64x1000xi32>
    %convert_element_type3A_19 = arith.sitofp %convert_element_type3A : vector<64x1000xi32> to vector<64x1000xf32>
    %dot_general3A_20 = arith.constant dense<0.000000e+00> : vector<64x1xf32>
    %dot_general3A_21 = tpu.matmul %convert_element_type3A_19, %add3A, %dot_general3A_20 {dimension_numbers = #tpu.dot_dimension_numbers<[1], [0], [0], [1], [0, 0, 1, 1], [], []>, transpose_lhs_hint = false} : vector<64x1000xf32>, vector<1000x1xf32>, vector<64x1xf32> -> vector<64x1xf32>
    %eq3A_22 = arith.constant 0 : i32
    %eq3A_23 = arith.cmpi eq, %arg0, %eq3A_22 : i32
    %convert_element_type3A_24 = arith.extui %eq3A_23 : i1 to i32
    %cond3A = arith.constant 0 : i32
    %cond3A_25 = arith.cmpi ne, %convert_element_type3A_24, %cond3A : i32
    scf.if %cond3A_25 {
      %get3A_32 = arith.constant 0 : index
      %get3A_33 = arith.constant 0 : index
      %get3A_34 = vector.load %arg6[%get3A_32, %get3A_33] : memref<1x1xf32, #tpu.memory_space<vmem>>, vector<1x1xf32>
      %broadcast_in_dim3A_35 = vector.shape_cast %get3A_34 : vector<1x1xf32> to vector<1x1xf32>
      %broadcast_in_dim3A_36 = vector.broadcast %broadcast_in_dim3A_35 : vector<1x1xf32> to vector<64x1xf32>
      %swap3A_37 = arith.constant 0 : index
      %swap3A_38 = arith.constant 0 : index
      %swap3A_39 = vector.load %arg7[%swap3A_37, %swap3A_38] : memref<64x1xf32, #tpu.memory_space<vmem>>, vector<64x1xf32>
      tpu.vector_store %arg7[%swap3A_37, %swap3A_38], %broadcast_in_dim3A_36 {strides = array<i32>} : memref<64x1xf32, #tpu.memory_space<vmem>>, vector<64x1xf32>,
    } else {
    }
    %get3A_26 = arith.constant 0 : index
    %get3A_27 = arith.constant 0 : index
    %get3A_28 = vector.load %arg7[%get3A_26, %get3A_27] : memref<64x1xf32, #tpu.memory_space<vmem>>, vector<64x1xf32>
    %add3A_29 = arith.addf %get3A_28, %dot_general3A_21 : vector<64x1xf32>
    %swap3A = arith.constant 0 : index
    %swap3A_30 = arith.constant 0 : index
    %swap3A_31 = vector.load %arg7[%swap3A, %swap3A_30] : memref<64x1xf32, #tpu.memory_space<vmem>>, vector<64x1xf32>
    tpu.vector_store %arg7[%swap3A, %swap3A_30], %add3A_29 {strides = array<i32>} : memref<64x1xf32, #tpu.memory_space<vmem>>, vector<64x1xf32>,
    return
  }
  func.func @transform_0(%arg0: i32) -> (i32, i32) {
    %c0_i32 = arith.constant 0 : i32
    %c0_i32_0 = arith.constant 0 : i32
    return %arg0, %c0_i32 : i32, i32
  }
  func.func @transform_1(%arg0: i32) -> (i32, i32) {
    %add3A = arith.constant 10 : i32
    %add3A_0 = arith.addi %add3A, %arg0 : i32
    %c0_i32 = arith.constant 0 : i32
    %c0_i32_1 = arith.constant 0 : i32
    return %add3A_0, %c0_i32 : i32, i32
  }
  func.func @transform_2(%arg0: i32) -> (i32, i32, i32) {
    %c0_i32 = arith.constant 0 : i32
    %c0_i32_0 = arith.constant 0 : i32
    %c0_i32_1 = arith.constant 0 : i32
    return %arg0, %c0_i32, %c0_i32_0 : i32, i32, i32
  }
  func.func @transform_3(%arg0: i32) -> (i32, i32) {
    %c0_i32 = arith.constant 0 : i32
    %c0_i32_0 = arith.constant 0 : i32
    %c0_i32_1 = arith.constant 0 : i32
    return %c0_i32, %c0_i32_0 : i32, i32
  }
  func.func @transform_4(%arg0: i32) -> (i32, i32) {
    %c0_i32 = arith.constant 0 : i32
    %c0_i32_0 = arith.constant 0 : i32
    %c0_i32_1 = arith.constant 0 : i32
    return %c0_i32, %c0_i32_0 : i32, i32
  }
  func.func @transform_5(%arg0: i32) -> (i32, i32) {
    %c0_i32 = arith.constant 0 : i32
    %c0_i32_0 = arith.constant 0 : i32
    %c0_i32_1 = arith.constant 0 : i32
    return %c0_i32, %c0_i32_0 : i32, i32
  }
  func.func @transform_6(%arg0: i32) -> (i32, i32) {
    %c0_i32 = arith.constant 0 : i32
    %c0_i32_0 = arith.constant 0 : i32
    %c0_i32_1 = arith.constant 0 : i32
    return %c0_i32, %c0_i32_0 : i32, i32
  }
}

</mosaic_0001>

<sc_bundles>
// kernel: kernel.13.cloned.1.call-start
scs
__scs_entry_jumppad:
0x0: {  	(pc) =	sbr.rel $0x88, $3  }
0x1: {  	(tag) =	ssettag $0x0;
	lr =	simm.s32 $0x1  }
0x2: {  	[smem:$0x3F87] =	sst lr;
	_ =	strace $0xD0000000  }
0x3: {  	_ = 	snop  }
0x4: {  	_ = 	snop  }
0x5: {  	_ = 	snop  }
0x6: {  	_ = 	snop  }
0x7: {  	_ = 	snop  }
__scs_overlays_trampoline_lowered:
0x8: {  	[smem:$0x3F96] =	sst s0  }
0x9: {  	[smem:$0x3F97] =	sst s1  }
0xa: {  	[smem:$0x3F98] =	sst s2  }
0xb: {  	[smem:$0x3F99] =	sst s3  }
0xc: {  	[smem:$0x3F9A] =	sst s4  }
0xd: {  	[smem:$0x3F9B] =	sst s5  }
0xe: {  	[smem:$0x3F9C] =	sst s6  }
0xf: {  	[smem:$0x3F9D] =	sst s7  }
0x10: {  	[smem:$0x3F9E] =	sst s8  }
0x11: {  	[smem:$0x3F9F] =	sst s9;
	s0 =	simm.s32 @!p0 $0x0  }
0x12: {  	s1 =	sld [smem:$0x3F85];
	s0 =	simm.s32 @p0 $0x1  }
0x13: {  	[smem:$0x3FA0] =	sst s0;
	s0 =	simm.s32 @!p1 $0x0  }
0x14: {  	s2 =	sld [smem:$0x3F84];
	s0 =	simm.s32 @p1 $0x1  }
0x15: {  	[smem:$0x3FA1] =	sst s0;
	s0 =	simm.s32 @!p2 $0x0  }
0x16: {  	s3 =	sld [smem:$0x3FDB];
	s0 =	simm.s32 @p2 $0x1  }
0x17: {  	s4 =	simm.s32 $0x1BF5;
	[smem:$0x3FA3] =	sst s0  }
0x18: {  	s0 =	sld [smem:$0x3F86];
	_ =	swait.ge [sflag:s4], $0x0  }
0x19: {  	s7 =	sld [smem:$0x3F87]  }
0x1a: {  	s8 =	sadd.s32 $0xFFFFE003, lr  }
0x1b: {  	s9 =	sadd.s32 $0xFFFFFEF7, lr;
	s5 =	simm.s32 $0xFFFFFFFF;
	p2 =	slt.u32 s8, $0xFFFFF086  }
0x1c: {  	p1 =	slt.u32 s9, $0xF7A;
	s5 =	simm.s32 @!p2 $0x0  }
0x1d: {  	s5 =	simm.s32 @p1 $0x1;
	p0 =	seq.s32 s7, s2  }
0x1e: {  	s7 =	smul.u32 @!p0 $0xF7A, s2;
	p2 =	seq.s32 @!p0 s5, $0x0  }
0x1f: {  	s9 =	smul.u32 $0xF7A, s1;
	s8 =	simm.s32 @!p0 $0x1BF5;
	p2 =	por !p2, p0  }
0x20: {  	[sflag:s8] =	ssyncset.s32 @!p0 $0xFFFFF086;
	s6 =	sadd.s32 @!p0 s3, s7;
	s7 =	simm.s32 @!p0 $0x108  }
0x21: {  	s3 =	sadd.s32 s3, s9;
	s6 =	sadd.s32 @!p0 $0x88, s6;
	s7 =	simm.s32 @p2 $0x1082  }
0x22: {  	[simem:s7], [sflag:s8] =	dma.local @!p0 [hbm:s6], $0xF7A  }
0x23: {  	s9 =	sor.u32 $0xD0000000, s2;
	s6 =	simm.s32 $0x108;
	_ =	swait.ge @!p0 [sflag:s8], $0x0  }
0x24: {  	s3 =	sadd.s32 $0x88, s3;
	s6 =	simm.s32 @!p1 $0x1082;
	[sflag:s4] =	ssyncset.s32 $0xFFFFF086  }
0x25: {  	[simem:s6], [sflag:s4] =	dma.local [hbm:s3], $0xF7A  }
0x26: {  	[smem:$0x3F87] =	sst s1;
	(tag) =	ssettag s2;
	_ =	strace s9  }
0x27: {  	s1 =	sld [smem:$0x3F97]  }
0x28: {  	s2 =	sld [smem:$0x3F98]  }
0x29: {  	s4 =	sld [smem:$0x3F9A]  }
0x2a: {  	p0 =	seq.s32 s5, $0x0;
	s5 =	sld [smem:$0x3F9B]  }
0x2b: {  	s6 =	sld [smem:$0x3F9C]  }
0x2c: {  	s7 =	sld [smem:$0x3F9D]  }
0x2d: {  	s3 =	simm.s32 $0x108;
	s8 =	sld [smem:$0x3F9E]  }
0x2e: {  	s3 =	simm.s32 @!p0 $0x1082;
	s9 =	sld [smem:$0x3F9F]  }
0x2f: {  	lr =	sadd.s32 s0, s3;
	s0 =	sld [smem:$0x3F96]  }
0x30: {  	s3 =	sld [smem:$0x3F99]  }
0x31: {  	[smem:$0x3FA2] =	sst s10  }
0x32: {  	s10 =	sld [smem:$0x3FA0];
	_ =	sdelay $0x3  }
0x33: {  	p0 =	seq.s32 s10, $0x1;
	s10 =	sld [smem:$0x3FA2];
	_ =	sdelay $0x3  }
0x34: {  	[smem:$0x3FA2] =	sst s10  }
0x35: {  	s10 =	sld [smem:$0x3FA1];
	_ =	sdelay $0x3  }
0x36: {  	p1 =	seq.s32 s10, $0x1;
	s10 =	sld [smem:$0x3FA2];
	_ =	sdelay $0x3  }
0x37: {  	[smem:$0x3FA2] =	sst s10  }
0x38: {  	s10 =	sld [smem:$0x3FA3]  }
0x39: {  	_ = 	snop;
	(pc) =	sbr.ind lr, $3  }
0x3a: {  	_ = 	snop  }
0x3b: {  	_ = 	snop  }
0x3c: {  	p2 =	seq.s32 s10, $0x1;
	s10 =	sld [smem:$0x3FA2]  }
0x3d: {  	_ =	shalt  }
0x3e: {  	_ =	shalt  }
0x3f: {  	_ =	shalt  }
0x40: {  	_ =	shalt  }
0x41: {  	_ =	shalt  }
0x42: {  	_ =	shalt  }
0x43: {  	_ =	shalt  }
0x44: {  	_ =	shalt  }
0x45: {  	_ =	shalt  }
0x46: {  	_ =	shalt  }
0x47: {  	_ =	shalt  }
0x48: {  	_ =	shalt  }
0x49: {  	_ =	shalt  }
0x4a: {  	_ =	shalt  }
0x4b: {  	_ =	shalt  }
0x4c: {  	_ =	shalt  }
0x4d: {  	_ =	shalt  }
0x4e: {  	_ =	shalt  }
0x4f: {  	_ =	shalt  }
0x50: {  	_ =	shalt  }
0x51: {  	_ =	shalt  }
0x52: {  	_ =	shalt  }
0x53: {  	_ =	shalt  }
0x54: {  	_ =	shalt  }
0x55: {  	_ =	shalt  }
0x56: {  	_ =	shalt  }
0x57: {  	_ =	shalt  }
0x58: {  	_ =	shalt  }
0x59: {  	_ =	shalt  }
0x5a: {  	_ =	shalt  }
0x5b: {  	_ =	shalt  }
0x5c: {  	_ =	shalt  }
0x5d: {  	_ =	shalt  }
0x5e: {  	_ =	shalt  }
0x5f: {  	_ =	shalt  }
0x60: {  	_ =	shalt  }
0x61: {  	_ =	shalt  }
0x62: {  	_ =	shalt  }
0x63: {  	_ =	shalt  }
0x64: {  	_ =	shalt  }
0x65: {  	_ =	shalt  }
0x66: {  	_ =	shalt  }
0x67: {  	_ =	shalt  }
0x68: {  	_ =	shalt  }
0x69: {  	_ =	shalt  }
0x6a: {  	_ =	shalt  }
0x6b: {  	_ =	shalt  }
0x6c: {  	_ =	shalt  }
0x6d: {  	_ =	shalt  }
0x6e: {  	_ =	shalt  }
0x6f: {  	_ =	shalt  }
0x70: {  	_ =	shalt  }
0x71: {  	_ =	shalt  }
0x72: {  	_ =	shalt  }
0x73: {  	_ =	shalt  }
0x74: {  	_ =	shalt  }
0x75: {  	_ =	shalt  }
0x76: {  	_ =	shalt  }
0x77: {  	_ =	shalt  }
0x78: {  	_ =	shalt  }
0x79: {  	_ =	shalt  }
0x7a: {  	_ =	shalt  }
0x7b: {  	_ =	shalt  }
0x7c: {  	_ =	shalt  }
0x7d: {  	_ =	shalt  }
0x7e: {  	_ =	shalt  }
0x7f: {  	_ =	shalt  }
0x80: {  	_ =	shalt  }
0x81: {  	_ =	shalt  }
0x82: {  	_ =	shalt  }
0x83: {  	_ =	shalt  }
0x84: {  	_ =	shalt  }
0x85: {  	_ =	shalt  }
0x86: {  	_ =	shalt  }
0x87: {  	_ =	shalt  }
.Lfunc_end0:
.L_simem_size_0:
called_computation_lowered:
.L_overlay_start_0:
0x88: {  	s2 =	sld [smem:$0x3FD9]  }
0x89: {  	s3 =	sld [smem:$0x3FFE];
	_ =	sdelay $0x1  }
0x8a: {  	s1 =	srdreg.scid  }
0x8b: {  	s0 =	sand.u32 $0x1, s1  }
0x8c: {  	s16 =	sshll.u32 s0, $0xA;
	s2 =	sadd.s32 s3, s2  }
0x8d: {  	s2 =	sadd.s32 s2, s16  }
0x8e: {  	[smem:$0x3FAE] =	sst s2  }
0x8f: {  	_ = 	snop  }
0x90: {  	(tm) =	ssettm $0x1  }
0x91: {  	s17 =	sld [smem:$0x3FFB];
	_ =	sdelay $0x3  }
0x92: {  	_ =	strace s17  }
0x93: {  	s2 =	sld [smem:$0x3FFC];
	_ =	sdelay $0x3  }
0x94: {  	_ =	strace s2  }
0x95: {  	s2 =	sld [smem:$0x3FFD];
	_ =	sdelay $0x3  }
0x96: {  	_ =	strace s2  }
0x97: {  	_ =	strace $0x8FFFFFFF  }
0x98: {  	s18 =	sld [smem:$0x3FDB];
	_ =	sdelay $0x1  }
0x99: {  	s19 =	simm.s32 $_scs_section_size  }
0x9a: {  	s4 =	simm.s32 $_size__tile_overlayer_lowered;
	s5 =	simm.s32 $_tile_overlayer_lowered  }
0x9b: {  	s22 =	simm.s32 $0x1BFF;
	s21 =	sshll.u32 s5, $0x1;
	s2 =	sadd.s32 s19, s18  }
0x9c: {  	s6 =	simm.s32 $0x0;
	s20 =	sshll.u32 s4, $0x1;
	s4 =	sadd.s32 s21, s2  }
0x9d: {  	[timem:s6], [sflag:s22] =	dma.local [hbm:s4], s20  }
0x9e: {  	_ =	swait.ge [sflag:s22], s20  }
0x9f: {  	s3 =	ssub.s32 $0x0, s20;
	[sflag:s22] =	ssyncset.done $0x0  }
0xa0: {  	[sflag:s22] =	ssyncadd.s32 s3;
	_ =	sdelay $0x1  }
0xa1: {  	s23 =	simm.s32 $0x1B8B  }
0xa2: {  	_ =	swait.ge [sflag:s23], $0x1  }
0xa3: {  	[sflag:s23] =	ssyncset.done $0x0  }
0xa4: {  	s25 =	simm.s32 $0x1B8E;
	s24 =	sld [smem:$0x3FFE];
	[sflag:s23] =	ssyncadd.s32 $0xFFFFFFFF  }
0xa5: {  	s26 =	simm.s32 $execute0_lowered;
	[smem:$0x3FD2] =	sst s25  }
0xa6: {  	s4 =	sshll.u32 s26, $0x1;
	_ =	strace $0x80000046;
	[dreg:$0x1] =	wrdreg $0xFFFFFFFF  }
0xa7: {  	s28 =	simm.s32 $_size_execute0_lowered;
	s2 =	sadd.s32 s2, s4;
	[dreg:$0x0] =	wrdreg $0x0  }
0xa8: {  	s4 =	sshll.u32 s28, $0x1;
	[dreg:$0x2] =	wrdreg s2  }
0xa9: {  	[dreg:$0x3] =	wrdreg s4  }
0xaa: {  	[dreg:$0x4] =	wrdreg $0xC0  }
0xab: {  	_ =	task [dreg:s6], $0x5FFFF  }
0xac: {  	[dreg:$0x1] =	wrdreg $0xFFFFFFFF  }
0xad: {  	[dreg:$0x0] =	wrdreg $0x60  }
0xae: {  	[dreg:$0x2] =	wrdreg s24  }
0xaf: {  	[dreg:$0x3] =	wrdreg $0x83000  }
0xb0: {  	[dreg:$0x4] =	wrdreg $0x9  }
0xb1: {  	_ =	task.clear_ibuf [dreg:s6], $0x5FFFF;
	_ =	strace $0x90000046  }
0xb2: {  	s29 =	simm.s32 $0x9;
	_ =	strace $0x80000048  }
0xb3: {  	_ =	swait.ge [sflag:s29], $0x1  }
0xb4: {  	[sflag:s29] =	ssyncadd.s32 $0xFFFFFFFF  }
0xb5: {  	_ =	strace $0x90000048  }
0xb6: {  	_ =	sfence  }
0xb7: {  	s30 =	sld [smem:$0x0];
	_ =	sdelay $0x2  }
0xb8: {  	s31 =	sshll.u32 s1, $0xD;
	s1 =	sshrl.u32 s1, $0x2  }
0xb9: {  	s3 =	sand.u32 $0x4000, s31;
	s1 =	sadd.s32 s1, s30  }
0xba: {  	s0 =	sor.u32 s3, s0;
	s1 =	sshll.u32 s1, $0x11  }
0xbb: {  	s0 =	sor.u32 s1, s0  }
0xbc: {  	s0 =	sadd.s32 $0x8F2B, s0  }
0xbd: {  	[sflag:s0] =	ssyncadd.remote.s32 $0x1  }
0xbe: {  	_ =	sfence.sel $0xFFFF  }
0xbf: {  	[dreg:$0x0] =	wrdreg $0xFFFFFFFF;
	(pc) =	sbr.abs _section_cstart, $3  }
0xc0: {  	[dreg:$0x1] =	wrdreg $0xFFFFFFFF  }
0xc1: {  	_ =	task.clear_ibuf [dreg:s6], $0x2FFFF;
	_ =	strace $0x9FFFFFFF  }
0xc2: {  	(tm) =	ssettm $0x7FFFFFFF  }
0xc3: {  	_ =	shalt  }
tec
execute0_lowered:
.L_overlay_start_1:
0x0: {  	(tag) =	ssettag $0x1  }
0x1: {  	s0 =	rddreg [dreg:$0x0]  }
0x2: {  	s1 =	rddreg [dreg:$0x1];
	s2 =	simm.s32 $0x0  }
0x3: {  	s17 =	stileid.u32;
	s7 =	srdreg.scid;
	s28 =	simm.s32 $0x9  }
0x4: {  	s29 =	simm.s32 $0x280;
	s30 =	simm.s32 $0x300;
	s10 =	smul.u32 $0x4E000, s17  }
0x5: {  	s31 =	simm.s32 $0x100;
	s4 =	sadd.s32 $0xEBEE00, s0;
	s22 =	smul.u32 $0x4E00, s17  }
0x6: {  	[smem:$0x7FF] =	sst s2;
	s3 =	sadd.s32 $0x4FAE00, s0;
	s15 =	smul.u32 $0x9C, s17  }
0x7: {  	s5 =	sadd.s32 $0xEE00, s0;
	s7 =	sand.u32 $0x1, s7;
	s26 =	smul.u32 $0x9C0, s17  }
0x8: {  	s6 =	sadd.s32 $0x5200, s0;
	s8 =	sshll.u32 s17, $0x4;
	s19 =	smul.u32 $0x2710, s7  }
0x9: {  	p0 =	sne.s32 s17, $0xF;
	_ =	strace $0x80000047;
	s12 =	smul.u32 $0x4E200, s7  }
0xa: {  	s9 =	sadd.s32 s8, s0;
	s16 =	ssub.s32 $0x2, s7;
	s24 =	smul.u32 $0x2710000, s7  }
0xb: {  	s0 =	sadd.s32 $0xF0D000, s0;
	s7 =	smul.u32 $0x138800, s7;
	s11 =	sshrl.u32 s16, $0x1  }
0xc: {  	s18 =	sshrl.u32 s10, $0x2;
	s20 =	sadd.s32 $0x18C00, s9;
	s10 =	smul.u32 $0x270, s17  }
0xd: {  	s9 =	sadd.s32 $0x18A00, s9;
	s11 =	ssub.s32 s16, s11;
	[dreg:$0x3] =	wrdreg s20  }
0xe: {  	s8 =	sadd.s32 s18, s1;
	[dreg:$0x4] =	wrdreg s9;
	s20 =	sadd.s32 s5, s26  }
0xf: {  	s9 =	sadd.s32 s22, s12;
	s22 =	sadd.s32 s6, s26;
	[dreg:$0x9] =	wrdreg s20  }
0x10: {  	s16 =	sshll.u32 s17, $0xC;
	s21 =	sadd.s32 $0x4000, s8;
	[dreg:$0xb] =	wrdreg s22  }
0x11: {  	s7 =	sshrl.u32 s7, $0x3;
	s13 =	sadd.s32 $0x8000, s8;
	[dreg:$0x5] =	wrdreg s21  }
0x12: {  	s17 =	simm.s32 $0x5;
	s23 =	sadd.s32 $0xC000, s8;
	[dreg:$0x6] =	wrdreg s13  }
0x13: {  	s14 =	sadd.s32 $0x10000, s8;
	s25 =	sor.u32 s16, s24;
	[dreg:$0x7] =	wrdreg s23  }
0x14: {  	s9 =	sshll.u32 s9, $0x4;
	s20 =	simm.s32 $0x20;
	[dreg:$0x8] =	wrdreg s14  }
0x15: {  	s14 =	sadd.s32 $0x138000, s1;
	s12 =	sadd.s32 $0x2700000, s25;
	s16 =	sadd.s32 s3, s9  }
0x16: {  	s21 =	sadd.s32 s10, s19;
	s23 =	sor.u32 $0x10, s26;
	s26 =	smax.u32 s11, $0x1  }
0x17: {  	s9 =	simm.s32 $0x1;
	s10 =	simm.s32 $0x3;
	s11 =	simm.s32 $0x2  }
0x18: {  	v0 =	vmov s19;
	s13 =	simm.s32 $0x7;
	s19 =	simm.s32 $0x6;
	s18 =	sshrl.u32 s12, $0x3  }
0x19: {  	s24 =	sadd.s32 s5, s23;
	s25 =	sadd.s32 s6, s23;
	[dreg:$0x10] =	wrdreg s26  }
0x1a: {  	s12 =	simm.s32 $0x4;
	s26 =	simm.s32 $0x0;
	[dreg:$0xd] =	wrdreg s24  }
0x1b: {  	s3 =	sadd.s32 s3, s18;
	[dreg:$0xe] =	wrdreg s25;
	s25 =	sadd.s32 $0x800, s16  }
0x1c: {  	s24 =	simm.s32 $0x200;
	[dreg:$0xa] =	wrdreg s3;
	s3 =	sshll.u32 s21, $0x4  }
0x1d: {  	s18 =	simm.s32 $0x8;
	s3 =	sadd.s32 s0, s3;
	s0 =	sadd.s32 s0, s7  }
0x1e: {  	s7 =	simm.s32 $0x180;
	[dreg:$0xc] =	wrdreg s3;
	s0 =	sadd.s32 $0x27000, s0  }
0x1f: {  	v1 =	vimm.f32 $0.0e+00;
	s3 =	simm.s32 $0x80;
	[dreg:$0xf] =	wrdreg s0;
	s0 =	simm.s32 $0x4300  }
.LBB2_1:
0x20: {  	s21 =	rddreg [dreg:$0x3]  }
0x21: {  	[tilespmem:s24], [sflag:$0x9] =	stream.linear.gather [hbm4b:s21+s2], $0x80, $0x38;
	[tilespmem:$0x1BB80] =	vst v63  }
0x22: {  	_ =	swait.ge [sflag:s28], $0x80  }
0x23: {  	[sflag:s28] =	ssyncset.done $0x0  }
0x24: {  	s24 =	rddreg [dreg:$0x4];
	[sflag:s28] =	ssyncadd.s32 $0xFFFFFF80  }
0x25: {  	[tilespmem:s29], [sflag:$0x9] =	stream.linear.gather [hbm4b:s24+s2], $0x80, $0x38;
	[tilespmem:$0x1BB80] =	vst v63  }
0x26: {  	_ =	swait.ge [sflag:s28], $0x80  }
0x27: {  	[sflag:s28] =	ssyncset.done $0x0  }
0x28: {  	[sflag:s28] =	ssyncadd.s32 $0xFFFFFF80  }
0x29: {  	v2 =	vld [tilespmem:$0x200]  }
0x2a: {  	v3 =	vld [tilespmem:$0x210];
	_ =	sdelay $0x3  }
0x2b: {  	v2 =	vadd.s32 v0, v2  }
0x2c: {  	[tilespmem:$0x200] =	vst v2;
	v2 =	vadd.s32 v0, v3  }
0x2d: {  	s22 =	simm.s32 $0x200;
	s21 =	simm.s32 $0x0;
	[tilespmem:$0x210] =	vst v2  }
.LBB2_2:
0x2e: {  	p1 =	sne.s32 s22, $0xFE00;
	[tilespmem:s21+$0x370] =	vst v1  }
0x2f: {  	[tilespmem:s21+$0x300] =	vst v1  }
0x30: {  	[tilespmem:s21+$0x310] =	vst v1  }
.Ltmp0:
0x31: {  	[tilespmem:s21+$0x320] =	vst v1;
	(pc) =	sbr.rel @p1 .LBB2_2-.Ltmp0, $4  }
0x32: {  	[tilespmem:s21+$0x330] =	vst v1  }
0x33: {  	[tilespmem:s21+$0x340] =	vst v1  }
0x34: {  	[tilespmem:s21+$0x350] =	vst v1  }
0x35: {  	[tilespmem:s21+$0x360] =	vst v1;
	s21 =	sshra.s32 s22, $0x2;
	s22 =	sadd.s32 $0x200, s22  }
0x36: {  	[tilespmem:s21+$0x370] =	vst v1  }
0x37: {  	[tilespmem:s21+$0x300] =	vst v1  }
0x38: {  	[tilespmem:s21+$0x310] =	vst v1  }
0x39: {  	[tilespmem:s21+$0x320] =	vst v1  }
0x3a: {  	[tilespmem:s21+$0x330] =	vst v1  }
0x3b: {  	[tilespmem:s21+$0x340] =	vst v1  }
0x3c: {  	[tilespmem:s21+$0x350] =	vst v1  }
0x3d: {  	[tilespmem:s21+$0x360] =	vst v1  }
0x3e: {  	[spmem:s8] =	stream.linear.scatter [tilespmem:s30], [sflag:$0x9], $0x4000, $0x38;
	[tilespmem:$0x1BB80] =	vst v63  }
0x3f: {  	_ =	swait.ge [sflag:s28], $0x4000  }
0x40: {  	[sflag:s28] =	ssyncset.done $0x0  }
0x41: {  	s23 =	rddreg [dreg:$0x5];
	[sflag:s28] =	ssyncadd.s32 $0xFFFFC000  }
0x42: {  	[spmem:s23] =	stream.linear.scatter [tilespmem:s30], [sflag:$0x9], $0x4000, $0x38;
	[tilespmem:$0x1BB80] =	vst v63  }
0x43: {  	_ =	swait.ge [sflag:s28], $0x4000  }
0x44: {  	[sflag:s28] =	ssyncset.done $0x0  }
0x45: {  	s24 =	rddreg [dreg:$0x6];
	[sflag:s28] =	ssyncadd.s32 $0xFFFFC000  }
0x46: {  	[spmem:s24] =	stream.linear.scatter [tilespmem:s30], [sflag:$0x9], $0x4000, $0x38;
	[tilespmem:$0x1BB80] =	vst v63  }
0x47: {  	_ =	swait.ge [sflag:s28], $0x4000  }
0x48: {  	[sflag:s28] =	ssyncset.done $0x0  }
0x49: {  	s29 =	rddreg [dreg:$0x7];
	[sflag:s28] =	ssyncadd.s32 $0xFFFFC000  }
0x4a: {  	[spmem:s29] =	stream.linear.scatter [tilespmem:s30], [sflag:$0x9], $0x4000, $0x38;
	[tilespmem:$0x1BB80] =	vst v63  }
0x4b: {  	_ =	swait.ge [sflag:s28], $0x4000  }
0x4c: {  	[sflag:s28] =	ssyncset.done $0x0  }
0x4d: {  	s22 =	rddreg [dreg:$0x8];
	[sflag:s28] =	ssyncadd.s32 $0xFFFFC000  }
0x4e: {  	[spmem:s22] =	stream.linear.scatter [tilespmem:s30], [sflag:$0x9], $0x3800, $0x38;
	[tilespmem:$0x1BB80] =	vst v63  }
0x4f: {  	_ =	swait.ge [sflag:s28], $0x3800  }
0x50: {  	[sflag:s28] =	ssyncset.done $0x0  }
0x51: {  	s21 =	simm.s32 @!p0 $0x300;
	[sflag:s28] =	ssyncadd.s32 $0xFFFFC800  }
0x52: {  	[spmem:s14] =	stream.linear.scatter @!p0 [tilespmem:s21], [sflag:$0x9], $0x800, $0x38;
	[tilespmem:$0x1BB80] =	vst v63  }
0x53: {  	s21 =	simm.s32 @!p0 $0x9  }
0x54: {  	_ =	swait.ge @!p0 [sflag:s21], $0x800  }
0x55: {  	[sflag:s21] =	ssyncset.done @!p0 $0x0  }
0x56: {  	[sflag:s21] =	ssyncadd.s32 @!p0 $0xFFFFF800  }
0x57: {  	s21 =	simm.s32 $0x0;
	[bflag:$0x0] =	sbarrier.arrive $0xFFFF  }
0x58: {  	[tilespmem:s30], [sflag:$0x1] =	stream.linear.gather [hbm4b:s16+s21], $0x4000, $0x38;
	[tilespmem:$0x1BB80] =	vst v63  }
0x59: {  	s22 =	rddreg [dreg:$0x9]  }
0x5a: {  	[tilespmem:s21], [sflag:$0x3] =	stream.linear.gather [hbm4b:s22+s21], $0x80, $0x38;
	[tilespmem:$0x1BB80] =	vst v63  }
0x5b: {  	s23 =	rddreg [dreg:$0xb]  }
0x5c: {  	[tilespmem:s31], [sflag:$0x5] =	stream.linear.gather [hbm4b:s23+s21], $0x80, $0x38;
	[tilespmem:$0x1BB80] =	vst v63  }
0x5d: {  	_ = 	snop  }
0x5e: {  	[tilespmem:s0], [sflag:$0x2] =	stream.linear.gather [hbm4b:s25+s21], $0x4000, $0x38;
	[tilespmem:$0x1BB80] =	vst v63  }
0x5f: {  	s24 =	rddreg [dreg:$0xd]  }
0x60: {  	[tilespmem:s3], [sflag:$0x4] =	stream.linear.gather [hbm4b:s24+s21], $0x80, $0x38;
	[tilespmem:$0x1BB80] =	vst v63  }
0x61: {  	s29 =	rddreg [dreg:$0xe]  }
0x62: {  	[tilespmem:s7], [sflag:$0x6] =	stream.linear.gather [hbm4b:s29+s21], $0x80, $0x38;
	[tilespmem:$0x1BB80] =	vst v63  }
0x63: {  	_ =	swait.ge [sflag:s9], $0x4000  }
0x64: {  	[sflag:s9] =	ssyncset.done $0x0  }
0x65: {  	[sflag:s9] =	ssyncadd.s32 $0xFFFFC000  }
0x66: {  	_ =	swait.ge [sflag:s10], $0x80  }
0x67: {  	[sflag:s10] =	ssyncset.done $0x0  }
0x68: {  	[sflag:s10] =	ssyncadd.s32 $0xFFFFFF80  }
0x69: {  	v2 =	vld [tilespmem:$0x0]  }
0x6a: {  	v3 =	vld [tilespmem:$0x10]  }
0x6b: {  	v4 =	vld [tilespmem:$0x20]  }
0x6c: {  	v5 =	vld [tilespmem:$0x30]  }
0x6d: {  	v6 =	vld [tilespmem:$0x40]  }
0x6e: {  	v7 =	vld [tilespmem:$0x50];
	v2 =	vadd.s32 v0, v2  }
0x6f: {  	[tilespmem:$0x0] =	vst v2;
	v2 =	vadd.s32 v0, v3;
	v3 =	vld [tilespmem:$0x60]  }
0x70: {  	v63 =	vld [tilespmem:$0x70];
	[tilespmem:$0x10] =	vst v2;
	v2 =	vadd.s32 v0, v4  }
0x71: {  	[tilespmem:$0x20] =	vst v2;
	v2 =	vadd.s32 v0, v5  }
0x72: {  	[tilespmem:$0x30] =	vst v2;
	v2 =	vadd.s32 v0, v6  }
0x73: {  	[tilespmem:$0x40] =	vst v2;
	v2 =	vadd.s32 v0, v7  }
0x74: {  	[tilespmem:$0x50] =	vst v2;
	v2 =	vadd.s32 v0, v3  }
0x75: {  	[tilespmem:$0x60] =	vst v2;
	v2 =	vadd.s32 v0, v63  }
0x76: {  	[tilespmem:$0x70] =	vst v2  }
0x77: {  	[tilespmem:s30], [sflag:$0x7] =	stream.indirect.gather.add.f32 [hbm:s4], $0x80, s21, s3, $0xb8;
	[tilespmem:$0x1BB80] =	vst v63  }
.LBB2_4:
0x78: {  	_ =	swait.ge [sflag:s11], $0x4000  }
0x79: {  	[sflag:s11] =	ssyncset.done $0x0  }
0x7a: {  	[sflag:s11] =	ssyncadd.s32 $0xFFFFC000  }
0x7b: {  	_ =	swait.ge [sflag:s12], $0x80  }
0x7c: {  	[sflag:s12] =	ssyncset.done $0x0  }
0x7d: {  	[sflag:s12] =	ssyncadd.s32 $0xFFFFFF80  }
0x7e: {  	v2 =	vld [tilespmem:$0x80]  }
0x7f: {  	v3 =	vld [tilespmem:$0x90]  }
0x80: {  	v4 =	vld [tilespmem:$0xA0]  }
0x81: {  	v5 =	vld [tilespmem:$0xB0]  }
0x82: {  	v6 =	vld [tilespmem:$0xC0]  }
0x83: {  	v7 =	vld [tilespmem:$0xD0];
	v2 =	vadd.s32 v0, v2  }
0x84: {  	[tilespmem:$0x80] =	vst v2;
	v2 =	vadd.s32 v0, v3;
	v3 =	vld [tilespmem:$0xE0]  }
0x85: {  	[tilespmem:$0x90] =	vst v2;
	v2 =	vadd.s32 v0, v4;
	v4 =	vld [tilespmem:$0xF0]  }
0x86: {  	[tilespmem:$0xA0] =	vst v2;
	v2 =	vadd.s32 v0, v5  }
0x87: {  	[tilespmem:$0xB0] =	vst v2;
	v2 =	vadd.s32 v0, v6  }
0x88: {  	[tilespmem:$0xC0] =	vst v2;
	v2 =	vadd.s32 v0, v7  }
0x89: {  	[tilespmem:$0xD0] =	vst v2;
	v2 =	vadd.s32 v0, v3  }
0x8a: {  	[tilespmem:$0xE0] =	vst v2;
	v2 =	vadd.s32 v0, v4  }
0x8b: {  	[tilespmem:$0xF0] =	vst v2  }
0x8c: {  	[tilespmem:s0], [sflag:$0x8] =	stream.indirect.gather.add.f32 [hbm:s4], $0x80, s3, s3, $0xb8;
	[tilespmem:$0x1BB80] =	vst v63  }
0x8d: {  	_ =	swait.ge [sflag:s13], $0x4000  }
0x8e: {  	[sflag:s13] =	ssyncset.done $0x0  }
0x8f: {  	s29 =	simm.s32 $0x0;
	[sflag:s13] =	ssyncadd.s32 $0xFFFFC000  }
0x90: {  	v4 =	vld [tilespmem:s29+$0x300]  }
0x91: {  	v6 =	vld [tilespmem:s29+$0x310]  }
0x92: {  	v5 =	vld [tilespmem:s29+$0x320]  }
0x93: {  	v3 =	vld [tilespmem:s29+$0x330]  }
0x94: {  	v2 =	vld [tilespmem:s29+$0x340]  }
0x95: {  	v7 =	vmax.f32 v4, $0.0e+00;
	v4 =	vld [tilespmem:s29+$0x350]  }
0x96: {  	s22 =	simm.s32 $0x200;
	[tilespmem:s29+$0x300] =	vst v7;
	v7 =	vmax.f32 v6, $0.0e+00;
	v6 =	vld [tilespmem:s29+$0x360]  }
.LBB2_5:
0x97: {  	s23 =	sshra.s32 s22, $0x2;
	p1 =	sne.s32 s22, $0xFE00;
	[tilespmem:s29+$0x310] =	vst v7;
	v5 =	vmax.f32 v5, $0.0e+00;
	v7 =	vld [tilespmem:s29+$0x370]  }
0x98: {  	v8 =	vld [tilespmem:s23+$0x300];
	[tilespmem:s29+$0x320] =	vst v5;
	v3 =	vmax.f32 v3, $0.0e+00  }
0x99: {  	v9 =	vld [tilespmem:s23+$0x310];
	[tilespmem:s29+$0x330] =	vst v3;
	v2 =	vmax.f32 v2, $0.0e+00  }
.Ltmp1:
0x9a: {  	v5 =	vld [tilespmem:s23+$0x320];
	[tilespmem:s29+$0x340] =	vst v2;
	v2 =	vmax.f32 v4, $0.0e+00;
	(pc) =	sbr.rel @p1 .LBB2_5-.Ltmp1, $4  }
0x9b: {  	v3 =	vld [tilespmem:s23+$0x330];
	[tilespmem:s29+$0x350] =	vst v2;
	v4 =	vmax.f32 v6, $0.0e+00  }
0x9c: {  	v2 =	vld [tilespmem:s23+$0x340];
	[tilespmem:s29+$0x360] =	vst v4;
	v6 =	vmax.f32 v7, $0.0e+00  }
0x9d: {  	v7 =	vmax.f32 v8, $0.0e+00;
	v4 =	vld [tilespmem:s23+$0x350];
	[tilespmem:s29+$0x370] =	vst v6;
	s29 =	smov.u32 s23  }
0x9e: {  	s22 =	sadd.s32 $0x200, s22;
	[tilespmem:s29+$0x300] =	vst v7;
	v7 =	vmax.f32 v9, $0.0e+00;
	v6 =	vld [tilespmem:s29+$0x360]  }
0x9f: {  	[tilespmem:s29+$0x310] =	vst v7;
	v5 =	vmax.f32 v5, $0.0e+00;
	v7 =	vld [tilespmem:s29+$0x370]  }
0xa0: {  	[tilespmem:s29+$0x320] =	vst v5;
	v3 =	vmax.f32 v3, $0.0e+00  }
0xa1: {  	[tilespmem:s29+$0x330] =	vst v3;
	v2 =	vmax.f32 v2, $0.0e+00  }
0xa2: {  	[tilespmem:s29+$0x340] =	vst v2;
	v2 =	vmax.f32 v4, $0.0e+00  }
0xa3: {  	[tilespmem:s29+$0x350] =	vst v2;
	v2 =	vmax.f32 v6, $0.0e+00  }
0xa4: {  	[tilespmem:s29+$0x360] =	vst v2;
	v2 =	vmax.f32 v7, $0.0e+00  }
0xa5: {  	[tilespmem:s29+$0x370] =	vst v2  }
0xa6: {  	_ =	swait.ge [sflag:s17], $0x80  }
0xa7: {  	s29 =	sshll.u32 s21, $0x1;
	[sflag:s17] =	ssyncset.done $0x0  }
0xa8: {  	s22 =	sadd.s32 $0x2, s29;
	[sflag:s17] =	ssyncadd.s32 $0xFFFFFF80  }
0xa9: {  	[spmem:s1] =	stream.indirect.scatter.add.f32 [tilespmem:s30], [sflag:$0x9], $0x80, s31, s3, $0xb8;
	[tilespmem:$0x1BB80] =	vst v63  }
0xaa: {  	s23 =	sshll.u32 s22, $0xB;
	s22 =	sadd.s32 s15, s22;
	_ =	swait.ge [sflag:s28], $0x4000  }
0xab: {  	s24 =	simm.s32 $0x0;
	s22 =	smin.u32 s22, $0x9BF;
	[sflag:s28] =	ssyncset.done $0x0  }
0xac: {  	s23 =	sadd.s32 s23, s16;
	s22 =	sshll.u32 s22, $0x4;
	[sflag:s28] =	ssyncadd.s32 $0xFFFFC000  }
0xad: {  	[tilespmem:s30], [sflag:$0x1] =	stream.linear.gather [hbm4b:s23+s24], $0x4000, $0x38;
	[tilespmem:$0x1BB80] =	vst v63  }
0xae: {  	s23 =	sadd.s32 s5, s22  }
0xaf: {  	[tilespmem:s24], [sflag:$0x3] =	stream.linear.gather [hbm4b:s23+s24], $0x80, $0x38;
	[tilespmem:$0x1BB80] =	vst v63  }
0xb0: {  	s22 =	sadd.s32 s6, s22  }
0xb1: {  	[tilespmem:s31], [sflag:$0x5] =	stream.linear.gather [hbm4b:s22+s24], $0x80, $0x38;
	[tilespmem:$0x1BB80] =	vst v63  }
0xb2: {  	_ =	swait.ge [sflag:s18], $0x4000  }
0xb3: {  	[sflag:s18] =	ssyncset.done $0x0  }
0xb4: {  	s22 =	simm.s32 $0x0;
	[sflag:s18] =	ssyncadd.s32 $0xFFFFC000  }
0xb5: {  	v4 =	vld [tilespmem:s22+$0x4300]  }
0xb6: {  	v6 =	vld [tilespmem:s22+$0x4310]  }
0xb7: {  	v5 =	vld [tilespmem:s22+$0x4320]  }
0xb8: {  	v3 =	vld [tilespmem:s22+$0x4330]  }
0xb9: {  	v2 =	vld [tilespmem:s22+$0x4340]  }
0xba: {  	v7 =	vmax.f32 v4, $0.0e+00;
	v4 =	vld [tilespmem:s22+$0x4350]  }
0xbb: {  	s23 =	simm.s32 $0x200;
	[tilespmem:s22+$0x4300] =	vst v7;
	v7 =	vmax.f32 v6, $0.0e+00;
	v6 =	vld [tilespmem:s22+$0x4360]  }
.LBB2_7:
0xbc: {  	s24 =	sshra.s32 s23, $0x2;
	p1 =	sne.s32 s23, $0xFE00;
	[tilespmem:s22+$0x4310] =	vst v7;
	v5 =	vmax.f32 v5, $0.0e+00;
	v7 =	vld [tilespmem:s22+$0x4370]  }
0xbd: {  	v8 =	vld [tilespmem:s24+$0x4300];
	[tilespmem:s22+$0x4320] =	vst v5;
	v3 =	vmax.f32 v3, $0.0e+00  }
0xbe: {  	v9 =	vld [tilespmem:s24+$0x4310];
	[tilespmem:s22+$0x4330] =	vst v3;
	v2 =	vmax.f32 v2, $0.0e+00  }
.Ltmp2:
0xbf: {  	v5 =	vld [tilespmem:s24+$0x4320];
	[tilespmem:s22+$0x4340] =	vst v2;
	v2 =	vmax.f32 v4, $0.0e+00;
	(pc) =	sbr.rel @p1 .LBB2_7-.Ltmp2, $4  }
0xc0: {  	v3 =	vld [tilespmem:s24+$0x4330];
	[tilespmem:s22+$0x4350] =	vst v2;
	v4 =	vmax.f32 v6, $0.0e+00  }
0xc1: {  	v2 =	vld [tilespmem:s24+$0x4340];
	[tilespmem:s22+$0x4360] =	vst v4;
	v6 =	vmax.f32 v7, $0.0e+00  }
0xc2: {  	v7 =	vmax.f32 v8, $0.0e+00;
	v4 =	vld [tilespmem:s24+$0x4350];
	[tilespmem:s22+$0x4370] =	vst v6;
	s22 =	smov.u32 s24  }
0xc3: {  	s23 =	sadd.s32 $0x200, s23;
	[tilespmem:s22+$0x4300] =	vst v7;
	v7 =	vmax.f32 v9, $0.0e+00;
	v6 =	vld [tilespmem:s22+$0x4360]  }
0xc4: {  	[tilespmem:s22+$0x4310] =	vst v7;
	v5 =	vmax.f32 v5, $0.0e+00;
	v63 =	vld [tilespmem:s22+$0x4370]  }
0xc5: {  	[tilespmem:s22+$0x4320] =	vst v5;
	v3 =	vmax.f32 v3, $0.0e+00  }
0xc6: {  	[tilespmem:s22+$0x4330] =	vst v3;
	v2 =	vmax.f32 v2, $0.0e+00  }
0xc7: {  	[tilespmem:s22+$0x4340] =	vst v2;
	v2 =	vmax.f32 v4, $0.0e+00  }
0xc8: {  	[tilespmem:s22+$0x4350] =	vst v2;
	v2 =	vmax.f32 v6, $0.0e+00  }
0xc9: {  	[tilespmem:s22+$0x4360] =	vst v2;
	v2 =	vmax.f32 v63, $0.0e+00  }
0xca: {  	[tilespmem:s22+$0x4370] =	vst v2  }
0xcb: {  	_ =	swait.ge [sflag:s19], $0x80  }
0xcc: {  	[sflag:s19] =	ssyncset.done $0x0  }
0xcd: {  	s24 =	sadd.s32 $0x3, s29;
	[sflag:s19] =	ssyncadd.s32 $0xFFFFFF80  }
0xce: {  	[spmem:s1] =	stream.indirect.scatter.add.f32 [tilespmem:s0], [sflag:$0x9], $0x80, s7, s3, $0xb8;
	[tilespmem:$0x1BB80] =	vst v63  }
0xcf: {  	s22 =	sadd.s32 s15, s24;
	_ =	swait.ge [sflag:s28], $0x4000  }
0xd0: {  	s23 =	sshll.u32 s24, $0xB;
	s22 =	smin.u32 s22, $0x9BF;
	[sflag:s28] =	ssyncset.done $0x0  }
0xd1: {  	s23 =	sadd.s32 s23, s16;
	s22 =	sshll.u32 s22, $0x4;
	[sflag:s28] =	ssyncadd.s32 $0xFFFFC000  }
0xd2: {  	[tilespmem:s0], [sflag:$0x2] =	stream.linear.gather [hbm4b:s23+s2], $0x4000, $0x38;
	[tilespmem:$0x1BB80] =	vst v63  }
0xd3: {  	s29 =	sadd.s32 s5, s22  }
0xd4: {  	[tilespmem:s3], [sflag:$0x4] =	stream.linear.gather [hbm4b:s29+s2], $0x80, $0x38;
	[tilespmem:$0x1BB80] =	vst v63  }
0xd5: {  	s22 =	sadd.s32 s6, s22  }
0xd6: {  	[tilespmem:s7], [sflag:$0x6] =	stream.linear.gather [hbm4b:s22+s2], $0x80, $0x38;
	[tilespmem:$0x1BB80] =	vst v63  }
0xd7: {  	p1 =	seq.s32 s21, $0x4D;
	_ =	swait.ge [sflag:s9], $0x4000  }
.Ltmp3:
0xd8: {  	[sflag:s9] =	ssyncset.done $0x0;
	(pc) =	sbr.rel @p1 .LBB2_10-.Ltmp3, $4  }
0xd9: {  	[sflag:s9] =	ssyncadd.s32 $0xFFFFC000  }
0xda: {  	_ =	swait.ge [sflag:s10], $0x80  }
0xdb: {  	[sflag:s10] =	ssyncset.done $0x0  }
0xdc: {  	[sflag:s10] =	ssyncadd.s32 $0xFFFFFF80  }
0xdd: {  	v2 =	vld [tilespmem:$0x0]  }
0xde: {  	v3 =	vld [tilespmem:$0x10]  }
0xdf: {  	v4 =	vld [tilespmem:$0x20]  }
0xe0: {  	v5 =	vld [tilespmem:$0x30]  }
0xe1: {  	v6 =	vld [tilespmem:$0x40]  }
0xe2: {  	v7 =	vld [tilespmem:$0x50];
	v2 =	vadd.s32 v0, v2  }
0xe3: {  	[tilespmem:$0x0] =	vst v2;
	v2 =	vadd.s32 v0, v3;
	v3 =	vld [tilespmem:$0x60]  }
0xe4: {  	v63 =	vld [tilespmem:$0x70];
	[tilespmem:$0x10] =	vst v2;
	v2 =	vadd.s32 v0, v4  }
0xe5: {  	[tilespmem:$0x20] =	vst v2;
	v2 =	vadd.s32 v0, v5  }
0xe6: {  	[tilespmem:$0x30] =	vst v2;
	v2 =	vadd.s32 v0, v6  }
.Ltmp4:
0xe7: {  	[tilespmem:$0x40] =	vst v2;
	v2 =	vadd.s32 v0, v7;
	(pc) =	sbr.rel .LBB2_4-.Ltmp4, $4  }
0xe8: {  	[tilespmem:$0x50] =	vst v2;
	v2 =	vadd.s32 v0, v3  }
0xe9: {  	[tilespmem:$0x60] =	vst v2;
	v2 =	vadd.s32 v0, v63  }
0xea: {  	s21 =	sadd.s32 $0x1, s21;
	[tilespmem:$0x70] =	vst v2  }
0xeb: {  	[tilespmem:s30], [sflag:$0x7] =	stream.indirect.gather.add.f32 [hbm:s4], $0x80, s2, s3, $0xb8;
	[tilespmem:$0x1BB80] =	vst v63  }
.LBB2_10:
0xec: {  	_ =	swait.ge [sflag:s17], $0x80  }
0xed: {  	[sflag:s17] =	ssyncset.done $0x0  }
0xee: {  	[sflag:s17] =	ssyncadd.s32 $0xFFFFFF80  }
0xef: {  	_ =	swait.ge [sflag:s11], $0x4000  }
0xf0: {  	[sflag:s11] =	ssyncset.done $0x0  }
0xf1: {  	[sflag:s11] =	ssyncadd.s32 $0xFFFFC000  }
0xf2: {  	_ =	swait.ge [sflag:s12], $0x80  }
0xf3: {  	[sflag:s12] =	ssyncset.done $0x0  }
0xf4: {  	[sflag:s12] =	ssyncadd.s32 $0xFFFFFF80  }
0xf5: {  	_ =	swait.ge [sflag:s19], $0x80  }
0xf6: {  	[sflag:s19] =	ssyncset.done $0x0  }
0xf7: {  	s21 =	simm.s32 $0x0;
	s22 =	rddreg [dreg:$0xa];
	[sflag:s19] =	ssyncadd.s32 $0xFFFFFF80  }
0xf8: {  	[tilespmem:s30], [sflag:$0x9] =	stream.linear.gather [hbm4b:s22+s21], $0x1000, $0x38;
	[tilespmem:$0x1BB80] =	vst v63  }
0xf9: {  	_ =	swait.ge [sflag:s28], $0x1000  }
0xfa: {  	[sflag:s28] =	ssyncset.done $0x0  }
0xfb: {  	s24 =	simm.s32 $0x200;
	[sflag:s28] =	ssyncadd.s32 $0xFFFFF000  }
0xfc: {  	[tilespmem:s30], [sflag:$0x9] =	stream.indirect.gather.add.f32 [hbm:s4], $0x80, s24, s20, $0xb8;
	[tilespmem:$0x1BB80] =	vst v63  }
0xfd: {  	_ =	swait.ge [sflag:s28], $0x1000  }
0xfe: {  	[sflag:s28] =	ssyncset.done $0x0  }
0xff: {  	s21 =	simm.s32 $0x0;
	[sflag:s28] =	ssyncadd.s32 $0xFFFFF000  }
0x100: {  	v4 =	vld [tilespmem:s21+$0x300]  }
0x101: {  	v6 =	vld [tilespmem:s21+$0x310]  }
0x102: {  	v5 =	vld [tilespmem:s21+$0x320]  }
0x103: {  	v3 =	vld [tilespmem:s21+$0x330]  }
0x104: {  	v2 =	vld [tilespmem:s21+$0x340]  }
0x105: {  	v7 =	vmax.f32 v4, $0.0e+00;
	v4 =	vld [tilespmem:s21+$0x350]  }
0x106: {  	s22 =	simm.s32 $0x200;
	[tilespmem:s21+$0x300] =	vst v7;
	v7 =	vmax.f32 v6, $0.0e+00;
	v6 =	vld [tilespmem:s21+$0x360]  }
.LBB2_11:
0x107: {  	s23 =	sshra.s32 s22, $0x2;
	p1 =	sne.s32 s22, $0x3E00;
	[tilespmem:s21+$0x310] =	vst v7;
	v5 =	vmax.f32 v5, $0.0e+00;
	v7 =	vld [tilespmem:s21+$0x370]  }
0x108: {  	v8 =	vld [tilespmem:s23+$0x300];
	[tilespmem:s21+$0x320] =	vst v5;
	v3 =	vmax.f32 v3, $0.0e+00  }
0x109: {  	v9 =	vld [tilespmem:s23+$0x310];
	[tilespmem:s21+$0x330] =	vst v3;
	v2 =	vmax.f32 v2, $0.0e+00  }
.Ltmp5:
0x10a: {  	v5 =	vld [tilespmem:s23+$0x320];
	[tilespmem:s21+$0x340] =	vst v2;
	v2 =	vmax.f32 v4, $0.0e+00;
	(pc) =	sbr.rel @p1 .LBB2_11-.Ltmp5, $4  }
0x10b: {  	v3 =	vld [tilespmem:s23+$0x330];
	[tilespmem:s21+$0x350] =	vst v2;
	v4 =	vmax.f32 v6, $0.0e+00  }
0x10c: {  	v2 =	vld [tilespmem:s23+$0x340];
	[tilespmem:s21+$0x360] =	vst v4;
	v6 =	vmax.f32 v7, $0.0e+00  }
0x10d: {  	v7 =	vmax.f32 v8, $0.0e+00;
	v4 =	vld [tilespmem:s23+$0x350];
	[tilespmem:s21+$0x370] =	vst v6;
	s21 =	smov.u32 s23  }
0x10e: {  	s22 =	sadd.s32 $0x200, s22;
	[tilespmem:s21+$0x300] =	vst v7;
	v7 =	vmax.f32 v9, $0.0e+00;
	v6 =	vld [tilespmem:s21+$0x360]  }
0x10f: {  	[tilespmem:s21+$0x310] =	vst v7;
	v5 =	vmax.f32 v5, $0.0e+00;
	v63 =	vld [tilespmem:s21+$0x370]  }
0x110: {  	[tilespmem:s21+$0x320] =	vst v5;
	v3 =	vmax.f32 v3, $0.0e+00  }
0x111: {  	[tilespmem:s21+$0x330] =	vst v3;
	v2 =	vmax.f32 v2, $0.0e+00  }
0x112: {  	[tilespmem:s21+$0x340] =	vst v2;
	v2 =	vmax.f32 v4, $0.0e+00  }
0x113: {  	[tilespmem:s21+$0x350] =	vst v2;
	v2 =	vmax.f32 v6, $0.0e+00  }
0x114: {  	[tilespmem:s21+$0x360] =	vst v2;
	v2 =	vmax.f32 v63, $0.0e+00  }
0x115: {  	s29 =	simm.s32 $0x280;
	[tilespmem:s21+$0x370] =	vst v2  }
0x116: {  	[spmem:s1] =	stream.indirect.scatter.add.f32 [tilespmem:s30], [sflag:$0x9], $0x80, s29, s20, $0xb8;
	[tilespmem:$0x1BB80] =	vst v63  }
0x117: {  	_ =	swait.ge [sflag:s28], $0x1000  }
0x118: {  	[sflag:s28] =	ssyncset.done $0x0  }
0x119: {  	s22 =	stileid.u32;
	[sflag:s28] =	ssyncadd.s32 $0xFFFFF000  }
0x11a: {  	s21 =	sshll.u32 s22, $0x6;
	[bflag:$0x0] =	sbarrier.arrive $0xFFFF  }
0x11b: {  	s22 =	sshrl.u32 s8, $0x3;
	s21 =	sor.u32 $0x1C09, s21;
	s23 =	rddreg [dreg:$0xc]  }
0x11c: {  	[hbm:s23], [sflag:s21] =	dma.local [spmem:s22], $0x2700  }
0x11d: {  	_ =	swait.ge [sflag:s28], $0x2700  }
0x11e: {  	[sflag:s28] =	ssyncset.done $0x0  }
0x11f: {  	s22 =	sshrl.u32 @!p0 s14, $0x3;
	s23 =	rddreg [dreg:$0xf];
	[sflag:s28] =	ssyncadd.s32 $0xFFFFD900  }
0x120: {  	[hbm:s23], [sflag:s21] =	dma.local @!p0 [spmem:s22], $0x100  }
0x121: {  	s21 =	simm.s32 @!p0 $0x9  }
0x122: {  	_ =	swait.ge @!p0 [sflag:s21], $0x100  }
0x123: {  	s26 =	sadd.s32 $0x1, s26;
	s23 =	rddreg [dreg:$0x10]  }
0x124: {  	p1 =	sne.s32 s26, s23  }
.Ltmp6:
0x125: {  	_ = 	snop;
	(pc) =	sbr.rel @p1 .LBB2_1-.Ltmp6, $3  }
0x126: {  	_ =	sdelay $0x1  }
0x127: {  	[sflag:s21] =	ssyncset.done @!p0 $0x0  }
0x128: {  	[sflag:s21] =	ssyncadd.s32 @!p0 $0xFFFFFF00  }
0x129: {  	_ =	sfence.sel $0x180000  }
0x12a: {  	[bflag:$0x0] =	sbarrier.arrive $0xFFFF  }
0x12b: {  	_ =	strace $0x90000047  }
0x12c: {  	s0 =	stileid.u32;
	[bflag:$0x2] =	sbarrier.arrive $0xFFFF  }
0x12d: {  	p0 =	sne.s32 s0, $0x0;
	s0 =	rddreg [dreg:$0x2]  }
0x12e: {  	s0 =	sadd.s32 @!p0 $0x100000, s0  }
0x12f: {  	[sflag:s0] =	ssyncadd.tile.s32 @!p0 $0x1;
	_ =	shalt  }
.Lfunc_end2:
_tile_overlayer_lowered:
.L_overlay_start_2:
0x130: {  	(tag) =	ssettag $0x2  }
0x131: {  	s0 =	rddreg [dreg:$0x0];
	s2 =	stileid.u32  }
0x132: {  	s1 =	rddreg [dreg:$0x1];
	p0 =	sne.s32 s2, $0x0  }
0x133: {  	s3 =	rddreg [dreg:$0x2];
	[bflag:$0x3] =	sbarrier.arrive $0xFFFF;
	s2 =	simm.s32 @!p0 $0x1C09  }
0x134: {  	[timem:s3], [sflag:s2] =	dma.local @!p0 [hbm:s0], s1  }
0x135: {  	s0 =	simm.s32 @!p0 $0x9  }
0x136: {  	_ =	swait.ge @!p0 [sflag:s0], s1  }
0x137: {  	s1 =	ssub.s32 @!p0 $0x0, s1;
	[sflag:s0] =	ssyncset.done @!p0 $0x0  }
0x138: {  	[sflag:s0] =	ssyncadd.s32 @!p0 s1  }
0x139: {  	[bflag:$0x3] =	sbarrier.arrive $0xFFFF  }
0x13a: {  	_ =	shalt  }

// kernel: kernel.16.cloned.1.call-start
scs
__scs_entry_jumppad:
0x0: {  	(pc) =	sbr.rel $0x88, $3  }
0x1: {  	(tag) =	ssettag $0x0;
	lr =	simm.s32 $0x1  }
0x2: {  	[smem:$0x3F87] =	sst lr;
	_ =	strace $0xD0000000  }
0x3: {  	_ = 	snop  }
0x4: {  	_ = 	snop  }
0x5: {  	_ = 	snop  }
0x6: {  	_ = 	snop  }
0x7: {  	_ = 	snop  }
__scs_overlays_trampoline_lowered:
0x8: {  	[smem:$0x3F96] =	sst s0  }
0x9: {  	[smem:$0x3F97] =	sst s1  }
0xa: {  	[smem:$0x3F98] =	sst s2  }
0xb: {  	[smem:$0x3F99] =	sst s3  }
0xc: {  	[smem:$0x3F9A] =	sst s4  }
0xd: {  	[smem:$0x3F9B] =	sst s5  }
0xe: {  	[smem:$0x3F9C] =	sst s6  }
0xf: {  	[smem:$0x3F9D] =	sst s7  }
0x10: {  	[smem:$0x3F9E] =	sst s8  }
0x11: {  	[smem:$0x3F9F] =	sst s9;
	s0 =	simm.s32 @!p0 $0x0  }
0x12: {  	s1 =	sld [smem:$0x3F85];
	s0 =	simm.s32 @p0 $0x1  }
0x13: {  	[smem:$0x3FA0] =	sst s0;
	s0 =	simm.s32 @!p1 $0x0  }
0x14: {  	s2 =	sld [smem:$0x3F84];
	s0 =	simm.s32 @p1 $0x1  }
0x15: {  	[smem:$0x3FA1] =	sst s0;
	s0 =	simm.s32 @!p2 $0x0  }
0x16: {  	s3 =	sld [smem:$0x3FDB];
	s0 =	simm.s32 @p2 $0x1  }
0x17: {  	s4 =	simm.s32 $0x1BF5;
	[smem:$0x3FA3] =	sst s0  }
0x18: {  	s0 =	sld [smem:$0x3F86];
	_ =	swait.ge [sflag:s4], $0x0  }
0x19: {  	s7 =	sld [smem:$0x3F87]  }
0x1a: {  	s8 =	sadd.s32 $0xFFFFE003, lr  }
0x1b: {  	s9 =	sadd.s32 $0xFFFFFEF7, lr;
	s5 =	simm.s32 $0xFFFFFFFF;
	p2 =	slt.u32 s8, $0xFFFFF086  }
0x1c: {  	p1 =	slt.u32 s9, $0xF7A;
	s5 =	simm.s32 @!p2 $0x0  }
0x1d: {  	s5 =	simm.s32 @p1 $0x1;
	p0 =	seq.s32 s7, s2  }
0x1e: {  	s7 =	smul.u32 @!p0 $0xF7A, s2;
	p2 =	seq.s32 @!p0 s5, $0x0  }
0x1f: {  	s9 =	smul.u32 $0xF7A, s1;
	s8 =	simm.s32 @!p0 $0x1BF5;
	p2 =	por !p2, p0  }
0x20: {  	[sflag:s8] =	ssyncset.s32 @!p0 $0xFFFFF086;
	s6 =	sadd.s32 @!p0 s3, s7;
	s7 =	simm.s32 @!p0 $0x108  }
0x21: {  	s3 =	sadd.s32 s3, s9;
	s6 =	sadd.s32 @!p0 $0x88, s6;
	s7 =	simm.s32 @p2 $0x1082  }
0x22: {  	[simem:s7], [sflag:s8] =	dma.local @!p0 [hbm:s6], $0xF7A  }
0x23: {  	s9 =	sor.u32 $0xD0000000, s2;
	s6 =	simm.s32 $0x108;
	_ =	swait.ge @!p0 [sflag:s8], $0x0  }
0x24: {  	s3 =	sadd.s32 $0x88, s3;
	s6 =	simm.s32 @!p1 $0x1082;
	[sflag:s4] =	ssyncset.s32 $0xFFFFF086  }
0x25: {  	[simem:s6], [sflag:s4] =	dma.local [hbm:s3], $0xF7A  }
0x26: {  	[smem:$0x3F87] =	sst s1;
	(tag) =	ssettag s2;
	_ =	strace s9  }
0x27: {  	s1 =	sld [smem:$0x3F97]  }
0x28: {  	s2 =	sld [smem:$0x3F98]  }
0x29: {  	s4 =	sld [smem:$0x3F9A]  }
0x2a: {  	p0 =	seq.s32 s5, $0x0;
	s5 =	sld [smem:$0x3F9B]  }
0x2b: {  	s6 =	sld [smem:$0x3F9C]  }
0x2c: {  	s7 =	sld [smem:$0x3F9D]  }
0x2d: {  	s3 =	simm.s32 $0x108;
	s8 =	sld [smem:$0x3F9E]  }
0x2e: {  	s3 =	simm.s32 @!p0 $0x1082;
	s9 =	sld [smem:$0x3F9F]  }
0x2f: {  	lr =	sadd.s32 s0, s3;
	s0 =	sld [smem:$0x3F96]  }
0x30: {  	s3 =	sld [smem:$0x3F99]  }
0x31: {  	[smem:$0x3FA2] =	sst s10  }
0x32: {  	s10 =	sld [smem:$0x3FA0];
	_ =	sdelay $0x3  }
0x33: {  	p0 =	seq.s32 s10, $0x1;
	s10 =	sld [smem:$0x3FA2];
	_ =	sdelay $0x3  }
0x34: {  	[smem:$0x3FA2] =	sst s10  }
0x35: {  	s10 =	sld [smem:$0x3FA1];
	_ =	sdelay $0x3  }
0x36: {  	p1 =	seq.s32 s10, $0x1;
	s10 =	sld [smem:$0x3FA2];
	_ =	sdelay $0x3  }
0x37: {  	[smem:$0x3FA2] =	sst s10  }
0x38: {  	s10 =	sld [smem:$0x3FA3]  }
0x39: {  	_ = 	snop;
	(pc) =	sbr.ind lr, $3  }
0x3a: {  	_ = 	snop  }
0x3b: {  	_ = 	snop  }
0x3c: {  	p2 =	seq.s32 s10, $0x1;
	s10 =	sld [smem:$0x3FA2]  }
0x3d: {  	_ =	shalt  }
0x3e: {  	_ =	shalt  }
0x3f: {  	_ =	shalt  }
0x40: {  	_ =	shalt  }
0x41: {  	_ =	shalt  }
0x42: {  	_ =	shalt  }
0x43: {  	_ =	shalt  }
0x44: {  	_ =	shalt  }
0x45: {  	_ =	shalt  }
0x46: {  	_ =	shalt  }
0x47: {  	_ =	shalt  }
0x48: {  	_ =	shalt  }
0x49: {  	_ =	shalt  }
0x4a: {  	_ =	shalt  }
0x4b: {  	_ =	shalt  }
0x4c: {  	_ =	shalt  }
0x4d: {  	_ =	shalt  }
0x4e: {  	_ =	shalt  }
0x4f: {  	_ =	shalt  }
0x50: {  	_ =	shalt  }
0x51: {  	_ =	shalt  }
0x52: {  	_ =	shalt  }
0x53: {  	_ =	shalt  }
0x54: {  	_ =	shalt  }
0x55: {  	_ =	shalt  }
0x56: {  	_ =	shalt  }
0x57: {  	_ =	shalt  }
0x58: {  	_ =	shalt  }
0x59: {  	_ =	shalt  }
0x5a: {  	_ =	shalt  }
0x5b: {  	_ =	shalt  }
0x5c: {  	_ =	shalt  }
0x5d: {  	_ =	shalt  }
0x5e: {  	_ =	shalt  }
0x5f: {  	_ =	shalt  }
0x60: {  	_ =	shalt  }
0x61: {  	_ =	shalt  }
0x62: {  	_ =	shalt  }
0x63: {  	_ =	shalt  }
0x64: {  	_ =	shalt  }
0x65: {  	_ =	shalt  }
0x66: {  	_ =	shalt  }
0x67: {  	_ =	shalt  }
0x68: {  	_ =	shalt  }
0x69: {  	_ =	shalt  }
0x6a: {  	_ =	shalt  }
0x6b: {  	_ =	shalt  }
0x6c: {  	_ =	shalt  }
0x6d: {  	_ =	shalt  }
0x6e: {  	_ =	shalt  }
0x6f: {  	_ =	shalt  }
0x70: {  	_ =	shalt  }
0x71: {  	_ =	shalt  }
0x72: {  	_ =	shalt  }
0x73: {  	_ =	shalt  }
0x74: {  	_ =	shalt  }
0x75: {  	_ =	shalt  }
0x76: {  	_ =	shalt  }
0x77: {  	_ =	shalt  }
0x78: {  	_ =	shalt  }
0x79: {  	_ =	shalt  }
0x7a: {  	_ =	shalt  }
0x7b: {  	_ =	shalt  }
0x7c: {  	_ =	shalt  }
0x7d: {  	_ =	shalt  }
0x7e: {  	_ =	shalt  }
0x7f: {  	_ =	shalt  }
0x80: {  	_ =	shalt  }
0x81: {  	_ =	shalt  }
0x82: {  	_ =	shalt  }
0x83: {  	_ =	shalt  }
0x84: {  	_ =	shalt  }
0x85: {  	_ =	shalt  }
0x86: {  	_ =	shalt  }
0x87: {  	_ =	shalt  }
.Lfunc_end0:
.L_simem_size_0:
called_computation.1_lowered:
.L_overlay_start_0:
0x88: {  	s2 =	sld [smem:$0x3FD9]  }
0x89: {  	s3 =	sld [smem:$0x3FFE];
	_ =	sdelay $0x1  }
0x8a: {  	s1 =	srdreg.scid  }
0x8b: {  	s0 =	sand.u32 $0x1, s1  }
0x8c: {  	s16 =	sshll.u32 s0, $0xA;
	s2 =	sadd.s32 s3, s2  }
0x8d: {  	s2 =	sadd.s32 s2, s16  }
0x8e: {  	[smem:$0x3FAE] =	sst s2  }
0x8f: {  	_ = 	snop  }
0x90: {  	(tm) =	ssettm $0x1  }
0x91: {  	s17 =	sld [smem:$0x3FFB];
	_ =	sdelay $0x3  }
0x92: {  	_ =	strace s17  }
0x93: {  	s2 =	sld [smem:$0x3FFC];
	_ =	sdelay $0x3  }
0x94: {  	_ =	strace s2  }
0x95: {  	s2 =	sld [smem:$0x3FFD];
	_ =	sdelay $0x3  }
0x96: {  	_ =	strace s2  }
0x97: {  	_ =	strace $0x8FFFFFFF  }
0x98: {  	s18 =	sld [smem:$0x3FDB];
	_ =	sdelay $0x1  }
0x99: {  	s19 =	simm.s32 $_scs_section_size  }
0x9a: {  	s4 =	simm.s32 $_size__tile_overlayer_lowered;
	s5 =	simm.s32 $_tile_overlayer_lowered  }
0x9b: {  	s22 =	simm.s32 $0x1BFF;
	s21 =	sshll.u32 s5, $0x1;
	s2 =	sadd.s32 s19, s18  }
0x9c: {  	s6 =	simm.s32 $0x0;
	s20 =	sshll.u32 s4, $0x1;
	s4 =	sadd.s32 s21, s2  }
0x9d: {  	[timem:s6], [sflag:s22] =	dma.local [hbm:s4], s20  }
0x9e: {  	_ =	swait.ge [sflag:s22], s20  }
0x9f: {  	s3 =	ssub.s32 $0x0, s20;
	[sflag:s22] =	ssyncset.done $0x0  }
0xa0: {  	[sflag:s22] =	ssyncadd.s32 s3;
	_ =	sdelay $0x1  }
0xa1: {  	s23 =	simm.s32 $0x1B8B  }
0xa2: {  	_ =	swait.ge [sflag:s23], $0x1  }
0xa3: {  	[sflag:s23] =	ssyncset.done $0x0  }
0xa4: {  	s25 =	simm.s32 $0x1B8E;
	s24 =	sld [smem:$0x3FFE];
	[sflag:s23] =	ssyncadd.s32 $0xFFFFFFFF  }
0xa5: {  	s26 =	simm.s32 $execute0_lowered;
	[smem:$0x3FD2] =	sst s25  }
0xa6: {  	s4 =	sshll.u32 s26, $0x1;
	_ =	strace $0x80000049;
	[dreg:$0x1] =	wrdreg $0xFFFFFFFF  }
0xa7: {  	s28 =	simm.s32 $_size_execute0_lowered;
	s2 =	sadd.s32 s2, s4;
	[dreg:$0x0] =	wrdreg $0x0  }
0xa8: {  	s4 =	sshll.u32 s28, $0x1;
	[dreg:$0x2] =	wrdreg s2  }
0xa9: {  	[dreg:$0x3] =	wrdreg s4  }
0xaa: {  	[dreg:$0x4] =	wrdreg $0xC0  }
0xab: {  	_ =	task [dreg:s6], $0x5FFFF  }
0xac: {  	[dreg:$0x1] =	wrdreg $0xFFFFFFFF  }
0xad: {  	[dreg:$0x0] =	wrdreg $0x60  }
0xae: {  	[dreg:$0x2] =	wrdreg s24  }
0xaf: {  	[dreg:$0x3] =	wrdreg $0x83000  }
0xb0: {  	[dreg:$0x4] =	wrdreg $0x9  }
0xb1: {  	_ =	task.clear_ibuf [dreg:s6], $0x5FFFF;
	_ =	strace $0x90000049  }
0xb2: {  	s29 =	simm.s32 $0x9;
	_ =	strace $0x8000004B  }
0xb3: {  	_ =	swait.ge [sflag:s29], $0x1  }
0xb4: {  	[sflag:s29] =	ssyncadd.s32 $0xFFFFFFFF  }
0xb5: {  	_ =	strace $0x9000004B  }
0xb6: {  	_ =	sfence  }
0xb7: {  	s30 =	sld [smem:$0x0];
	_ =	sdelay $0x2  }
0xb8: {  	s31 =	sshll.u32 s1, $0xD;
	s1 =	sshrl.u32 s1, $0x2  }
0xb9: {  	s3 =	sand.u32 $0x4000, s31;
	s1 =	sadd.s32 s1, s30  }
0xba: {  	s0 =	sor.u32 s3, s0;
	s1 =	sshll.u32 s1, $0x11  }
0xbb: {  	s0 =	sor.u32 s1, s0  }
0xbc: {  	s0 =	sadd.s32 $0x8F2B, s0  }
0xbd: {  	[sflag:s0] =	ssyncadd.remote.s32 $0x1  }
0xbe: {  	_ =	sfence.sel $0xFFFF  }
0xbf: {  	[dreg:$0x0] =	wrdreg $0xFFFFFFFF;
	(pc) =	sbr.abs _section_cstart, $3  }
0xc0: {  	[dreg:$0x1] =	wrdreg $0xFFFFFFFF  }
0xc1: {  	_ =	task.clear_ibuf [dreg:s6], $0x2FFFF;
	_ =	strace $0x9FFFFFFF  }
0xc2: {  	(tm) =	ssettm $0x7FFFFFFF  }
0xc3: {  	_ =	shalt  }
tec
execute0_lowered:
.L_overlay_start_1:
0x0: {  	(tag) =	ssettag $0x1  }
0x1: {  	s0 =	rddreg [dreg:$0x0]  }
0x2: {  	s1 =	rddreg [dreg:$0x1];
	s2 =	simm.s32 $0x0  }
0x3: {  	s17 =	stileid.u32;
	s7 =	srdreg.scid;
	s28 =	simm.s32 $0x9  }
0x4: {  	s29 =	simm.s32 $0x280;
	s30 =	simm.s32 $0x300;
	s10 =	smul.u32 $0x4E000, s17  }
0x5: {  	s31 =	simm.s32 $0x100;
	s4 =	sadd.s32 $0x4FAE00, s0;
	s22 =	smul.u32 $0x4E00, s17  }
0x6: {  	[smem:$0x7FF] =	sst s2;
	s3 =	sadd.s32 $0xF5B200, s0;
	s15 =	smul.u32 $0x9C, s17  }
0x7: {  	s5 =	sadd.s32 $0xEE00, s0;
	s7 =	sand.u32 $0x1, s7;
	s26 =	smul.u32 $0x9C0, s17  }
0x8: {  	s6 =	sadd.s32 $0x5200, s0;
	s8 =	sshll.u32 s17, $0x4;
	s19 =	smul.u32 $0x2710, s7  }
0x9: {  	p0 =	sne.s32 s17, $0xF;
	_ =	strace $0x8000004A;
	s12 =	smul.u32 $0x4E200, s7  }
0xa: {  	s9 =	sadd.s32 s8, s0;
	s16 =	ssub.s32 $0x2, s7;
	s24 =	smul.u32 $0x2710000, s7  }
0xb: {  	s0 =	sadd.s32 $0x549000, s0;
	s7 =	smul.u32 $0x138800, s7;
	s11 =	sshrl.u32 s16, $0x1  }
0xc: {  	s18 =	sshrl.u32 s10, $0x2;
	s20 =	sadd.s32 $0x18C00, s9;
	s10 =	smul.u32 $0x270, s17  }
0xd: {  	s9 =	sadd.s32 $0x18A00, s9;
	s11 =	ssub.s32 s16, s11;
	[dreg:$0x3] =	wrdreg s20  }
0xe: {  	s8 =	sadd.s32 s18, s1;
	[dreg:$0x4] =	wrdreg s9;
	s20 =	sadd.s32 s5, s26  }
0xf: {  	s9 =	sadd.s32 s22, s12;
	s22 =	sadd.s32 s6, s26;
	[dreg:$0x9] =	wrdreg s20  }
0x10: {  	s16 =	sshll.u32 s17, $0xC;
	s21 =	sadd.s32 $0x4000, s8;
	[dreg:$0xb] =	wrdreg s22  }
0x11: {  	s7 =	sshrl.u32 s7, $0x3;
	s13 =	sadd.s32 $0x8000, s8;
	[dreg:$0x5] =	wrdreg s21  }
0x12: {  	s17 =	simm.s32 $0x5;
	s23 =	sadd.s32 $0xC000, s8;
	[dreg:$0x6] =	wrdreg s13  }
0x13: {  	s14 =	sadd.s32 $0x10000, s8;
	s25 =	sor.u32 s16, s24;
	[dreg:$0x7] =	wrdreg s23  }
0x14: {  	s9 =	sshll.u32 s9, $0x4;
	s20 =	simm.s32 $0x20;
	[dreg:$0x8] =	wrdreg s14  }
0x15: {  	s14 =	sadd.s32 $0x138000, s1;
	s12 =	sadd.s32 $0x2700000, s25;
	s16 =	sadd.s32 s3, s9  }
0x16: {  	s21 =	sadd.s32 s10, s19;
	s23 =	sor.u32 $0x10, s26;
	s26 =	smax.u32 s11, $0x1  }
0x17: {  	s9 =	simm.s32 $0x1;
	s10 =	simm.s32 $0x3;
	s11 =	simm.s32 $0x2  }
0x18: {  	v0 =	vmov s19;
	s13 =	simm.s32 $0x7;
	s19 =	simm.s32 $0x6;
	s18 =	sshrl.u32 s12, $0x3  }
0x19: {  	s24 =	sadd.s32 s5, s23;
	s25 =	sadd.s32 s6, s23;
	[dreg:$0x10] =	wrdreg s26  }
0x1a: {  	s12 =	simm.s32 $0x4;
	s26 =	simm.s32 $0x0;
	[dreg:$0xd] =	wrdreg s24  }
0x1b: {  	s3 =	sadd.s32 s3, s18;
	[dreg:$0xe] =	wrdreg s25;
	s25 =	sadd.s32 $0x800, s16  }
0x1c: {  	s24 =	simm.s32 $0x200;
	[dreg:$0xa] =	wrdreg s3;
	s3 =	sshll.u32 s21, $0x4  }
0x1d: {  	s18 =	simm.s32 $0x8;
	s3 =	sadd.s32 s0, s3;
	s0 =	sadd.s32 s0, s7  }
0x1e: {  	s7 =	simm.s32 $0x180;
	[dreg:$0xc] =	wrdreg s3;
	s0 =	sadd.s32 $0x27000, s0  }
0x1f: {  	v1 =	vimm.f32 $0.0e+00;
	s3 =	simm.s32 $0x80;
	[dreg:$0xf] =	wrdreg s0;
	s0 =	simm.s32 $0x4300  }
.LBB2_1:
0x20: {  	s21 =	rddreg [dreg:$0x3]  }
0x21: {  	[tilespmem:s24], [sflag:$0x9] =	stream.linear.gather [hbm4b:s21+s2], $0x80, $0x38;
	[tilespmem:$0x1BB80] =	vst v63  }
0x22: {  	_ =	swait.ge [sflag:s28], $0x80  }
0x23: {  	[sflag:s28] =	ssyncset.done $0x0  }
0x24: {  	s24 =	rddreg [dreg:$0x4];
	[sflag:s28] =	ssyncadd.s32 $0xFFFFFF80  }
0x25: {  	[tilespmem:s29], [sflag:$0x9] =	stream.linear.gather [hbm4b:s24+s2], $0x80, $0x38;
	[tilespmem:$0x1BB80] =	vst v63  }
0x26: {  	_ =	swait.ge [sflag:s28], $0x80  }
0x27: {  	[sflag:s28] =	ssyncset.done $0x0  }
0x28: {  	[sflag:s28] =	ssyncadd.s32 $0xFFFFFF80  }
0x29: {  	v2 =	vld [tilespmem:$0x200]  }
0x2a: {  	v3 =	vld [tilespmem:$0x210];
	_ =	sdelay $0x3  }
0x2b: {  	v2 =	vadd.s32 v0, v2  }
0x2c: {  	[tilespmem:$0x200] =	vst v2;
	v2 =	vadd.s32 v0, v3  }
0x2d: {  	s22 =	simm.s32 $0x200;
	s21 =	simm.s32 $0x0;
	[tilespmem:$0x210] =	vst v2  }
.LBB2_2:
0x2e: {  	p1 =	sne.s32 s22, $0xFE00;
	[tilespmem:s21+$0x370] =	vst v1  }
0x2f: {  	[tilespmem:s21+$0x300] =	vst v1  }
0x30: {  	[tilespmem:s21+$0x310] =	vst v1  }
.Ltmp0:
0x31: {  	[tilespmem:s21+$0x320] =	vst v1;
	(pc) =	sbr.rel @p1 .LBB2_2-.Ltmp0, $4  }
0x32: {  	[tilespmem:s21+$0x330] =	vst v1  }
0x33: {  	[tilespmem:s21+$0x340] =	vst v1  }
0x34: {  	[tilespmem:s21+$0x350] =	vst v1  }
0x35: {  	[tilespmem:s21+$0x360] =	vst v1;
	s21 =	sshra.s32 s22, $0x2;
	s22 =	sadd.s32 $0x200, s22  }
0x36: {  	[tilespmem:s21+$0x370] =	vst v1  }
0x37: {  	[tilespmem:s21+$0x300] =	vst v1  }
0x38: {  	[tilespmem:s21+$0x310] =	vst v1  }
0x39: {  	[tilespmem:s21+$0x320] =	vst v1  }
0x3a: {  	[tilespmem:s21+$0x330] =	vst v1  }
0x3b: {  	[tilespmem:s21+$0x340] =	vst v1  }
0x3c: {  	[tilespmem:s21+$0x350] =	vst v1  }
0x3d: {  	[tilespmem:s21+$0x360] =	vst v1  }
0x3e: {  	[spmem:s8] =	stream.linear.scatter [tilespmem:s30], [sflag:$0x9], $0x4000, $0x38;
	[tilespmem:$0x1BB80] =	vst v63  }
0x3f: {  	_ =	swait.ge [sflag:s28], $0x4000  }
0x40: {  	[sflag:s28] =	ssyncset.done $0x0  }
0x41: {  	s23 =	rddreg [dreg:$0x5];
	[sflag:s28] =	ssyncadd.s32 $0xFFFFC000  }
0x42: {  	[spmem:s23] =	stream.linear.scatter [tilespmem:s30], [sflag:$0x9], $0x4000, $0x38;
	[tilespmem:$0x1BB80] =	vst v63  }
0x43: {  	_ =	swait.ge [sflag:s28], $0x4000  }
0x44: {  	[sflag:s28] =	ssyncset.done $0x0  }
0x45: {  	s24 =	rddreg [dreg:$0x6];
	[sflag:s28] =	ssyncadd.s32 $0xFFFFC000  }
0x46: {  	[spmem:s24] =	stream.linear.scatter [tilespmem:s30], [sflag:$0x9], $0x4000, $0x38;
	[tilespmem:$0x1BB80] =	vst v63  }
0x47: {  	_ =	swait.ge [sflag:s28], $0x4000  }
0x48: {  	[sflag:s28] =	ssyncset.done $0x0  }
0x49: {  	s29 =	rddreg [dreg:$0x7];
	[sflag:s28] =	ssyncadd.s32 $0xFFFFC000  }
0x4a: {  	[spmem:s29] =	stream.linear.scatter [tilespmem:s30], [sflag:$0x9], $0x4000, $0x38;
	[tilespmem:$0x1BB80] =	vst v63  }
0x4b: {  	_ =	swait.ge [sflag:s28], $0x4000  }
0x4c: {  	[sflag:s28] =	ssyncset.done $0x0  }
0x4d: {  	s22 =	rddreg [dreg:$0x8];
	[sflag:s28] =	ssyncadd.s32 $0xFFFFC000  }
0x4e: {  	[spmem:s22] =	stream.linear.scatter [tilespmem:s30], [sflag:$0x9], $0x3800, $0x38;
	[tilespmem:$0x1BB80] =	vst v63  }
0x4f: {  	_ =	swait.ge [sflag:s28], $0x3800  }
0x50: {  	[sflag:s28] =	ssyncset.done $0x0  }
0x51: {  	s21 =	simm.s32 @!p0 $0x300;
	[sflag:s28] =	ssyncadd.s32 $0xFFFFC800  }
0x52: {  	[spmem:s14] =	stream.linear.scatter @!p0 [tilespmem:s21], [sflag:$0x9], $0x800, $0x38;
	[tilespmem:$0x1BB80] =	vst v63  }
0x53: {  	s21 =	simm.s32 @!p0 $0x9  }
0x54: {  	_ =	swait.ge @!p0 [sflag:s21], $0x800  }
0x55: {  	[sflag:s21] =	ssyncset.done @!p0 $0x0  }
0x56: {  	[sflag:s21] =	ssyncadd.s32 @!p0 $0xFFFFF800  }
0x57: {  	s21 =	simm.s32 $0x0;
	[bflag:$0x0] =	sbarrier.arrive $0xFFFF  }
0x58: {  	[tilespmem:s30], [sflag:$0x1] =	stream.linear.gather [hbm4b:s16+s21], $0x4000, $0x38;
	[tilespmem:$0x1BB80] =	vst v63  }
0x59: {  	s22 =	rddreg [dreg:$0x9]  }
0x5a: {  	[tilespmem:s21], [sflag:$0x3] =	stream.linear.gather [hbm4b:s22+s21], $0x80, $0x38;
	[tilespmem:$0x1BB80] =	vst v63  }
0x5b: {  	s23 =	rddreg [dreg:$0xb]  }
0x5c: {  	[tilespmem:s31], [sflag:$0x5] =	stream.linear.gather [hbm4b:s23+s21], $0x80, $0x38;
	[tilespmem:$0x1BB80] =	vst v63  }
0x5d: {  	_ = 	snop  }
0x5e: {  	[tilespmem:s0], [sflag:$0x2] =	stream.linear.gather [hbm4b:s25+s21], $0x4000, $0x38;
	[tilespmem:$0x1BB80] =	vst v63  }
0x5f: {  	s24 =	rddreg [dreg:$0xd]  }
0x60: {  	[tilespmem:s3], [sflag:$0x4] =	stream.linear.gather [hbm4b:s24+s21], $0x80, $0x38;
	[tilespmem:$0x1BB80] =	vst v63  }
0x61: {  	s29 =	rddreg [dreg:$0xe]  }
0x62: {  	[tilespmem:s7], [sflag:$0x6] =	stream.linear.gather [hbm4b:s29+s21], $0x80, $0x38;
	[tilespmem:$0x1BB80] =	vst v63  }
0x63: {  	_ =	swait.ge [sflag:s9], $0x4000  }
0x64: {  	[sflag:s9] =	ssyncset.done $0x0  }
0x65: {  	[sflag:s9] =	ssyncadd.s32 $0xFFFFC000  }
0x66: {  	_ =	swait.ge [sflag:s10], $0x80  }
0x67: {  	[sflag:s10] =	ssyncset.done $0x0  }
0x68: {  	[sflag:s10] =	ssyncadd.s32 $0xFFFFFF80  }
0x69: {  	v2 =	vld [tilespmem:$0x0]  }
0x6a: {  	v3 =	vld [tilespmem:$0x10]  }
0x6b: {  	v4 =	vld [tilespmem:$0x20]  }
0x6c: {  	v5 =	vld [tilespmem:$0x30]  }
0x6d: {  	v6 =	vld [tilespmem:$0x40]  }
0x6e: {  	v7 =	vld [tilespmem:$0x50];
	v2 =	vadd.s32 v0, v2  }
0x6f: {  	[tilespmem:$0x0] =	vst v2;
	v2 =	vadd.s32 v0, v3;
	v3 =	vld [tilespmem:$0x60]  }
0x70: {  	v63 =	vld [tilespmem:$0x70];
	[tilespmem:$0x10] =	vst v2;
	v2 =	vadd.s32 v0, v4  }
0x71: {  	[tilespmem:$0x20] =	vst v2;
	v2 =	vadd.s32 v0, v5  }
0x72: {  	[tilespmem:$0x30] =	vst v2;
	v2 =	vadd.s32 v0, v6  }
0x73: {  	[tilespmem:$0x40] =	vst v2;
	v2 =	vadd.s32 v0, v7  }
0x74: {  	[tilespmem:$0x50] =	vst v2;
	v2 =	vadd.s32 v0, v3  }
0x75: {  	[tilespmem:$0x60] =	vst v2;
	v2 =	vadd.s32 v0, v63  }
0x76: {  	[tilespmem:$0x70] =	vst v2  }
0x77: {  	[tilespmem:s30], [sflag:$0x7] =	stream.indirect.gather.add.f32 [hbm:s4], $0x80, s21, s3, $0xb8;
	[tilespmem:$0x1BB80] =	vst v63  }
.LBB2_4:
0x78: {  	_ =	swait.ge [sflag:s11], $0x4000  }
0x79: {  	[sflag:s11] =	ssyncset.done $0x0  }
0x7a: {  	[sflag:s11] =	ssyncadd.s32 $0xFFFFC000  }
0x7b: {  	_ =	swait.ge [sflag:s12], $0x80  }
0x7c: {  	[sflag:s12] =	ssyncset.done $0x0  }
0x7d: {  	[sflag:s12] =	ssyncadd.s32 $0xFFFFFF80  }
0x7e: {  	v2 =	vld [tilespmem:$0x80]  }
0x7f: {  	v3 =	vld [tilespmem:$0x90]  }
0x80: {  	v4 =	vld [tilespmem:$0xA0]  }
0x81: {  	v5 =	vld [tilespmem:$0xB0]  }
0x82: {  	v6 =	vld [tilespmem:$0xC0]  }
0x83: {  	v7 =	vld [tilespmem:$0xD0];
	v2 =	vadd.s32 v0, v2  }
0x84: {  	[tilespmem:$0x80] =	vst v2;
	v2 =	vadd.s32 v0, v3;
	v3 =	vld [tilespmem:$0xE0]  }
0x85: {  	[tilespmem:$0x90] =	vst v2;
	v2 =	vadd.s32 v0, v4;
	v4 =	vld [tilespmem:$0xF0]  }
0x86: {  	[tilespmem:$0xA0] =	vst v2;
	v2 =	vadd.s32 v0, v5  }
0x87: {  	[tilespmem:$0xB0] =	vst v2;
	v2 =	vadd.s32 v0, v6  }
0x88: {  	[tilespmem:$0xC0] =	vst v2;
	v2 =	vadd.s32 v0, v7  }
0x89: {  	[tilespmem:$0xD0] =	vst v2;
	v2 =	vadd.s32 v0, v3  }
0x8a: {  	[tilespmem:$0xE0] =	vst v2;
	v2 =	vadd.s32 v0, v4  }
0x8b: {  	[tilespmem:$0xF0] =	vst v2  }
0x8c: {  	[tilespmem:s0], [sflag:$0x8] =	stream.indirect.gather.add.f32 [hbm:s4], $0x80, s3, s3, $0xb8;
	[tilespmem:$0x1BB80] =	vst v63  }
0x8d: {  	_ =	swait.ge [sflag:s13], $0x4000  }
0x8e: {  	[sflag:s13] =	ssyncset.done $0x0  }
0x8f: {  	s29 =	simm.s32 $0x0;
	[sflag:s13] =	ssyncadd.s32 $0xFFFFC000  }
0x90: {  	v4 =	vld [tilespmem:s29+$0x300]  }
0x91: {  	v6 =	vld [tilespmem:s29+$0x310]  }
0x92: {  	v5 =	vld [tilespmem:s29+$0x320]  }
0x93: {  	v3 =	vld [tilespmem:s29+$0x330]  }
0x94: {  	v2 =	vld [tilespmem:s29+$0x340]  }
0x95: {  	v7 =	vmax.f32 v4, $0.0e+00;
	v4 =	vld [tilespmem:s29+$0x350]  }
0x96: {  	s22 =	simm.s32 $0x200;
	[tilespmem:s29+$0x300] =	vst v7;
	v7 =	vmax.f32 v6, $0.0e+00;
	v6 =	vld [tilespmem:s29+$0x360]  }
.LBB2_5:
0x97: {  	s23 =	sshra.s32 s22, $0x2;
	p1 =	sne.s32 s22, $0xFE00;
	[tilespmem:s29+$0x310] =	vst v7;
	v5 =	vmax.f32 v5, $0.0e+00;
	v7 =	vld [tilespmem:s29+$0x370]  }
0x98: {  	v8 =	vld [tilespmem:s23+$0x300];
	[tilespmem:s29+$0x320] =	vst v5;
	v3 =	vmax.f32 v3, $0.0e+00  }
0x99: {  	v9 =	vld [tilespmem:s23+$0x310];
	[tilespmem:s29+$0x330] =	vst v3;
	v2 =	vmax.f32 v2, $0.0e+00  }
.Ltmp1:
0x9a: {  	v5 =	vld [tilespmem:s23+$0x320];
	[tilespmem:s29+$0x340] =	vst v2;
	v2 =	vmax.f32 v4, $0.0e+00;
	(pc) =	sbr.rel @p1 .LBB2_5-.Ltmp1, $4  }
0x9b: {  	v3 =	vld [tilespmem:s23+$0x330];
	[tilespmem:s29+$0x350] =	vst v2;
	v4 =	vmax.f32 v6, $0.0e+00  }
0x9c: {  	v2 =	vld [tilespmem:s23+$0x340];
	[tilespmem:s29+$0x360] =	vst v4;
	v6 =	vmax.f32 v7, $0.0e+00  }
0x9d: {  	v7 =	vmax.f32 v8, $0.0e+00;
	v4 =	vld [tilespmem:s23+$0x350];
	[tilespmem:s29+$0x370] =	vst v6;
	s29 =	smov.u32 s23  }
0x9e: {  	s22 =	sadd.s32 $0x200, s22;
	[tilespmem:s29+$0x300] =	vst v7;
	v7 =	vmax.f32 v9, $0.0e+00;
	v6 =	vld [tilespmem:s29+$0x360]  }
0x9f: {  	[tilespmem:s29+$0x310] =	vst v7;
	v5 =	vmax.f32 v5, $0.0e+00;
	v7 =	vld [tilespmem:s29+$0x370]  }
0xa0: {  	[tilespmem:s29+$0x320] =	vst v5;
	v3 =	vmax.f32 v3, $0.0e+00  }
0xa1: {  	[tilespmem:s29+$0x330] =	vst v3;
	v2 =	vmax.f32 v2, $0.0e+00  }
0xa2: {  	[tilespmem:s29+$0x340] =	vst v2;
	v2 =	vmax.f32 v4, $0.0e+00  }
0xa3: {  	[tilespmem:s29+$0x350] =	vst v2;
	v2 =	vmax.f32 v6, $0.0e+00  }
0xa4: {  	[tilespmem:s29+$0x360] =	vst v2;
	v2 =	vmax.f32 v7, $0.0e+00  }
0xa5: {  	[tilespmem:s29+$0x370] =	vst v2  }
0xa6: {  	_ =	swait.ge [sflag:s17], $0x80  }
0xa7: {  	s29 =	sshll.u32 s21, $0x1;
	[sflag:s17] =	ssyncset.done $0x0  }
0xa8: {  	s22 =	sadd.s32 $0x2, s29;
	[sflag:s17] =	ssyncadd.s32 $0xFFFFFF80  }
0xa9: {  	[spmem:s1] =	stream.indirect.scatter.add.f32 [tilespmem:s30], [sflag:$0x9], $0x80, s31, s3, $0xb8;
	[tilespmem:$0x1BB80] =	vst v63  }
0xaa: {  	s23 =	sshll.u32 s22, $0xB;
	s22 =	sadd.s32 s15, s22;
	_ =	swait.ge [sflag:s28], $0x4000  }
0xab: {  	s24 =	simm.s32 $0x0;
	s22 =	smin.u32 s22, $0x9BF;
	[sflag:s28] =	ssyncset.done $0x0  }
0xac: {  	s23 =	sadd.s32 s23, s16;
	s22 =	sshll.u32 s22, $0x4;
	[sflag:s28] =	ssyncadd.s32 $0xFFFFC000  }
0xad: {  	[tilespmem:s30], [sflag:$0x1] =	stream.linear.gather [hbm4b:s23+s24], $0x4000, $0x38;
	[tilespmem:$0x1BB80] =	vst v63  }
0xae: {  	s23 =	sadd.s32 s5, s22  }
0xaf: {  	[tilespmem:s24], [sflag:$0x3] =	stream.linear.gather [hbm4b:s23+s24], $0x80, $0x38;
	[tilespmem:$0x1BB80] =	vst v63  }
0xb0: {  	s22 =	sadd.s32 s6, s22  }
0xb1: {  	[tilespmem:s31], [sflag:$0x5] =	stream.linear.gather [hbm4b:s22+s24], $0x80, $0x38;
	[tilespmem:$0x1BB80] =	vst v63  }
0xb2: {  	_ =	swait.ge [sflag:s18], $0x4000  }
0xb3: {  	[sflag:s18] =	ssyncset.done $0x0  }
0xb4: {  	s22 =	simm.s32 $0x0;
	[sflag:s18] =	ssyncadd.s32 $0xFFFFC000  }
0xb5: {  	v4 =	vld [tilespmem:s22+$0x4300]  }
0xb6: {  	v6 =	vld [tilespmem:s22+$0x4310]  }
0xb7: {  	v5 =	vld [tilespmem:s22+$0x4320]  }
0xb8: {  	v3 =	vld [tilespmem:s22+$0x4330]  }
0xb9: {  	v2 =	vld [tilespmem:s22+$0x4340]  }
0xba: {  	v7 =	vmax.f32 v4, $0.0e+00;
	v4 =	vld [tilespmem:s22+$0x4350]  }
0xbb: {  	s23 =	simm.s32 $0x200;
	[tilespmem:s22+$0x4300] =	vst v7;
	v7 =	vmax.f32 v6, $0.0e+00;
	v6 =	vld [tilespmem:s22+$0x4360]  }
.LBB2_7:
0xbc: {  	s24 =	sshra.s32 s23, $0x2;
	p1 =	sne.s32 s23, $0xFE00;
	[tilespmem:s22+$0x4310] =	vst v7;
	v5 =	vmax.f32 v5, $0.0e+00;
	v7 =	vld [tilespmem:s22+$0x4370]  }
0xbd: {  	v8 =	vld [tilespmem:s24+$0x4300];
	[tilespmem:s22+$0x4320] =	vst v5;
	v3 =	vmax.f32 v3, $0.0e+00  }
0xbe: {  	v9 =	vld [tilespmem:s24+$0x4310];
	[tilespmem:s22+$0x4330] =	vst v3;
	v2 =	vmax.f32 v2, $0.0e+00  }
.Ltmp2:
0xbf: {  	v5 =	vld [tilespmem:s24+$0x4320];
	[tilespmem:s22+$0x4340] =	vst v2;
	v2 =	vmax.f32 v4, $0.0e+00;
	(pc) =	sbr.rel @p1 .LBB2_7-.Ltmp2, $4  }
0xc0: {  	v3 =	vld [tilespmem:s24+$0x4330];
	[tilespmem:s22+$0x4350] =	vst v2;
	v4 =	vmax.f32 v6, $0.0e+00  }
0xc1: {  	v2 =	vld [tilespmem:s24+$0x4340];
	[tilespmem:s22+$0x4360] =	vst v4;
	v6 =	vmax.f32 v7, $0.0e+00  }
0xc2: {  	v7 =	vmax.f32 v8, $0.0e+00;
	v4 =	vld [tilespmem:s24+$0x4350];
	[tilespmem:s22+$0x4370] =	vst v6;
	s22 =	smov.u32 s24  }
0xc3: {  	s23 =	sadd.s32 $0x200, s23;
	[tilespmem:s22+$0x4300] =	vst v7;
	v7 =	vmax.f32 v9, $0.0e+00;
	v6 =	vld [tilespmem:s22+$0x4360]  }
0xc4: {  	[tilespmem:s22+$0x4310] =	vst v7;
	v5 =	vmax.f32 v5, $0.0e+00;
	v63 =	vld [tilespmem:s22+$0x4370]  }
0xc5: {  	[tilespmem:s22+$0x4320] =	vst v5;
	v3 =	vmax.f32 v3, $0.0e+00  }
0xc6: {  	[tilespmem:s22+$0x4330] =	vst v3;
	v2 =	vmax.f32 v2, $0.0e+00  }
0xc7: {  	[tilespmem:s22+$0x4340] =	vst v2;
	v2 =	vmax.f32 v4, $0.0e+00  }
0xc8: {  	[tilespmem:s22+$0x4350] =	vst v2;
	v2 =	vmax.f32 v6, $0.0e+00  }
0xc9: {  	[tilespmem:s22+$0x4360] =	vst v2;
	v2 =	vmax.f32 v63, $0.0e+00  }
0xca: {  	[tilespmem:s22+$0x4370] =	vst v2  }
0xcb: {  	_ =	swait.ge [sflag:s19], $0x80  }
0xcc: {  	[sflag:s19] =	ssyncset.done $0x0  }
0xcd: {  	s24 =	sadd.s32 $0x3, s29;
	[sflag:s19] =	ssyncadd.s32 $0xFFFFFF80  }
0xce: {  	[spmem:s1] =	stream.indirect.scatter.add.f32 [tilespmem:s0], [sflag:$0x9], $0x80, s7, s3, $0xb8;
	[tilespmem:$0x1BB80] =	vst v63  }
0xcf: {  	s22 =	sadd.s32 s15, s24;
	_ =	swait.ge [sflag:s28], $0x4000  }
0xd0: {  	s23 =	sshll.u32 s24, $0xB;
	s22 =	smin.u32 s22, $0x9BF;
	[sflag:s28] =	ssyncset.done $0x0  }
0xd1: {  	s23 =	sadd.s32 s23, s16;
	s22 =	sshll.u32 s22, $0x4;
	[sflag:s28] =	ssyncadd.s32 $0xFFFFC000  }
0xd2: {  	[tilespmem:s0], [sflag:$0x2] =	stream.linear.gather [hbm4b:s23+s2], $0x4000, $0x38;
	[tilespmem:$0x1BB80] =	vst v63  }
0xd3: {  	s29 =	sadd.s32 s5, s22  }
0xd4: {  	[tilespmem:s3], [sflag:$0x4] =	stream.linear.gather [hbm4b:s29+s2], $0x80, $0x38;
	[tilespmem:$0x1BB80] =	vst v63  }
0xd5: {  	s22 =	sadd.s32 s6, s22  }
0xd6: {  	[tilespmem:s7], [sflag:$0x6] =	stream.linear.gather [hbm4b:s22+s2], $0x80, $0x38;
	[tilespmem:$0x1BB80] =	vst v63  }
0xd7: {  	p1 =	seq.s32 s21, $0x4D;
	_ =	swait.ge [sflag:s9], $0x4000  }
.Ltmp3:
0xd8: {  	[sflag:s9] =	ssyncset.done $0x0;
	(pc) =	sbr.rel @p1 .LBB2_10-.Ltmp3, $4  }
0xd9: {  	[sflag:s9] =	ssyncadd.s32 $0xFFFFC000  }
0xda: {  	_ =	swait.ge [sflag:s10], $0x80  }
0xdb: {  	[sflag:s10] =	ssyncset.done $0x0  }
0xdc: {  	[sflag:s10] =	ssyncadd.s32 $0xFFFFFF80  }
0xdd: {  	v2 =	vld [tilespmem:$0x0]  }
0xde: {  	v3 =	vld [tilespmem:$0x10]  }
0xdf: {  	v4 =	vld [tilespmem:$0x20]  }
0xe0: {  	v5 =	vld [tilespmem:$0x30]  }
0xe1: {  	v6 =	vld [tilespmem:$0x40]  }
0xe2: {  	v7 =	vld [tilespmem:$0x50];
	v2 =	vadd.s32 v0, v2  }
0xe3: {  	[tilespmem:$0x0] =	vst v2;
	v2 =	vadd.s32 v0, v3;
	v3 =	vld [tilespmem:$0x60]  }
0xe4: {  	v63 =	vld [tilespmem:$0x70];
	[tilespmem:$0x10] =	vst v2;
	v2 =	vadd.s32 v0, v4  }
0xe5: {  	[tilespmem:$0x20] =	vst v2;
	v2 =	vadd.s32 v0, v5  }
0xe6: {  	[tilespmem:$0x30] =	vst v2;
	v2 =	vadd.s32 v0, v6  }
.Ltmp4:
0xe7: {  	[tilespmem:$0x40] =	vst v2;
	v2 =	vadd.s32 v0, v7;
	(pc) =	sbr.rel .LBB2_4-.Ltmp4, $4  }
0xe8: {  	[tilespmem:$0x50] =	vst v2;
	v2 =	vadd.s32 v0, v3  }
0xe9: {  	[tilespmem:$0x60] =	vst v2;
	v2 =	vadd.s32 v0, v63  }
0xea: {  	s21 =	sadd.s32 $0x1, s21;
	[tilespmem:$0x70] =	vst v2  }
0xeb: {  	[tilespmem:s30], [sflag:$0x7] =	stream.indirect.gather.add.f32 [hbm:s4], $0x80, s2, s3, $0xb8;
	[tilespmem:$0x1BB80] =	vst v63  }
.LBB2_10:
0xec: {  	_ =	swait.ge [sflag:s17], $0x80  }
0xed: {  	[sflag:s17] =	ssyncset.done $0x0  }
0xee: {  	[sflag:s17] =	ssyncadd.s32 $0xFFFFFF80  }
0xef: {  	_ =	swait.ge [sflag:s11], $0x4000  }
0xf0: {  	[sflag:s11] =	ssyncset.done $0x0  }
0xf1: {  	[sflag:s11] =	ssyncadd.s32 $0xFFFFC000  }
0xf2: {  	_ =	swait.ge [sflag:s12], $0x80  }
0xf3: {  	[sflag:s12] =	ssyncset.done $0x0  }
0xf4: {  	[sflag:s12] =	ssyncadd.s32 $0xFFFFFF80  }
0xf5: {  	_ =	swait.ge [sflag:s19], $0x80  }
0xf6: {  	[sflag:s19] =	ssyncset.done $0x0  }
0xf7: {  	s21 =	simm.s32 $0x0;
	s22 =	rddreg [dreg:$0xa];
	[sflag:s19] =	ssyncadd.s32 $0xFFFFFF80  }
0xf8: {  	[tilespmem:s30], [sflag:$0x9] =	stream.linear.gather [hbm4b:s22+s21], $0x1000, $0x38;
	[tilespmem:$0x1BB80] =	vst v63  }
0xf9: {  	_ =	swait.ge [sflag:s28], $0x1000  }
0xfa: {  	[sflag:s28] =	ssyncset.done $0x0  }
0xfb: {  	s24 =	simm.s32 $0x200;
	[sflag:s28] =	ssyncadd.s32 $0xFFFFF000  }
0xfc: {  	[tilespmem:s30], [sflag:$0x9] =	stream.indirect.gather.add.f32 [hbm:s4], $0x80, s24, s20, $0xb8;
	[tilespmem:$0x1BB80] =	vst v63  }
0xfd: {  	_ =	swait.ge [sflag:s28], $0x1000  }
0xfe: {  	[sflag:s28] =	ssyncset.done $0x0  }
0xff: {  	s21 =	simm.s32 $0x0;
	[sflag:s28] =	ssyncadd.s32 $0xFFFFF000  }
0x100: {  	v4 =	vld [tilespmem:s21+$0x300]  }
0x101: {  	v6 =	vld [tilespmem:s21+$0x310]  }
0x102: {  	v5 =	vld [tilespmem:s21+$0x320]  }
0x103: {  	v3 =	vld [tilespmem:s21+$0x330]  }
0x104: {  	v2 =	vld [tilespmem:s21+$0x340]  }
0x105: {  	v7 =	vmax.f32 v4, $0.0e+00;
	v4 =	vld [tilespmem:s21+$0x350]  }
0x106: {  	s22 =	simm.s32 $0x200;
	[tilespmem:s21+$0x300] =	vst v7;
	v7 =	vmax.f32 v6, $0.0e+00;
	v6 =	vld [tilespmem:s21+$0x360]  }
.LBB2_11:
0x107: {  	s23 =	sshra.s32 s22, $0x2;
	p1 =	sne.s32 s22, $0x3E00;
	[tilespmem:s21+$0x310] =	vst v7;
	v5 =	vmax.f32 v5, $0.0e+00;
	v7 =	vld [tilespmem:s21+$0x370]  }
0x108: {  	v8 =	vld [tilespmem:s23+$0x300];
	[tilespmem:s21+$0x320] =	vst v5;
	v3 =	vmax.f32 v3, $0.0e+00  }
0x109: {  	v9 =	vld [tilespmem:s23+$0x310];
	[tilespmem:s21+$0x330] =	vst v3;
	v2 =	vmax.f32 v2, $0.0e+00  }
.Ltmp5:
0x10a: {  	v5 =	vld [tilespmem:s23+$0x320];
	[tilespmem:s21+$0x340] =	vst v2;
	v2 =	vmax.f32 v4, $0.0e+00;
	(pc) =	sbr.rel @p1 .LBB2_11-.Ltmp5, $4  }
0x10b: {  	v3 =	vld [tilespmem:s23+$0x330];
	[tilespmem:s21+$0x350] =	vst v2;
	v4 =	vmax.f32 v6, $0.0e+00  }
0x10c: {  	v2 =	vld [tilespmem:s23+$0x340];
	[tilespmem:s21+$0x360] =	vst v4;
	v6 =	vmax.f32 v7, $0.0e+00  }
0x10d: {  	v7 =	vmax.f32 v8, $0.0e+00;
	v4 =	vld [tilespmem:s23+$0x350];
	[tilespmem:s21+$0x370] =	vst v6;
	s21 =	smov.u32 s23  }
0x10e: {  	s22 =	sadd.s32 $0x200, s22;
	[tilespmem:s21+$0x300] =	vst v7;
	v7 =	vmax.f32 v9, $0.0e+00;
	v6 =	vld [tilespmem:s21+$0x360]  }
0x10f: {  	[tilespmem:s21+$0x310] =	vst v7;
	v5 =	vmax.f32 v5, $0.0e+00;
	v63 =	vld [tilespmem:s21+$0x370]  }
0x110: {  	[tilespmem:s21+$0x320] =	vst v5;
	v3 =	vmax.f32 v3, $0.0e+00  }
0x111: {  	[tilespmem:s21+$0x330] =	vst v3;
	v2 =	vmax.f32 v2, $0.0e+00  }
0x112: {  	[tilespmem:s21+$0x340] =	vst v2;
	v2 =	vmax.f32 v4, $0.0e+00  }
0x113: {  	[tilespmem:s21+$0x350] =	vst v2;
	v2 =	vmax.f32 v6, $0.0e+00  }
0x114: {  	[tilespmem:s21+$0x360] =	vst v2;
	v2 =	vmax.f32 v63, $0.0e+00  }
0x115: {  	s29 =	simm.s32 $0x280;
	[tilespmem:s21+$0x370] =	vst v2  }
0x116: {  	[spmem:s1] =	stream.indirect.scatter.add.f32 [tilespmem:s30], [sflag:$0x9], $0x80, s29, s20, $0xb8;
	[tilespmem:$0x1BB80] =	vst v63  }
0x117: {  	_ =	swait.ge [sflag:s28], $0x1000  }
0x118: {  	[sflag:s28] =	ssyncset.done $0x0  }
0x119: {  	s22 =	stileid.u32;
	[sflag:s28] =	ssyncadd.s32 $0xFFFFF000  }
0x11a: {  	s21 =	sshll.u32 s22, $0x6;
	[bflag:$0x0] =	sbarrier.arrive $0xFFFF  }
0x11b: {  	s22 =	sshrl.u32 s8, $0x3;
	s21 =	sor.u32 $0x1C09, s21;
	s23 =	rddreg [dreg:$0xc]  }
0x11c: {  	[hbm:s23], [sflag:s21] =	dma.local [spmem:s22], $0x2700  }
0x11d: {  	_ =	swait.ge [sflag:s28], $0x2700  }
0x11e: {  	[sflag:s28] =	ssyncset.done $0x0  }
0x11f: {  	s22 =	sshrl.u32 @!p0 s14, $0x3;
	s23 =	rddreg [dreg:$0xf];
	[sflag:s28] =	ssyncadd.s32 $0xFFFFD900  }
0x120: {  	[hbm:s23], [sflag:s21] =	dma.local @!p0 [spmem:s22], $0x100  }
0x121: {  	s21 =	simm.s32 @!p0 $0x9  }
0x122: {  	_ =	swait.ge @!p0 [sflag:s21], $0x100  }
0x123: {  	s26 =	sadd.s32 $0x1, s26;
	s23 =	rddreg [dreg:$0x10]  }
0x124: {  	p1 =	sne.s32 s26, s23  }
.Ltmp6:
0x125: {  	_ = 	snop;
	(pc) =	sbr.rel @p1 .LBB2_1-.Ltmp6, $3  }
0x126: {  	_ =	sdelay $0x1  }
0x127: {  	[sflag:s21] =	ssyncset.done @!p0 $0x0  }
0x128: {  	[sflag:s21] =	ssyncadd.s32 @!p0 $0xFFFFFF00  }
0x129: {  	_ =	sfence.sel $0x180000  }
0x12a: {  	[bflag:$0x0] =	sbarrier.arrive $0xFFFF  }
0x12b: {  	_ =	strace $0x9000004A  }
0x12c: {  	s0 =	stileid.u32;
	[bflag:$0x2] =	sbarrier.arrive $0xFFFF  }
0x12d: {  	p0 =	sne.s32 s0, $0x0;
	s0 =	rddreg [dreg:$0x2]  }
0x12e: {  	s0 =	sadd.s32 @!p0 $0x100000, s0  }
0x12f: {  	[sflag:s0] =	ssyncadd.tile.s32 @!p0 $0x1;
	_ =	shalt  }
.Lfunc_end2:
_tile_overlayer_lowered:
.L_overlay_start_2:
0x130: {  	(tag) =	ssettag $0x2  }
0x131: {  	s0 =	rddreg [dreg:$0x0];
	s2 =	stileid.u32  }
0x132: {  	s1 =	rddreg [dreg:$0x1];
	p0 =	sne.s32 s2, $0x0  }
0x133: {  	s3 =	rddreg [dreg:$0x2];
	[bflag:$0x3] =	sbarrier.arrive $0xFFFF;
	s2 =	simm.s32 @!p0 $0x1C09  }
0x134: {  	[timem:s3], [sflag:s2] =	dma.local @!p0 [hbm:s0], s1  }
0x135: {  	s0 =	simm.s32 @!p0 $0x9  }
0x136: {  	_ =	swait.ge @!p0 [sflag:s0], s1  }
0x137: {  	s1 =	ssub.s32 @!p0 $0x0, s1;
	[sflag:s0] =	ssyncset.done @!p0 $0x0  }
0x138: {  	[sflag:s0] =	ssyncadd.s32 @!p0 s1  }
0x139: {  	[bflag:$0x3] =	sbarrier.arrive $0xFFFF  }
0x13a: {  	_ =	shalt  }

// kernel: kernel.19.cloned.1.call-start
scs
__scs_entry_jumppad:
0x0: {  	(pc) =	sbr.rel $0x88, $3  }
0x1: {  	(tag) =	ssettag $0x0;
	lr =	simm.s32 $0x1  }
0x2: {  	[smem:$0x3F87] =	sst lr;
	_ =	strace $0xD0000000  }
0x3: {  	_ = 	snop  }
0x4: {  	_ = 	snop  }
0x5: {  	_ = 	snop  }
0x6: {  	_ = 	snop  }
0x7: {  	_ = 	snop  }
__scs_overlays_trampoline_lowered:
0x8: {  	[smem:$0x3F96] =	sst s0  }
0x9: {  	[smem:$0x3F97] =	sst s1  }
0xa: {  	[smem:$0x3F98] =	sst s2  }
0xb: {  	[smem:$0x3F99] =	sst s3  }
0xc: {  	[smem:$0x3F9A] =	sst s4  }
0xd: {  	[smem:$0x3F9B] =	sst s5  }
0xe: {  	[smem:$0x3F9C] =	sst s6  }
0xf: {  	[smem:$0x3F9D] =	sst s7  }
0x10: {  	[smem:$0x3F9E] =	sst s8  }
0x11: {  	[smem:$0x3F9F] =	sst s9;
	s0 =	simm.s32 @!p0 $0x0  }
0x12: {  	s1 =	sld [smem:$0x3F85];
	s0 =	simm.s32 @p0 $0x1  }
0x13: {  	[smem:$0x3FA0] =	sst s0;
	s0 =	simm.s32 @!p1 $0x0  }
0x14: {  	s2 =	sld [smem:$0x3F84];
	s0 =	simm.s32 @p1 $0x1  }
0x15: {  	[smem:$0x3FA1] =	sst s0;
	s0 =	simm.s32 @!p2 $0x0  }
0x16: {  	s3 =	sld [smem:$0x3FDB];
	s0 =	simm.s32 @p2 $0x1  }
0x17: {  	s4 =	simm.s32 $0x1BF5;
	[smem:$0x3FA3] =	sst s0  }
0x18: {  	s0 =	sld [smem:$0x3F86];
	_ =	swait.ge [sflag:s4], $0x0  }
0x19: {  	s7 =	sld [smem:$0x3F87]  }
0x1a: {  	s8 =	sadd.s32 $0xFFFFE003, lr  }
0x1b: {  	s9 =	sadd.s32 $0xFFFFFEF7, lr;
	s5 =	simm.s32 $0xFFFFFFFF;
	p2 =	slt.u32 s8, $0xFFFFF086  }
0x1c: {  	p1 =	slt.u32 s9, $0xF7A;
	s5 =	simm.s32 @!p2 $0x0  }
0x1d: {  	s5 =	simm.s32 @p1 $0x1;
	p0 =	seq.s32 s7, s2  }
0x1e: {  	s7 =	smul.u32 @!p0 $0xF7A, s2;
	p2 =	seq.s32 @!p0 s5, $0x0  }
0x1f: {  	s9 =	smul.u32 $0xF7A, s1;
	s8 =	simm.s32 @!p0 $0x1BF5;
	p2 =	por !p2, p0  }
0x20: {  	[sflag:s8] =	ssyncset.s32 @!p0 $0xFFFFF086;
	s6 =	sadd.s32 @!p0 s3, s7;
	s7 =	simm.s32 @!p0 $0x108  }
0x21: {  	s3 =	sadd.s32 s3, s9;
	s6 =	sadd.s32 @!p0 $0x88, s6;
	s7 =	simm.s32 @p2 $0x1082  }
0x22: {  	[simem:s7], [sflag:s8] =	dma.local @!p0 [hbm:s6], $0xF7A  }
0x23: {  	s9 =	sor.u32 $0xD0000000, s2;
	s6 =	simm.s32 $0x108;
	_ =	swait.ge @!p0 [sflag:s8], $0x0  }
0x24: {  	s3 =	sadd.s32 $0x88, s3;
	s6 =	simm.s32 @!p1 $0x1082;
	[sflag:s4] =	ssyncset.s32 $0xFFFFF086  }
0x25: {  	[simem:s6], [sflag:s4] =	dma.local [hbm:s3], $0xF7A  }
0x26: {  	[smem:$0x3F87] =	sst s1;
	(tag) =	ssettag s2;
	_ =	strace s9  }
0x27: {  	s1 =	sld [smem:$0x3F97]  }
0x28: {  	s2 =	sld [smem:$0x3F98]  }
0x29: {  	s4 =	sld [smem:$0x3F9A]  }
0x2a: {  	p0 =	seq.s32 s5, $0x0;
	s5 =	sld [smem:$0x3F9B]  }
0x2b: {  	s6 =	sld [smem:$0x3F9C]  }
0x2c: {  	s7 =	sld [smem:$0x3F9D]  }
0x2d: {  	s3 =	simm.s32 $0x108;
	s8 =	sld [smem:$0x3F9E]  }
0x2e: {  	s3 =	simm.s32 @!p0 $0x1082;
	s9 =	sld [smem:$0x3F9F]  }
0x2f: {  	lr =	sadd.s32 s0, s3;
	s0 =	sld [smem:$0x3F96]  }
0x30: {  	s3 =	sld [smem:$0x3F99]  }
0x31: {  	[smem:$0x3FA2] =	sst s10  }
0x32: {  	s10 =	sld [smem:$0x3FA0];
	_ =	sdelay $0x3  }
0x33: {  	p0 =	seq.s32 s10, $0x1;
	s10 =	sld [smem:$0x3FA2];
	_ =	sdelay $0x3  }
0x34: {  	[smem:$0x3FA2] =	sst s10  }
0x35: {  	s10 =	sld [smem:$0x3FA1];
	_ =	sdelay $0x3  }
0x36: {  	p1 =	seq.s32 s10, $0x1;
	s10 =	sld [smem:$0x3FA2];
	_ =	sdelay $0x3  }
0x37: {  	[smem:$0x3FA2] =	sst s10  }
0x38: {  	s10 =	sld [smem:$0x3FA3]  }
0x39: {  	_ = 	snop;
	(pc) =	sbr.ind lr, $3  }
0x3a: {  	_ = 	snop  }
0x3b: {  	_ = 	snop  }
0x3c: {  	p2 =	seq.s32 s10, $0x1;
	s10 =	sld [smem:$0x3FA2]  }
0x3d: {  	_ =	shalt  }
0x3e: {  	_ =	shalt  }
0x3f: {  	_ =	shalt  }
0x40: {  	_ =	shalt  }
0x41: {  	_ =	shalt  }
0x42: {  	_ =	shalt  }
0x43: {  	_ =	shalt  }
0x44: {  	_ =	shalt  }
0x45: {  	_ =	shalt  }
0x46: {  	_ =	shalt  }
0x47: {  	_ =	shalt  }
0x48: {  	_ =	shalt  }
0x49: {  	_ =	shalt  }
0x4a: {  	_ =	shalt  }
0x4b: {  	_ =	shalt  }
0x4c: {  	_ =	shalt  }
0x4d: {  	_ =	shalt  }
0x4e: {  	_ =	shalt  }
0x4f: {  	_ =	shalt  }
0x50: {  	_ =	shalt  }
0x51: {  	_ =	shalt  }
0x52: {  	_ =	shalt  }
0x53: {  	_ =	shalt  }
0x54: {  	_ =	shalt  }
0x55: {  	_ =	shalt  }
0x56: {  	_ =	shalt  }
0x57: {  	_ =	shalt  }
0x58: {  	_ =	shalt  }
0x59: {  	_ =	shalt  }
0x5a: {  	_ =	shalt  }
0x5b: {  	_ =	shalt  }
0x5c: {  	_ =	shalt  }
0x5d: {  	_ =	shalt  }
0x5e: {  	_ =	shalt  }
0x5f: {  	_ =	shalt  }
0x60: {  	_ =	shalt  }
0x61: {  	_ =	shalt  }
0x62: {  	_ =	shalt  }
0x63: {  	_ =	shalt  }
0x64: {  	_ =	shalt  }
0x65: {  	_ =	shalt  }
0x66: {  	_ =	shalt  }
0x67: {  	_ =	shalt  }
0x68: {  	_ =	shalt  }
0x69: {  	_ =	shalt  }
0x6a: {  	_ =	shalt  }
0x6b: {  	_ =	shalt  }
0x6c: {  	_ =	shalt  }
0x6d: {  	_ =	shalt  }
0x6e: {  	_ =	shalt  }
0x6f: {  	_ =	shalt  }
0x70: {  	_ =	shalt  }
0x71: {  	_ =	shalt  }
0x72: {  	_ =	shalt  }
0x73: {  	_ =	shalt  }
0x74: {  	_ =	shalt  }
0x75: {  	_ =	shalt  }
0x76: {  	_ =	shalt  }
0x77: {  	_ =	shalt  }
0x78: {  	_ =	shalt  }
0x79: {  	_ =	shalt  }
0x7a: {  	_ =	shalt  }
0x7b: {  	_ =	shalt  }
0x7c: {  	_ =	shalt  }
0x7d: {  	_ =	shalt  }
0x7e: {  	_ =	shalt  }
0x7f: {  	_ =	shalt  }
0x80: {  	_ =	shalt  }
0x81: {  	_ =	shalt  }
0x82: {  	_ =	shalt  }
0x83: {  	_ =	shalt  }
0x84: {  	_ =	shalt  }
0x85: {  	_ =	shalt  }
0x86: {  	_ =	shalt  }
0x87: {  	_ =	shalt  }
.Lfunc_end0:
.L_simem_size_0:
called_computation.2_lowered:
.L_overlay_start_0:
0x88: {  	s2 =	sld [smem:$0x3FD9]  }
0x89: {  	s3 =	sld [smem:$0x3FFE];
	_ =	sdelay $0x1  }
0x8a: {  	s1 =	srdreg.scid  }
0x8b: {  	s0 =	sand.u32 $0x1, s1  }
0x8c: {  	s16 =	sshll.u32 s0, $0xA;
	s2 =	sadd.s32 s3, s2  }
0x8d: {  	s2 =	sadd.s32 s2, s16  }
0x8e: {  	[smem:$0x3FAE] =	sst s2  }
0x8f: {  	_ = 	snop  }
0x90: {  	(tm) =	ssettm $0x1  }
0x91: {  	s17 =	sld [smem:$0x3FFB];
	_ =	sdelay $0x3  }
0x92: {  	_ =	strace s17  }
0x93: {  	s2 =	sld [smem:$0x3FFC];
	_ =	sdelay $0x3  }
0x94: {  	_ =	strace s2  }
0x95: {  	s2 =	sld [smem:$0x3FFD];
	_ =	sdelay $0x3  }
0x96: {  	_ =	strace s2  }
0x97: {  	_ =	strace $0x8FFFFFFF  }
0x98: {  	s18 =	sld [smem:$0x3FDB];
	_ =	sdelay $0x1  }
0x99: {  	s19 =	simm.s32 $_scs_section_size  }
0x9a: {  	s4 =	simm.s32 $_size__tile_overlayer_lowered;
	s5 =	simm.s32 $_tile_overlayer_lowered  }
0x9b: {  	s22 =	simm.s32 $0x1BFF;
	s21 =	sshll.u32 s5, $0x1;
	s2 =	sadd.s32 s19, s18  }
0x9c: {  	s6 =	simm.s32 $0x0;
	s20 =	sshll.u32 s4, $0x1;
	s4 =	sadd.s32 s21, s2  }
0x9d: {  	[timem:s6], [sflag:s22] =	dma.local [hbm:s4], s20  }
0x9e: {  	_ =	swait.ge [sflag:s22], s20  }
0x9f: {  	s3 =	ssub.s32 $0x0, s20;
	[sflag:s22] =	ssyncset.done $0x0  }
0xa0: {  	[sflag:s22] =	ssyncadd.s32 s3;
	_ =	sdelay $0x1  }
0xa1: {  	s23 =	simm.s32 $0x1B8B  }
0xa2: {  	_ =	swait.ge [sflag:s23], $0x1  }
0xa3: {  	[sflag:s23] =	ssyncset.done $0x0  }
0xa4: {  	s25 =	simm.s32 $0x1B8E;
	s24 =	sld [smem:$0x3FFE];
	[sflag:s23] =	ssyncadd.s32 $0xFFFFFFFF  }
0xa5: {  	s26 =	simm.s32 $execute0_lowered;
	[smem:$0x3FD2] =	sst s25  }
0xa6: {  	s4 =	sshll.u32 s26, $0x1;
	_ =	strace $0x8000004C;
	[dreg:$0x1] =	wrdreg $0xFFFFFFFF  }
0xa7: {  	s28 =	simm.s32 $_size_execute0_lowered;
	s2 =	sadd.s32 s2, s4;
	[dreg:$0x0] =	wrdreg $0x0  }
0xa8: {  	s4 =	sshll.u32 s28, $0x1;
	[dreg:$0x2] =	wrdreg s2  }
0xa9: {  	[dreg:$0x3] =	wrdreg s4  }
0xaa: {  	[dreg:$0x4] =	wrdreg $0xC0  }
0xab: {  	_ =	task [dreg:s6], $0x5FFFF  }
0xac: {  	[dreg:$0x1] =	wrdreg $0xFFFFFFFF  }
0xad: {  	[dreg:$0x0] =	wrdreg $0x60  }
0xae: {  	[dreg:$0x2] =	wrdreg s24  }
0xaf: {  	[dreg:$0x3] =	wrdreg $0x83000  }
0xb0: {  	[dreg:$0x4] =	wrdreg $0x9  }
0xb1: {  	_ =	task.clear_ibuf [dreg:s6], $0x5FFFF;
	_ =	strace $0x9000004C  }
0xb2: {  	s29 =	simm.s32 $0x9;
	_ =	strace $0x8000004E  }
0xb3: {  	_ =	swait.ge [sflag:s29], $0x1  }
0xb4: {  	[sflag:s29] =	ssyncadd.s32 $0xFFFFFFFF  }
0xb5: {  	_ =	strace $0x9000004E  }
0xb6: {  	_ =	sfence  }
0xb7: {  	s30 =	sld [smem:$0x0];
	_ =	sdelay $0x2  }
0xb8: {  	s31 =	sshll.u32 s1, $0xD;
	s1 =	sshrl.u32 s1, $0x2  }
0xb9: {  	s3 =	sand.u32 $0x4000, s31;
	s1 =	sadd.s32 s1, s30  }
0xba: {  	s0 =	sor.u32 s3, s0;
	s1 =	sshll.u32 s1, $0x11  }
0xbb: {  	s0 =	sor.u32 s1, s0  }
0xbc: {  	s0 =	sadd.s32 $0x8F2B, s0  }
0xbd: {  	[sflag:s0] =	ssyncadd.remote.s32 $0x1  }
0xbe: {  	_ =	sfence.sel $0xFFFF  }
0xbf: {  	[dreg:$0x0] =	wrdreg $0xFFFFFFFF;
	(pc) =	sbr.abs _section_cstart, $3  }
0xc0: {  	[dreg:$0x1] =	wrdreg $0xFFFFFFFF  }
0xc1: {  	_ =	task.clear_ibuf [dreg:s6], $0x2FFFF;
	_ =	strace $0x9FFFFFFF  }
0xc2: {  	(tm) =	ssettm $0x7FFFFFFF  }
0xc3: {  	_ =	shalt  }
tec
execute0_lowered:
.L_overlay_start_1:
0x0: {  	(tag) =	ssettag $0x1  }
0x1: {  	s0 =	rddreg [dreg:$0x0]  }
0x2: {  	s1 =	rddreg [dreg:$0x1];
	s2 =	simm.s32 $0x0  }
0x3: {  	s17 =	stileid.u32;
	s7 =	srdreg.scid;
	s28 =	simm.s32 $0x9  }
0x4: {  	s29 =	simm.s32 $0x280;
	s30 =	simm.s32 $0x300;
	s10 =	smul.u32 $0x4E000, s17  }
0x5: {  	s31 =	simm.s32 $0x100;
	[smem:$0x7FF] =	sst s2;
	s22 =	smul.u32 $0x4E00, s17  }
0x6: {  	s4 =	sadd.s32 $0x18E00, s0;
	s3 =	sadd.s32 $0x597200, s0;
	s15 =	smul.u32 $0x9C, s17  }
0x7: {  	s5 =	sadd.s32 $0xEE00, s0;
	s7 =	sand.u32 $0x1, s7;
	s26 =	smul.u32 $0x9C0, s17  }
0x8: {  	s6 =	sadd.s32 $0x5200, s0;
	s8 =	sshll.u32 s17, $0x4;
	s19 =	smul.u32 $0x2710, s7  }
0x9: {  	p0 =	sne.s32 s17, $0xF;
	_ =	strace $0x8000004D;
	s12 =	smul.u32 $0x4E200, s7  }
0xa: {  	s9 =	sadd.s32 s8, s0;
	s16 =	ssub.s32 $0x2, s7;
	s24 =	smul.u32 $0x2710000, s7  }
0xb: {  	s0 =	sadd.s32 $0x67000, s0;
	s7 =	smul.u32 $0x138800, s7;
	s11 =	sshrl.u32 s16, $0x1  }
0xc: {  	s18 =	sshrl.u32 s10, $0x2;
	s20 =	sadd.s32 $0x18C00, s9;
	s10 =	smul.u32 $0x270, s17  }
0xd: {  	s9 =	sadd.s32 $0x18A00, s9;
	s11 =	ssub.s32 s16, s11;
	[dreg:$0x3] =	wrdreg s20  }
0xe: {  	s8 =	sadd.s32 s18, s1;
	[dreg:$0x4] =	wrdreg s9;
	s20 =	sadd.s32 s5, s26  }
0xf: {  	s9 =	sadd.s32 s22, s12;
	s22 =	sadd.s32 s6, s26;
	[dreg:$0x9] =	wrdreg s20  }
0x10: {  	s16 =	sshll.u32 s17, $0xC;
	s21 =	sadd.s32 $0x4000, s8;
	[dreg:$0xb] =	wrdreg s22  }
0x11: {  	s7 =	sshrl.u32 s7, $0x3;
	s13 =	sadd.s32 $0x8000, s8;
	[dreg:$0x5] =	wrdreg s21  }
0x12: {  	s17 =	simm.s32 $0x5;
	s23 =	sadd.s32 $0xC000, s8;
	[dreg:$0x6] =	wrdreg s13  }
0x13: {  	s14 =	sadd.s32 $0x10000, s8;
	s25 =	sor.u32 s16, s24;
	[dreg:$0x7] =	wrdreg s23  }
0x14: {  	s9 =	sshll.u32 s9, $0x4;
	s20 =	simm.s32 $0x20;
	[dreg:$0x8] =	wrdreg s14  }
0x15: {  	s14 =	sadd.s32 $0x138000, s1;
	s12 =	sadd.s32 $0x2700000, s25;
	s16 =	sadd.s32 s3, s9  }
0x16: {  	s21 =	sadd.s32 s10, s19;
	s23 =	sor.u32 $0x10, s26;
	s26 =	smax.u32 s11, $0x1  }
0x17: {  	s9 =	simm.s32 $0x1;
	s10 =	simm.s32 $0x3;
	s11 =	simm.s32 $0x2  }
0x18: {  	v0 =	vmov s19;
	s13 =	simm.s32 $0x7;
	s19 =	simm.s32 $0x6;
	s18 =	sshrl.u32 s12, $0x3  }
0x19: {  	s24 =	sadd.s32 s5, s23;
	s25 =	sadd.s32 s6, s23;
	[dreg:$0x10] =	wrdreg s26  }
0x1a: {  	s12 =	simm.s32 $0x4;
	s26 =	simm.s32 $0x0;
	[dreg:$0xd] =	wrdreg s24  }
0x1b: {  	s3 =	sadd.s32 s3, s18;
	[dreg:$0xe] =	wrdreg s25;
	s25 =	sadd.s32 $0x800, s16  }
0x1c: {  	s24 =	simm.s32 $0x200;
	[dreg:$0xa] =	wrdreg s3;
	s3 =	sshll.u32 s21, $0x4  }
0x1d: {  	s18 =	simm.s32 $0x8;
	s3 =	sadd.s32 s0, s3;
	s0 =	sadd.s32 s0, s7  }
0x1e: {  	s7 =	simm.s32 $0x180;
	[dreg:$0xc] =	wrdreg s3;
	s0 =	sadd.s32 $0x27000, s0  }
0x1f: {  	v1 =	vimm.f32 $0.0e+00;
	s3 =	simm.s32 $0x80;
	[dreg:$0xf] =	wrdreg s0;
	s0 =	simm.s32 $0x4300  }
.LBB2_1:
0x20: {  	s21 =	rddreg [dreg:$0x3]  }
0x21: {  	[tilespmem:s24], [sflag:$0x9] =	stream.linear.gather [hbm4b:s21+s2], $0x80, $0x38;
	[tilespmem:$0x1BB80] =	vst v63  }
0x22: {  	_ =	swait.ge [sflag:s28], $0x80  }
0x23: {  	[sflag:s28] =	ssyncset.done $0x0  }
0x24: {  	s24 =	rddreg [dreg:$0x4];
	[sflag:s28] =	ssyncadd.s32 $0xFFFFFF80  }
0x25: {  	[tilespmem:s29], [sflag:$0x9] =	stream.linear.gather [hbm4b:s24+s2], $0x80, $0x38;
	[tilespmem:$0x1BB80] =	vst v63  }
0x26: {  	_ =	swait.ge [sflag:s28], $0x80  }
0x27: {  	[sflag:s28] =	ssyncset.done $0x0  }
0x28: {  	[sflag:s28] =	ssyncadd.s32 $0xFFFFFF80  }
0x29: {  	v2 =	vld [tilespmem:$0x200]  }
0x2a: {  	v3 =	vld [tilespmem:$0x210];
	_ =	sdelay $0x3  }
0x2b: {  	v2 =	vadd.s32 v0, v2  }
0x2c: {  	[tilespmem:$0x200] =	vst v2;
	v2 =	vadd.s32 v0, v3  }
0x2d: {  	s22 =	simm.s32 $0x200;
	s21 =	simm.s32 $0x0;
	[tilespmem:$0x210] =	vst v2  }
.LBB2_2:
0x2e: {  	p1 =	sne.s32 s22, $0xFE00;
	[tilespmem:s21+$0x370] =	vst v1  }
0x2f: {  	[tilespmem:s21+$0x300] =	vst v1  }
0x30: {  	[tilespmem:s21+$0x310] =	vst v1  }
.Ltmp0:
0x31: {  	[tilespmem:s21+$0x320] =	vst v1;
	(pc) =	sbr.rel @p1 .LBB2_2-.Ltmp0, $4  }
0x32: {  	[tilespmem:s21+$0x330] =	vst v1  }
0x33: {  	[tilespmem:s21+$0x340] =	vst v1  }
0x34: {  	[tilespmem:s21+$0x350] =	vst v1  }
0x35: {  	[tilespmem:s21+$0x360] =	vst v1;
	s21 =	sshra.s32 s22, $0x2;
	s22 =	sadd.s32 $0x200, s22  }
0x36: {  	[tilespmem:s21+$0x370] =	vst v1  }
0x37: {  	[tilespmem:s21+$0x300] =	vst v1  }
0x38: {  	[tilespmem:s21+$0x310] =	vst v1  }
0x39: {  	[tilespmem:s21+$0x320] =	vst v1  }
0x3a: {  	[tilespmem:s21+$0x330] =	vst v1  }
0x3b: {  	[tilespmem:s21+$0x340] =	vst v1  }
0x3c: {  	[tilespmem:s21+$0x350] =	vst v1  }
0x3d: {  	[tilespmem:s21+$0x360] =	vst v1  }
0x3e: {  	[spmem:s8] =	stream.linear.scatter [tilespmem:s30], [sflag:$0x9], $0x4000, $0x38;
	[tilespmem:$0x1BB80] =	vst v63  }
0x3f: {  	_ =	swait.ge [sflag:s28], $0x4000  }
0x40: {  	[sflag:s28] =	ssyncset.done $0x0  }
0x41: {  	s23 =	rddreg [dreg:$0x5];
	[sflag:s28] =	ssyncadd.s32 $0xFFFFC000  }
0x42: {  	[spmem:s23] =	stream.linear.scatter [tilespmem:s30], [sflag:$0x9], $0x4000, $0x38;
	[tilespmem:$0x1BB80] =	vst v63  }
0x43: {  	_ =	swait.ge [sflag:s28], $0x4000  }
0x44: {  	[sflag:s28] =	ssyncset.done $0x0  }
0x45: {  	s24 =	rddreg [dreg:$0x6];
	[sflag:s28] =	ssyncadd.s32 $0xFFFFC000  }
0x46: {  	[spmem:s24] =	stream.linear.scatter [tilespmem:s30], [sflag:$0x9], $0x4000, $0x38;
	[tilespmem:$0x1BB80] =	vst v63  }
0x47: {  	_ =	swait.ge [sflag:s28], $0x4000  }
0x48: {  	[sflag:s28] =	ssyncset.done $0x0  }
0x49: {  	s29 =	rddreg [dreg:$0x7];
	[sflag:s28] =	ssyncadd.s32 $0xFFFFC000  }
0x4a: {  	[spmem:s29] =	stream.linear.scatter [tilespmem:s30], [sflag:$0x9], $0x4000, $0x38;
	[tilespmem:$0x1BB80] =	vst v63  }
0x4b: {  	_ =	swait.ge [sflag:s28], $0x4000  }
0x4c: {  	[sflag:s28] =	ssyncset.done $0x0  }
0x4d: {  	s22 =	rddreg [dreg:$0x8];
	[sflag:s28] =	ssyncadd.s32 $0xFFFFC000  }
0x4e: {  	[spmem:s22] =	stream.linear.scatter [tilespmem:s30], [sflag:$0x9], $0x3800, $0x38;
	[tilespmem:$0x1BB80] =	vst v63  }
0x4f: {  	_ =	swait.ge [sflag:s28], $0x3800  }
0x50: {  	[sflag:s28] =	ssyncset.done $0x0  }
0x51: {  	s21 =	simm.s32 @!p0 $0x300;
	[sflag:s28] =	ssyncadd.s32 $0xFFFFC800  }
0x52: {  	[spmem:s14] =	stream.linear.scatter @!p0 [tilespmem:s21], [sflag:$0x9], $0x800, $0x38;
	[tilespmem:$0x1BB80] =	vst v63  }
0x53: {  	s21 =	simm.s32 @!p0 $0x9  }
0x54: {  	_ =	swait.ge @!p0 [sflag:s21], $0x800  }
0x55: {  	[sflag:s21] =	ssyncset.done @!p0 $0x0  }
0x56: {  	[sflag:s21] =	ssyncadd.s32 @!p0 $0xFFFFF800  }
0x57: {  	s21 =	simm.s32 $0x0;
	[bflag:$0x0] =	sbarrier.arrive $0xFFFF  }
0x58: {  	[tilespmem:s30], [sflag:$0x1] =	stream.linear.gather [hbm4b:s16+s21], $0x4000, $0x38;
	[tilespmem:$0x1BB80] =	vst v63  }
0x59: {  	s22 =	rddreg [dreg:$0x9]  }
0x5a: {  	[tilespmem:s21], [sflag:$0x3] =	stream.linear.gather [hbm4b:s22+s21], $0x80, $0x38;
	[tilespmem:$0x1BB80] =	vst v63  }
0x5b: {  	s23 =	rddreg [dreg:$0xb]  }
0x5c: {  	[tilespmem:s31], [sflag:$0x5] =	stream.linear.gather [hbm4b:s23+s21], $0x80, $0x38;
	[tilespmem:$0x1BB80] =	vst v63  }
0x5d: {  	_ = 	snop  }
0x5e: {  	[tilespmem:s0], [sflag:$0x2] =	stream.linear.gather [hbm4b:s25+s21], $0x4000, $0x38;
	[tilespmem:$0x1BB80] =	vst v63  }
0x5f: {  	s24 =	rddreg [dreg:$0xd]  }
0x60: {  	[tilespmem:s3], [sflag:$0x4] =	stream.linear.gather [hbm4b:s24+s21], $0x80, $0x38;
	[tilespmem:$0x1BB80] =	vst v63  }
0x61: {  	s29 =	rddreg [dreg:$0xe]  }
0x62: {  	[tilespmem:s7], [sflag:$0x6] =	stream.linear.gather [hbm4b:s29+s21], $0x80, $0x38;
	[tilespmem:$0x1BB80] =	vst v63  }
0x63: {  	_ =	swait.ge [sflag:s9], $0x4000  }
0x64: {  	[sflag:s9] =	ssyncset.done $0x0  }
0x65: {  	[sflag:s9] =	ssyncadd.s32 $0xFFFFC000  }
0x66: {  	_ =	swait.ge [sflag:s10], $0x80  }
0x67: {  	[sflag:s10] =	ssyncset.done $0x0  }
0x68: {  	[sflag:s10] =	ssyncadd.s32 $0xFFFFFF80  }
0x69: {  	v2 =	vld [tilespmem:$0x0]  }
0x6a: {  	v3 =	vld [tilespmem:$0x10]  }
0x6b: {  	v4 =	vld [tilespmem:$0x20]  }
0x6c: {  	v5 =	vld [tilespmem:$0x30]  }
0x6d: {  	v6 =	vld [tilespmem:$0x40]  }
0x6e: {  	v7 =	vld [tilespmem:$0x50];
	v2 =	vadd.s32 v0, v2  }
0x6f: {  	[tilespmem:$0x0] =	vst v2;
	v2 =	vadd.s32 v0, v3;
	v3 =	vld [tilespmem:$0x60]  }
0x70: {  	v63 =	vld [tilespmem:$0x70];
	[tilespmem:$0x10] =	vst v2;
	v2 =	vadd.s32 v0, v4  }
0x71: {  	[tilespmem:$0x20] =	vst v2;
	v2 =	vadd.s32 v0, v5  }
0x72: {  	[tilespmem:$0x30] =	vst v2;
	v2 =	vadd.s32 v0, v6  }
0x73: {  	[tilespmem:$0x40] =	vst v2;
	v2 =	vadd.s32 v0, v7  }
0x74: {  	[tilespmem:$0x50] =	vst v2;
	v2 =	vadd.s32 v0, v3  }
0x75: {  	[tilespmem:$0x60] =	vst v2;
	v2 =	vadd.s32 v0, v63  }
0x76: {  	[tilespmem:$0x70] =	vst v2  }
0x77: {  	[tilespmem:s30], [sflag:$0x7] =	stream.indirect.gather.add.f32 [hbm:s4], $0x80, s21, s3, $0xb8;
	[tilespmem:$0x1BB80] =	vst v63  }
.LBB2_4:
0x78: {  	_ =	swait.ge [sflag:s11], $0x4000  }
0x79: {  	[sflag:s11] =	ssyncset.done $0x0  }
0x7a: {  	[sflag:s11] =	ssyncadd.s32 $0xFFFFC000  }
0x7b: {  	_ =	swait.ge [sflag:s12], $0x80  }
0x7c: {  	[sflag:s12] =	ssyncset.done $0x0  }
0x7d: {  	[sflag:s12] =	ssyncadd.s32 $0xFFFFFF80  }
0x7e: {  	v2 =	vld [tilespmem:$0x80]  }
0x7f: {  	v3 =	vld [tilespmem:$0x90]  }
0x80: {  	v4 =	vld [tilespmem:$0xA0]  }
0x81: {  	v5 =	vld [tilespmem:$0xB0]  }
0x82: {  	v6 =	vld [tilespmem:$0xC0]  }
0x83: {  	v7 =	vld [tilespmem:$0xD0];
	v2 =	vadd.s32 v0, v2  }
0x84: {  	[tilespmem:$0x80] =	vst v2;
	v2 =	vadd.s32 v0, v3;
	v3 =	vld [tilespmem:$0xE0]  }
0x85: {  	[tilespmem:$0x90] =	vst v2;
	v2 =	vadd.s32 v0, v4;
	v4 =	vld [tilespmem:$0xF0]  }
0x86: {  	[tilespmem:$0xA0] =	vst v2;
	v2 =	vadd.s32 v0, v5  }
0x87: {  	[tilespmem:$0xB0] =	vst v2;
	v2 =	vadd.s32 v0, v6  }
0x88: {  	[tilespmem:$0xC0] =	vst v2;
	v2 =	vadd.s32 v0, v7  }
0x89: {  	[tilespmem:$0xD0] =	vst v2;
	v2 =	vadd.s32 v0, v3  }
0x8a: {  	[tilespmem:$0xE0] =	vst v2;
	v2 =	vadd.s32 v0, v4  }
0x8b: {  	[tilespmem:$0xF0] =	vst v2  }
0x8c: {  	[tilespmem:s0], [sflag:$0x8] =	stream.indirect.gather.add.f32 [hbm:s4], $0x80, s3, s3, $0xb8;
	[tilespmem:$0x1BB80] =	vst v63  }
0x8d: {  	_ =	swait.ge [sflag:s13], $0x4000  }
0x8e: {  	[sflag:s13] =	ssyncset.done $0x0  }
0x8f: {  	s29 =	simm.s32 $0x0;
	[sflag:s13] =	ssyncadd.s32 $0xFFFFC000  }
0x90: {  	v4 =	vld [tilespmem:s29+$0x300]  }
0x91: {  	v6 =	vld [tilespmem:s29+$0x310]  }
0x92: {  	v5 =	vld [tilespmem:s29+$0x320]  }
0x93: {  	v3 =	vld [tilespmem:s29+$0x330]  }
0x94: {  	v2 =	vld [tilespmem:s29+$0x340]  }
0x95: {  	v7 =	vmax.f32 v4, $0.0e+00;
	v4 =	vld [tilespmem:s29+$0x350]  }
0x96: {  	s22 =	simm.s32 $0x200;
	[tilespmem:s29+$0x300] =	vst v7;
	v7 =	vmax.f32 v6, $0.0e+00;
	v6 =	vld [tilespmem:s29+$0x360]  }
.LBB2_5:
0x97: {  	s23 =	sshra.s32 s22, $0x2;
	p1 =	sne.s32 s22, $0xFE00;
	[tilespmem:s29+$0x310] =	vst v7;
	v5 =	vmax.f32 v5, $0.0e+00;
	v7 =	vld [tilespmem:s29+$0x370]  }
0x98: {  	v8 =	vld [tilespmem:s23+$0x300];
	[tilespmem:s29+$0x320] =	vst v5;
	v3 =	vmax.f32 v3, $0.0e+00  }
0x99: {  	v9 =	vld [tilespmem:s23+$0x310];
	[tilespmem:s29+$0x330] =	vst v3;
	v2 =	vmax.f32 v2, $0.0e+00  }
.Ltmp1:
0x9a: {  	v5 =	vld [tilespmem:s23+$0x320];
	[tilespmem:s29+$0x340] =	vst v2;
	v2 =	vmax.f32 v4, $0.0e+00;
	(pc) =	sbr.rel @p1 .LBB2_5-.Ltmp1, $4  }
0x9b: {  	v3 =	vld [tilespmem:s23+$0x330];
	[tilespmem:s29+$0x350] =	vst v2;
	v4 =	vmax.f32 v6, $0.0e+00  }
0x9c: {  	v2 =	vld [tilespmem:s23+$0x340];
	[tilespmem:s29+$0x360] =	vst v4;
	v6 =	vmax.f32 v7, $0.0e+00  }
0x9d: {  	v7 =	vmax.f32 v8, $0.0e+00;
	v4 =	vld [tilespmem:s23+$0x350];
	[tilespmem:s29+$0x370] =	vst v6;
	s29 =	smov.u32 s23  }
0x9e: {  	s22 =	sadd.s32 $0x200, s22;
	[tilespmem:s29+$0x300] =	vst v7;
	v7 =	vmax.f32 v9, $0.0e+00;
	v6 =	vld [tilespmem:s29+$0x360]  }
0x9f: {  	[tilespmem:s29+$0x310] =	vst v7;
	v5 =	vmax.f32 v5, $0.0e+00;
	v7 =	vld [tilespmem:s29+$0x370]  }
0xa0: {  	[tilespmem:s29+$0x320] =	vst v5;
	v3 =	vmax.f32 v3, $0.0e+00  }
0xa1: {  	[tilespmem:s29+$0x330] =	vst v3;
	v2 =	vmax.f32 v2, $0.0e+00  }
0xa2: {  	[tilespmem:s29+$0x340] =	vst v2;
	v2 =	vmax.f32 v4, $0.0e+00  }
0xa3: {  	[tilespmem:s29+$0x350] =	vst v2;
	v2 =	vmax.f32 v6, $0.0e+00  }
0xa4: {  	[tilespmem:s29+$0x360] =	vst v2;
	v2 =	vmax.f32 v7, $0.0e+00  }
0xa5: {  	[tilespmem:s29+$0x370] =	vst v2  }
0xa6: {  	_ =	swait.ge [sflag:s17], $0x80  }
0xa7: {  	s29 =	sshll.u32 s21, $0x1;
	[sflag:s17] =	ssyncset.done $0x0  }
0xa8: {  	s22 =	sadd.s32 $0x2, s29;
	[sflag:s17] =	ssyncadd.s32 $0xFFFFFF80  }
0xa9: {  	[spmem:s1] =	stream.indirect.scatter.add.f32 [tilespmem:s30], [sflag:$0x9], $0x80, s31, s3, $0xb8;
	[tilespmem:$0x1BB80] =	vst v63  }
0xaa: {  	s23 =	sshll.u32 s22, $0xB;
	s22 =	sadd.s32 s15, s22;
	_ =	swait.ge [sflag:s28], $0x4000  }
0xab: {  	s24 =	simm.s32 $0x0;
	s22 =	smin.u32 s22, $0x9BF;
	[sflag:s28] =	ssyncset.done $0x0  }
0xac: {  	s23 =	sadd.s32 s23, s16;
	s22 =	sshll.u32 s22, $0x4;
	[sflag:s28] =	ssyncadd.s32 $0xFFFFC000  }
0xad: {  	[tilespmem:s30], [sflag:$0x1] =	stream.linear.gather [hbm4b:s23+s24], $0x4000, $0x38;
	[tilespmem:$0x1BB80] =	vst v63  }
0xae: {  	s23 =	sadd.s32 s5, s22  }
0xaf: {  	[tilespmem:s24], [sflag:$0x3] =	stream.linear.gather [hbm4b:s23+s24], $0x80, $0x38;
	[tilespmem:$0x1BB80] =	vst v63  }
0xb0: {  	s22 =	sadd.s32 s6, s22  }
0xb1: {  	[tilespmem:s31], [sflag:$0x5] =	stream.linear.gather [hbm4b:s22+s24], $0x80, $0x38;
	[tilespmem:$0x1BB80] =	vst v63  }
0xb2: {  	_ =	swait.ge [sflag:s18], $0x4000  }
0xb3: {  	[sflag:s18] =	ssyncset.done $0x0  }
0xb4: {  	s22 =	simm.s32 $0x0;
	[sflag:s18] =	ssyncadd.s32 $0xFFFFC000  }
0xb5: {  	v4 =	vld [tilespmem:s22+$0x4300]  }
0xb6: {  	v6 =	vld [tilespmem:s22+$0x4310]  }
0xb7: {  	v5 =	vld [tilespmem:s22+$0x4320]  }
0xb8: {  	v3 =	vld [tilespmem:s22+$0x4330]  }
0xb9: {  	v2 =	vld [tilespmem:s22+$0x4340]  }
0xba: {  	v7 =	vmax.f32 v4, $0.0e+00;
	v4 =	vld [tilespmem:s22+$0x4350]  }
0xbb: {  	s23 =	simm.s32 $0x200;
	[tilespmem:s22+$0x4300] =	vst v7;
	v7 =	vmax.f32 v6, $0.0e+00;
	v6 =	vld [tilespmem:s22+$0x4360]  }
.LBB2_7:
0xbc: {  	s24 =	sshra.s32 s23, $0x2;
	p1 =	sne.s32 s23, $0xFE00;
	[tilespmem:s22+$0x4310] =	vst v7;
	v5 =	vmax.f32 v5, $0.0e+00;
	v7 =	vld [tilespmem:s22+$0x4370]  }
0xbd: {  	v8 =	vld [tilespmem:s24+$0x4300];
	[tilespmem:s22+$0x4320] =	vst v5;
	v3 =	vmax.f32 v3, $0.0e+00  }
0xbe: {  	v9 =	vld [tilespmem:s24+$0x4310];
	[tilespmem:s22+$0x4330] =	vst v3;
	v2 =	vmax.f32 v2, $0.0e+00  }
.Ltmp2:
0xbf: {  	v5 =	vld [tilespmem:s24+$0x4320];
	[tilespmem:s22+$0x4340] =	vst v2;
	v2 =	vmax.f32 v4, $0.0e+00;
	(pc) =	sbr.rel @p1 .LBB2_7-.Ltmp2, $4  }
0xc0: {  	v3 =	vld [tilespmem:s24+$0x4330];
	[tilespmem:s22+$0x4350] =	vst v2;
	v4 =	vmax.f32 v6, $0.0e+00  }
0xc1: {  	v2 =	vld [tilespmem:s24+$0x4340];
	[tilespmem:s22+$0x4360] =	vst v4;
	v6 =	vmax.f32 v7, $0.0e+00  }
0xc2: {  	v7 =	vmax.f32 v8, $0.0e+00;
	v4 =	vld [tilespmem:s24+$0x4350];
	[tilespmem:s22+$0x4370] =	vst v6;
	s22 =	smov.u32 s24  }
0xc3: {  	s23 =	sadd.s32 $0x200, s23;
	[tilespmem:s22+$0x4300] =	vst v7;
	v7 =	vmax.f32 v9, $0.0e+00;
	v6 =	vld [tilespmem:s22+$0x4360]  }
0xc4: {  	[tilespmem:s22+$0x4310] =	vst v7;
	v5 =	vmax.f32 v5, $0.0e+00;
	v63 =	vld [tilespmem:s22+$0x4370]  }
0xc5: {  	[tilespmem:s22+$0x4320] =	vst v5;
	v3 =	vmax.f32 v3, $0.0e+00  }
0xc6: {  	[tilespmem:s22+$0x4330] =	vst v3;
	v2 =	vmax.f32 v2, $0.0e+00  }
0xc7: {  	[tilespmem:s22+$0x4340] =	vst v2;
	v2 =	vmax.f32 v4, $0.0e+00  }
0xc8: {  	[tilespmem:s22+$0x4350] =	vst v2;
	v2 =	vmax.f32 v6, $0.0e+00  }
0xc9: {  	[tilespmem:s22+$0x4360] =	vst v2;
	v2 =	vmax.f32 v63, $0.0e+00  }
0xca: {  	[tilespmem:s22+$0x4370] =	vst v2  }
0xcb: {  	_ =	swait.ge [sflag:s19], $0x80  }
0xcc: {  	[sflag:s19] =	ssyncset.done $0x0  }
0xcd: {  	s24 =	sadd.s32 $0x3, s29;
	[sflag:s19] =	ssyncadd.s32 $0xFFFFFF80  }
0xce: {  	[spmem:s1] =	stream.indirect.scatter.add.f32 [tilespmem:s0], [sflag:$0x9], $0x80, s7, s3, $0xb8;
	[tilespmem:$0x1BB80] =	vst v63  }
0xcf: {  	s22 =	sadd.s32 s15, s24;
	_ =	swait.ge [sflag:s28], $0x4000  }
0xd0: {  	s23 =	sshll.u32 s24, $0xB;
	s22 =	smin.u32 s22, $0x9BF;
	[sflag:s28] =	ssyncset.done $0x0  }
0xd1: {  	s23 =	sadd.s32 s23, s16;
	s22 =	sshll.u32 s22, $0x4;
	[sflag:s28] =	ssyncadd.s32 $0xFFFFC000  }
0xd2: {  	[tilespmem:s0], [sflag:$0x2] =	stream.linear.gather [hbm4b:s23+s2], $0x4000, $0x38;
	[tilespmem:$0x1BB80] =	vst v63  }
0xd3: {  	s29 =	sadd.s32 s5, s22  }
0xd4: {  	[tilespmem:s3], [sflag:$0x4] =	stream.linear.gather [hbm4b:s29+s2], $0x80, $0x38;
	[tilespmem:$0x1BB80] =	vst v63  }
0xd5: {  	s22 =	sadd.s32 s6, s22  }
0xd6: {  	[tilespmem:s7], [sflag:$0x6] =	stream.linear.gather [hbm4b:s22+s2], $0x80, $0x38;
	[tilespmem:$0x1BB80] =	vst v63  }
0xd7: {  	p1 =	seq.s32 s21, $0x4D;
	_ =	swait.ge [sflag:s9], $0x4000  }
.Ltmp3:
0xd8: {  	[sflag:s9] =	ssyncset.done $0x0;
	(pc) =	sbr.rel @p1 .LBB2_10-.Ltmp3, $4  }
0xd9: {  	[sflag:s9] =	ssyncadd.s32 $0xFFFFC000  }
0xda: {  	_ =	swait.ge [sflag:s10], $0x80  }
0xdb: {  	[sflag:s10] =	ssyncset.done $0x0  }
0xdc: {  	[sflag:s10] =	ssyncadd.s32 $0xFFFFFF80  }
0xdd: {  	v2 =	vld [tilespmem:$0x0]  }
0xde: {  	v3 =	vld [tilespmem:$0x10]  }
0xdf: {  	v4 =	vld [tilespmem:$0x20]  }
0xe0: {  	v5 =	vld [tilespmem:$0x30]  }
0xe1: {  	v6 =	vld [tilespmem:$0x40]  }
0xe2: {  	v7 =	vld [tilespmem:$0x50];
	v2 =	vadd.s32 v0, v2  }
0xe3: {  	[tilespmem:$0x0] =	vst v2;
	v2 =	vadd.s32 v0, v3;
	v3 =	vld [tilespmem:$0x60]  }
0xe4: {  	v63 =	vld [tilespmem:$0x70];
	[tilespmem:$0x10] =	vst v2;
	v2 =	vadd.s32 v0, v4  }
0xe5: {  	[tilespmem:$0x20] =	vst v2;
	v2 =	vadd.s32 v0, v5  }
0xe6: {  	[tilespmem:$0x30] =	vst v2;
	v2 =	vadd.s32 v0, v6  }
.Ltmp4:
0xe7: {  	[tilespmem:$0x40] =	vst v2;
	v2 =	vadd.s32 v0, v7;
	(pc) =	sbr.rel .LBB2_4-.Ltmp4, $4  }
0xe8: {  	[tilespmem:$0x50] =	vst v2;
	v2 =	vadd.s32 v0, v3  }
0xe9: {  	[tilespmem:$0x60] =	vst v2;
	v2 =	vadd.s32 v0, v63  }
0xea: {  	s21 =	sadd.s32 $0x1, s21;
	[tilespmem:$0x70] =	vst v2  }
0xeb: {  	[tilespmem:s30], [sflag:$0x7] =	stream.indirect.gather.add.f32 [hbm:s4], $0x80, s2, s3, $0xb8;
	[tilespmem:$0x1BB80] =	vst v63  }
.LBB2_10:
0xec: {  	_ =	swait.ge [sflag:s17], $0x80  }
0xed: {  	[sflag:s17] =	ssyncset.done $0x0  }
0xee: {  	[sflag:s17] =	ssyncadd.s32 $0xFFFFFF80  }
0xef: {  	_ =	swait.ge [sflag:s11], $0x4000  }
0xf0: {  	[sflag:s11] =	ssyncset.done $0x0  }
0xf1: {  	[sflag:s11] =	ssyncadd.s32 $0xFFFFC000  }
0xf2: {  	_ =	swait.ge [sflag:s12], $0x80  }
0xf3: {  	[sflag:s12] =	ssyncset.done $0x0  }
0xf4: {  	[sflag:s12] =	ssyncadd.s32 $0xFFFFFF80  }
0xf5: {  	_ =	swait.ge [sflag:s19], $0x80  }
0xf6: {  	[sflag:s19] =	ssyncset.done $0x0  }
0xf7: {  	s21 =	simm.s32 $0x0;
	s22 =	rddreg [dreg:$0xa];
	[sflag:s19] =	ssyncadd.s32 $0xFFFFFF80  }
0xf8: {  	[tilespmem:s30], [sflag:$0x9] =	stream.linear.gather [hbm4b:s22+s21], $0x1000, $0x38;
	[tilespmem:$0x1BB80] =	vst v63  }
0xf9: {  	_ =	swait.ge [sflag:s28], $0x1000  }
0xfa: {  	[sflag:s28] =	ssyncset.done $0x0  }
0xfb: {  	s24 =	simm.s32 $0x200;
	[sflag:s28] =	ssyncadd.s32 $0xFFFFF000  }
0xfc: {  	[tilespmem:s30], [sflag:$0x9] =	stream.indirect.gather.add.f32 [hbm:s4], $0x80, s24, s20, $0xb8;
	[tilespmem:$0x1BB80] =	vst v63  }
0xfd: {  	_ =	swait.ge [sflag:s28], $0x1000  }
0xfe: {  	[sflag:s28] =	ssyncset.done $0x0  }
0xff: {  	s21 =	simm.s32 $0x0;
	[sflag:s28] =	ssyncadd.s32 $0xFFFFF000  }
0x100: {  	v4 =	vld [tilespmem:s21+$0x300]  }
0x101: {  	v6 =	vld [tilespmem:s21+$0x310]  }
0x102: {  	v5 =	vld [tilespmem:s21+$0x320]  }
0x103: {  	v3 =	vld [tilespmem:s21+$0x330]  }
0x104: {  	v2 =	vld [tilespmem:s21+$0x340]  }
0x105: {  	v7 =	vmax.f32 v4, $0.0e+00;
	v4 =	vld [tilespmem:s21+$0x350]  }
0x106: {  	s22 =	simm.s32 $0x200;
	[tilespmem:s21+$0x300] =	vst v7;
	v7 =	vmax.f32 v6, $0.0e+00;
	v6 =	vld [tilespmem:s21+$0x360]  }
.LBB2_11:
0x107: {  	s23 =	sshra.s32 s22, $0x2;
	p1 =	sne.s32 s22, $0x3E00;
	[tilespmem:s21+$0x310] =	vst v7;
	v5 =	vmax.f32 v5, $0.0e+00;
	v7 =	vld [tilespmem:s21+$0x370]  }
0x108: {  	v8 =	vld [tilespmem:s23+$0x300];
	[tilespmem:s21+$0x320] =	vst v5;
	v3 =	vmax.f32 v3, $0.0e+00  }
0x109: {  	v9 =	vld [tilespmem:s23+$0x310];
	[tilespmem:s21+$0x330] =	vst v3;
	v2 =	vmax.f32 v2, $0.0e+00  }
.Ltmp5:
0x10a: {  	v5 =	vld [tilespmem:s23+$0x320];
	[tilespmem:s21+$0x340] =	vst v2;
	v2 =	vmax.f32 v4, $0.0e+00;
	(pc) =	sbr.rel @p1 .LBB2_11-.Ltmp5, $4  }
0x10b: {  	v3 =	vld [tilespmem:s23+$0x330];
	[tilespmem:s21+$0x350] =	vst v2;
	v4 =	vmax.f32 v6, $0.0e+00  }
0x10c: {  	v2 =	vld [tilespmem:s23+$0x340];
	[tilespmem:s21+$0x360] =	vst v4;
	v6 =	vmax.f32 v7, $0.0e+00  }
0x10d: {  	v7 =	vmax.f32 v8, $0.0e+00;
	v4 =	vld [tilespmem:s23+$0x350];
	[tilespmem:s21+$0x370] =	vst v6;
	s21 =	smov.u32 s23  }
0x10e: {  	s22 =	sadd.s32 $0x200, s22;
	[tilespmem:s21+$0x300] =	vst v7;
	v7 =	vmax.f32 v9, $0.0e+00;
	v6 =	vld [tilespmem:s21+$0x360]  }
0x10f: {  	[tilespmem:s21+$0x310] =	vst v7;
	v5 =	vmax.f32 v5, $0.0e+00;
	v63 =	vld [tilespmem:s21+$0x370]  }
0x110: {  	[tilespmem:s21+$0x320] =	vst v5;
	v3 =	vmax.f32 v3, $0.0e+00  }
0x111: {  	[tilespmem:s21+$0x330] =	vst v3;
	v2 =	vmax.f32 v2, $0.0e+00  }
0x112: {  	[tilespmem:s21+$0x340] =	vst v2;
	v2 =	vmax.f32 v4, $0.0e+00  }
0x113: {  	[tilespmem:s21+$0x350] =	vst v2;
	v2 =	vmax.f32 v6, $0.0e+00  }
0x114: {  	[tilespmem:s21+$0x360] =	vst v2;
	v2 =	vmax.f32 v63, $0.0e+00  }
0x115: {  	s29 =	simm.s32 $0x280;
	[tilespmem:s21+$0x370] =	vst v2  }
0x116: {  	[spmem:s1] =	stream.indirect.scatter.add.f32 [tilespmem:s30], [sflag:$0x9], $0x80, s29, s20, $0xb8;
	[tilespmem:$0x1BB80] =	vst v63  }
0x117: {  	_ =	swait.ge [sflag:s28], $0x1000  }
0x118: {  	[sflag:s28] =	ssyncset.done $0x0  }
0x119: {  	s22 =	stileid.u32;
	[sflag:s28] =	ssyncadd.s32 $0xFFFFF000  }
0x11a: {  	s21 =	sshll.u32 s22, $0x6;
	[bflag:$0x0] =	sbarrier.arrive $0xFFFF  }
0x11b: {  	s22 =	sshrl.u32 s8, $0x3;
	s21 =	sor.u32 $0x1C09, s21;
	s23 =	rddreg [dreg:$0xc]  }
0x11c: {  	[hbm:s23], [sflag:s21] =	dma.local [spmem:s22], $0x2700  }
0x11d: {  	_ =	swait.ge [sflag:s28], $0x2700  }
0x11e: {  	[sflag:s28] =	ssyncset.done $0x0  }
0x11f: {  	s22 =	sshrl.u32 @!p0 s14, $0x3;
	s23 =	rddreg [dreg:$0xf];
	[sflag:s28] =	ssyncadd.s32 $0xFFFFD900  }
0x120: {  	[hbm:s23], [sflag:s21] =	dma.local @!p0 [spmem:s22], $0x100  }
0x121: {  	s21 =	simm.s32 @!p0 $0x9  }
0x122: {  	_ =	swait.ge @!p0 [sflag:s21], $0x100  }
0x123: {  	s26 =	sadd.s32 $0x1, s26;
	s23 =	rddreg [dreg:$0x10]  }
0x124: {  	p1 =	sne.s32 s26, s23  }
.Ltmp6:
0x125: {  	_ = 	snop;
	(pc) =	sbr.rel @p1 .LBB2_1-.Ltmp6, $3  }
0x126: {  	_ =	sdelay $0x1  }
0x127: {  	[sflag:s21] =	ssyncset.done @!p0 $0x0  }
0x128: {  	[sflag:s21] =	ssyncadd.s32 @!p0 $0xFFFFFF00  }
0x129: {  	_ =	sfence.sel $0x180000  }
0x12a: {  	[bflag:$0x0] =	sbarrier.arrive $0xFFFF  }
0x12b: {  	_ =	strace $0x9000004D  }
0x12c: {  	s0 =	stileid.u32;
	[bflag:$0x2] =	sbarrier.arrive $0xFFFF  }
0x12d: {  	p0 =	sne.s32 s0, $0x0;
	s0 =	rddreg [dreg:$0x2]  }
0x12e: {  	s0 =	sadd.s32 @!p0 $0x100000, s0  }
0x12f: {  	[sflag:s0] =	ssyncadd.tile.s32 @!p0 $0x1;
	_ =	shalt  }
.Lfunc_end2:
_tile_overlayer_lowered:
.L_overlay_start_2:
0x130: {  	(tag) =	ssettag $0x2  }
0x131: {  	s0 =	rddreg [dreg:$0x0];
	s2 =	stileid.u32  }
0x132: {  	s1 =	rddreg [dreg:$0x1];
	p0 =	sne.s32 s2, $0x0  }
0x133: {  	s3 =	rddreg [dreg:$0x2];
	[bflag:$0x3] =	sbarrier.arrive $0xFFFF;
	s2 =	simm.s32 @!p0 $0x1C09  }
0x134: {  	[timem:s3], [sflag:s2] =	dma.local @!p0 [hbm:s0], s1  }
0x135: {  	s0 =	simm.s32 @!p0 $0x9  }
0x136: {  	_ =	swait.ge @!p0 [sflag:s0], s1  }
0x137: {  	s1 =	ssub.s32 @!p0 $0x0, s1;
	[sflag:s0] =	ssyncset.done @!p0 $0x0  }
0x138: {  	[sflag:s0] =	ssyncadd.s32 @!p0 s1  }
0x139: {  	[bflag:$0x3] =	sbarrier.arrive $0xFFFF  }
0x13a: {  	_ =	shalt  }

</sc_bundles>
